<compile_context>
chip_gen: v7x
topology: tpu7x:2x2x1
jax: 0.10.2.dev20260603
libtpu: 0.0.44.dev20260713+nightly
codegen_flags: <defaults>
</compile_context>

<pallas_src>
import functools

import jax
import jax.numpy as jnp
from jax import lax
from jax.experimental import pallas as pl
from jax.experimental.pallas import tpu as pltpu
from jax.experimental.pallas import tpu_sc as plsc

N = 10000
D = 128
EPS = 1e-3

NC = 2
NS = 16
EB = 128

N_PAD = 10112
ZROWS = N_PAD // NS
DEGW = 128
_R0 = 0.58

_mesh = plsc.VectorSubcoreMesh(core_axis_name="c", subcore_axis_name="s")


def _degree_body(nb0, nb1, dstp_hbm, out_hbm, dst_v, drow_v, ones_v, acc):
    c = lax.axis_index("c")
    s = lax.axis_index("s")
    nb = jnp.where(c == 0, nb0, nb1)
    pltpu.sync_copy(dstp_hbm.at[c, s], dst_v)

    e1 = jnp.full((16,), 1.0, jnp.float32)
    z16 = jnp.zeros((16,), jnp.float32)

    def zfill(i, _):
        for k in range(DEGW // 16):
            ones_v[i, pl.ds(k * 16, 16)] = z16
        return _

    lax.fori_loop(0, EB, zfill, None)
    for t in range(ZROWS // EB):
        pltpu.sync_copy(ones_v, acc.at[pl.ds(s * ZROWS + t * EB, EB)])
    rem = ZROWS % EB
    if rem:
        pltpu.sync_copy(ones_v.at[pl.ds(0, rem)],
                        acc.at[pl.ds(s * ZROWS + (ZROWS // EB) * EB, rem)])
    plsc.subcore_barrier()

    def fill(i, _):
        for k in range(DEGW // 16):
            ones_v[i, pl.ds(k * 16, 16)] = e1
        return _

    lax.fori_loop(0, EB, fill, None)

    def step(j, _):
        for k in range(EB // 16):
            drow_v[pl.ds(k * 16, 16)] = dst_v[j, pl.ds(k * 16, 16)]
        pltpu.sync_copy(ones_v, acc.at[drow_v], add=True)
        return _

    lax.fori_loop(0, nb, step, None)
    plsc.subcore_barrier()
    pltpu.sync_copy(acc.at[pl.ds(s * ZROWS, ZROWS)],
                    out_hbm.at[c, pl.ds(s * ZROWS, ZROWS)])


def _scatter_body(nb0, nb1, h_hbm, srcp_hbm, dstp_hbm, out_hbm,
                  srow_v, drow_v, sidx0_v, sidx1_v, pidx0_v, pidx1_v,
                  buf0, buf1, sem0, sem1, ssem0, ssem1, acc):
    c = lax.axis_index("c")
    s = lax.axis_index("s")
    nb = jnp.where(c == 0, nb0, nb1)

    z16 = jnp.zeros((16,), jnp.float32)

    def zfill(i, _):
        for k in range(D // 16):
            buf0[i, pl.ds(k * 16, 16)] = z16
        return _

    lax.fori_loop(0, EB, zfill, None)
    for t in range(ZROWS // EB):
        pltpu.sync_copy(buf0, acc.at[pl.ds(s * ZROWS + t * EB, EB)])
    rem = ZROWS % EB
    if rem:
        pltpu.sync_copy(buf0.at[pl.ds(0, rem)],
                        acc.at[pl.ds(s * ZROWS + (ZROWS // EB) * EB, rem)])
    plsc.subcore_barrier()

    def copy_row(dst_ref, src_ref):
        for k in range(EB // 16):
            dst_ref[pl.ds(k * 16, 16)] = src_ref[pl.ds(k * 16, 16)]

    npairs = nb // 2
    pltpu.sync_copy(srcp_hbm.at[c, s, 0], sidx0_v)
    pltpu.sync_copy(srcp_hbm.at[c, s, 1], sidx1_v)
    pltpu.sync_copy(dstp_hbm.at[c, s, 0], pidx0_v)
    pltpu.sync_copy(dstp_hbm.at[c, s, 1], pidx1_v)

    def pair(t, _):
        j0 = 2 * t
        j1 = j0 + 1

        @pl.when(t > 0)
        def _drain_prev():
            pltpu.make_async_copy(srcp_hbm.at[c, s, j0], sidx0_v, sem1).wait()
            pltpu.make_async_copy(srcp_hbm.at[c, s, j1], sidx1_v, sem1).wait()
            pltpu.make_async_copy(dstp_hbm.at[c, s, j0], pidx0_v, sem1).wait()
            pltpu.make_async_copy(dstp_hbm.at[c, s, j1], pidx1_v, sem1).wait()
            pltpu.make_async_copy(buf0, acc.at[srow_v], ssem0).wait()
            pltpu.make_async_copy(buf1, acc.at[drow_v], ssem1).wait()

        pltpu.async_copy(h_hbm.at[sidx0_v], buf0, sem0)
        pltpu.async_copy(h_hbm.at[sidx1_v], buf1, sem0)
        pltpu.make_async_copy(h_hbm.at[sidx0_v], buf0, sem0).wait()
        pltpu.make_async_copy(h_hbm.at[sidx1_v], buf1, sem0).wait()

        copy_row(srow_v, pidx0_v)
        copy_row(drow_v, pidx1_v)

        @pl.when(t + 1 < npairs)
        def _prefetch_idx():
            pltpu.async_copy(srcp_hbm.at[c, s, j0 + 2], sidx0_v, sem1)
            pltpu.async_copy(srcp_hbm.at[c, s, j1 + 2], sidx1_v, sem1)
            pltpu.async_copy(dstp_hbm.at[c, s, j0 + 2], pidx0_v, sem1)
            pltpu.async_copy(dstp_hbm.at[c, s, j1 + 2], pidx1_v, sem1)

        pltpu.async_copy(buf0, acc.at[srow_v], ssem0, add=True)
        pltpu.async_copy(buf1, acc.at[drow_v], ssem1, add=True)
        return _

    lax.fori_loop(0, npairs, pair, None)
    pltpu.make_async_copy(buf0, acc.at[srow_v], ssem0).wait()
    pltpu.make_async_copy(buf1, acc.at[drow_v], ssem1).wait()
    plsc.subcore_barrier()
    pltpu.sync_copy(acc.at[pl.ds(s * ZROWS, ZROWS)],
                    out_hbm.at[c, pl.ds(s * ZROWS, ZROWS)])


def _make_sc_kernels(nb, nb0, nb1):
    deg = pl.kernel(
        functools.partial(_degree_body, nb0, nb1),
        out_type=jax.ShapeDtypeStruct((NC, N_PAD, DEGW), jnp.float32),
        mesh=_mesh,
        scratch_types=[
            pltpu.VMEM((nb, EB), jnp.int32),
            pltpu.VMEM((EB,), jnp.int32),
            pltpu.VMEM((EB, DEGW), jnp.float32),
            pltpu.VMEM_SHARED((N_PAD, DEGW), jnp.float32),
        ],
    )
    scat = pl.kernel(
        functools.partial(_scatter_body, nb0, nb1),
        out_type=jax.ShapeDtypeStruct((NC, N_PAD, D), jnp.float32),
        mesh=_mesh,
        scratch_types=[
            pltpu.VMEM((EB,), jnp.int32),
            pltpu.VMEM((EB,), jnp.int32),
            pltpu.VMEM((EB,), jnp.int32),
            pltpu.VMEM((EB,), jnp.int32),
            pltpu.VMEM((EB,), jnp.int32),
            pltpu.VMEM((EB,), jnp.int32),
            pltpu.VMEM((EB, D), jnp.float32),
            pltpu.VMEM((EB, D), jnp.float32),
            pltpu.SemaphoreType.DMA,
            pltpu.SemaphoreType.DMA,
            pltpu.SemaphoreType.DMA,
            pltpu.SemaphoreType.DMA,
            pltpu.VMEM_SHARED((N_PAD, D), jnp.float32),
        ],
    )
    return deg, scat


_BN_C = float(1.0 / (1.0 + EPS) ** 0.5)
_RB = 1000


def _premm_body(x_ref, d_ref, w_ref, o_ref):
    sc = lax.rsqrt(1.0 + d_ref[0, :, 0:1] + d_ref[1, :, 0:1])
    o_ref[...] = jnp.dot(x_ref[...] * sc, w_ref[...],
                         preferred_element_type=jnp.float32)


def _combmm_body(p_ref, hh_ref, d_ref, b_ref, g_ref, be_ref, w_ref, o_ref):
    sc = lax.rsqrt(1.0 + d_ref[0, :, 0:1] + d_ref[1, :, 0:1])
    agg = sc * (p_ref[0] + p_ref[1] + hh_ref[...])
    y = (agg + b_ref[...]) * (g_ref[...] * _BN_C) + be_ref[...]
    h = jnp.maximum(y, 0.0)
    o_ref[...] = jnp.dot(h * sc, w_ref[...],
                         preferred_element_type=jnp.float32)


def _final_body(p_ref, hh_ref, d_ref, b_ref, g_ref, be_ref, o_ref):
    sc = lax.rsqrt(1.0 + d_ref[0, :, 0:1] + d_ref[1, :, 0:1])
    agg = sc * (p_ref[0] + p_ref[1] + hh_ref[...])
    y = (agg + b_ref[...]) * (g_ref[...] * _BN_C) + be_ref[...]
    o_ref[...] = jnp.maximum(y, 0.0)


_row_spec = pl.BlockSpec((_RB, D), lambda i: (i, 0))
_deg_spec = pl.BlockSpec((NC, _RB, DEGW), lambda i: (0, i, 0))
_part_spec = pl.BlockSpec((NC, _RB, D), lambda i: (0, i, 0))
_w_spec = pl.BlockSpec((D, D), lambda i: (0, 0))
_vec_spec = pl.BlockSpec((1, D), lambda i: (0, 0))

_GRID = (N // _RB,)

_premm = pl.pallas_call(
    _premm_body,
    grid=_GRID,
    in_specs=[_row_spec, _deg_spec, _w_spec],
    out_specs=_row_spec,
    out_shape=jax.ShapeDtypeStruct((N, D), jnp.float32),
)

_combmm = pl.pallas_call(
    _combmm_body,
    grid=_GRID,
    in_specs=[_part_spec, _row_spec, _deg_spec,
              _vec_spec, _vec_spec, _vec_spec, _w_spec],
    out_specs=_row_spec,
    out_shape=jax.ShapeDtypeStruct((N, D), jnp.float32),
)

_final = pl.pallas_call(
    _final_body,
    grid=_GRID,
    in_specs=[_part_spec, _row_spec, _deg_spec,
              _vec_spec, _vec_spec, _vec_spec],
    out_specs=_row_spec,
    out_shape=jax.ShapeDtypeStruct((N, D), jnp.float32),
)


def kernel(x, edge_index, W1, b1, g1, be1, W2, b2, g2, be2, W3, b3, g3, be3):
    src = edge_index[0].astype(jnp.int32)
    dst = edge_index[1].astype(jnp.int32)
    e = src.shape[0]
    u = NS * EB
    nb0 = max(2, int(round(e * _R0 / u)))
    nb0 += nb0 % 2
    e0 = nb0 * u
    e1 = e - e0
    nb1 = max(2, -(-e1 // u))
    nb1 += nb1 % 2
    nbmax = -(-max(nb0, nb1) // 8) * 8

    def _core_arrays(idx, fill):
        a0 = idx[:e0].reshape(NS, nb0, EB)
        a0 = jnp.pad(a0, ((0, 0), (0, nbmax - nb0), (0, 0)),
                     constant_values=fill)
        a1 = jnp.concatenate([idx[e0:], jnp.full((nb1 * u - e1,), fill,
                                                 jnp.int32)])
        a1 = a1.reshape(NS, nb1, EB)
        a1 = jnp.pad(a1, ((0, 0), (0, nbmax - nb1), (0, 0)),
                     constant_values=fill)
        return jnp.stack([a0, a1])

    srcp = _core_arrays(src, 0)
    dstp = _core_arrays(dst, N)

    sc_deg, sc_scat = _make_sc_kernels(nbmax, nb0, nb1)

    degp = sc_deg(dstp)
    b1r, g1r, be1r = b1.reshape(1, D), g1.reshape(1, D), be1.reshape(1, D)
    b2r, g2r, be2r = b2.reshape(1, D), g2.reshape(1, D), be2.reshape(1, D)
    b3r, g3r, be3r = b3.reshape(1, D), g3.reshape(1, D), be3.reshape(1, D)

    hh1 = _premm(x, degp, W1)
    p1 = sc_scat(hh1, srcp, dstp)
    hh2 = _combmm(p1, hh1, degp, b1r, g1r, be1r, W2)
    p2 = sc_scat(hh2, srcp, dstp)
    hh3 = _combmm(p2, hh2, degp, b2r, g2r, be2r, W3)
    p3 = sc_scat(hh3, srcp, dstp)
    return _final(p3, hh3, degp, b3r, g3r, be3r)

# --- scband reference (transcript-rebuilt; emitter-appended) ---
"""Pipeline reference for scband-gcn-13305808683451 (READ-ONLY COPY).

The authoritative reference and input builder live on the scoring server;
editing this copy changes nothing except your own understanding.
"""

import jax, jax.numpy as jnp
import numpy as np

N = 10000
E = 320000
D = 128
EPS = 1e-3  # keras BatchNormalization default epsilon


def setup_inputs(seed: int = 0) -> dict:
    key = jax.random.key(seed)
    ks = jax.random.split(key, 8)
    x = jax.random.normal(ks[0], (N, D), dtype=jnp.float32)
    edge_index = jax.random.randint(ks[1], (2, E), 0, N)
    # GCNConv weights (3 layers: hidden 128, hidden 128, out 128), glorot-ish init
    W1 = jax.random.normal(ks[2], (D, 128), dtype=jnp.float32) * (1.0 / np.sqrt(D))
    b1 = jnp.zeros((128,), dtype=jnp.float32)
    W2 = jax.random.normal(ks[3], (128, 128), dtype=jnp.float32) * (1.0 / np.sqrt(128))
    b2 = jnp.zeros((128,), dtype=jnp.float32)
    W3 = jax.random.normal(ks[4], (128, 128), dtype=jnp.float32) * (1.0 / np.sqrt(128))
    b3 = jnp.zeros((128,), dtype=jnp.float32)
    # BatchNorm params (gamma, beta); moving_mean=0, moving_var=1 at init (inference mode)
    g1 = jnp.ones((128,), dtype=jnp.float32); be1 = jnp.zeros((128,), dtype=jnp.float32)
    g2 = jnp.ones((128,), dtype=jnp.float32); be2 = jnp.zeros((128,), dtype=jnp.float32)
    g3 = jnp.ones((128,), dtype=jnp.float32); be3 = jnp.zeros((128,), dtype=jnp.float32)
    return {"x": x, "edge_index": edge_index,
            "W1": W1, "b1": b1, "g1": g1, "be1": be1,
            "W2": W2, "b2": b2, "g2": g2, "be2": be2,
            "W3": W3, "b3": b3, "g3": g3, "be3": be3}


def _gcn_conv(x, src, dst, dis, W, b):
    # x' = D^{-1/2}(A+I)D^{-1/2} x W + b   (spektral GCNConv semantics)
    h = x @ W
    norm = (dis[src] * dis[dst])[:, None]
    msg = jnp.take(h, src, axis=0) * norm
    agg = jax.ops.segment_sum(msg, dst, num_segments=N)
    return agg + b


def _bn_inference(x, gamma, beta):
    # moving_mean=0, moving_var=1 (freshly initialized BN, inference mode)
    return gamma * (x * (1.0 / jnp.sqrt(1.0 + EPS))) + beta


def reference(x, edge_index, W1, b1, g1, be1, W2, b2, g2, be2, W3, b3, g3, be3):
    loop = jnp.arange(N, dtype=edge_index.dtype)
    src = jnp.concatenate([edge_index[0], loop])
    dst = jnp.concatenate([edge_index[1], loop])
    deg = jax.ops.segment_sum(jnp.ones((src.shape[0],), dtype=x.dtype), dst, num_segments=N)
    dis = jax.lax.rsqrt(deg)
    h = x
    for (W, b, g, be) in ((W1, b1, g1, be1), (W2, b2, g2, be2), (W3, b3, g3, be3)):
        h = _gcn_conv(h, src, dst, dis, W, b)
        h = _bn_inference(h, g, be)
        h = jnp.maximum(h, 0.0)
    return h

if __name__ == "__main__":
    import jax
    _d = setup_inputs()
    print(jax.jit(kernel)(*tuple(_d.values())))

</pallas_src>

<mosaic_0001>
#map = affine_map<(d0, d1) -> (0, 0, 0, 0)>
#map1 = affine_map<(d0, d1) -> (0, 0, 0)>
module attributes {stable_mosaic.version = 14 : i64} {
  func.func @_degree_body(%arg0: i32, %arg1: i32, %arg2: memref<2x16x96x128xi32, #tpu.memory_space<hbm>>, %arg3: memref<2x10112x128xf32, #tpu.memory_space<hbm>>, %arg4: memref<96x128xi32, #tpu.memory_space<vmem>>, %arg5: memref<128xi32, #tpu.memory_space<vmem>>, %arg6: memref<128x128xf32, #tpu.memory_space<vmem>>, %arg7: memref<10112x128xf32, #tpu.memory_space<vmem_shared>>) attributes {dimension_semantics = [#tpu.dimension_semantics<core_parallel>, #tpu.dimension_semantics<subcore_parallel>], iteration_bounds = array<i64: 2, 16>, scalar_prefetch = 0 : i64, scratch_operands = 4 : i64, tpu.core_type = #tpu.core_type<sc_vector_subcore>, window_params = [{transform_indices = #map}, {transform_indices = #map1}]} {
    %eq3A = arith.constant 0 : i32
    %eq3A_0 = arith.cmpi eq, %arg0, %eq3A : i32
    %jit3A = arith.constant 92 : i32
    %jit3A_1 = arith.constant 66 : i32
    %select_n3A = arith.select %eq3A_0, %jit3A, %jit3A_1 : i32
    "tpu.region"() ({
      %run_scoped3A = tpu.sem_alloc : memref<!tpu.dma_semaphore, #tpu.memory_space<semaphore_mem>>
      %dma_start3A = arith.constant 0 : i32
      %dma_start3A_45 = arith.constant 0 : i32
      %dma_start3A_46 = tpu.memref_slice %arg2[%arg0, %arg1, %dma_start3A, %dma_start3A_45] : memref<2x16x96x128xi32, #tpu.memory_space<hbm>> -> memref<1x1x96x128xi32, #tpu.memory_space<hbm>>
      %dma_start3A_47 = tpu.memref_squeeze %dma_start3A_46 : memref<1x1x96x128xi32, #tpu.memory_space<hbm>> -> memref<96x128xi32, #tpu.memory_space<hbm>>
      %dma_start3A_48 = arith.constant 0 : i32
      %dma_start3A_49 = arith.constant 0 : i32
      %dma_start3A_50 = tpu.memref_slice %arg2[%arg0, %arg1, %dma_start3A_48, %dma_start3A_49] : memref<2x16x96x128xi32, #tpu.memory_space<hbm>> -> memref<1x1x96x128xi32, #tpu.memory_space<hbm>>
      %dma_start3A_51 = tpu.memref_squeeze %dma_start3A_50 : memref<1x1x96x128xi32, #tpu.memory_space<hbm>> -> memref<96x128xi32, #tpu.memory_space<hbm>>
      tpu.enqueue_dma source(%dma_start3A_51 : memref<96x128xi32, #tpu.memory_space<hbm>>) target(%arg4 : memref<96x128xi32, #tpu.memory_space<vmem>>) target_semaphore(%run_scoped3A : memref<!tpu.dma_semaphore, #tpu.memory_space<semaphore_mem>>)
      %dma_wait3A = arith.constant 0 : i32
      %dma_wait3A_52 = arith.constant 0 : i32
      %dma_wait3A_53 = tpu.memref_slice %arg2[%arg0, %arg1, %dma_wait3A, %dma_wait3A_52] : memref<2x16x96x128xi32, #tpu.memory_space<hbm>> -> memref<1x1x96x128xi32, #tpu.memory_space<hbm>>
      %dma_wait3A_54 = tpu.memref_squeeze %dma_wait3A_53 : memref<1x1x96x128xi32, #tpu.memory_space<hbm>> -> memref<96x128xi32, #tpu.memory_space<hbm>>
      %dma_wait3A_55 = arith.constant 0 : i32
      %dma_wait3A_56 = arith.constant 0 : i32
      %dma_wait3A_57 = tpu.memref_slice %arg2[%arg0, %arg1, %dma_wait3A_55, %dma_wait3A_56] : memref<2x16x96x128xi32, #tpu.memory_space<hbm>> -> memref<1x1x96x128xi32, #tpu.memory_space<hbm>>
      %dma_wait3A_58 = tpu.memref_squeeze %dma_wait3A_57 : memref<1x1x96x128xi32, #tpu.memory_space<hbm>> -> memref<96x128xi32, #tpu.memory_space<hbm>>
      tpu.wait_dma2 semaphore(%run_scoped3A : memref<!tpu.dma_semaphore, #tpu.memory_space<semaphore_mem>>) src(%dma_wait3A_58 : memref<96x128xi32, #tpu.memory_space<hbm>>) dst(%arg4 : memref<96x128xi32, #tpu.memory_space<vmem>>)
      tpu.yield
    }) : () -> ()
    %broadcast_in_dim3A = arith.constant 1.000000e+00 : f32
    %broadcast_in_dim3A_2 = vector.broadcast %broadcast_in_dim3A : f32 to vector<16xf32>
    %broadcast_in_dim3A_3 = arith.constant 0.000000e+00 : f32
    %broadcast_in_dim3A_4 = vector.broadcast %broadcast_in_dim3A_3 : f32 to vector<16xf32>
    %scan3A = arith.constant 0 : i32
    %scan3A_5 = arith.constant 128 : i32
    %scan3A_6 = arith.addi %scan3A, %scan3A_5 : i32
    %scan3A_7 = arith.constant 1 : i32
    scf.for %scan3A_45 = %scan3A to %scan3A_6 step %scan3A_7  : i32 {
      %swap3A = arith.index_cast %scan3A_45 : i32 to index
      %swap3A_46 = arith.constant 0 : index
      %swap3A_47 = tpu.vector_load %arg6[%swap3A, %swap3A_46] {strides = array<i32>} : memref<128x128xf32, #tpu.memory_space<vmem>>, vector<1x16xf32>,
      %swap3A_48 = vector.shape_cast %swap3A_47 : vector<1x16xf32> to vector<16xf32>
      %swap3A_49 = vector.shape_cast %broadcast_in_dim3A_4 : vector<16xf32> to vector<1x16xf32>
      tpu.vector_store %arg6[%swap3A, %swap3A_46], %swap3A_49 {strides = array<i32>} : memref<128x128xf32, #tpu.memory_space<vmem>>, vector<1x16xf32>,
      %swap3A_50 = arith.index_cast %scan3A_45 : i32 to index
      %swap3A_51 = arith.constant 16 : index
      %swap3A_52 = tpu.vector_load %arg6[%swap3A_50, %swap3A_51] {strides = array<i32>} : memref<128x128xf32, #tpu.memory_space<vmem>>, vector<1x16xf32>,
      %swap3A_53 = vector.shape_cast %swap3A_52 : vector<1x16xf32> to vector<16xf32>
      %swap3A_54 = vector.shape_cast %broadcast_in_dim3A_4 : vector<16xf32> to vector<1x16xf32>
      tpu.vector_store %arg6[%swap3A_50, %swap3A_51], %swap3A_54 {strides = array<i32>} : memref<128x128xf32, #tpu.memory_space<vmem>>, vector<1x16xf32>,
      %swap3A_55 = arith.index_cast %scan3A_45 : i32 to index
      %swap3A_56 = arith.constant 32 : index
      %swap3A_57 = tpu.vector_load %arg6[%swap3A_55, %swap3A_56] {strides = array<i32>} : memref<128x128xf32, #tpu.memory_space<vmem>>, vector<1x16xf32>,
      %swap3A_58 = vector.shape_cast %swap3A_57 : vector<1x16xf32> to vector<16xf32>
      %swap3A_59 = vector.shape_cast %broadcast_in_dim3A_4 : vector<16xf32> to vector<1x16xf32>
      tpu.vector_store %arg6[%swap3A_55, %swap3A_56], %swap3A_59 {strides = array<i32>} : memref<128x128xf32, #tpu.memory_space<vmem>>, vector<1x16xf32>,
      %swap3A_60 = arith.index_cast %scan3A_45 : i32 to index
      %swap3A_61 = arith.constant 48 : index
      %swap3A_62 = tpu.vector_load %arg6[%swap3A_60, %swap3A_61] {strides = array<i32>} : memref<128x128xf32, #tpu.memory_space<vmem>>, vector<1x16xf32>,
      %swap3A_63 = vector.shape_cast %swap3A_62 : vector<1x16xf32> to vector<16xf32>
      %swap3A_64 = vector.shape_cast %broadcast_in_dim3A_4 : vector<16xf32> to vector<1x16xf32>
      tpu.vector_store %arg6[%swap3A_60, %swap3A_61], %swap3A_64 {strides = array<i32>} : memref<128x128xf32, #tpu.memory_space<vmem>>, vector<1x16xf32>,
      %swap3A_65 = arith.index_cast %scan3A_45 : i32 to index
      %swap3A_66 = arith.constant 64 : index
      %swap3A_67 = tpu.vector_load %arg6[%swap3A_65, %swap3A_66] {strides = array<i32>} : memref<128x128xf32, #tpu.memory_space<vmem>>, vector<1x16xf32>,
      %swap3A_68 = vector.shape_cast %swap3A_67 : vector<1x16xf32> to vector<16xf32>
      %swap3A_69 = vector.shape_cast %broadcast_in_dim3A_4 : vector<16xf32> to vector<1x16xf32>
      tpu.vector_store %arg6[%swap3A_65, %swap3A_66], %swap3A_69 {strides = array<i32>} : memref<128x128xf32, #tpu.memory_space<vmem>>, vector<1x16xf32>,
      %swap3A_70 = arith.index_cast %scan3A_45 : i32 to index
      %swap3A_71 = arith.constant 80 : index
      %swap3A_72 = tpu.vector_load %arg6[%swap3A_70, %swap3A_71] {strides = array<i32>} : memref<128x128xf32, #tpu.memory_space<vmem>>, vector<1x16xf32>,
      %swap3A_73 = vector.shape_cast %swap3A_72 : vector<1x16xf32> to vector<16xf32>
      %swap3A_74 = vector.shape_cast %broadcast_in_dim3A_4 : vector<16xf32> to vector<1x16xf32>
      tpu.vector_store %arg6[%swap3A_70, %swap3A_71], %swap3A_74 {strides = array<i32>} : memref<128x128xf32, #tpu.memory_space<vmem>>, vector<1x16xf32>,
      %swap3A_75 = arith.index_cast %scan3A_45 : i32 to index
      %swap3A_76 = arith.constant 96 : index
      %swap3A_77 = tpu.vector_load %arg6[%swap3A_75, %swap3A_76] {strides = array<i32>} : memref<128x128xf32, #tpu.memory_space<vmem>>, vector<1x16xf32>,
      %swap3A_78 = vector.shape_cast %swap3A_77 : vector<1x16xf32> to vector<16xf32>
      %swap3A_79 = vector.shape_cast %broadcast_in_dim3A_4 : vector<16xf32> to vector<1x16xf32>
      tpu.vector_store %arg6[%swap3A_75, %swap3A_76], %swap3A_79 {strides = array<i32>} : memref<128x128xf32, #tpu.memory_space<vmem>>, vector<1x16xf32>,
      %swap3A_80 = arith.index_cast %scan3A_45 : i32 to index
      %swap3A_81 = arith.constant 112 : index
      %swap3A_82 = tpu.vector_load %arg6[%swap3A_80, %swap3A_81] {strides = array<i32>} : memref<128x128xf32, #tpu.memory_space<vmem>>, vector<1x16xf32>,
      %swap3A_83 = vector.shape_cast %swap3A_82 : vector<1x16xf32> to vector<16xf32>
      %swap3A_84 = vector.shape_cast %broadcast_in_dim3A_4 : vector<16xf32> to vector<1x16xf32>
      tpu.vector_store %arg6[%swap3A_80, %swap3A_81], %swap3A_84 {strides = array<i32>} : memref<128x128xf32, #tpu.memory_space<vmem>>, vector<1x16xf32>,
    }
    %scan3A_8 = arith.constant 128 : i32
    %mul3A = arith.constant 632 : i32
    %mul3A_9 = arith.muli %arg1, %mul3A : i32
    %add3A = arith.constant 0 : i32
    %add3A_10 = arith.addi %mul3A_9, %add3A : i32
    "tpu.region"() ({
      %run_scoped3A = tpu.sem_alloc : memref<!tpu.dma_semaphore, #tpu.memory_space<semaphore_mem>>
      %dma_start3A = arith.constant 0 : i32
      %dma_start3A_45 = tpu.memref_slice %arg7[%add3A_10, %dma_start3A] : memref<10112x128xf32, #tpu.memory_space<vmem_shared>> -> memref<128x128xf32, #tpu.memory_space<vmem_shared>>
      %dma_start3A_46 = arith.constant 0 : i32
      %dma_start3A_47 = tpu.memref_slice %arg7[%add3A_10, %dma_start3A_46] : memref<10112x128xf32, #tpu.memory_space<vmem_shared>> -> memref<128x128xf32, #tpu.memory_space<vmem_shared>>
      tpu.enqueue_dma source(%arg6 : memref<128x128xf32, #tpu.memory_space<vmem>>) target(%dma_start3A_47 : memref<128x128xf32, #tpu.memory_space<vmem_shared>>) target_semaphore(%run_scoped3A : memref<!tpu.dma_semaphore, #tpu.memory_space<semaphore_mem>>)
      %dma_wait3A = arith.constant 0 : i32
      %dma_wait3A_48 = tpu.memref_slice %arg7[%add3A_10, %dma_wait3A] : memref<10112x128xf32, #tpu.memory_space<vmem_shared>> -> memref<128x128xf32, #tpu.memory_space<vmem_shared>>
      %dma_wait3A_49 = arith.constant 0 : i32
      %dma_wait3A_50 = tpu.memref_slice %arg7[%add3A_10, %dma_wait3A_49] : memref<10112x128xf32, #tpu.memory_space<vmem_shared>> -> memref<128x128xf32, #tpu.memory_space<vmem_shared>>
      tpu.wait_dma2 semaphore(%run_scoped3A : memref<!tpu.dma_semaphore, #tpu.memory_space<semaphore_mem>>) src(%arg6 : memref<128x128xf32, #tpu.memory_space<vmem>>) dst(%dma_wait3A_50 : memref<128x128xf32, #tpu.memory_space<vmem_shared>>)
      tpu.yield
    }) : () -> ()
    %mul3A_11 = arith.constant 632 : i32
    %mul3A_12 = arith.muli %arg1, %mul3A_11 : i32
    %add3A_13 = arith.constant 128 : i32
    %add3A_14 = arith.addi %mul3A_12, %add3A_13 : i32
    "tpu.region"() ({
      %run_scoped3A = tpu.sem_alloc : memref<!tpu.dma_semaphore, #tpu.memory_space<semaphore_mem>>
      %dma_start3A = arith.constant 0 : i32
      %dma_start3A_45 = tpu.memref_slice %arg7[%add3A_14, %dma_start3A] : memref<10112x128xf32, #tpu.memory_space<vmem_shared>> -> memref<128x128xf32, #tpu.memory_space<vmem_shared>>
      %dma_start3A_46 = arith.constant 0 : i32
      %dma_start3A_47 = tpu.memref_slice %arg7[%add3A_14, %dma_start3A_46] : memref<10112x128xf32, #tpu.memory_space<vmem_shared>> -> memref<128x128xf32, #tpu.memory_space<vmem_shared>>
      tpu.enqueue_dma source(%arg6 : memref<128x128xf32, #tpu.memory_space<vmem>>) target(%dma_start3A_47 : memref<128x128xf32, #tpu.memory_space<vmem_shared>>) target_semaphore(%run_scoped3A : memref<!tpu.dma_semaphore, #tpu.memory_space<semaphore_mem>>)
      %dma_wait3A = arith.constant 0 : i32
      %dma_wait3A_48 = tpu.memref_slice %arg7[%add3A_14, %dma_wait3A] : memref<10112x128xf32, #tpu.memory_space<vmem_shared>> -> memref<128x128xf32, #tpu.memory_space<vmem_shared>>
      %dma_wait3A_49 = arith.constant 0 : i32
      %dma_wait3A_50 = tpu.memref_slice %arg7[%add3A_14, %dma_wait3A_49] : memref<10112x128xf32, #tpu.memory_space<vmem_shared>> -> memref<128x128xf32, #tpu.memory_space<vmem_shared>>
      tpu.wait_dma2 semaphore(%run_scoped3A : memref<!tpu.dma_semaphore, #tpu.memory_space<semaphore_mem>>) src(%arg6 : memref<128x128xf32, #tpu.memory_space<vmem>>) dst(%dma_wait3A_50 : memref<128x128xf32, #tpu.memory_space<vmem_shared>>)
      tpu.yield
    }) : () -> ()
    %mul3A_15 = arith.constant 632 : i32
    %mul3A_16 = arith.muli %arg1, %mul3A_15 : i32
    %add3A_17 = arith.constant 256 : i32
    %add3A_18 = arith.addi %mul3A_16, %add3A_17 : i32
    "tpu.region"() ({
      %run_scoped3A = tpu.sem_alloc : memref<!tpu.dma_semaphore, #tpu.memory_space<semaphore_mem>>
      %dma_start3A = arith.constant 0 : i32
      %dma_start3A_45 = tpu.memref_slice %arg7[%add3A_18, %dma_start3A] : memref<10112x128xf32, #tpu.memory_space<vmem_shared>> -> memref<128x128xf32, #tpu.memory_space<vmem_shared>>
      %dma_start3A_46 = arith.constant 0 : i32
      %dma_start3A_47 = tpu.memref_slice %arg7[%add3A_18, %dma_start3A_46] : memref<10112x128xf32, #tpu.memory_space<vmem_shared>> -> memref<128x128xf32, #tpu.memory_space<vmem_shared>>
      tpu.enqueue_dma source(%arg6 : memref<128x128xf32, #tpu.memory_space<vmem>>) target(%dma_start3A_47 : memref<128x128xf32, #tpu.memory_space<vmem_shared>>) target_semaphore(%run_scoped3A : memref<!tpu.dma_semaphore, #tpu.memory_space<semaphore_mem>>)
      %dma_wait3A = arith.constant 0 : i32
      %dma_wait3A_48 = tpu.memref_slice %arg7[%add3A_18, %dma_wait3A] : memref<10112x128xf32, #tpu.memory_space<vmem_shared>> -> memref<128x128xf32, #tpu.memory_space<vmem_shared>>
      %dma_wait3A_49 = arith.constant 0 : i32
      %dma_wait3A_50 = tpu.memref_slice %arg7[%add3A_18, %dma_wait3A_49] : memref<10112x128xf32, #tpu.memory_space<vmem_shared>> -> memref<128x128xf32, #tpu.memory_space<vmem_shared>>
      tpu.wait_dma2 semaphore(%run_scoped3A : memref<!tpu.dma_semaphore, #tpu.memory_space<semaphore_mem>>) src(%arg6 : memref<128x128xf32, #tpu.memory_space<vmem>>) dst(%dma_wait3A_50 : memref<128x128xf32, #tpu.memory_space<vmem_shared>>)
      tpu.yield
    }) : () -> ()
    %mul3A_19 = arith.constant 632 : i32
    %mul3A_20 = arith.muli %arg1, %mul3A_19 : i32
    %add3A_21 = arith.constant 384 : i32
    %add3A_22 = arith.addi %mul3A_20, %add3A_21 : i32
    "tpu.region"() ({
      %run_scoped3A = tpu.sem_alloc : memref<!tpu.dma_semaphore, #tpu.memory_space<semaphore_mem>>
      %dma_start3A = arith.constant 0 : i32
      %dma_start3A_45 = tpu.memref_slice %arg7[%add3A_22, %dma_start3A] : memref<10112x128xf32, #tpu.memory_space<vmem_shared>> -> memref<128x128xf32, #tpu.memory_space<vmem_shared>>
      %dma_start3A_46 = arith.constant 0 : i32
      %dma_start3A_47 = tpu.memref_slice %arg7[%add3A_22, %dma_start3A_46] : memref<10112x128xf32, #tpu.memory_space<vmem_shared>> -> memref<128x128xf32, #tpu.memory_space<vmem_shared>>
      tpu.enqueue_dma source(%arg6 : memref<128x128xf32, #tpu.memory_space<vmem>>) target(%dma_start3A_47 : memref<128x128xf32, #tpu.memory_space<vmem_shared>>) target_semaphore(%run_scoped3A : memref<!tpu.dma_semaphore, #tpu.memory_space<semaphore_mem>>)
      %dma_wait3A = arith.constant 0 : i32
      %dma_wait3A_48 = tpu.memref_slice %arg7[%add3A_22, %dma_wait3A] : memref<10112x128xf32, #tpu.memory_space<vmem_shared>> -> memref<128x128xf32, #tpu.memory_space<vmem_shared>>
      %dma_wait3A_49 = arith.constant 0 : i32
      %dma_wait3A_50 = tpu.memref_slice %arg7[%add3A_22, %dma_wait3A_49] : memref<10112x128xf32, #tpu.memory_space<vmem_shared>> -> memref<128x128xf32, #tpu.memory_space<vmem_shared>>
      tpu.wait_dma2 semaphore(%run_scoped3A : memref<!tpu.dma_semaphore, #tpu.memory_space<semaphore_mem>>) src(%arg6 : memref<128x128xf32, #tpu.memory_space<vmem>>) dst(%dma_wait3A_50 : memref<128x128xf32, #tpu.memory_space<vmem_shared>>)
      tpu.yield
    }) : () -> ()
    %mul3A_23 = arith.constant 632 : i32
    %mul3A_24 = arith.muli %arg1, %mul3A_23 : i32
    %add3A_25 = arith.constant 512 : i32
    %add3A_26 = arith.addi %mul3A_24, %add3A_25 : i32
    "tpu.region"() ({
      %run_scoped3A = tpu.sem_alloc : memref<!tpu.dma_semaphore, #tpu.memory_space<semaphore_mem>>
      %dma_start3A = arith.constant 0 : i32
      %dma_start3A_45 = arith.constant 0 : i32
      %dma_start3A_46 = tpu.memref_slice %arg6[%dma_start3A, %dma_start3A_45] : memref<128x128xf32, #tpu.memory_space<vmem>> -> memref<120x128xf32, #tpu.memory_space<vmem>>
      %dma_start3A_47 = arith.constant 0 : i32
      %dma_start3A_48 = tpu.memref_slice %arg7[%add3A_26, %dma_start3A_47] : memref<10112x128xf32, #tpu.memory_space<vmem_shared>> -> memref<120x128xf32, #tpu.memory_space<vmem_shared>>
      %dma_start3A_49 = arith.constant 0 : i32
      %dma_start3A_50 = tpu.memref_slice %arg7[%add3A_26, %dma_start3A_49] : memref<10112x128xf32, #tpu.memory_space<vmem_shared>> -> memref<120x128xf32, #tpu.memory_space<vmem_shared>>
      %dma_start3A_51 = arith.constant 0 : i32
      %dma_start3A_52 = arith.constant 0 : i32
      %dma_start3A_53 = tpu.memref_slice %arg6[%dma_start3A_51, %dma_start3A_52] : memref<128x128xf32, #tpu.memory_space<vmem>> -> memref<120x128xf32, #tpu.memory_space<vmem>>
      tpu.enqueue_dma source(%dma_start3A_53 : memref<120x128xf32, #tpu.memory_space<vmem>>) target(%dma_start3A_50 : memref<120x128xf32, #tpu.memory_space<vmem_shared>>) target_semaphore(%run_scoped3A : memref<!tpu.dma_semaphore, #tpu.memory_space<semaphore_mem>>)
      %dma_wait3A = arith.constant 0 : i32
      %dma_wait3A_54 = arith.constant 0 : i32
      %dma_wait3A_55 = tpu.memref_slice %arg6[%dma_wait3A, %dma_wait3A_54] : memref<128x128xf32, #tpu.memory_space<vmem>> -> memref<120x128xf32, #tpu.memory_space<vmem>>
      %dma_wait3A_56 = arith.constant 0 : i32
      %dma_wait3A_57 = tpu.memref_slice %arg7[%add3A_26, %dma_wait3A_56] : memref<10112x128xf32, #tpu.memory_space<vmem_shared>> -> memref<120x128xf32, #tpu.memory_space<vmem_shared>>
      %dma_wait3A_58 = arith.constant 0 : i32
      %dma_wait3A_59 = tpu.memref_slice %arg7[%add3A_26, %dma_wait3A_58] : memref<10112x128xf32, #tpu.memory_space<vmem_shared>> -> memref<120x128xf32, #tpu.memory_space<vmem_shared>>
      %dma_wait3A_60 = arith.constant 0 : i32
      %dma_wait3A_61 = arith.constant 0 : i32
      %dma_wait3A_62 = tpu.memref_slice %arg6[%dma_wait3A_60, %dma_wait3A_61] : memref<128x128xf32, #tpu.memory_space<vmem>> -> memref<120x128xf32, #tpu.memory_space<vmem>>
      tpu.wait_dma2 semaphore(%run_scoped3A : memref<!tpu.dma_semaphore, #tpu.memory_space<semaphore_mem>>) src(%dma_wait3A_62 : memref<120x128xf32, #tpu.memory_space<vmem>>) dst(%dma_wait3A_59 : memref<120x128xf32, #tpu.memory_space<vmem_shared>>)
      tpu.yield
    }) : () -> ()
    %barrier3A = arith.constant 0 : index
    tpu.barrier barrier_id(%barrier3A)
    %scan3A_27 = arith.constant 0 : i32
    %scan3A_28 = arith.constant 128 : i32
    %scan3A_29 = arith.addi %scan3A_27, %scan3A_28 : i32
    %scan3A_30 = arith.constant 1 : i32
    scf.for %scan3A_45 = %scan3A_27 to %scan3A_29 step %scan3A_30  : i32 {
      %swap3A = arith.index_cast %scan3A_45 : i32 to index
      %swap3A_46 = arith.constant 0 : index
      %swap3A_47 = tpu.vector_load %arg6[%swap3A, %swap3A_46] {strides = array<i32>} : memref<128x128xf32, #tpu.memory_space<vmem>>, vector<1x16xf32>,
      %swap3A_48 = vector.shape_cast %swap3A_47 : vector<1x16xf32> to vector<16xf32>
      %swap3A_49 = vector.shape_cast %broadcast_in_dim3A_2 : vector<16xf32> to vector<1x16xf32>
      tpu.vector_store %arg6[%swap3A, %swap3A_46], %swap3A_49 {strides = array<i32>} : memref<128x128xf32, #tpu.memory_space<vmem>>, vector<1x16xf32>,
      %swap3A_50 = arith.index_cast %scan3A_45 : i32 to index
      %swap3A_51 = arith.constant 16 : index
      %swap3A_52 = tpu.vector_load %arg6[%swap3A_50, %swap3A_51] {strides = array<i32>} : memref<128x128xf32, #tpu.memory_space<vmem>>, vector<1x16xf32>,
      %swap3A_53 = vector.shape_cast %swap3A_52 : vector<1x16xf32> to vector<16xf32>
      %swap3A_54 = vector.shape_cast %broadcast_in_dim3A_2 : vector<16xf32> to vector<1x16xf32>
      tpu.vector_store %arg6[%swap3A_50, %swap3A_51], %swap3A_54 {strides = array<i32>} : memref<128x128xf32, #tpu.memory_space<vmem>>, vector<1x16xf32>,
      %swap3A_55 = arith.index_cast %scan3A_45 : i32 to index
      %swap3A_56 = arith.constant 32 : index
      %swap3A_57 = tpu.vector_load %arg6[%swap3A_55, %swap3A_56] {strides = array<i32>} : memref<128x128xf32, #tpu.memory_space<vmem>>, vector<1x16xf32>,
      %swap3A_58 = vector.shape_cast %swap3A_57 : vector<1x16xf32> to vector<16xf32>
      %swap3A_59 = vector.shape_cast %broadcast_in_dim3A_2 : vector<16xf32> to vector<1x16xf32>
      tpu.vector_store %arg6[%swap3A_55, %swap3A_56], %swap3A_59 {strides = array<i32>} : memref<128x128xf32, #tpu.memory_space<vmem>>, vector<1x16xf32>,
      %swap3A_60 = arith.index_cast %scan3A_45 : i32 to index
      %swap3A_61 = arith.constant 48 : index
      %swap3A_62 = tpu.vector_load %arg6[%swap3A_60, %swap3A_61] {strides = array<i32>} : memref<128x128xf32, #tpu.memory_space<vmem>>, vector<1x16xf32>,
      %swap3A_63 = vector.shape_cast %swap3A_62 : vector<1x16xf32> to vector<16xf32>
      %swap3A_64 = vector.shape_cast %broadcast_in_dim3A_2 : vector<16xf32> to vector<1x16xf32>
      tpu.vector_store %arg6[%swap3A_60, %swap3A_61], %swap3A_64 {strides = array<i32>} : memref<128x128xf32, #tpu.memory_space<vmem>>, vector<1x16xf32>,
      %swap3A_65 = arith.index_cast %scan3A_45 : i32 to index
      %swap3A_66 = arith.constant 64 : index
      %swap3A_67 = tpu.vector_load %arg6[%swap3A_65, %swap3A_66] {strides = array<i32>} : memref<128x128xf32, #tpu.memory_space<vmem>>, vector<1x16xf32>,
      %swap3A_68 = vector.shape_cast %swap3A_67 : vector<1x16xf32> to vector<16xf32>
      %swap3A_69 = vector.shape_cast %broadcast_in_dim3A_2 : vector<16xf32> to vector<1x16xf32>
      tpu.vector_store %arg6[%swap3A_65, %swap3A_66], %swap3A_69 {strides = array<i32>} : memref<128x128xf32, #tpu.memory_space<vmem>>, vector<1x16xf32>,
      %swap3A_70 = arith.index_cast %scan3A_45 : i32 to index
      %swap3A_71 = arith.constant 80 : index
      %swap3A_72 = tpu.vector_load %arg6[%swap3A_70, %swap3A_71] {strides = array<i32>} : memref<128x128xf32, #tpu.memory_space<vmem>>, vector<1x16xf32>,
      %swap3A_73 = vector.shape_cast %swap3A_72 : vector<1x16xf32> to vector<16xf32>
      %swap3A_74 = vector.shape_cast %broadcast_in_dim3A_2 : vector<16xf32> to vector<1x16xf32>
      tpu.vector_store %arg6[%swap3A_70, %swap3A_71], %swap3A_74 {strides = array<i32>} : memref<128x128xf32, #tpu.memory_space<vmem>>, vector<1x16xf32>,
      %swap3A_75 = arith.index_cast %scan3A_45 : i32 to index
      %swap3A_76 = arith.constant 96 : index
      %swap3A_77 = tpu.vector_load %arg6[%swap3A_75, %swap3A_76] {strides = array<i32>} : memref<128x128xf32, #tpu.memory_space<vmem>>, vector<1x16xf32>,
      %swap3A_78 = vector.shape_cast %swap3A_77 : vector<1x16xf32> to vector<16xf32>
      %swap3A_79 = vector.shape_cast %broadcast_in_dim3A_2 : vector<16xf32> to vector<1x16xf32>
      tpu.vector_store %arg6[%swap3A_75, %swap3A_76], %swap3A_79 {strides = array<i32>} : memref<128x128xf32, #tpu.memory_space<vmem>>, vector<1x16xf32>,
      %swap3A_80 = arith.index_cast %scan3A_45 : i32 to index
      %swap3A_81 = arith.constant 112 : index
      %swap3A_82 = tpu.vector_load %arg6[%swap3A_80, %swap3A_81] {strides = array<i32>} : memref<128x128xf32, #tpu.memory_space<vmem>>, vector<1x16xf32>,
      %swap3A_83 = vector.shape_cast %swap3A_82 : vector<1x16xf32> to vector<16xf32>
      %swap3A_84 = vector.shape_cast %broadcast_in_dim3A_2 : vector<16xf32> to vector<1x16xf32>
      tpu.vector_store %arg6[%swap3A_80, %swap3A_81], %swap3A_84 {strides = array<i32>} : memref<128x128xf32, #tpu.memory_space<vmem>>, vector<1x16xf32>,
    }
    %scan3A_31 = arith.constant 128 : i32
    %while3A = arith.constant 0 : i32
    %while3A_32 = arith.subi %select_n3A, %while3A : i32
    %while3A_33 = arith.addi %while3A, %while3A_32 : i32
    %while3A_34 = arith.constant 1 : i32
    %while3A_35 = arith.divsi %while3A_32, %while3A_34 : i32
    %while3A_36 = arith.muli %while3A_35, %while3A_34 : i32
    %while3A_37 = arith.addi %while3A, %while3A_36 : i32
    %while3A_38 = arith.constant 1 : i32
    scf.for %while3A_45 = %while3A to %while3A_37 step %while3A_38  : i32 {
      %get3A = arith.index_cast %while3A_45 : i32 to index
      %get3A_46 = arith.constant 0 : index
      %get3A_47 = tpu.vector_load %arg4[%get3A, %get3A_46] {strides = array<i32>} : memref<96x128xi32, #tpu.memory_space<vmem>>, vector<1x16xi32>,
      %get3A_48 = vector.shape_cast %get3A_47 : vector<1x16xi32> to vector<16xi32>
      %swap3A = arith.constant 0 : index
      %swap3A_49 = tpu.vector_load %arg5[%swap3A] {strides = array<i32>} : memref<128xi32, #tpu.memory_space<vmem>>, vector<16xi32>,
      %swap3A_50 = vector.shape_cast %swap3A_49 : vector<16xi32> to vector<16xi32>
      %swap3A_51 = vector.shape_cast %get3A_48 : vector<16xi32> to vector<16xi32>
      tpu.vector_store %arg5[%swap3A], %swap3A_51 {strides = array<i32>} : memref<128xi32, #tpu.memory_space<vmem>>, vector<16xi32>,
      %get3A_52 = arith.index_cast %while3A_45 : i32 to index
      %get3A_53 = arith.constant 16 : index
      %get3A_54 = tpu.vector_load %arg4[%get3A_52, %get3A_53] {strides = array<i32>} : memref<96x128xi32, #tpu.memory_space<vmem>>, vector<1x16xi32>,
      %get3A_55 = vector.shape_cast %get3A_54 : vector<1x16xi32> to vector<16xi32>
      %swap3A_56 = arith.constant 16 : index
      %swap3A_57 = tpu.vector_load %arg5[%swap3A_56] {strides = array<i32>} : memref<128xi32, #tpu.memory_space<vmem>>, vector<16xi32>,
      %swap3A_58 = vector.shape_cast %swap3A_57 : vector<16xi32> to vector<16xi32>
      %swap3A_59 = vector.shape_cast %get3A_55 : vector<16xi32> to vector<16xi32>
      tpu.vector_store %arg5[%swap3A_56], %swap3A_59 {strides = array<i32>} : memref<128xi32, #tpu.memory_space<vmem>>, vector<16xi32>,
      %get3A_60 = arith.index_cast %while3A_45 : i32 to index
      %get3A_61 = arith.constant 32 : index
      %get3A_62 = tpu.vector_load %arg4[%get3A_60, %get3A_61] {strides = array<i32>} : memref<96x128xi32, #tpu.memory_space<vmem>>, vector<1x16xi32>,
      %get3A_63 = vector.shape_cast %get3A_62 : vector<1x16xi32> to vector<16xi32>
      %swap3A_64 = arith.constant 32 : index
      %swap3A_65 = tpu.vector_load %arg5[%swap3A_64] {strides = array<i32>} : memref<128xi32, #tpu.memory_space<vmem>>, vector<16xi32>,
      %swap3A_66 = vector.shape_cast %swap3A_65 : vector<16xi32> to vector<16xi32>
      %swap3A_67 = vector.shape_cast %get3A_63 : vector<16xi32> to vector<16xi32>
      tpu.vector_store %arg5[%swap3A_64], %swap3A_67 {strides = array<i32>} : memref<128xi32, #tpu.memory_space<vmem>>, vector<16xi32>,
      %get3A_68 = arith.index_cast %while3A_45 : i32 to index
      %get3A_69 = arith.constant 48 : index
      %get3A_70 = tpu.vector_load %arg4[%get3A_68, %get3A_69] {strides = array<i32>} : memref<96x128xi32, #tpu.memory_space<vmem>>, vector<1x16xi32>,
      %get3A_71 = vector.shape_cast %get3A_70 : vector<1x16xi32> to vector<16xi32>
      %swap3A_72 = arith.constant 48 : index
      %swap3A_73 = tpu.vector_load %arg5[%swap3A_72] {strides = array<i32>} : memref<128xi32, #tpu.memory_space<vmem>>, vector<16xi32>,
      %swap3A_74 = vector.shape_cast %swap3A_73 : vector<16xi32> to vector<16xi32>
      %swap3A_75 = vector.shape_cast %get3A_71 : vector<16xi32> to vector<16xi32>
      tpu.vector_store %arg5[%swap3A_72], %swap3A_75 {strides = array<i32>} : memref<128xi32, #tpu.memory_space<vmem>>, vector<16xi32>,
      %get3A_76 = arith.index_cast %while3A_45 : i32 to index
      %get3A_77 = arith.constant 64 : index
      %get3A_78 = tpu.vector_load %arg4[%get3A_76, %get3A_77] {strides = array<i32>} : memref<96x128xi32, #tpu.memory_space<vmem>>, vector<1x16xi32>,
      %get3A_79 = vector.shape_cast %get3A_78 : vector<1x16xi32> to vector<16xi32>
      %swap3A_80 = arith.constant 64 : index
      %swap3A_81 = tpu.vector_load %arg5[%swap3A_80] {strides = array<i32>} : memref<128xi32, #tpu.memory_space<vmem>>, vector<16xi32>,
      %swap3A_82 = vector.shape_cast %swap3A_81 : vector<16xi32> to vector<16xi32>
      %swap3A_83 = vector.shape_cast %get3A_79 : vector<16xi32> to vector<16xi32>
      tpu.vector_store %arg5[%swap3A_80], %swap3A_83 {strides = array<i32>} : memref<128xi32, #tpu.memory_space<vmem>>, vector<16xi32>,
      %get3A_84 = arith.index_cast %while3A_45 : i32 to index
      %get3A_85 = arith.constant 80 : index
      %get3A_86 = tpu.vector_load %arg4[%get3A_84, %get3A_85] {strides = array<i32>} : memref<96x128xi32, #tpu.memory_space<vmem>>, vector<1x16xi32>,
      %get3A_87 = vector.shape_cast %get3A_86 : vector<1x16xi32> to vector<16xi32>
      %swap3A_88 = arith.constant 80 : index
      %swap3A_89 = tpu.vector_load %arg5[%swap3A_88] {strides = array<i32>} : memref<128xi32, #tpu.memory_space<vmem>>, vector<16xi32>,
      %swap3A_90 = vector.shape_cast %swap3A_89 : vector<16xi32> to vector<16xi32>
      %swap3A_91 = vector.shape_cast %get3A_87 : vector<16xi32> to vector<16xi32>
      tpu.vector_store %arg5[%swap3A_88], %swap3A_91 {strides = array<i32>} : memref<128xi32, #tpu.memory_space<vmem>>, vector<16xi32>,
      %get3A_92 = arith.index_cast %while3A_45 : i32 to index
      %get3A_93 = arith.constant 96 : index
      %get3A_94 = tpu.vector_load %arg4[%get3A_92, %get3A_93] {strides = array<i32>} : memref<96x128xi32, #tpu.memory_space<vmem>>, vector<1x16xi32>,
      %get3A_95 = vector.shape_cast %get3A_94 : vector<1x16xi32> to vector<16xi32>
      %swap3A_96 = arith.constant 96 : index
      %swap3A_97 = tpu.vector_load %arg5[%swap3A_96] {strides = array<i32>} : memref<128xi32, #tpu.memory_space<vmem>>, vector<16xi32>,
      %swap3A_98 = vector.shape_cast %swap3A_97 : vector<16xi32> to vector<16xi32>
      %swap3A_99 = vector.shape_cast %get3A_95 : vector<16xi32> to vector<16xi32>
      tpu.vector_store %arg5[%swap3A_96], %swap3A_99 {strides = array<i32>} : memref<128xi32, #tpu.memory_space<vmem>>, vector<16xi32>,
      %get3A_100 = arith.index_cast %while3A_45 : i32 to index
      %get3A_101 = arith.constant 112 : index
      %get3A_102 = tpu.vector_load %arg4[%get3A_100, %get3A_101] {strides = array<i32>} : memref<96x128xi32, #tpu.memory_space<vmem>>, vector<1x16xi32>,
      %get3A_103 = vector.shape_cast %get3A_102 : vector<1x16xi32> to vector<16xi32>
      %swap3A_104 = arith.constant 112 : index
      %swap3A_105 = tpu.vector_load %arg5[%swap3A_104] {strides = array<i32>} : memref<128xi32, #tpu.memory_space<vmem>>, vector<16xi32>,
      %swap3A_106 = vector.shape_cast %swap3A_105 : vector<16xi32> to vector<16xi32>
      %swap3A_107 = vector.shape_cast %get3A_103 : vector<16xi32> to vector<16xi32>
      tpu.vector_store %arg5[%swap3A_104], %swap3A_107 {strides = array<i32>} : memref<128xi32, #tpu.memory_space<vmem>>, vector<16xi32>,
      "tpu.region"() ({
        %run_scoped3A = tpu.sem_alloc : memref<!tpu.dma_semaphore, #tpu.memory_space<semaphore_mem>>
        %dma_start3A = arith.constant 0 : i32
        %dma_start3A_108 = arith.constant 0 : i32
        %dma_start3A_109 = tpu.memref_slice %arg7[%dma_start3A, %dma_start3A_108] : memref<10112x128xf32, #tpu.memory_space<vmem_shared>> -> memref<10112x128xf32, #tpu.memory_space<vmem_shared>>
        tpu.enqueue_indirect_dma source(%arg6 : memref<128x128xf32, #tpu.memory_space<vmem>>) target(%dma_start3A_109 : memref<10112x128xf32, #tpu.memory_space<vmem_shared>>) offsets(%arg5 : memref<128xi32, #tpu.memory_space<vmem>>) semaphore(%run_scoped3A : memref<!tpu.dma_semaphore, #tpu.memory_space<semaphore_mem>>) {add = true}
        %dma_wait3A = arith.constant 0 : i32
        %dma_wait3A_110 = arith.constant 0 : i32
        %dma_wait3A_111 = tpu.memref_slice %arg7[%dma_wait3A, %dma_wait3A_110] : memref<10112x128xf32, #tpu.memory_space<vmem_shared>> -> memref<10112x128xf32, #tpu.memory_space<vmem_shared>>
        tpu.wait_indirect_dma semaphore(%run_scoped3A : memref<!tpu.dma_semaphore, #tpu.memory_space<semaphore_mem>>) src(%arg6 : memref<128x128xf32, #tpu.memory_space<vmem>>) dst(%dma_wait3A_111 : memref<10112x128xf32, #tpu.memory_space<vmem_shared>>)
        tpu.yield
      }) : () -> ()
    }
    %while3A_39 = arith.constant 1 : i32
    scf.for %while3A_45 = %while3A_37 to %while3A_33 step %while3A_39  : i32 {
      %get3A = arith.index_cast %while3A_45 : i32 to index
      %get3A_46 = arith.constant 0 : index
      %get3A_47 = tpu.vector_load %arg4[%get3A, %get3A_46] {strides = array<i32>} : memref<96x128xi32, #tpu.memory_space<vmem>>, vector<1x16xi32>,
      %get3A_48 = vector.shape_cast %get3A_47 : vector<1x16xi32> to vector<16xi32>
      %swap3A = arith.constant 0 : index
      %swap3A_49 = tpu.vector_load %arg5[%swap3A] {strides = array<i32>} : memref<128xi32, #tpu.memory_space<vmem>>, vector<16xi32>,
      %swap3A_50 = vector.shape_cast %swap3A_49 : vector<16xi32> to vector<16xi32>
      %swap3A_51 = vector.shape_cast %get3A_48 : vector<16xi32> to vector<16xi32>
      tpu.vector_store %arg5[%swap3A], %swap3A_51 {strides = array<i32>} : memref<128xi32, #tpu.memory_space<vmem>>, vector<16xi32>,
      %get3A_52 = arith.index_cast %while3A_45 : i32 to index
      %get3A_53 = arith.constant 16 : index
      %get3A_54 = tpu.vector_load %arg4[%get3A_52, %get3A_53] {strides = array<i32>} : memref<96x128xi32, #tpu.memory_space<vmem>>, vector<1x16xi32>,
      %get3A_55 = vector.shape_cast %get3A_54 : vector<1x16xi32> to vector<16xi32>
      %swap3A_56 = arith.constant 16 : index
      %swap3A_57 = tpu.vector_load %arg5[%swap3A_56] {strides = array<i32>} : memref<128xi32, #tpu.memory_space<vmem>>, vector<16xi32>,
      %swap3A_58 = vector.shape_cast %swap3A_57 : vector<16xi32> to vector<16xi32>
      %swap3A_59 = vector.shape_cast %get3A_55 : vector<16xi32> to vector<16xi32>
      tpu.vector_store %arg5[%swap3A_56], %swap3A_59 {strides = array<i32>} : memref<128xi32, #tpu.memory_space<vmem>>, vector<16xi32>,
      %get3A_60 = arith.index_cast %while3A_45 : i32 to index
      %get3A_61 = arith.constant 32 : index
      %get3A_62 = tpu.vector_load %arg4[%get3A_60, %get3A_61] {strides = array<i32>} : memref<96x128xi32, #tpu.memory_space<vmem>>, vector<1x16xi32>,
      %get3A_63 = vector.shape_cast %get3A_62 : vector<1x16xi32> to vector<16xi32>
      %swap3A_64 = arith.constant 32 : index
      %swap3A_65 = tpu.vector_load %arg5[%swap3A_64] {strides = array<i32>} : memref<128xi32, #tpu.memory_space<vmem>>, vector<16xi32>,
      %swap3A_66 = vector.shape_cast %swap3A_65 : vector<16xi32> to vector<16xi32>
      %swap3A_67 = vector.shape_cast %get3A_63 : vector<16xi32> to vector<16xi32>
      tpu.vector_store %arg5[%swap3A_64], %swap3A_67 {strides = array<i32>} : memref<128xi32, #tpu.memory_space<vmem>>, vector<16xi32>,
      %get3A_68 = arith.index_cast %while3A_45 : i32 to index
      %get3A_69 = arith.constant 48 : index
      %get3A_70 = tpu.vector_load %arg4[%get3A_68, %get3A_69] {strides = array<i32>} : memref<96x128xi32, #tpu.memory_space<vmem>>, vector<1x16xi32>,
      %get3A_71 = vector.shape_cast %get3A_70 : vector<1x16xi32> to vector<16xi32>
      %swap3A_72 = arith.constant 48 : index
      %swap3A_73 = tpu.vector_load %arg5[%swap3A_72] {strides = array<i32>} : memref<128xi32, #tpu.memory_space<vmem>>, vector<16xi32>,
      %swap3A_74 = vector.shape_cast %swap3A_73 : vector<16xi32> to vector<16xi32>
      %swap3A_75 = vector.shape_cast %get3A_71 : vector<16xi32> to vector<16xi32>
      tpu.vector_store %arg5[%swap3A_72], %swap3A_75 {strides = array<i32>} : memref<128xi32, #tpu.memory_space<vmem>>, vector<16xi32>,
      %get3A_76 = arith.index_cast %while3A_45 : i32 to index
      %get3A_77 = arith.constant 64 : index
      %get3A_78 = tpu.vector_load %arg4[%get3A_76, %get3A_77] {strides = array<i32>} : memref<96x128xi32, #tpu.memory_space<vmem>>, vector<1x16xi32>,
      %get3A_79 = vector.shape_cast %get3A_78 : vector<1x16xi32> to vector<16xi32>
      %swap3A_80 = arith.constant 64 : index
      %swap3A_81 = tpu.vector_load %arg5[%swap3A_80] {strides = array<i32>} : memref<128xi32, #tpu.memory_space<vmem>>, vector<16xi32>,
      %swap3A_82 = vector.shape_cast %swap3A_81 : vector<16xi32> to vector<16xi32>
      %swap3A_83 = vector.shape_cast %get3A_79 : vector<16xi32> to vector<16xi32>
      tpu.vector_store %arg5[%swap3A_80], %swap3A_83 {strides = array<i32>} : memref<128xi32, #tpu.memory_space<vmem>>, vector<16xi32>,
      %get3A_84 = arith.index_cast %while3A_45 : i32 to index
      %get3A_85 = arith.constant 80 : index
      %get3A_86 = tpu.vector_load %arg4[%get3A_84, %get3A_85] {strides = array<i32>} : memref<96x128xi32, #tpu.memory_space<vmem>>, vector<1x16xi32>,
      %get3A_87 = vector.shape_cast %get3A_86 : vector<1x16xi32> to vector<16xi32>
      %swap3A_88 = arith.constant 80 : index
      %swap3A_89 = tpu.vector_load %arg5[%swap3A_88] {strides = array<i32>} : memref<128xi32, #tpu.memory_space<vmem>>, vector<16xi32>,
      %swap3A_90 = vector.shape_cast %swap3A_89 : vector<16xi32> to vector<16xi32>
      %swap3A_91 = vector.shape_cast %get3A_87 : vector<16xi32> to vector<16xi32>
      tpu.vector_store %arg5[%swap3A_88], %swap3A_91 {strides = array<i32>} : memref<128xi32, #tpu.memory_space<vmem>>, vector<16xi32>,
      %get3A_92 = arith.index_cast %while3A_45 : i32 to index
      %get3A_93 = arith.constant 96 : index
      %get3A_94 = tpu.vector_load %arg4[%get3A_92, %get3A_93] {strides = array<i32>} : memref<96x128xi32, #tpu.memory_space<vmem>>, vector<1x16xi32>,
      %get3A_95 = vector.shape_cast %get3A_94 : vector<1x16xi32> to vector<16xi32>
      %swap3A_96 = arith.constant 96 : index
      %swap3A_97 = tpu.vector_load %arg5[%swap3A_96] {strides = array<i32>} : memref<128xi32, #tpu.memory_space<vmem>>, vector<16xi32>,
      %swap3A_98 = vector.shape_cast %swap3A_97 : vector<16xi32> to vector<16xi32>
      %swap3A_99 = vector.shape_cast %get3A_95 : vector<16xi32> to vector<16xi32>
      tpu.vector_store %arg5[%swap3A_96], %swap3A_99 {strides = array<i32>} : memref<128xi32, #tpu.memory_space<vmem>>, vector<16xi32>,
      %get3A_100 = arith.index_cast %while3A_45 : i32 to index
      %get3A_101 = arith.constant 112 : index
      %get3A_102 = tpu.vector_load %arg4[%get3A_100, %get3A_101] {strides = array<i32>} : memref<96x128xi32, #tpu.memory_space<vmem>>, vector<1x16xi32>,
      %get3A_103 = vector.shape_cast %get3A_102 : vector<1x16xi32> to vector<16xi32>
      %swap3A_104 = arith.constant 112 : index
      %swap3A_105 = tpu.vector_load %arg5[%swap3A_104] {strides = array<i32>} : memref<128xi32, #tpu.memory_space<vmem>>, vector<16xi32>,
      %swap3A_106 = vector.shape_cast %swap3A_105 : vector<16xi32> to vector<16xi32>
      %swap3A_107 = vector.shape_cast %get3A_103 : vector<16xi32> to vector<16xi32>
      tpu.vector_store %arg5[%swap3A_104], %swap3A_107 {strides = array<i32>} : memref<128xi32, #tpu.memory_space<vmem>>, vector<16xi32>,
      "tpu.region"() ({
        %run_scoped3A = tpu.sem_alloc : memref<!tpu.dma_semaphore, #tpu.memory_space<semaphore_mem>>
        %dma_start3A = arith.constant 0 : i32
        %dma_start3A_108 = arith.constant 0 : i32
        %dma_start3A_109 = tpu.memref_slice %arg7[%dma_start3A, %dma_start3A_108] : memref<10112x128xf32, #tpu.memory_space<vmem_shared>> -> memref<10112x128xf32, #tpu.memory_space<vmem_shared>>
        tpu.enqueue_indirect_dma source(%arg6 : memref<128x128xf32, #tpu.memory_space<vmem>>) target(%dma_start3A_109 : memref<10112x128xf32, #tpu.memory_space<vmem_shared>>) offsets(%arg5 : memref<128xi32, #tpu.memory_space<vmem>>) semaphore(%run_scoped3A : memref<!tpu.dma_semaphore, #tpu.memory_space<semaphore_mem>>) {add = true}
        %dma_wait3A = arith.constant 0 : i32
        %dma_wait3A_110 = arith.constant 0 : i32
        %dma_wait3A_111 = tpu.memref_slice %arg7[%dma_wait3A, %dma_wait3A_110] : memref<10112x128xf32, #tpu.memory_space<vmem_shared>> -> memref<10112x128xf32, #tpu.memory_space<vmem_shared>>
        tpu.wait_indirect_dma semaphore(%run_scoped3A : memref<!tpu.dma_semaphore, #tpu.memory_space<semaphore_mem>>) src(%arg6 : memref<128x128xf32, #tpu.memory_space<vmem>>) dst(%dma_wait3A_111 : memref<10112x128xf32, #tpu.memory_space<vmem_shared>>)
        tpu.yield
      }) : () -> ()
    }
    %barrier3A_40 = arith.constant 0 : index
    tpu.barrier barrier_id(%barrier3A_40)
    %mul3A_41 = arith.constant 632 : i32
    %mul3A_42 = arith.muli %arg1, %mul3A_41 : i32
    %mul3A_43 = arith.constant 632 : i32
    %mul3A_44 = arith.muli %arg1, %mul3A_43 : i32
    "tpu.region"() ({
      %run_scoped3A = tpu.sem_alloc : memref<!tpu.dma_semaphore, #tpu.memory_space<semaphore_mem>>
      %dma_start3A = arith.constant 0 : i32
      %dma_start3A_45 = tpu.memref_slice %arg3[%arg0, %mul3A_44, %dma_start3A] : memref<2x10112x128xf32, #tpu.memory_space<hbm>> -> memref<1x632x128xf32, #tpu.memory_space<hbm>>
      %dma_start3A_46 = tpu.memref_squeeze %dma_start3A_45 : memref<1x632x128xf32, #tpu.memory_space<hbm>> -> memref<632x128xf32, #tpu.memory_space<hbm>>
      %dma_start3A_47 = arith.constant 0 : i32
      %dma_start3A_48 = tpu.memref_slice %arg7[%mul3A_42, %dma_start3A_47] : memref<10112x128xf32, #tpu.memory_space<vmem_shared>> -> memref<632x128xf32, #tpu.memory_space<vmem_shared>>
      tpu.enqueue_dma source(%dma_start3A_48 : memref<632x128xf32, #tpu.memory_space<vmem_shared>>) target(%dma_start3A_46 : memref<632x128xf32, #tpu.memory_space<hbm>>) target_semaphore(%run_scoped3A : memref<!tpu.dma_semaphore, #tpu.memory_space<semaphore_mem>>)
      %dma_wait3A = arith.constant 0 : i32
      %dma_wait3A_49 = tpu.memref_slice %arg3[%arg0, %mul3A_44, %dma_wait3A] : memref<2x10112x128xf32, #tpu.memory_space<hbm>> -> memref<1x632x128xf32, #tpu.memory_space<hbm>>
      %dma_wait3A_50 = tpu.memref_squeeze %dma_wait3A_49 : memref<1x632x128xf32, #tpu.memory_space<hbm>> -> memref<632x128xf32, #tpu.memory_space<hbm>>
      %dma_wait3A_51 = arith.constant 0 : i32
      %dma_wait3A_52 = tpu.memref_slice %arg7[%mul3A_42, %dma_wait3A_51] : memref<10112x128xf32, #tpu.memory_space<vmem_shared>> -> memref<632x128xf32, #tpu.memory_space<vmem_shared>>
      tpu.wait_dma2 semaphore(%run_scoped3A : memref<!tpu.dma_semaphore, #tpu.memory_space<semaphore_mem>>) src(%dma_wait3A_52 : memref<632x128xf32, #tpu.memory_space<vmem_shared>>) dst(%dma_wait3A_50 : memref<632x128xf32, #tpu.memory_space<hbm>>)
      tpu.yield
    }) : () -> ()
    return
  }
}

#map = affine_map<(d0, d1) -> (0, 0)>
#map1 = affine_map<(d0, d1) -> (0, 0, 0, 0)>
#map2 = affine_map<(d0, d1) -> (0, 0, 0)>
module attributes {stable_mosaic.version = 14 : i64} {
  func.func @_scatter_body(%arg0: i32, %arg1: i32, %arg2: memref<10000x128xf32, #tpu.memory_space<hbm>>, %arg3: memref<2x16x96x128xi32, #tpu.memory_space<hbm>>, %arg4: memref<2x16x96x128xi32, #tpu.memory_space<hbm>>, %arg5: memref<2x10112x128xf32, #tpu.memory_space<hbm>>, %arg6: memref<128xi32, #tpu.memory_space<vmem>>, %arg7: memref<128xi32, #tpu.memory_space<vmem>>, %arg8: memref<128xi32, #tpu.memory_space<vmem>>, %arg9: memref<128xi32, #tpu.memory_space<vmem>>, %arg10: memref<128xi32, #tpu.memory_space<vmem>>, %arg11: memref<128xi32, #tpu.memory_space<vmem>>, %arg12: memref<128x128xf32, #tpu.memory_space<vmem>>, %arg13: memref<128x128xf32, #tpu.memory_space<vmem>>, %arg14: memref<!tpu.dma_semaphore, #tpu.memory_space<semaphore_mem>>, %arg15: memref<!tpu.dma_semaphore, #tpu.memory_space<semaphore_mem>>, %arg16: memref<!tpu.dma_semaphore, #tpu.memory_space<semaphore_mem>>, %arg17: memref<!tpu.dma_semaphore, #tpu.memory_space<semaphore_mem>>, %arg18: memref<10112x128xf32, #tpu.memory_space<vmem_shared>>) attributes {dimension_semantics = [#tpu.dimension_semantics<core_parallel>, #tpu.dimension_semantics<subcore_parallel>], iteration_bounds = array<i64: 2, 16>, scalar_prefetch = 0 : i64, scratch_operands = 13 : i64, tpu.core_type = #tpu.core_type<sc_vector_subcore>, window_params = [{transform_indices = #map}, {transform_indices = #map1}, {transform_indices = #map1}, {transform_indices = #map2}]} {
    %eq3A = arith.constant 0 : i32
    %eq3A_0 = arith.cmpi eq, %arg0, %eq3A : i32
    %jit3A = arith.constant 92 : i32
    %jit3A_1 = arith.constant 66 : i32
    %select_n3A = arith.select %eq3A_0, %jit3A, %jit3A_1 : i32
    %broadcast_in_dim3A = arith.constant 0.000000e+00 : f32
    %broadcast_in_dim3A_2 = vector.broadcast %broadcast_in_dim3A : f32 to vector<16xf32>
    %scan3A = arith.constant 0 : i32
    %scan3A_3 = arith.constant 128 : i32
    %scan3A_4 = arith.addi %scan3A, %scan3A_3 : i32
    %scan3A_5 = arith.constant 1 : i32
    scf.for %scan3A_64 = %scan3A to %scan3A_4 step %scan3A_5  : i32 {
      %swap3A = arith.index_cast %scan3A_64 : i32 to index
      %swap3A_65 = arith.constant 0 : index
      %swap3A_66 = tpu.vector_load %arg12[%swap3A, %swap3A_65] {strides = array<i32>} : memref<128x128xf32, #tpu.memory_space<vmem>>, vector<1x16xf32>,
      %swap3A_67 = vector.shape_cast %swap3A_66 : vector<1x16xf32> to vector<16xf32>
      %swap3A_68 = vector.shape_cast %broadcast_in_dim3A_2 : vector<16xf32> to vector<1x16xf32>
      tpu.vector_store %arg12[%swap3A, %swap3A_65], %swap3A_68 {strides = array<i32>} : memref<128x128xf32, #tpu.memory_space<vmem>>, vector<1x16xf32>,
      %swap3A_69 = arith.index_cast %scan3A_64 : i32 to index
      %swap3A_70 = arith.constant 16 : index
      %swap3A_71 = tpu.vector_load %arg12[%swap3A_69, %swap3A_70] {strides = array<i32>} : memref<128x128xf32, #tpu.memory_space<vmem>>, vector<1x16xf32>,
      %swap3A_72 = vector.shape_cast %swap3A_71 : vector<1x16xf32> to vector<16xf32>
      %swap3A_73 = vector.shape_cast %broadcast_in_dim3A_2 : vector<16xf32> to vector<1x16xf32>
      tpu.vector_store %arg12[%swap3A_69, %swap3A_70], %swap3A_73 {strides = array<i32>} : memref<128x128xf32, #tpu.memory_space<vmem>>, vector<1x16xf32>,
      %swap3A_74 = arith.index_cast %scan3A_64 : i32 to index
      %swap3A_75 = arith.constant 32 : index
      %swap3A_76 = tpu.vector_load %arg12[%swap3A_74, %swap3A_75] {strides = array<i32>} : memref<128x128xf32, #tpu.memory_space<vmem>>, vector<1x16xf32>,
      %swap3A_77 = vector.shape_cast %swap3A_76 : vector<1x16xf32> to vector<16xf32>
      %swap3A_78 = vector.shape_cast %broadcast_in_dim3A_2 : vector<16xf32> to vector<1x16xf32>
      tpu.vector_store %arg12[%swap3A_74, %swap3A_75], %swap3A_78 {strides = array<i32>} : memref<128x128xf32, #tpu.memory_space<vmem>>, vector<1x16xf32>,
      %swap3A_79 = arith.index_cast %scan3A_64 : i32 to index
      %swap3A_80 = arith.constant 48 : index
      %swap3A_81 = tpu.vector_load %arg12[%swap3A_79, %swap3A_80] {strides = array<i32>} : memref<128x128xf32, #tpu.memory_space<vmem>>, vector<1x16xf32>,
      %swap3A_82 = vector.shape_cast %swap3A_81 : vector<1x16xf32> to vector<16xf32>
      %swap3A_83 = vector.shape_cast %broadcast_in_dim3A_2 : vector<16xf32> to vector<1x16xf32>
      tpu.vector_store %arg12[%swap3A_79, %swap3A_80], %swap3A_83 {strides = array<i32>} : memref<128x128xf32, #tpu.memory_space<vmem>>, vector<1x16xf32>,
      %swap3A_84 = arith.index_cast %scan3A_64 : i32 to index
      %swap3A_85 = arith.constant 64 : index
      %swap3A_86 = tpu.vector_load %arg12[%swap3A_84, %swap3A_85] {strides = array<i32>} : memref<128x128xf32, #tpu.memory_space<vmem>>, vector<1x16xf32>,
      %swap3A_87 = vector.shape_cast %swap3A_86 : vector<1x16xf32> to vector<16xf32>
      %swap3A_88 = vector.shape_cast %broadcast_in_dim3A_2 : vector<16xf32> to vector<1x16xf32>
      tpu.vector_store %arg12[%swap3A_84, %swap3A_85], %swap3A_88 {strides = array<i32>} : memref<128x128xf32, #tpu.memory_space<vmem>>, vector<1x16xf32>,
      %swap3A_89 = arith.index_cast %scan3A_64 : i32 to index
      %swap3A_90 = arith.constant 80 : index
      %swap3A_91 = tpu.vector_load %arg12[%swap3A_89, %swap3A_90] {strides = array<i32>} : memref<128x128xf32, #tpu.memory_space<vmem>>, vector<1x16xf32>,
      %swap3A_92 = vector.shape_cast %swap3A_91 : vector<1x16xf32> to vector<16xf32>
      %swap3A_93 = vector.shape_cast %broadcast_in_dim3A_2 : vector<16xf32> to vector<1x16xf32>
      tpu.vector_store %arg12[%swap3A_89, %swap3A_90], %swap3A_93 {strides = array<i32>} : memref<128x128xf32, #tpu.memory_space<vmem>>, vector<1x16xf32>,
      %swap3A_94 = arith.index_cast %scan3A_64 : i32 to index
      %swap3A_95 = arith.constant 96 : index
      %swap3A_96 = tpu.vector_load %arg12[%swap3A_94, %swap3A_95] {strides = array<i32>} : memref<128x128xf32, #tpu.memory_space<vmem>>, vector<1x16xf32>,
      %swap3A_97 = vector.shape_cast %swap3A_96 : vector<1x16xf32> to vector<16xf32>
      %swap3A_98 = vector.shape_cast %broadcast_in_dim3A_2 : vector<16xf32> to vector<1x16xf32>
      tpu.vector_store %arg12[%swap3A_94, %swap3A_95], %swap3A_98 {strides = array<i32>} : memref<128x128xf32, #tpu.memory_space<vmem>>, vector<1x16xf32>,
      %swap3A_99 = arith.index_cast %scan3A_64 : i32 to index
      %swap3A_100 = arith.constant 112 : index
      %swap3A_101 = tpu.vector_load %arg12[%swap3A_99, %swap3A_100] {strides = array<i32>} : memref<128x128xf32, #tpu.memory_space<vmem>>, vector<1x16xf32>,
      %swap3A_102 = vector.shape_cast %swap3A_101 : vector<1x16xf32> to vector<16xf32>
      %swap3A_103 = vector.shape_cast %broadcast_in_dim3A_2 : vector<16xf32> to vector<1x16xf32>
      tpu.vector_store %arg12[%swap3A_99, %swap3A_100], %swap3A_103 {strides = array<i32>} : memref<128x128xf32, #tpu.memory_space<vmem>>, vector<1x16xf32>,
    }
    %scan3A_6 = arith.constant 128 : i32
    %mul3A = arith.constant 632 : i32
    %mul3A_7 = arith.muli %arg1, %mul3A : i32
    %add3A = arith.constant 0 : i32
    %add3A_8 = arith.addi %mul3A_7, %add3A : i32
    "tpu.region"() ({
      %run_scoped3A_64 = tpu.sem_alloc : memref<!tpu.dma_semaphore, #tpu.memory_space<semaphore_mem>>
      %dma_start3A = arith.constant 0 : i32
      %dma_start3A_65 = tpu.memref_slice %arg18[%add3A_8, %dma_start3A] : memref<10112x128xf32, #tpu.memory_space<vmem_shared>> -> memref<128x128xf32, #tpu.memory_space<vmem_shared>>
      %dma_start3A_66 = arith.constant 0 : i32
      %dma_start3A_67 = tpu.memref_slice %arg18[%add3A_8, %dma_start3A_66] : memref<10112x128xf32, #tpu.memory_space<vmem_shared>> -> memref<128x128xf32, #tpu.memory_space<vmem_shared>>
      tpu.enqueue_dma source(%arg12 : memref<128x128xf32, #tpu.memory_space<vmem>>) target(%dma_start3A_67 : memref<128x128xf32, #tpu.memory_space<vmem_shared>>) target_semaphore(%run_scoped3A_64 : memref<!tpu.dma_semaphore, #tpu.memory_space<semaphore_mem>>)
      %dma_wait3A_68 = arith.constant 0 : i32
      %dma_wait3A_69 = tpu.memref_slice %arg18[%add3A_8, %dma_wait3A_68] : memref<10112x128xf32, #tpu.memory_space<vmem_shared>> -> memref<128x128xf32, #tpu.memory_space<vmem_shared>>
      %dma_wait3A_70 = arith.constant 0 : i32
      %dma_wait3A_71 = tpu.memref_slice %arg18[%add3A_8, %dma_wait3A_70] : memref<10112x128xf32, #tpu.memory_space<vmem_shared>> -> memref<128x128xf32, #tpu.memory_space<vmem_shared>>
      tpu.wait_dma2 semaphore(%run_scoped3A_64 : memref<!tpu.dma_semaphore, #tpu.memory_space<semaphore_mem>>) src(%arg12 : memref<128x128xf32, #tpu.memory_space<vmem>>) dst(%dma_wait3A_71 : memref<128x128xf32, #tpu.memory_space<vmem_shared>>)
      tpu.yield
    }) : () -> ()
    %mul3A_9 = arith.constant 632 : i32
    %mul3A_10 = arith.muli %arg1, %mul3A_9 : i32
    %add3A_11 = arith.constant 128 : i32
    %add3A_12 = arith.addi %mul3A_10, %add3A_11 : i32
    "tpu.region"() ({
      %run_scoped3A_64 = tpu.sem_alloc : memref<!tpu.dma_semaphore, #tpu.memory_space<semaphore_mem>>
      %dma_start3A = arith.constant 0 : i32
      %dma_start3A_65 = tpu.memref_slice %arg18[%add3A_12, %dma_start3A] : memref<10112x128xf32, #tpu.memory_space<vmem_shared>> -> memref<128x128xf32, #tpu.memory_space<vmem_shared>>
      %dma_start3A_66 = arith.constant 0 : i32
      %dma_start3A_67 = tpu.memref_slice %arg18[%add3A_12, %dma_start3A_66] : memref<10112x128xf32, #tpu.memory_space<vmem_shared>> -> memref<128x128xf32, #tpu.memory_space<vmem_shared>>
      tpu.enqueue_dma source(%arg12 : memref<128x128xf32, #tpu.memory_space<vmem>>) target(%dma_start3A_67 : memref<128x128xf32, #tpu.memory_space<vmem_shared>>) target_semaphore(%run_scoped3A_64 : memref<!tpu.dma_semaphore, #tpu.memory_space<semaphore_mem>>)
      %dma_wait3A_68 = arith.constant 0 : i32
      %dma_wait3A_69 = tpu.memref_slice %arg18[%add3A_12, %dma_wait3A_68] : memref<10112x128xf32, #tpu.memory_space<vmem_shared>> -> memref<128x128xf32, #tpu.memory_space<vmem_shared>>
      %dma_wait3A_70 = arith.constant 0 : i32
      %dma_wait3A_71 = tpu.memref_slice %arg18[%add3A_12, %dma_wait3A_70] : memref<10112x128xf32, #tpu.memory_space<vmem_shared>> -> memref<128x128xf32, #tpu.memory_space<vmem_shared>>
      tpu.wait_dma2 semaphore(%run_scoped3A_64 : memref<!tpu.dma_semaphore, #tpu.memory_space<semaphore_mem>>) src(%arg12 : memref<128x128xf32, #tpu.memory_space<vmem>>) dst(%dma_wait3A_71 : memref<128x128xf32, #tpu.memory_space<vmem_shared>>)
      tpu.yield
    }) : () -> ()
    %mul3A_13 = arith.constant 632 : i32
    %mul3A_14 = arith.muli %arg1, %mul3A_13 : i32
    %add3A_15 = arith.constant 256 : i32
    %add3A_16 = arith.addi %mul3A_14, %add3A_15 : i32
    "tpu.region"() ({
      %run_scoped3A_64 = tpu.sem_alloc : memref<!tpu.dma_semaphore, #tpu.memory_space<semaphore_mem>>
      %dma_start3A = arith.constant 0 : i32
      %dma_start3A_65 = tpu.memref_slice %arg18[%add3A_16, %dma_start3A] : memref<10112x128xf32, #tpu.memory_space<vmem_shared>> -> memref<128x128xf32, #tpu.memory_space<vmem_shared>>
      %dma_start3A_66 = arith.constant 0 : i32
      %dma_start3A_67 = tpu.memref_slice %arg18[%add3A_16, %dma_start3A_66] : memref<10112x128xf32, #tpu.memory_space<vmem_shared>> -> memref<128x128xf32, #tpu.memory_space<vmem_shared>>
      tpu.enqueue_dma source(%arg12 : memref<128x128xf32, #tpu.memory_space<vmem>>) target(%dma_start3A_67 : memref<128x128xf32, #tpu.memory_space<vmem_shared>>) target_semaphore(%run_scoped3A_64 : memref<!tpu.dma_semaphore, #tpu.memory_space<semaphore_mem>>)
      %dma_wait3A_68 = arith.constant 0 : i32
      %dma_wait3A_69 = tpu.memref_slice %arg18[%add3A_16, %dma_wait3A_68] : memref<10112x128xf32, #tpu.memory_space<vmem_shared>> -> memref<128x128xf32, #tpu.memory_space<vmem_shared>>
      %dma_wait3A_70 = arith.constant 0 : i32
      %dma_wait3A_71 = tpu.memref_slice %arg18[%add3A_16, %dma_wait3A_70] : memref<10112x128xf32, #tpu.memory_space<vmem_shared>> -> memref<128x128xf32, #tpu.memory_space<vmem_shared>>
      tpu.wait_dma2 semaphore(%run_scoped3A_64 : memref<!tpu.dma_semaphore, #tpu.memory_space<semaphore_mem>>) src(%arg12 : memref<128x128xf32, #tpu.memory_space<vmem>>) dst(%dma_wait3A_71 : memref<128x128xf32, #tpu.memory_space<vmem_shared>>)
      tpu.yield
    }) : () -> ()
    %mul3A_17 = arith.constant 632 : i32
    %mul3A_18 = arith.muli %arg1, %mul3A_17 : i32
    %add3A_19 = arith.constant 384 : i32
    %add3A_20 = arith.addi %mul3A_18, %add3A_19 : i32
    "tpu.region"() ({
      %run_scoped3A_64 = tpu.sem_alloc : memref<!tpu.dma_semaphore, #tpu.memory_space<semaphore_mem>>
      %dma_start3A = arith.constant 0 : i32
      %dma_start3A_65 = tpu.memref_slice %arg18[%add3A_20, %dma_start3A] : memref<10112x128xf32, #tpu.memory_space<vmem_shared>> -> memref<128x128xf32, #tpu.memory_space<vmem_shared>>
      %dma_start3A_66 = arith.constant 0 : i32
      %dma_start3A_67 = tpu.memref_slice %arg18[%add3A_20, %dma_start3A_66] : memref<10112x128xf32, #tpu.memory_space<vmem_shared>> -> memref<128x128xf32, #tpu.memory_space<vmem_shared>>
      tpu.enqueue_dma source(%arg12 : memref<128x128xf32, #tpu.memory_space<vmem>>) target(%dma_start3A_67 : memref<128x128xf32, #tpu.memory_space<vmem_shared>>) target_semaphore(%run_scoped3A_64 : memref<!tpu.dma_semaphore, #tpu.memory_space<semaphore_mem>>)
      %dma_wait3A_68 = arith.constant 0 : i32
      %dma_wait3A_69 = tpu.memref_slice %arg18[%add3A_20, %dma_wait3A_68] : memref<10112x128xf32, #tpu.memory_space<vmem_shared>> -> memref<128x128xf32, #tpu.memory_space<vmem_shared>>
      %dma_wait3A_70 = arith.constant 0 : i32
      %dma_wait3A_71 = tpu.memref_slice %arg18[%add3A_20, %dma_wait3A_70] : memref<10112x128xf32, #tpu.memory_space<vmem_shared>> -> memref<128x128xf32, #tpu.memory_space<vmem_shared>>
      tpu.wait_dma2 semaphore(%run_scoped3A_64 : memref<!tpu.dma_semaphore, #tpu.memory_space<semaphore_mem>>) src(%arg12 : memref<128x128xf32, #tpu.memory_space<vmem>>) dst(%dma_wait3A_71 : memref<128x128xf32, #tpu.memory_space<vmem_shared>>)
      tpu.yield
    }) : () -> ()
    %mul3A_21 = arith.constant 632 : i32
    %mul3A_22 = arith.muli %arg1, %mul3A_21 : i32
    %add3A_23 = arith.constant 512 : i32
    %add3A_24 = arith.addi %mul3A_22, %add3A_23 : i32
    "tpu.region"() ({
      %run_scoped3A_64 = tpu.sem_alloc : memref<!tpu.dma_semaphore, #tpu.memory_space<semaphore_mem>>
      %dma_start3A = arith.constant 0 : i32
      %dma_start3A_65 = arith.constant 0 : i32
      %dma_start3A_66 = tpu.memref_slice %arg12[%dma_start3A, %dma_start3A_65] : memref<128x128xf32, #tpu.memory_space<vmem>> -> memref<120x128xf32, #tpu.memory_space<vmem>>
      %dma_start3A_67 = arith.constant 0 : i32
      %dma_start3A_68 = tpu.memref_slice %arg18[%add3A_24, %dma_start3A_67] : memref<10112x128xf32, #tpu.memory_space<vmem_shared>> -> memref<120x128xf32, #tpu.memory_space<vmem_shared>>
      %dma_start3A_69 = arith.constant 0 : i32
      %dma_start3A_70 = tpu.memref_slice %arg18[%add3A_24, %dma_start3A_69] : memref<10112x128xf32, #tpu.memory_space<vmem_shared>> -> memref<120x128xf32, #tpu.memory_space<vmem_shared>>
      %dma_start3A_71 = arith.constant 0 : i32
      %dma_start3A_72 = arith.constant 0 : i32
      %dma_start3A_73 = tpu.memref_slice %arg12[%dma_start3A_71, %dma_start3A_72] : memref<128x128xf32, #tpu.memory_space<vmem>> -> memref<120x128xf32, #tpu.memory_space<vmem>>
      tpu.enqueue_dma source(%dma_start3A_73 : memref<120x128xf32, #tpu.memory_space<vmem>>) target(%dma_start3A_70 : memref<120x128xf32, #tpu.memory_space<vmem_shared>>) target_semaphore(%run_scoped3A_64 : memref<!tpu.dma_semaphore, #tpu.memory_space<semaphore_mem>>)
      %dma_wait3A_74 = arith.constant 0 : i32
      %dma_wait3A_75 = arith.constant 0 : i32
      %dma_wait3A_76 = tpu.memref_slice %arg12[%dma_wait3A_74, %dma_wait3A_75] : memref<128x128xf32, #tpu.memory_space<vmem>> -> memref<120x128xf32, #tpu.memory_space<vmem>>
      %dma_wait3A_77 = arith.constant 0 : i32
      %dma_wait3A_78 = tpu.memref_slice %arg18[%add3A_24, %dma_wait3A_77] : memref<10112x128xf32, #tpu.memory_space<vmem_shared>> -> memref<120x128xf32, #tpu.memory_space<vmem_shared>>
      %dma_wait3A_79 = arith.constant 0 : i32
      %dma_wait3A_80 = tpu.memref_slice %arg18[%add3A_24, %dma_wait3A_79] : memref<10112x128xf32, #tpu.memory_space<vmem_shared>> -> memref<120x128xf32, #tpu.memory_space<vmem_shared>>
      %dma_wait3A_81 = arith.constant 0 : i32
      %dma_wait3A_82 = arith.constant 0 : i32
      %dma_wait3A_83 = tpu.memref_slice %arg12[%dma_wait3A_81, %dma_wait3A_82] : memref<128x128xf32, #tpu.memory_space<vmem>> -> memref<120x128xf32, #tpu.memory_space<vmem>>
      tpu.wait_dma2 semaphore(%run_scoped3A_64 : memref<!tpu.dma_semaphore, #tpu.memory_space<semaphore_mem>>) src(%dma_wait3A_83 : memref<120x128xf32, #tpu.memory_space<vmem>>) dst(%dma_wait3A_80 : memref<120x128xf32, #tpu.memory_space<vmem_shared>>)
      tpu.yield
    }) : () -> ()
    %barrier3A = arith.constant 0 : index
    tpu.barrier barrier_id(%barrier3A)
    %jit3A_25 = arith.constant 2 : i32
    %div3A = arith.divsi %select_n3A, %jit3A_25 : i32
    %sign3A = arith.constant 0 : i32
    %sign3A_26 = arith.cmpi sgt, %select_n3A, %sign3A : i32
    %sign3A_27 = arith.extui %sign3A_26 : i1 to i32
    %sign3A_28 = arith.constant 0 : i32
    %sign3A_29 = arith.cmpi slt, %select_n3A, %sign3A_28 : i32
    %sign3A_30 = arith.extui %sign3A_29 : i1 to i32
    %sign3A_31 = arith.subi %sign3A_27, %sign3A_30 : i32
    %sign3A_32 = arith.constant 0 : i32
    %sign3A_33 = arith.cmpi sgt, %jit3A_25, %sign3A_32 : i32
    %sign3A_34 = arith.extui %sign3A_33 : i1 to i32
    %sign3A_35 = arith.constant 0 : i32
    %sign3A_36 = arith.cmpi slt, %jit3A_25, %sign3A_35 : i32
    %sign3A_37 = arith.extui %sign3A_36 : i1 to i32
    %sign3A_38 = arith.subi %sign3A_34, %sign3A_37 : i32
    %ne3A = arith.cmpi ne, %sign3A_31, %sign3A_38 : i32
    %rem3A = arith.remsi %select_n3A, %jit3A_25 : i32
    %ne3A_39 = arith.constant 0 : i32
    %ne3A_40 = arith.cmpi ne, %rem3A, %ne3A_39 : i32
    %and3A = arith.andi %ne3A, %ne3A_40 : i1
    %sub3A = arith.constant 1 : i32
    %sub3A_41 = arith.subi %div3A, %sub3A : i32
    %select_n3A_42 = arith.select %and3A, %sub3A_41, %div3A : i32
    %run_scoped3A = arith.constant 0 : i32
    "tpu.region"() ({
      %run_scoped3A_64 = tpu.sem_alloc : memref<!tpu.dma_semaphore, #tpu.memory_space<semaphore_mem>>
      %dma_start3A = arith.constant 0 : i32
      %dma_start3A_65 = tpu.memref_slice %arg3[%arg0, %arg1, %run_scoped3A, %dma_start3A] : memref<2x16x96x128xi32, #tpu.memory_space<hbm>> -> memref<1x1x1x128xi32, #tpu.memory_space<hbm>>
      %dma_start3A_66 = tpu.memref_squeeze %dma_start3A_65 : memref<1x1x1x128xi32, #tpu.memory_space<hbm>> -> memref<128xi32, #tpu.memory_space<hbm>>
      %dma_start3A_67 = arith.constant 0 : i32
      %dma_start3A_68 = tpu.memref_slice %arg3[%arg0, %arg1, %run_scoped3A, %dma_start3A_67] : memref<2x16x96x128xi32, #tpu.memory_space<hbm>> -> memref<1x1x1x128xi32, #tpu.memory_space<hbm>>
      %dma_start3A_69 = tpu.memref_squeeze %dma_start3A_68 : memref<1x1x1x128xi32, #tpu.memory_space<hbm>> -> memref<128xi32, #tpu.memory_space<hbm>>
      tpu.enqueue_dma source(%dma_start3A_69 : memref<128xi32, #tpu.memory_space<hbm>>) target(%arg8 : memref<128xi32, #tpu.memory_space<vmem>>) target_semaphore(%run_scoped3A_64 : memref<!tpu.dma_semaphore, #tpu.memory_space<semaphore_mem>>)
      %dma_wait3A_70 = arith.constant 0 : i32
      %dma_wait3A_71 = tpu.memref_slice %arg3[%arg0, %arg1, %run_scoped3A, %dma_wait3A_70] : memref<2x16x96x128xi32, #tpu.memory_space<hbm>> -> memref<1x1x1x128xi32, #tpu.memory_space<hbm>>
      %dma_wait3A_72 = tpu.memref_squeeze %dma_wait3A_71 : memref<1x1x1x128xi32, #tpu.memory_space<hbm>> -> memref<128xi32, #tpu.memory_space<hbm>>
      %dma_wait3A_73 = arith.constant 0 : i32
      %dma_wait3A_74 = tpu.memref_slice %arg3[%arg0, %arg1, %run_scoped3A, %dma_wait3A_73] : memref<2x16x96x128xi32, #tpu.memory_space<hbm>> -> memref<1x1x1x128xi32, #tpu.memory_space<hbm>>
      %dma_wait3A_75 = tpu.memref_squeeze %dma_wait3A_74 : memref<1x1x1x128xi32, #tpu.memory_space<hbm>> -> memref<128xi32, #tpu.memory_space<hbm>>
      tpu.wait_dma2 semaphore(%run_scoped3A_64 : memref<!tpu.dma_semaphore, #tpu.memory_space<semaphore_mem>>) src(%dma_wait3A_75 : memref<128xi32, #tpu.memory_space<hbm>>) dst(%arg8 : memref<128xi32, #tpu.memory_space<vmem>>)
      tpu.yield
    }) : () -> ()
    %run_scoped3A_43 = arith.constant 1 : i32
    "tpu.region"() ({
      %run_scoped3A_64 = tpu.sem_alloc : memref<!tpu.dma_semaphore, #tpu.memory_space<semaphore_mem>>
      %dma_start3A = arith.constant 0 : i32
      %dma_start3A_65 = tpu.memref_slice %arg3[%arg0, %arg1, %run_scoped3A_43, %dma_start3A] : memref<2x16x96x128xi32, #tpu.memory_space<hbm>> -> memref<1x1x1x128xi32, #tpu.memory_space<hbm>>
      %dma_start3A_66 = tpu.memref_squeeze %dma_start3A_65 : memref<1x1x1x128xi32, #tpu.memory_space<hbm>> -> memref<128xi32, #tpu.memory_space<hbm>>
      %dma_start3A_67 = arith.constant 0 : i32
      %dma_start3A_68 = tpu.memref_slice %arg3[%arg0, %arg1, %run_scoped3A_43, %dma_start3A_67] : memref<2x16x96x128xi32, #tpu.memory_space<hbm>> -> memref<1x1x1x128xi32, #tpu.memory_space<hbm>>
      %dma_start3A_69 = tpu.memref_squeeze %dma_start3A_68 : memref<1x1x1x128xi32, #tpu.memory_space<hbm>> -> memref<128xi32, #tpu.memory_space<hbm>>
      tpu.enqueue_dma source(%dma_start3A_69 : memref<128xi32, #tpu.memory_space<hbm>>) target(%arg9 : memref<128xi32, #tpu.memory_space<vmem>>) target_semaphore(%run_scoped3A_64 : memref<!tpu.dma_semaphore, #tpu.memory_space<semaphore_mem>>)
      %dma_wait3A_70 = arith.constant 0 : i32
      %dma_wait3A_71 = tpu.memref_slice %arg3[%arg0, %arg1, %run_scoped3A_43, %dma_wait3A_70] : memref<2x16x96x128xi32, #tpu.memory_space<hbm>> -> memref<1x1x1x128xi32, #tpu.memory_space<hbm>>
      %dma_wait3A_72 = tpu.memref_squeeze %dma_wait3A_71 : memref<1x1x1x128xi32, #tpu.memory_space<hbm>> -> memref<128xi32, #tpu.memory_space<hbm>>
      %dma_wait3A_73 = arith.constant 0 : i32
      %dma_wait3A_74 = tpu.memref_slice %arg3[%arg0, %arg1, %run_scoped3A_43, %dma_wait3A_73] : memref<2x16x96x128xi32, #tpu.memory_space<hbm>> -> memref<1x1x1x128xi32, #tpu.memory_space<hbm>>
      %dma_wait3A_75 = tpu.memref_squeeze %dma_wait3A_74 : memref<1x1x1x128xi32, #tpu.memory_space<hbm>> -> memref<128xi32, #tpu.memory_space<hbm>>
      tpu.wait_dma2 semaphore(%run_scoped3A_64 : memref<!tpu.dma_semaphore, #tpu.memory_space<semaphore_mem>>) src(%dma_wait3A_75 : memref<128xi32, #tpu.memory_space<hbm>>) dst(%arg9 : memref<128xi32, #tpu.memory_space<vmem>>)
      tpu.yield
    }) : () -> ()
    %run_scoped3A_44 = arith.constant 0 : i32
    "tpu.region"() ({
      %run_scoped3A_64 = tpu.sem_alloc : memref<!tpu.dma_semaphore, #tpu.memory_space<semaphore_mem>>
      %dma_start3A = arith.constant 0 : i32
      %dma_start3A_65 = tpu.memref_slice %arg4[%arg0, %arg1, %run_scoped3A_44, %dma_start3A] : memref<2x16x96x128xi32, #tpu.memory_space<hbm>> -> memref<1x1x1x128xi32, #tpu.memory_space<hbm>>
      %dma_start3A_66 = tpu.memref_squeeze %dma_start3A_65 : memref<1x1x1x128xi32, #tpu.memory_space<hbm>> -> memref<128xi32, #tpu.memory_space<hbm>>
      %dma_start3A_67 = arith.constant 0 : i32
      %dma_start3A_68 = tpu.memref_slice %arg4[%arg0, %arg1, %run_scoped3A_44, %dma_start3A_67] : memref<2x16x96x128xi32, #tpu.memory_space<hbm>> -> memref<1x1x1x128xi32, #tpu.memory_space<hbm>>
      %dma_start3A_69 = tpu.memref_squeeze %dma_start3A_68 : memref<1x1x1x128xi32, #tpu.memory_space<hbm>> -> memref<128xi32, #tpu.memory_space<hbm>>
      tpu.enqueue_dma source(%dma_start3A_69 : memref<128xi32, #tpu.memory_space<hbm>>) target(%arg10 : memref<128xi32, #tpu.memory_space<vmem>>) target_semaphore(%run_scoped3A_64 : memref<!tpu.dma_semaphore, #tpu.memory_space<semaphore_mem>>)
      %dma_wait3A_70 = arith.constant 0 : i32
      %dma_wait3A_71 = tpu.memref_slice %arg4[%arg0, %arg1, %run_scoped3A_44, %dma_wait3A_70] : memref<2x16x96x128xi32, #tpu.memory_space<hbm>> -> memref<1x1x1x128xi32, #tpu.memory_space<hbm>>
      %dma_wait3A_72 = tpu.memref_squeeze %dma_wait3A_71 : memref<1x1x1x128xi32, #tpu.memory_space<hbm>> -> memref<128xi32, #tpu.memory_space<hbm>>
      %dma_wait3A_73 = arith.constant 0 : i32
      %dma_wait3A_74 = tpu.memref_slice %arg4[%arg0, %arg1, %run_scoped3A_44, %dma_wait3A_73] : memref<2x16x96x128xi32, #tpu.memory_space<hbm>> -> memref<1x1x1x128xi32, #tpu.memory_space<hbm>>
      %dma_wait3A_75 = tpu.memref_squeeze %dma_wait3A_74 : memref<1x1x1x128xi32, #tpu.memory_space<hbm>> -> memref<128xi32, #tpu.memory_space<hbm>>
      tpu.wait_dma2 semaphore(%run_scoped3A_64 : memref<!tpu.dma_semaphore, #tpu.memory_space<semaphore_mem>>) src(%dma_wait3A_75 : memref<128xi32, #tpu.memory_space<hbm>>) dst(%arg10 : memref<128xi32, #tpu.memory_space<vmem>>)
      tpu.yield
    }) : () -> ()
    %run_scoped3A_45 = arith.constant 1 : i32
    "tpu.region"() ({
      %run_scoped3A_64 = tpu.sem_alloc : memref<!tpu.dma_semaphore, #tpu.memory_space<semaphore_mem>>
      %dma_start3A = arith.constant 0 : i32
      %dma_start3A_65 = tpu.memref_slice %arg4[%arg0, %arg1, %run_scoped3A_45, %dma_start3A] : memref<2x16x96x128xi32, #tpu.memory_space<hbm>> -> memref<1x1x1x128xi32, #tpu.memory_space<hbm>>
      %dma_start3A_66 = tpu.memref_squeeze %dma_start3A_65 : memref<1x1x1x128xi32, #tpu.memory_space<hbm>> -> memref<128xi32, #tpu.memory_space<hbm>>
      %dma_start3A_67 = arith.constant 0 : i32
      %dma_start3A_68 = tpu.memref_slice %arg4[%arg0, %arg1, %run_scoped3A_45, %dma_start3A_67] : memref<2x16x96x128xi32, #tpu.memory_space<hbm>> -> memref<1x1x1x128xi32, #tpu.memory_space<hbm>>
      %dma_start3A_69 = tpu.memref_squeeze %dma_start3A_68 : memref<1x1x1x128xi32, #tpu.memory_space<hbm>> -> memref<128xi32, #tpu.memory_space<hbm>>
      tpu.enqueue_dma source(%dma_start3A_69 : memref<128xi32, #tpu.memory_space<hbm>>) target(%arg11 : memref<128xi32, #tpu.memory_space<vmem>>) target_semaphore(%run_scoped3A_64 : memref<!tpu.dma_semaphore, #tpu.memory_space<semaphore_mem>>)
      %dma_wait3A_70 = arith.constant 0 : i32
      %dma_wait3A_71 = tpu.memref_slice %arg4[%arg0, %arg1, %run_scoped3A_45, %dma_wait3A_70] : memref<2x16x96x128xi32, #tpu.memory_space<hbm>> -> memref<1x1x1x128xi32, #tpu.memory_space<hbm>>
      %dma_wait3A_72 = tpu.memref_squeeze %dma_wait3A_71 : memref<1x1x1x128xi32, #tpu.memory_space<hbm>> -> memref<128xi32, #tpu.memory_space<hbm>>
      %dma_wait3A_73 = arith.constant 0 : i32
      %dma_wait3A_74 = tpu.memref_slice %arg4[%arg0, %arg1, %run_scoped3A_45, %dma_wait3A_73] : memref<2x16x96x128xi32, #tpu.memory_space<hbm>> -> memref<1x1x1x128xi32, #tpu.memory_space<hbm>>
      %dma_wait3A_75 = tpu.memref_squeeze %dma_wait3A_74 : memref<1x1x1x128xi32, #tpu.memory_space<hbm>> -> memref<128xi32, #tpu.memory_space<hbm>>
      tpu.wait_dma2 semaphore(%run_scoped3A_64 : memref<!tpu.dma_semaphore, #tpu.memory_space<semaphore_mem>>) src(%dma_wait3A_75 : memref<128xi32, #tpu.memory_space<hbm>>) dst(%arg11 : memref<128xi32, #tpu.memory_space<vmem>>)
      tpu.yield
    }) : () -> ()
    %while3A = arith.constant 0 : i32
    %while3A_46 = arith.subi %select_n3A_42, %while3A : i32
    %while3A_47 = arith.addi %while3A, %while3A_46 : i32
    %while3A_48 = arith.constant 1 : i32
    %while3A_49 = arith.divsi %while3A_46, %while3A_48 : i32
    %while3A_50 = arith.muli %while3A_49, %while3A_48 : i32
    %while3A_51 = arith.addi %while3A, %while3A_50 : i32
    %while3A_52 = arith.constant 1 : i32
    scf.for %while3A_64 = %while3A to %while3A_51 step %while3A_52  : i32 {
      %mul3A_65 = arith.constant 2 : i32
      %mul3A_66 = arith.muli %mul3A_65, %while3A_64 : i32
      %add3A_67 = arith.constant 1 : i32
      %add3A_68 = arith.addi %mul3A_66, %add3A_67 : i32
      %gt3A = arith.constant 0 : i32
      %gt3A_69 = arith.cmpi sgt, %while3A_64, %gt3A : i32
      %convert_element_type3A = arith.extui %gt3A_69 : i1 to i32
      %cond3A = arith.constant 0 : i32
      %cond3A_70 = arith.cmpi ne, %convert_element_type3A, %cond3A : i32
      scf.if %cond3A_70 {
        %dma_wait3A_203 = arith.constant 0 : i32
        %dma_wait3A_204 = tpu.memref_slice %arg3[%arg0, %arg1, %mul3A_66, %dma_wait3A_203] : memref<2x16x96x128xi32, #tpu.memory_space<hbm>> -> memref<1x1x1x128xi32, #tpu.memory_space<hbm>>
        %dma_wait3A_205 = tpu.memref_squeeze %dma_wait3A_204 : memref<1x1x1x128xi32, #tpu.memory_space<hbm>> -> memref<128xi32, #tpu.memory_space<hbm>>
        %dma_wait3A_206 = arith.constant 0 : i32
        %dma_wait3A_207 = tpu.memref_slice %arg3[%arg0, %arg1, %mul3A_66, %dma_wait3A_206] : memref<2x16x96x128xi32, #tpu.memory_space<hbm>> -> memref<1x1x1x128xi32, #tpu.memory_space<hbm>>
        %dma_wait3A_208 = tpu.memref_squeeze %dma_wait3A_207 : memref<1x1x1x128xi32, #tpu.memory_space<hbm>> -> memref<128xi32, #tpu.memory_space<hbm>>
        tpu.wait_dma2 semaphore(%arg15 : memref<!tpu.dma_semaphore, #tpu.memory_space<semaphore_mem>>) src(%dma_wait3A_208 : memref<128xi32, #tpu.memory_space<hbm>>) dst(%arg8 : memref<128xi32, #tpu.memory_space<vmem>>)
        %dma_wait3A_209 = arith.constant 0 : i32
        %dma_wait3A_210 = tpu.memref_slice %arg3[%arg0, %arg1, %add3A_68, %dma_wait3A_209] : memref<2x16x96x128xi32, #tpu.memory_space<hbm>> -> memref<1x1x1x128xi32, #tpu.memory_space<hbm>>
        %dma_wait3A_211 = tpu.memref_squeeze %dma_wait3A_210 : memref<1x1x1x128xi32, #tpu.memory_space<hbm>> -> memref<128xi32, #tpu.memory_space<hbm>>
        %dma_wait3A_212 = arith.constant 0 : i32
        %dma_wait3A_213 = tpu.memref_slice %arg3[%arg0, %arg1, %add3A_68, %dma_wait3A_212] : memref<2x16x96x128xi32, #tpu.memory_space<hbm>> -> memref<1x1x1x128xi32, #tpu.memory_space<hbm>>
        %dma_wait3A_214 = tpu.memref_squeeze %dma_wait3A_213 : memref<1x1x1x128xi32, #tpu.memory_space<hbm>> -> memref<128xi32, #tpu.memory_space<hbm>>
        tpu.wait_dma2 semaphore(%arg15 : memref<!tpu.dma_semaphore, #tpu.memory_space<semaphore_mem>>) src(%dma_wait3A_214 : memref<128xi32, #tpu.memory_space<hbm>>) dst(%arg9 : memref<128xi32, #tpu.memory_space<vmem>>)
        %dma_wait3A_215 = arith.constant 0 : i32
        %dma_wait3A_216 = tpu.memref_slice %arg4[%arg0, %arg1, %mul3A_66, %dma_wait3A_215] : memref<2x16x96x128xi32, #tpu.memory_space<hbm>> -> memref<1x1x1x128xi32, #tpu.memory_space<hbm>>
        %dma_wait3A_217 = tpu.memref_squeeze %dma_wait3A_216 : memref<1x1x1x128xi32, #tpu.memory_space<hbm>> -> memref<128xi32, #tpu.memory_space<hbm>>
        %dma_wait3A_218 = arith.constant 0 : i32
        %dma_wait3A_219 = tpu.memref_slice %arg4[%arg0, %arg1, %mul3A_66, %dma_wait3A_218] : memref<2x16x96x128xi32, #tpu.memory_space<hbm>> -> memref<1x1x1x128xi32, #tpu.memory_space<hbm>>
        %dma_wait3A_220 = tpu.memref_squeeze %dma_wait3A_219 : memref<1x1x1x128xi32, #tpu.memory_space<hbm>> -> memref<128xi32, #tpu.memory_space<hbm>>
        tpu.wait_dma2 semaphore(%arg15 : memref<!tpu.dma_semaphore, #tpu.memory_space<semaphore_mem>>) src(%dma_wait3A_220 : memref<128xi32, #tpu.memory_space<hbm>>) dst(%arg10 : memref<128xi32, #tpu.memory_space<vmem>>)
        %dma_wait3A_221 = arith.constant 0 : i32
        %dma_wait3A_222 = tpu.memref_slice %arg4[%arg0, %arg1, %add3A_68, %dma_wait3A_221] : memref<2x16x96x128xi32, #tpu.memory_space<hbm>> -> memref<1x1x1x128xi32, #tpu.memory_space<hbm>>
        %dma_wait3A_223 = tpu.memref_squeeze %dma_wait3A_222 : memref<1x1x1x128xi32, #tpu.memory_space<hbm>> -> memref<128xi32, #tpu.memory_space<hbm>>
        %dma_wait3A_224 = arith.constant 0 : i32
        %dma_wait3A_225 = tpu.memref_slice %arg4[%arg0, %arg1, %add3A_68, %dma_wait3A_224] : memref<2x16x96x128xi32, #tpu.memory_space<hbm>> -> memref<1x1x1x128xi32, #tpu.memory_space<hbm>>
        %dma_wait3A_226 = tpu.memref_squeeze %dma_wait3A_225 : memref<1x1x1x128xi32, #tpu.memory_space<hbm>> -> memref<128xi32, #tpu.memory_space<hbm>>
        tpu.wait_dma2 semaphore(%arg15 : memref<!tpu.dma_semaphore, #tpu.memory_space<semaphore_mem>>) src(%dma_wait3A_226 : memref<128xi32, #tpu.memory_space<hbm>>) dst(%arg11 : memref<128xi32, #tpu.memory_space<vmem>>)
        %dma_wait3A_227 = arith.constant 0 : i32
        %dma_wait3A_228 = arith.constant 0 : i32
        %dma_wait3A_229 = tpu.memref_slice %arg18[%dma_wait3A_227, %dma_wait3A_228] : memref<10112x128xf32, #tpu.memory_space<vmem_shared>> -> memref<10112x128xf32, #tpu.memory_space<vmem_shared>>
        tpu.wait_indirect_dma semaphore(%arg16 : memref<!tpu.dma_semaphore, #tpu.memory_space<semaphore_mem>>) src(%arg12 : memref<128x128xf32, #tpu.memory_space<vmem>>) dst(%dma_wait3A_229 : memref<10112x128xf32, #tpu.memory_space<vmem_shared>>)
        %dma_wait3A_230 = arith.constant 0 : i32
        %dma_wait3A_231 = arith.constant 0 : i32
        %dma_wait3A_232 = tpu.memref_slice %arg18[%dma_wait3A_230, %dma_wait3A_231] : memref<10112x128xf32, #tpu.memory_space<vmem_shared>> -> memref<10112x128xf32, #tpu.memory_space<vmem_shared>>
        tpu.wait_indirect_dma semaphore(%arg17 : memref<!tpu.dma_semaphore, #tpu.memory_space<semaphore_mem>>) src(%arg13 : memref<128x128xf32, #tpu.memory_space<vmem>>) dst(%dma_wait3A_232 : memref<10112x128xf32, #tpu.memory_space<vmem_shared>>)
      } else {
      }
      %dma_start3A = arith.constant 0 : i32
      %dma_start3A_71 = arith.constant 0 : i32
      %dma_start3A_72 = tpu.memref_slice %arg2[%dma_start3A, %dma_start3A_71] : memref<10000x128xf32, #tpu.memory_space<hbm>> -> memref<10000x128xf32, #tpu.memory_space<hbm>>
      tpu.enqueue_indirect_dma source(%dma_start3A_72 : memref<10000x128xf32, #tpu.memory_space<hbm>>) target(%arg12 : memref<128x128xf32, #tpu.memory_space<vmem>>) offsets(%arg8 : memref<128xi32, #tpu.memory_space<vmem>>) semaphore(%arg14 : memref<!tpu.dma_semaphore, #tpu.memory_space<semaphore_mem>>)
      %dma_start3A_73 = arith.constant 0 : i32
      %dma_start3A_74 = arith.constant 0 : i32
      %dma_start3A_75 = tpu.memref_slice %arg2[%dma_start3A_73, %dma_start3A_74] : memref<10000x128xf32, #tpu.memory_space<hbm>> -> memref<10000x128xf32, #tpu.memory_space<hbm>>
      tpu.enqueue_indirect_dma source(%dma_start3A_75 : memref<10000x128xf32, #tpu.memory_space<hbm>>) target(%arg13 : memref<128x128xf32, #tpu.memory_space<vmem>>) offsets(%arg9 : memref<128xi32, #tpu.memory_space<vmem>>) semaphore(%arg14 : memref<!tpu.dma_semaphore, #tpu.memory_space<semaphore_mem>>)
      %dma_wait3A_76 = arith.constant 0 : i32
      %dma_wait3A_77 = arith.constant 0 : i32
      %dma_wait3A_78 = tpu.memref_slice %arg2[%dma_wait3A_76, %dma_wait3A_77] : memref<10000x128xf32, #tpu.memory_space<hbm>> -> memref<10000x128xf32, #tpu.memory_space<hbm>>
      tpu.wait_indirect_dma semaphore(%arg14 : memref<!tpu.dma_semaphore, #tpu.memory_space<semaphore_mem>>) src(%dma_wait3A_78 : memref<10000x128xf32, #tpu.memory_space<hbm>>) dst(%arg12 : memref<128x128xf32, #tpu.memory_space<vmem>>)
      %dma_wait3A_79 = arith.constant 0 : i32
      %dma_wait3A_80 = arith.constant 0 : i32
      %dma_wait3A_81 = tpu.memref_slice %arg2[%dma_wait3A_79, %dma_wait3A_80] : memref<10000x128xf32, #tpu.memory_space<hbm>> -> memref<10000x128xf32, #tpu.memory_space<hbm>>
      tpu.wait_indirect_dma semaphore(%arg14 : memref<!tpu.dma_semaphore, #tpu.memory_space<semaphore_mem>>) src(%dma_wait3A_81 : memref<10000x128xf32, #tpu.memory_space<hbm>>) dst(%arg13 : memref<128x128xf32, #tpu.memory_space<vmem>>)
      %get3A = arith.constant 0 : index
      %get3A_82 = tpu.vector_load %arg10[%get3A] {strides = array<i32>} : memref<128xi32, #tpu.memory_space<vmem>>, vector<16xi32>,
      %get3A_83 = vector.shape_cast %get3A_82 : vector<16xi32> to vector<16xi32>
      %swap3A = arith.constant 0 : index
      %swap3A_84 = tpu.vector_load %arg6[%swap3A] {strides = array<i32>} : memref<128xi32, #tpu.memory_space<vmem>>, vector<16xi32>,
      %swap3A_85 = vector.shape_cast %swap3A_84 : vector<16xi32> to vector<16xi32>
      %swap3A_86 = vector.shape_cast %get3A_83 : vector<16xi32> to vector<16xi32>
      tpu.vector_store %arg6[%swap3A], %swap3A_86 {strides = array<i32>} : memref<128xi32, #tpu.memory_space<vmem>>, vector<16xi32>,
      %get3A_87 = arith.constant 16 : index
      %get3A_88 = tpu.vector_load %arg10[%get3A_87] {strides = array<i32>} : memref<128xi32, #tpu.memory_space<vmem>>, vector<16xi32>,
      %get3A_89 = vector.shape_cast %get3A_88 : vector<16xi32> to vector<16xi32>
      %swap3A_90 = arith.constant 16 : index
      %swap3A_91 = tpu.vector_load %arg6[%swap3A_90] {strides = array<i32>} : memref<128xi32, #tpu.memory_space<vmem>>, vector<16xi32>,
      %swap3A_92 = vector.shape_cast %swap3A_91 : vector<16xi32> to vector<16xi32>
      %swap3A_93 = vector.shape_cast %get3A_89 : vector<16xi32> to vector<16xi32>
      tpu.vector_store %arg6[%swap3A_90], %swap3A_93 {strides = array<i32>} : memref<128xi32, #tpu.memory_space<vmem>>, vector<16xi32>,
      %get3A_94 = arith.constant 32 : index
      %get3A_95 = tpu.vector_load %arg10[%get3A_94] {strides = array<i32>} : memref<128xi32, #tpu.memory_space<vmem>>, vector<16xi32>,
      %get3A_96 = vector.shape_cast %get3A_95 : vector<16xi32> to vector<16xi32>
      %swap3A_97 = arith.constant 32 : index
      %swap3A_98 = tpu.vector_load %arg6[%swap3A_97] {strides = array<i32>} : memref<128xi32, #tpu.memory_space<vmem>>, vector<16xi32>,
      %swap3A_99 = vector.shape_cast %swap3A_98 : vector<16xi32> to vector<16xi32>
      %swap3A_100 = vector.shape_cast %get3A_96 : vector<16xi32> to vector<16xi32>
      tpu.vector_store %arg6[%swap3A_97], %swap3A_100 {strides = array<i32>} : memref<128xi32, #tpu.memory_space<vmem>>, vector<16xi32>,
      %get3A_101 = arith.constant 48 : index
      %get3A_102 = tpu.vector_load %arg10[%get3A_101] {strides = array<i32>} : memref<128xi32, #tpu.memory_space<vmem>>, vector<16xi32>,
      %get3A_103 = vector.shape_cast %get3A_102 : vector<16xi32> to vector<16xi32>
      %swap3A_104 = arith.constant 48 : index
      %swap3A_105 = tpu.vector_load %arg6[%swap3A_104] {strides = array<i32>} : memref<128xi32, #tpu.memory_space<vmem>>, vector<16xi32>,
      %swap3A_106 = vector.shape_cast %swap3A_105 : vector<16xi32> to vector<16xi32>
      %swap3A_107 = vector.shape_cast %get3A_103 : vector<16xi32> to vector<16xi32>
      tpu.vector_store %arg6[%swap3A_104], %swap3A_107 {strides = array<i32>} : memref<128xi32, #tpu.memory_space<vmem>>, vector<16xi32>,
      %get3A_108 = arith.constant 64 : index
      %get3A_109 = tpu.vector_load %arg10[%get3A_108] {strides = array<i32>} : memref<128xi32, #tpu.memory_space<vmem>>, vector<16xi32>,
      %get3A_110 = vector.shape_cast %get3A_109 : vector<16xi32> to vector<16xi32>
      %swap3A_111 = arith.constant 64 : index
      %swap3A_112 = tpu.vector_load %arg6[%swap3A_111] {strides = array<i32>} : memref<128xi32, #tpu.memory_space<vmem>>, vector<16xi32>,
      %swap3A_113 = vector.shape_cast %swap3A_112 : vector<16xi32> to vector<16xi32>
      %swap3A_114 = vector.shape_cast %get3A_110 : vector<16xi32> to vector<16xi32>
      tpu.vector_store %arg6[%swap3A_111], %swap3A_114 {strides = array<i32>} : memref<128xi32, #tpu.memory_space<vmem>>, vector<16xi32>,
      %get3A_115 = arith.constant 80 : index
      %get3A_116 = tpu.vector_load %arg10[%get3A_115] {strides = array<i32>} : memref<128xi32, #tpu.memory_space<vmem>>, vector<16xi32>,
      %get3A_117 = vector.shape_cast %get3A_116 : vector<16xi32> to vector<16xi32>
      %swap3A_118 = arith.constant 80 : index
      %swap3A_119 = tpu.vector_load %arg6[%swap3A_118] {strides = array<i32>} : memref<128xi32, #tpu.memory_space<vmem>>, vector<16xi32>,
      %swap3A_120 = vector.shape_cast %swap3A_119 : vector<16xi32> to vector<16xi32>
      %swap3A_121 = vector.shape_cast %get3A_117 : vector<16xi32> to vector<16xi32>
      tpu.vector_store %arg6[%swap3A_118], %swap3A_121 {strides = array<i32>} : memref<128xi32, #tpu.memory_space<vmem>>, vector<16xi32>,
      %get3A_122 = arith.constant 96 : index
      %get3A_123 = tpu.vector_load %arg10[%get3A_122] {strides = array<i32>} : memref<128xi32, #tpu.memory_space<vmem>>, vector<16xi32>,
      %get3A_124 = vector.shape_cast %get3A_123 : vector<16xi32> to vector<16xi32>
      %swap3A_125 = arith.constant 96 : index
      %swap3A_126 = tpu.vector_load %arg6[%swap3A_125] {strides = array<i32>} : memref<128xi32, #tpu.memory_space<vmem>>, vector<16xi32>,
      %swap3A_127 = vector.shape_cast %swap3A_126 : vector<16xi32> to vector<16xi32>
      %swap3A_128 = vector.shape_cast %get3A_124 : vector<16xi32> to vector<16xi32>
      tpu.vector_store %arg6[%swap3A_125], %swap3A_128 {strides = array<i32>} : memref<128xi32, #tpu.memory_space<vmem>>, vector<16xi32>,
      %get3A_129 = arith.constant 112 : index
      %get3A_130 = tpu.vector_load %arg10[%get3A_129] {strides = array<i32>} : memref<128xi32, #tpu.memory_space<vmem>>, vector<16xi32>,
      %get3A_131 = vector.shape_cast %get3A_130 : vector<16xi32> to vector<16xi32>
      %swap3A_132 = arith.constant 112 : index
      %swap3A_133 = tpu.vector_load %arg6[%swap3A_132] {strides = array<i32>} : memref<128xi32, #tpu.memory_space<vmem>>, vector<16xi32>,
      %swap3A_134 = vector.shape_cast %swap3A_133 : vector<16xi32> to vector<16xi32>
      %swap3A_135 = vector.shape_cast %get3A_131 : vector<16xi32> to vector<16xi32>
      tpu.vector_store %arg6[%swap3A_132], %swap3A_135 {strides = array<i32>} : memref<128xi32, #tpu.memory_space<vmem>>, vector<16xi32>,
      %get3A_136 = arith.constant 0 : index
      %get3A_137 = tpu.vector_load %arg11[%get3A_136] {strides = array<i32>} : memref<128xi32, #tpu.memory_space<vmem>>, vector<16xi32>,
      %get3A_138 = vector.shape_cast %get3A_137 : vector<16xi32> to vector<16xi32>
      %swap3A_139 = arith.constant 0 : index
      %swap3A_140 = tpu.vector_load %arg7[%swap3A_139] {strides = array<i32>} : memref<128xi32, #tpu.memory_space<vmem>>, vector<16xi32>,
      %swap3A_141 = vector.shape_cast %swap3A_140 : vector<16xi32> to vector<16xi32>
      %swap3A_142 = vector.shape_cast %get3A_138 : vector<16xi32> to vector<16xi32>
      tpu.vector_store %arg7[%swap3A_139], %swap3A_142 {strides = array<i32>} : memref<128xi32, #tpu.memory_space<vmem>>, vector<16xi32>,
      %get3A_143 = arith.constant 16 : index
      %get3A_144 = tpu.vector_load %arg11[%get3A_143] {strides = array<i32>} : memref<128xi32, #tpu.memory_space<vmem>>, vector<16xi32>,
      %get3A_145 = vector.shape_cast %get3A_144 : vector<16xi32> to vector<16xi32>
      %swap3A_146 = arith.constant 16 : index
      %swap3A_147 = tpu.vector_load %arg7[%swap3A_146] {strides = array<i32>} : memref<128xi32, #tpu.memory_space<vmem>>, vector<16xi32>,
      %swap3A_148 = vector.shape_cast %swap3A_147 : vector<16xi32> to vector<16xi32>
      %swap3A_149 = vector.shape_cast %get3A_145 : vector<16xi32> to vector<16xi32>
      tpu.vector_store %arg7[%swap3A_146], %swap3A_149 {strides = array<i32>} : memref<128xi32, #tpu.memory_space<vmem>>, vector<16xi32>,
      %get3A_150 = arith.constant 32 : index
      %get3A_151 = tpu.vector_load %arg11[%get3A_150] {strides = array<i32>} : memref<128xi32, #tpu.memory_space<vmem>>, vector<16xi32>,
      %get3A_152 = vector.shape_cast %get3A_151 : vector<16xi32> to vector<16xi32>
      %swap3A_153 = arith.constant 32 : index
      %swap3A_154 = tpu.vector_load %arg7[%swap3A_153] {strides = array<i32>} : memref<128xi32, #tpu.memory_space<vmem>>, vector<16xi32>,
      %swap3A_155 = vector.shape_cast %swap3A_154 : vector<16xi32> to vector<16xi32>
      %swap3A_156 = vector.shape_cast %get3A_152 : vector<16xi32> to vector<16xi32>
      tpu.vector_store %arg7[%swap3A_153], %swap3A_156 {strides = array<i32>} : memref<128xi32, #tpu.memory_space<vmem>>, vector<16xi32>,
      %get3A_157 = arith.constant 48 : index
      %get3A_158 = tpu.vector_load %arg11[%get3A_157] {strides = array<i32>} : memref<128xi32, #tpu.memory_space<vmem>>, vector<16xi32>,
      %get3A_159 = vector.shape_cast %get3A_158 : vector<16xi32> to vector<16xi32>
      %swap3A_160 = arith.constant 48 : index
      %swap3A_161 = tpu.vector_load %arg7[%swap3A_160] {strides = array<i32>} : memref<128xi32, #tpu.memory_space<vmem>>, vector<16xi32>,
      %swap3A_162 = vector.shape_cast %swap3A_161 : vector<16xi32> to vector<16xi32>
      %swap3A_163 = vector.shape_cast %get3A_159 : vector<16xi32> to vector<16xi32>
      tpu.vector_store %arg7[%swap3A_160], %swap3A_163 {strides = array<i32>} : memref<128xi32, #tpu.memory_space<vmem>>, vector<16xi32>,
      %get3A_164 = arith.constant 64 : index
      %get3A_165 = tpu.vector_load %arg11[%get3A_164] {strides = array<i32>} : memref<128xi32, #tpu.memory_space<vmem>>, vector<16xi32>,
      %get3A_166 = vector.shape_cast %get3A_165 : vector<16xi32> to vector<16xi32>
      %swap3A_167 = arith.constant 64 : index
      %swap3A_168 = tpu.vector_load %arg7[%swap3A_167] {strides = array<i32>} : memref<128xi32, #tpu.memory_space<vmem>>, vector<16xi32>,
      %swap3A_169 = vector.shape_cast %swap3A_168 : vector<16xi32> to vector<16xi32>
      %swap3A_170 = vector.shape_cast %get3A_166 : vector<16xi32> to vector<16xi32>
      tpu.vector_store %arg7[%swap3A_167], %swap3A_170 {strides = array<i32>} : memref<128xi32, #tpu.memory_space<vmem>>, vector<16xi32>,
      %get3A_171 = arith.constant 80 : index
      %get3A_172 = tpu.vector_load %arg11[%get3A_171] {strides = array<i32>} : memref<128xi32, #tpu.memory_space<vmem>>, vector<16xi32>,
      %get3A_173 = vector.shape_cast %get3A_172 : vector<16xi32> to vector<16xi32>
      %swap3A_174 = arith.constant 80 : index
      %swap3A_175 = tpu.vector_load %arg7[%swap3A_174] {strides = array<i32>} : memref<128xi32, #tpu.memory_space<vmem>>, vector<16xi32>,
      %swap3A_176 = vector.shape_cast %swap3A_175 : vector<16xi32> to vector<16xi32>
      %swap3A_177 = vector.shape_cast %get3A_173 : vector<16xi32> to vector<16xi32>
      tpu.vector_store %arg7[%swap3A_174], %swap3A_177 {strides = array<i32>} : memref<128xi32, #tpu.memory_space<vmem>>, vector<16xi32>,
      %get3A_178 = arith.constant 96 : index
      %get3A_179 = tpu.vector_load %arg11[%get3A_178] {strides = array<i32>} : memref<128xi32, #tpu.memory_space<vmem>>, vector<16xi32>,
      %get3A_180 = vector.shape_cast %get3A_179 : vector<16xi32> to vector<16xi32>
      %swap3A_181 = arith.constant 96 : index
      %swap3A_182 = tpu.vector_load %arg7[%swap3A_181] {strides = array<i32>} : memref<128xi32, #tpu.memory_space<vmem>>, vector<16xi32>,
      %swap3A_183 = vector.shape_cast %swap3A_182 : vector<16xi32> to vector<16xi32>
      %swap3A_184 = vector.shape_cast %get3A_180 : vector<16xi32> to vector<16xi32>
      tpu.vector_store %arg7[%swap3A_181], %swap3A_184 {strides = array<i32>} : memref<128xi32, #tpu.memory_space<vmem>>, vector<16xi32>,
      %get3A_185 = arith.constant 112 : index
      %get3A_186 = tpu.vector_load %arg11[%get3A_185] {strides = array<i32>} : memref<128xi32, #tpu.memory_space<vmem>>, vector<16xi32>,
      %get3A_187 = vector.shape_cast %get3A_186 : vector<16xi32> to vector<16xi32>
      %swap3A_188 = arith.constant 112 : index
      %swap3A_189 = tpu.vector_load %arg7[%swap3A_188] {strides = array<i32>} : memref<128xi32, #tpu.memory_space<vmem>>, vector<16xi32>,
      %swap3A_190 = vector.shape_cast %swap3A_189 : vector<16xi32> to vector<16xi32>
      %swap3A_191 = vector.shape_cast %get3A_187 : vector<16xi32> to vector<16xi32>
      tpu.vector_store %arg7[%swap3A_188], %swap3A_191 {strides = array<i32>} : memref<128xi32, #tpu.memory_space<vmem>>, vector<16xi32>,
      %add3A_192 = arith.constant 1 : i32
      %add3A_193 = arith.addi %while3A_64, %add3A_192 : i32
      %lt3A = arith.cmpi slt, %add3A_193, %select_n3A_42 : i32
      %convert_element_type3A_194 = arith.extui %lt3A : i1 to i32
      %cond3A_195 = arith.constant 0 : i32
      %cond3A_196 = arith.cmpi ne, %convert_element_type3A_194, %cond3A_195 : i32
      scf.if %cond3A_196 {
        %add3A_203 = arith.constant 2 : i32
        %add3A_204 = arith.addi %mul3A_66, %add3A_203 : i32
        %dma_start3A_205 = arith.constant 0 : i32
        %dma_start3A_206 = tpu.memref_slice %arg3[%arg0, %arg1, %add3A_204, %dma_start3A_205] : memref<2x16x96x128xi32, #tpu.memory_space<hbm>> -> memref<1x1x1x128xi32, #tpu.memory_space<hbm>>
        %dma_start3A_207 = tpu.memref_squeeze %dma_start3A_206 : memref<1x1x1x128xi32, #tpu.memory_space<hbm>> -> memref<128xi32, #tpu.memory_space<hbm>>
        %dma_start3A_208 = arith.constant 0 : i32
        %dma_start3A_209 = tpu.memref_slice %arg3[%arg0, %arg1, %add3A_204, %dma_start3A_208] : memref<2x16x96x128xi32, #tpu.memory_space<hbm>> -> memref<1x1x1x128xi32, #tpu.memory_space<hbm>>
        %dma_start3A_210 = tpu.memref_squeeze %dma_start3A_209 : memref<1x1x1x128xi32, #tpu.memory_space<hbm>> -> memref<128xi32, #tpu.memory_space<hbm>>
        tpu.enqueue_dma source(%dma_start3A_210 : memref<128xi32, #tpu.memory_space<hbm>>) target(%arg8 : memref<128xi32, #tpu.memory_space<vmem>>) target_semaphore(%arg15 : memref<!tpu.dma_semaphore, #tpu.memory_space<semaphore_mem>>)
        %add3A_211 = arith.constant 2 : i32
        %add3A_212 = arith.addi %add3A_68, %add3A_211 : i32
        %dma_start3A_213 = arith.constant 0 : i32
        %dma_start3A_214 = tpu.memref_slice %arg3[%arg0, %arg1, %add3A_212, %dma_start3A_213] : memref<2x16x96x128xi32, #tpu.memory_space<hbm>> -> memref<1x1x1x128xi32, #tpu.memory_space<hbm>>
        %dma_start3A_215 = tpu.memref_squeeze %dma_start3A_214 : memref<1x1x1x128xi32, #tpu.memory_space<hbm>> -> memref<128xi32, #tpu.memory_space<hbm>>
        %dma_start3A_216 = arith.constant 0 : i32
        %dma_start3A_217 = tpu.memref_slice %arg3[%arg0, %arg1, %add3A_212, %dma_start3A_216] : memref<2x16x96x128xi32, #tpu.memory_space<hbm>> -> memref<1x1x1x128xi32, #tpu.memory_space<hbm>>
        %dma_start3A_218 = tpu.memref_squeeze %dma_start3A_217 : memref<1x1x1x128xi32, #tpu.memory_space<hbm>> -> memref<128xi32, #tpu.memory_space<hbm>>
        tpu.enqueue_dma source(%dma_start3A_218 : memref<128xi32, #tpu.memory_space<hbm>>) target(%arg9 : memref<128xi32, #tpu.memory_space<vmem>>) target_semaphore(%arg15 : memref<!tpu.dma_semaphore, #tpu.memory_space<semaphore_mem>>)
        %add3A_219 = arith.constant 2 : i32
        %add3A_220 = arith.addi %mul3A_66, %add3A_219 : i32
        %dma_start3A_221 = arith.constant 0 : i32
        %dma_start3A_222 = tpu.memref_slice %arg4[%arg0, %arg1, %add3A_220, %dma_start3A_221] : memref<2x16x96x128xi32, #tpu.memory_space<hbm>> -> memref<1x1x1x128xi32, #tpu.memory_space<hbm>>
        %dma_start3A_223 = tpu.memref_squeeze %dma_start3A_222 : memref<1x1x1x128xi32, #tpu.memory_space<hbm>> -> memref<128xi32, #tpu.memory_space<hbm>>
        %dma_start3A_224 = arith.constant 0 : i32
        %dma_start3A_225 = tpu.memref_slice %arg4[%arg0, %arg1, %add3A_220, %dma_start3A_224] : memref<2x16x96x128xi32, #tpu.memory_space<hbm>> -> memref<1x1x1x128xi32, #tpu.memory_space<hbm>>
        %dma_start3A_226 = tpu.memref_squeeze %dma_start3A_225 : memref<1x1x1x128xi32, #tpu.memory_space<hbm>> -> memref<128xi32, #tpu.memory_space<hbm>>
        tpu.enqueue_dma source(%dma_start3A_226 : memref<128xi32, #tpu.memory_space<hbm>>) target(%arg10 : memref<128xi32, #tpu.memory_space<vmem>>) target_semaphore(%arg15 : memref<!tpu.dma_semaphore, #tpu.memory_space<semaphore_mem>>)
        %add3A_227 = arith.constant 2 : i32
        %add3A_228 = arith.addi %add3A_68, %add3A_227 : i32
        %dma_start3A_229 = arith.constant 0 : i32
        %dma_start3A_230 = tpu.memref_slice %arg4[%arg0, %arg1, %add3A_228, %dma_start3A_229] : memref<2x16x96x128xi32, #tpu.memory_space<hbm>> -> memref<1x1x1x128xi32, #tpu.memory_space<hbm>>
        %dma_start3A_231 = tpu.memref_squeeze %dma_start3A_230 : memref<1x1x1x128xi32, #tpu.memory_space<hbm>> -> memref<128xi32, #tpu.memory_space<hbm>>
        %dma_start3A_232 = arith.constant 0 : i32
        %dma_start3A_233 = tpu.memref_slice %arg4[%arg0, %arg1, %add3A_228, %dma_start3A_232] : memref<2x16x96x128xi32, #tpu.memory_space<hbm>> -> memref<1x1x1x128xi32, #tpu.memory_space<hbm>>
        %dma_start3A_234 = tpu.memref_squeeze %dma_start3A_233 : memref<1x1x1x128xi32, #tpu.memory_space<hbm>> -> memref<128xi32, #tpu.memory_space<hbm>>
        tpu.enqueue_dma source(%dma_start3A_234 : memref<128xi32, #tpu.memory_space<hbm>>) target(%arg11 : memref<128xi32, #tpu.memory_space<vmem>>) target_semaphore(%arg15 : memref<!tpu.dma_semaphore, #tpu.memory_space<semaphore_mem>>)
      } else {
      }
      %dma_start3A_197 = arith.constant 0 : i32
      %dma_start3A_198 = arith.constant 0 : i32
      %dma_start3A_199 = tpu.memref_slice %arg18[%dma_start3A_197, %dma_start3A_198] : memref<10112x128xf32, #tpu.memory_space<vmem_shared>> -> memref<10112x128xf32, #tpu.memory_space<vmem_shared>>
      tpu.enqueue_indirect_dma source(%arg12 : memref<128x128xf32, #tpu.memory_space<vmem>>) target(%dma_start3A_199 : memref<10112x128xf32, #tpu.memory_space<vmem_shared>>) offsets(%arg6 : memref<128xi32, #tpu.memory_space<vmem>>) semaphore(%arg16 : memref<!tpu.dma_semaphore, #tpu.memory_space<semaphore_mem>>) {add = true}
      %dma_start3A_200 = arith.constant 0 : i32
      %dma_start3A_201 = arith.constant 0 : i32
      %dma_start3A_202 = tpu.memref_slice %arg18[%dma_start3A_200, %dma_start3A_201] : memref<10112x128xf32, #tpu.memory_space<vmem_shared>> -> memref<10112x128xf32, #tpu.memory_space<vmem_shared>>
      tpu.enqueue_indirect_dma source(%arg13 : memref<128x128xf32, #tpu.memory_space<vmem>>) target(%dma_start3A_202 : memref<10112x128xf32, #tpu.memory_space<vmem_shared>>) offsets(%arg7 : memref<128xi32, #tpu.memory_space<vmem>>) semaphore(%arg17 : memref<!tpu.dma_semaphore, #tpu.memory_space<semaphore_mem>>) {add = true}
    }
    %while3A_53 = arith.constant 1 : i32
    scf.for %while3A_64 = %while3A_51 to %while3A_47 step %while3A_53  : i32 {
      %mul3A_65 = arith.constant 2 : i32
      %mul3A_66 = arith.muli %mul3A_65, %while3A_64 : i32
      %add3A_67 = arith.constant 1 : i32
      %add3A_68 = arith.addi %mul3A_66, %add3A_67 : i32
      %gt3A = arith.constant 0 : i32
      %gt3A_69 = arith.cmpi sgt, %while3A_64, %gt3A : i32
      %convert_element_type3A = arith.extui %gt3A_69 : i1 to i32
      %cond3A = arith.constant 0 : i32
      %cond3A_70 = arith.cmpi ne, %convert_element_type3A, %cond3A : i32
      scf.if %cond3A_70 {
        %dma_wait3A_203 = arith.constant 0 : i32
        %dma_wait3A_204 = tpu.memref_slice %arg3[%arg0, %arg1, %mul3A_66, %dma_wait3A_203] : memref<2x16x96x128xi32, #tpu.memory_space<hbm>> -> memref<1x1x1x128xi32, #tpu.memory_space<hbm>>
        %dma_wait3A_205 = tpu.memref_squeeze %dma_wait3A_204 : memref<1x1x1x128xi32, #tpu.memory_space<hbm>> -> memref<128xi32, #tpu.memory_space<hbm>>
        %dma_wait3A_206 = arith.constant 0 : i32
        %dma_wait3A_207 = tpu.memref_slice %arg3[%arg0, %arg1, %mul3A_66, %dma_wait3A_206] : memref<2x16x96x128xi32, #tpu.memory_space<hbm>> -> memref<1x1x1x128xi32, #tpu.memory_space<hbm>>
        %dma_wait3A_208 = tpu.memref_squeeze %dma_wait3A_207 : memref<1x1x1x128xi32, #tpu.memory_space<hbm>> -> memref<128xi32, #tpu.memory_space<hbm>>
        tpu.wait_dma2 semaphore(%arg15 : memref<!tpu.dma_semaphore, #tpu.memory_space<semaphore_mem>>) src(%dma_wait3A_208 : memref<128xi32, #tpu.memory_space<hbm>>) dst(%arg8 : memref<128xi32, #tpu.memory_space<vmem>>)
        %dma_wait3A_209 = arith.constant 0 : i32
        %dma_wait3A_210 = tpu.memref_slice %arg3[%arg0, %arg1, %add3A_68, %dma_wait3A_209] : memref<2x16x96x128xi32, #tpu.memory_space<hbm>> -> memref<1x1x1x128xi32, #tpu.memory_space<hbm>>
        %dma_wait3A_211 = tpu.memref_squeeze %dma_wait3A_210 : memref<1x1x1x128xi32, #tpu.memory_space<hbm>> -> memref<128xi32, #tpu.memory_space<hbm>>
        %dma_wait3A_212 = arith.constant 0 : i32
        %dma_wait3A_213 = tpu.memref_slice %arg3[%arg0, %arg1, %add3A_68, %dma_wait3A_212] : memref<2x16x96x128xi32, #tpu.memory_space<hbm>> -> memref<1x1x1x128xi32, #tpu.memory_space<hbm>>
        %dma_wait3A_214 = tpu.memref_squeeze %dma_wait3A_213 : memref<1x1x1x128xi32, #tpu.memory_space<hbm>> -> memref<128xi32, #tpu.memory_space<hbm>>
        tpu.wait_dma2 semaphore(%arg15 : memref<!tpu.dma_semaphore, #tpu.memory_space<semaphore_mem>>) src(%dma_wait3A_214 : memref<128xi32, #tpu.memory_space<hbm>>) dst(%arg9 : memref<128xi32, #tpu.memory_space<vmem>>)
        %dma_wait3A_215 = arith.constant 0 : i32
        %dma_wait3A_216 = tpu.memref_slice %arg4[%arg0, %arg1, %mul3A_66, %dma_wait3A_215] : memref<2x16x96x128xi32, #tpu.memory_space<hbm>> -> memref<1x1x1x128xi32, #tpu.memory_space<hbm>>
        %dma_wait3A_217 = tpu.memref_squeeze %dma_wait3A_216 : memref<1x1x1x128xi32, #tpu.memory_space<hbm>> -> memref<128xi32, #tpu.memory_space<hbm>>
        %dma_wait3A_218 = arith.constant 0 : i32
        %dma_wait3A_219 = tpu.memref_slice %arg4[%arg0, %arg1, %mul3A_66, %dma_wait3A_218] : memref<2x16x96x128xi32, #tpu.memory_space<hbm>> -> memref<1x1x1x128xi32, #tpu.memory_space<hbm>>
        %dma_wait3A_220 = tpu.memref_squeeze %dma_wait3A_219 : memref<1x1x1x128xi32, #tpu.memory_space<hbm>> -> memref<128xi32, #tpu.memory_space<hbm>>
        tpu.wait_dma2 semaphore(%arg15 : memref<!tpu.dma_semaphore, #tpu.memory_space<semaphore_mem>>) src(%dma_wait3A_220 : memref<128xi32, #tpu.memory_space<hbm>>) dst(%arg10 : memref<128xi32, #tpu.memory_space<vmem>>)
        %dma_wait3A_221 = arith.constant 0 : i32
        %dma_wait3A_222 = tpu.memref_slice %arg4[%arg0, %arg1, %add3A_68, %dma_wait3A_221] : memref<2x16x96x128xi32, #tpu.memory_space<hbm>> -> memref<1x1x1x128xi32, #tpu.memory_space<hbm>>
        %dma_wait3A_223 = tpu.memref_squeeze %dma_wait3A_222 : memref<1x1x1x128xi32, #tpu.memory_space<hbm>> -> memref<128xi32, #tpu.memory_space<hbm>>
        %dma_wait3A_224 = arith.constant 0 : i32
        %dma_wait3A_225 = tpu.memref_slice %arg4[%arg0, %arg1, %add3A_68, %dma_wait3A_224] : memref<2x16x96x128xi32, #tpu.memory_space<hbm>> -> memref<1x1x1x128xi32, #tpu.memory_space<hbm>>
        %dma_wait3A_226 = tpu.memref_squeeze %dma_wait3A_225 : memref<1x1x1x128xi32, #tpu.memory_space<hbm>> -> memref<128xi32, #tpu.memory_space<hbm>>
        tpu.wait_dma2 semaphore(%arg15 : memref<!tpu.dma_semaphore, #tpu.memory_space<semaphore_mem>>) src(%dma_wait3A_226 : memref<128xi32, #tpu.memory_space<hbm>>) dst(%arg11 : memref<128xi32, #tpu.memory_space<vmem>>)
        %dma_wait3A_227 = arith.constant 0 : i32
        %dma_wait3A_228 = arith.constant 0 : i32
        %dma_wait3A_229 = tpu.memref_slice %arg18[%dma_wait3A_227, %dma_wait3A_228] : memref<10112x128xf32, #tpu.memory_space<vmem_shared>> -> memref<10112x128xf32, #tpu.memory_space<vmem_shared>>
        tpu.wait_indirect_dma semaphore(%arg16 : memref<!tpu.dma_semaphore, #tpu.memory_space<semaphore_mem>>) src(%arg12 : memref<128x128xf32, #tpu.memory_space<vmem>>) dst(%dma_wait3A_229 : memref<10112x128xf32, #tpu.memory_space<vmem_shared>>)
        %dma_wait3A_230 = arith.constant 0 : i32
        %dma_wait3A_231 = arith.constant 0 : i32
        %dma_wait3A_232 = tpu.memref_slice %arg18[%dma_wait3A_230, %dma_wait3A_231] : memref<10112x128xf32, #tpu.memory_space<vmem_shared>> -> memref<10112x128xf32, #tpu.memory_space<vmem_shared>>
        tpu.wait_indirect_dma semaphore(%arg17 : memref<!tpu.dma_semaphore, #tpu.memory_space<semaphore_mem>>) src(%arg13 : memref<128x128xf32, #tpu.memory_space<vmem>>) dst(%dma_wait3A_232 : memref<10112x128xf32, #tpu.memory_space<vmem_shared>>)
      } else {
      }
      %dma_start3A = arith.constant 0 : i32
      %dma_start3A_71 = arith.constant 0 : i32
      %dma_start3A_72 = tpu.memref_slice %arg2[%dma_start3A, %dma_start3A_71] : memref<10000x128xf32, #tpu.memory_space<hbm>> -> memref<10000x128xf32, #tpu.memory_space<hbm>>
      tpu.enqueue_indirect_dma source(%dma_start3A_72 : memref<10000x128xf32, #tpu.memory_space<hbm>>) target(%arg12 : memref<128x128xf32, #tpu.memory_space<vmem>>) offsets(%arg8 : memref<128xi32, #tpu.memory_space<vmem>>) semaphore(%arg14 : memref<!tpu.dma_semaphore, #tpu.memory_space<semaphore_mem>>)
      %dma_start3A_73 = arith.constant 0 : i32
      %dma_start3A_74 = arith.constant 0 : i32
      %dma_start3A_75 = tpu.memref_slice %arg2[%dma_start3A_73, %dma_start3A_74] : memref<10000x128xf32, #tpu.memory_space<hbm>> -> memref<10000x128xf32, #tpu.memory_space<hbm>>
      tpu.enqueue_indirect_dma source(%dma_start3A_75 : memref<10000x128xf32, #tpu.memory_space<hbm>>) target(%arg13 : memref<128x128xf32, #tpu.memory_space<vmem>>) offsets(%arg9 : memref<128xi32, #tpu.memory_space<vmem>>) semaphore(%arg14 : memref<!tpu.dma_semaphore, #tpu.memory_space<semaphore_mem>>)
      %dma_wait3A_76 = arith.constant 0 : i32
      %dma_wait3A_77 = arith.constant 0 : i32
      %dma_wait3A_78 = tpu.memref_slice %arg2[%dma_wait3A_76, %dma_wait3A_77] : memref<10000x128xf32, #tpu.memory_space<hbm>> -> memref<10000x128xf32, #tpu.memory_space<hbm>>
      tpu.wait_indirect_dma semaphore(%arg14 : memref<!tpu.dma_semaphore, #tpu.memory_space<semaphore_mem>>) src(%dma_wait3A_78 : memref<10000x128xf32, #tpu.memory_space<hbm>>) dst(%arg12 : memref<128x128xf32, #tpu.memory_space<vmem>>)
      %dma_wait3A_79 = arith.constant 0 : i32
      %dma_wait3A_80 = arith.constant 0 : i32
      %dma_wait3A_81 = tpu.memref_slice %arg2[%dma_wait3A_79, %dma_wait3A_80] : memref<10000x128xf32, #tpu.memory_space<hbm>> -> memref<10000x128xf32, #tpu.memory_space<hbm>>
      tpu.wait_indirect_dma semaphore(%arg14 : memref<!tpu.dma_semaphore, #tpu.memory_space<semaphore_mem>>) src(%dma_wait3A_81 : memref<10000x128xf32, #tpu.memory_space<hbm>>) dst(%arg13 : memref<128x128xf32, #tpu.memory_space<vmem>>)
      %get3A = arith.constant 0 : index
      %get3A_82 = tpu.vector_load %arg10[%get3A] {strides = array<i32>} : memref<128xi32, #tpu.memory_space<vmem>>, vector<16xi32>,
      %get3A_83 = vector.shape_cast %get3A_82 : vector<16xi32> to vector<16xi32>
      %swap3A = arith.constant 0 : index
      %swap3A_84 = tpu.vector_load %arg6[%swap3A] {strides = array<i32>} : memref<128xi32, #tpu.memory_space<vmem>>, vector<16xi32>,
      %swap3A_85 = vector.shape_cast %swap3A_84 : vector<16xi32> to vector<16xi32>
      %swap3A_86 = vector.shape_cast %get3A_83 : vector<16xi32> to vector<16xi32>
      tpu.vector_store %arg6[%swap3A], %swap3A_86 {strides = array<i32>} : memref<128xi32, #tpu.memory_space<vmem>>, vector<16xi32>,
      %get3A_87 = arith.constant 16 : index
      %get3A_88 = tpu.vector_load %arg10[%get3A_87] {strides = array<i32>} : memref<128xi32, #tpu.memory_space<vmem>>, vector<16xi32>,
      %get3A_89 = vector.shape_cast %get3A_88 : vector<16xi32> to vector<16xi32>
      %swap3A_90 = arith.constant 16 : index
      %swap3A_91 = tpu.vector_load %arg6[%swap3A_90] {strides = array<i32>} : memref<128xi32, #tpu.memory_space<vmem>>, vector<16xi32>,
      %swap3A_92 = vector.shape_cast %swap3A_91 : vector<16xi32> to vector<16xi32>
      %swap3A_93 = vector.shape_cast %get3A_89 : vector<16xi32> to vector<16xi32>
      tpu.vector_store %arg6[%swap3A_90], %swap3A_93 {strides = array<i32>} : memref<128xi32, #tpu.memory_space<vmem>>, vector<16xi32>,
      %get3A_94 = arith.constant 32 : index
      %get3A_95 = tpu.vector_load %arg10[%get3A_94] {strides = array<i32>} : memref<128xi32, #tpu.memory_space<vmem>>, vector<16xi32>,
      %get3A_96 = vector.shape_cast %get3A_95 : vector<16xi32> to vector<16xi32>
      %swap3A_97 = arith.constant 32 : index
      %swap3A_98 = tpu.vector_load %arg6[%swap3A_97] {strides = array<i32>} : memref<128xi32, #tpu.memory_space<vmem>>, vector<16xi32>,
      %swap3A_99 = vector.shape_cast %swap3A_98 : vector<16xi32> to vector<16xi32>
      %swap3A_100 = vector.shape_cast %get3A_96 : vector<16xi32> to vector<16xi32>
      tpu.vector_store %arg6[%swap3A_97], %swap3A_100 {strides = array<i32>} : memref<128xi32, #tpu.memory_space<vmem>>, vector<16xi32>,
      %get3A_101 = arith.constant 48 : index
      %get3A_102 = tpu.vector_load %arg10[%get3A_101] {strides = array<i32>} : memref<128xi32, #tpu.memory_space<vmem>>, vector<16xi32>,
      %get3A_103 = vector.shape_cast %get3A_102 : vector<16xi32> to vector<16xi32>
      %swap3A_104 = arith.constant 48 : index
      %swap3A_105 = tpu.vector_load %arg6[%swap3A_104] {strides = array<i32>} : memref<128xi32, #tpu.memory_space<vmem>>, vector<16xi32>,
      %swap3A_106 = vector.shape_cast %swap3A_105 : vector<16xi32> to vector<16xi32>
      %swap3A_107 = vector.shape_cast %get3A_103 : vector<16xi32> to vector<16xi32>
      tpu.vector_store %arg6[%swap3A_104], %swap3A_107 {strides = array<i32>} : memref<128xi32, #tpu.memory_space<vmem>>, vector<16xi32>,
      %get3A_108 = arith.constant 64 : index
      %get3A_109 = tpu.vector_load %arg10[%get3A_108] {strides = array<i32>} : memref<128xi32, #tpu.memory_space<vmem>>, vector<16xi32>,
      %get3A_110 = vector.shape_cast %get3A_109 : vector<16xi32> to vector<16xi32>
      %swap3A_111 = arith.constant 64 : index
      %swap3A_112 = tpu.vector_load %arg6[%swap3A_111] {strides = array<i32>} : memref<128xi32, #tpu.memory_space<vmem>>, vector<16xi32>,
      %swap3A_113 = vector.shape_cast %swap3A_112 : vector<16xi32> to vector<16xi32>
      %swap3A_114 = vector.shape_cast %get3A_110 : vector<16xi32> to vector<16xi32>
      tpu.vector_store %arg6[%swap3A_111], %swap3A_114 {strides = array<i32>} : memref<128xi32, #tpu.memory_space<vmem>>, vector<16xi32>,
      %get3A_115 = arith.constant 80 : index
      %get3A_116 = tpu.vector_load %arg10[%get3A_115] {strides = array<i32>} : memref<128xi32, #tpu.memory_space<vmem>>, vector<16xi32>,
      %get3A_117 = vector.shape_cast %get3A_116 : vector<16xi32> to vector<16xi32>
      %swap3A_118 = arith.constant 80 : index
      %swap3A_119 = tpu.vector_load %arg6[%swap3A_118] {strides = array<i32>} : memref<128xi32, #tpu.memory_space<vmem>>, vector<16xi32>,
      %swap3A_120 = vector.shape_cast %swap3A_119 : vector<16xi32> to vector<16xi32>
      %swap3A_121 = vector.shape_cast %get3A_117 : vector<16xi32> to vector<16xi32>
      tpu.vector_store %arg6[%swap3A_118], %swap3A_121 {strides = array<i32>} : memref<128xi32, #tpu.memory_space<vmem>>, vector<16xi32>,
      %get3A_122 = arith.constant 96 : index
      %get3A_123 = tpu.vector_load %arg10[%get3A_122] {strides = array<i32>} : memref<128xi32, #tpu.memory_space<vmem>>, vector<16xi32>,
      %get3A_124 = vector.shape_cast %get3A_123 : vector<16xi32> to vector<16xi32>
      %swap3A_125 = arith.constant 96 : index
      %swap3A_126 = tpu.vector_load %arg6[%swap3A_125] {strides = array<i32>} : memref<128xi32, #tpu.memory_space<vmem>>, vector<16xi32>,
      %swap3A_127 = vector.shape_cast %swap3A_126 : vector<16xi32> to vector<16xi32>
      %swap3A_128 = vector.shape_cast %get3A_124 : vector<16xi32> to vector<16xi32>
      tpu.vector_store %arg6[%swap3A_125], %swap3A_128 {strides = array<i32>} : memref<128xi32, #tpu.memory_space<vmem>>, vector<16xi32>,
      %get3A_129 = arith.constant 112 : index
      %get3A_130 = tpu.vector_load %arg10[%get3A_129] {strides = array<i32>} : memref<128xi32, #tpu.memory_space<vmem>>, vector<16xi32>,
      %get3A_131 = vector.shape_cast %get3A_130 : vector<16xi32> to vector<16xi32>
      %swap3A_132 = arith.constant 112 : index
      %swap3A_133 = tpu.vector_load %arg6[%swap3A_132] {strides = array<i32>} : memref<128xi32, #tpu.memory_space<vmem>>, vector<16xi32>,
      %swap3A_134 = vector.shape_cast %swap3A_133 : vector<16xi32> to vector<16xi32>
      %swap3A_135 = vector.shape_cast %get3A_131 : vector<16xi32> to vector<16xi32>
      tpu.vector_store %arg6[%swap3A_132], %swap3A_135 {strides = array<i32>} : memref<128xi32, #tpu.memory_space<vmem>>, vector<16xi32>,
      %get3A_136 = arith.constant 0 : index
      %get3A_137 = tpu.vector_load %arg11[%get3A_136] {strides = array<i32>} : memref<128xi32, #tpu.memory_space<vmem>>, vector<16xi32>,
      %get3A_138 = vector.shape_cast %get3A_137 : vector<16xi32> to vector<16xi32>
      %swap3A_139 = arith.constant 0 : index
      %swap3A_140 = tpu.vector_load %arg7[%swap3A_139] {strides = array<i32>} : memref<128xi32, #tpu.memory_space<vmem>>, vector<16xi32>,
      %swap3A_141 = vector.shape_cast %swap3A_140 : vector<16xi32> to vector<16xi32>
      %swap3A_142 = vector.shape_cast %get3A_138 : vector<16xi32> to vector<16xi32>
      tpu.vector_store %arg7[%swap3A_139], %swap3A_142 {strides = array<i32>} : memref<128xi32, #tpu.memory_space<vmem>>, vector<16xi32>,
      %get3A_143 = arith.constant 16 : index
      %get3A_144 = tpu.vector_load %arg11[%get3A_143] {strides = array<i32>} : memref<128xi32, #tpu.memory_space<vmem>>, vector<16xi32>,
      %get3A_145 = vector.shape_cast %get3A_144 : vector<16xi32> to vector<16xi32>
      %swap3A_146 = arith.constant 16 : index
      %swap3A_147 = tpu.vector_load %arg7[%swap3A_146] {strides = array<i32>} : memref<128xi32, #tpu.memory_space<vmem>>, vector<16xi32>,
      %swap3A_148 = vector.shape_cast %swap3A_147 : vector<16xi32> to vector<16xi32>
      %swap3A_149 = vector.shape_cast %get3A_145 : vector<16xi32> to vector<16xi32>
      tpu.vector_store %arg7[%swap3A_146], %swap3A_149 {strides = array<i32>} : memref<128xi32, #tpu.memory_space<vmem>>, vector<16xi32>,
      %get3A_150 = arith.constant 32 : index
      %get3A_151 = tpu.vector_load %arg11[%get3A_150] {strides = array<i32>} : memref<128xi32, #tpu.memory_space<vmem>>, vector<16xi32>,
      %get3A_152 = vector.shape_cast %get3A_151 : vector<16xi32> to vector<16xi32>
      %swap3A_153 = arith.constant 32 : index
      %swap3A_154 = tpu.vector_load %arg7[%swap3A_153] {strides = array<i32>} : memref<128xi32, #tpu.memory_space<vmem>>, vector<16xi32>,
      %swap3A_155 = vector.shape_cast %swap3A_154 : vector<16xi32> to vector<16xi32>
      %swap3A_156 = vector.shape_cast %get3A_152 : vector<16xi32> to vector<16xi32>
      tpu.vector_store %arg7[%swap3A_153], %swap3A_156 {strides = array<i32>} : memref<128xi32, #tpu.memory_space<vmem>>, vector<16xi32>,
      %get3A_157 = arith.constant 48 : index
      %get3A_158 = tpu.vector_load %arg11[%get3A_157] {strides = array<i32>} : memref<128xi32, #tpu.memory_space<vmem>>, vector<16xi32>,
      %get3A_159 = vector.shape_cast %get3A_158 : vector<16xi32> to vector<16xi32>
      %swap3A_160 = arith.constant 48 : index
      %swap3A_161 = tpu.vector_load %arg7[%swap3A_160] {strides = array<i32>} : memref<128xi32, #tpu.memory_space<vmem>>, vector<16xi32>,
      %swap3A_162 = vector.shape_cast %swap3A_161 : vector<16xi32> to vector<16xi32>
      %swap3A_163 = vector.shape_cast %get3A_159 : vector<16xi32> to vector<16xi32>
      tpu.vector_store %arg7[%swap3A_160], %swap3A_163 {strides = array<i32>} : memref<128xi32, #tpu.memory_space<vmem>>, vector<16xi32>,
      %get3A_164 = arith.constant 64 : index
      %get3A_165 = tpu.vector_load %arg11[%get3A_164] {strides = array<i32>} : memref<128xi32, #tpu.memory_space<vmem>>, vector<16xi32>,
      %get3A_166 = vector.shape_cast %get3A_165 : vector<16xi32> to vector<16xi32>
      %swap3A_167 = arith.constant 64 : index
      %swap3A_168 = tpu.vector_load %arg7[%swap3A_167] {strides = array<i32>} : memref<128xi32, #tpu.memory_space<vmem>>, vector<16xi32>,
      %swap3A_169 = vector.shape_cast %swap3A_168 : vector<16xi32> to vector<16xi32>
      %swap3A_170 = vector.shape_cast %get3A_166 : vector<16xi32> to vector<16xi32>
      tpu.vector_store %arg7[%swap3A_167], %swap3A_170 {strides = array<i32>} : memref<128xi32, #tpu.memory_space<vmem>>, vector<16xi32>,
      %get3A_171 = arith.constant 80 : index
      %get3A_172 = tpu.vector_load %arg11[%get3A_171] {strides = array<i32>} : memref<128xi32, #tpu.memory_space<vmem>>, vector<16xi32>,
      %get3A_173 = vector.shape_cast %get3A_172 : vector<16xi32> to vector<16xi32>
      %swap3A_174 = arith.constant 80 : index
      %swap3A_175 = tpu.vector_load %arg7[%swap3A_174] {strides = array<i32>} : memref<128xi32, #tpu.memory_space<vmem>>, vector<16xi32>,
      %swap3A_176 = vector.shape_cast %swap3A_175 : vector<16xi32> to vector<16xi32>
      %swap3A_177 = vector.shape_cast %get3A_173 : vector<16xi32> to vector<16xi32>
      tpu.vector_store %arg7[%swap3A_174], %swap3A_177 {strides = array<i32>} : memref<128xi32, #tpu.memory_space<vmem>>, vector<16xi32>,
      %get3A_178 = arith.constant 96 : index
      %get3A_179 = tpu.vector_load %arg11[%get3A_178] {strides = array<i32>} : memref<128xi32, #tpu.memory_space<vmem>>, vector<16xi32>,
      %get3A_180 = vector.shape_cast %get3A_179 : vector<16xi32> to vector<16xi32>
      %swap3A_181 = arith.constant 96 : index
      %swap3A_182 = tpu.vector_load %arg7[%swap3A_181] {strides = array<i32>} : memref<128xi32, #tpu.memory_space<vmem>>, vector<16xi32>,
      %swap3A_183 = vector.shape_cast %swap3A_182 : vector<16xi32> to vector<16xi32>
      %swap3A_184 = vector.shape_cast %get3A_180 : vector<16xi32> to vector<16xi32>
      tpu.vector_store %arg7[%swap3A_181], %swap3A_184 {strides = array<i32>} : memref<128xi32, #tpu.memory_space<vmem>>, vector<16xi32>,
      %get3A_185 = arith.constant 112 : index
      %get3A_186 = tpu.vector_load %arg11[%get3A_185] {strides = array<i32>} : memref<128xi32, #tpu.memory_space<vmem>>, vector<16xi32>,
      %get3A_187 = vector.shape_cast %get3A_186 : vector<16xi32> to vector<16xi32>
      %swap3A_188 = arith.constant 112 : index
      %swap3A_189 = tpu.vector_load %arg7[%swap3A_188] {strides = array<i32>} : memref<128xi32, #tpu.memory_space<vmem>>, vector<16xi32>,
      %swap3A_190 = vector.shape_cast %swap3A_189 : vector<16xi32> to vector<16xi32>
      %swap3A_191 = vector.shape_cast %get3A_187 : vector<16xi32> to vector<16xi32>
      tpu.vector_store %arg7[%swap3A_188], %swap3A_191 {strides = array<i32>} : memref<128xi32, #tpu.memory_space<vmem>>, vector<16xi32>,
      %add3A_192 = arith.constant 1 : i32
      %add3A_193 = arith.addi %while3A_64, %add3A_192 : i32
      %lt3A = arith.cmpi slt, %add3A_193, %select_n3A_42 : i32
      %convert_element_type3A_194 = arith.extui %lt3A : i1 to i32
      %cond3A_195 = arith.constant 0 : i32
      %cond3A_196 = arith.cmpi ne, %convert_element_type3A_194, %cond3A_195 : i32
      scf.if %cond3A_196 {
        %add3A_203 = arith.constant 2 : i32
        %add3A_204 = arith.addi %mul3A_66, %add3A_203 : i32
        %dma_start3A_205 = arith.constant 0 : i32
        %dma_start3A_206 = tpu.memref_slice %arg3[%arg0, %arg1, %add3A_204, %dma_start3A_205] : memref<2x16x96x128xi32, #tpu.memory_space<hbm>> -> memref<1x1x1x128xi32, #tpu.memory_space<hbm>>
        %dma_start3A_207 = tpu.memref_squeeze %dma_start3A_206 : memref<1x1x1x128xi32, #tpu.memory_space<hbm>> -> memref<128xi32, #tpu.memory_space<hbm>>
        %dma_start3A_208 = arith.constant 0 : i32
        %dma_start3A_209 = tpu.memref_slice %arg3[%arg0, %arg1, %add3A_204, %dma_start3A_208] : memref<2x16x96x128xi32, #tpu.memory_space<hbm>> -> memref<1x1x1x128xi32, #tpu.memory_space<hbm>>
        %dma_start3A_210 = tpu.memref_squeeze %dma_start3A_209 : memref<1x1x1x128xi32, #tpu.memory_space<hbm>> -> memref<128xi32, #tpu.memory_space<hbm>>
        tpu.enqueue_dma source(%dma_start3A_210 : memref<128xi32, #tpu.memory_space<hbm>>) target(%arg8 : memref<128xi32, #tpu.memory_space<vmem>>) target_semaphore(%arg15 : memref<!tpu.dma_semaphore, #tpu.memory_space<semaphore_mem>>)
        %add3A_211 = arith.constant 2 : i32
        %add3A_212 = arith.addi %add3A_68, %add3A_211 : i32
        %dma_start3A_213 = arith.constant 0 : i32
        %dma_start3A_214 = tpu.memref_slice %arg3[%arg0, %arg1, %add3A_212, %dma_start3A_213] : memref<2x16x96x128xi32, #tpu.memory_space<hbm>> -> memref<1x1x1x128xi32, #tpu.memory_space<hbm>>
        %dma_start3A_215 = tpu.memref_squeeze %dma_start3A_214 : memref<1x1x1x128xi32, #tpu.memory_space<hbm>> -> memref<128xi32, #tpu.memory_space<hbm>>
        %dma_start3A_216 = arith.constant 0 : i32
        %dma_start3A_217 = tpu.memref_slice %arg3[%arg0, %arg1, %add3A_212, %dma_start3A_216] : memref<2x16x96x128xi32, #tpu.memory_space<hbm>> -> memref<1x1x1x128xi32, #tpu.memory_space<hbm>>
        %dma_start3A_218 = tpu.memref_squeeze %dma_start3A_217 : memref<1x1x1x128xi32, #tpu.memory_space<hbm>> -> memref<128xi32, #tpu.memory_space<hbm>>
        tpu.enqueue_dma source(%dma_start3A_218 : memref<128xi32, #tpu.memory_space<hbm>>) target(%arg9 : memref<128xi32, #tpu.memory_space<vmem>>) target_semaphore(%arg15 : memref<!tpu.dma_semaphore, #tpu.memory_space<semaphore_mem>>)
        %add3A_219 = arith.constant 2 : i32
        %add3A_220 = arith.addi %mul3A_66, %add3A_219 : i32
        %dma_start3A_221 = arith.constant 0 : i32
        %dma_start3A_222 = tpu.memref_slice %arg4[%arg0, %arg1, %add3A_220, %dma_start3A_221] : memref<2x16x96x128xi32, #tpu.memory_space<hbm>> -> memref<1x1x1x128xi32, #tpu.memory_space<hbm>>
        %dma_start3A_223 = tpu.memref_squeeze %dma_start3A_222 : memref<1x1x1x128xi32, #tpu.memory_space<hbm>> -> memref<128xi32, #tpu.memory_space<hbm>>
        %dma_start3A_224 = arith.constant 0 : i32
        %dma_start3A_225 = tpu.memref_slice %arg4[%arg0, %arg1, %add3A_220, %dma_start3A_224] : memref<2x16x96x128xi32, #tpu.memory_space<hbm>> -> memref<1x1x1x128xi32, #tpu.memory_space<hbm>>
        %dma_start3A_226 = tpu.memref_squeeze %dma_start3A_225 : memref<1x1x1x128xi32, #tpu.memory_space<hbm>> -> memref<128xi32, #tpu.memory_space<hbm>>
        tpu.enqueue_dma source(%dma_start3A_226 : memref<128xi32, #tpu.memory_space<hbm>>) target(%arg10 : memref<128xi32, #tpu.memory_space<vmem>>) target_semaphore(%arg15 : memref<!tpu.dma_semaphore, #tpu.memory_space<semaphore_mem>>)
        %add3A_227 = arith.constant 2 : i32
        %add3A_228 = arith.addi %add3A_68, %add3A_227 : i32
        %dma_start3A_229 = arith.constant 0 : i32
        %dma_start3A_230 = tpu.memref_slice %arg4[%arg0, %arg1, %add3A_228, %dma_start3A_229] : memref<2x16x96x128xi32, #tpu.memory_space<hbm>> -> memref<1x1x1x128xi32, #tpu.memory_space<hbm>>
        %dma_start3A_231 = tpu.memref_squeeze %dma_start3A_230 : memref<1x1x1x128xi32, #tpu.memory_space<hbm>> -> memref<128xi32, #tpu.memory_space<hbm>>
        %dma_start3A_232 = arith.constant 0 : i32
        %dma_start3A_233 = tpu.memref_slice %arg4[%arg0, %arg1, %add3A_228, %dma_start3A_232] : memref<2x16x96x128xi32, #tpu.memory_space<hbm>> -> memref<1x1x1x128xi32, #tpu.memory_space<hbm>>
        %dma_start3A_234 = tpu.memref_squeeze %dma_start3A_233 : memref<1x1x1x128xi32, #tpu.memory_space<hbm>> -> memref<128xi32, #tpu.memory_space<hbm>>
        tpu.enqueue_dma source(%dma_start3A_234 : memref<128xi32, #tpu.memory_space<hbm>>) target(%arg11 : memref<128xi32, #tpu.memory_space<vmem>>) target_semaphore(%arg15 : memref<!tpu.dma_semaphore, #tpu.memory_space<semaphore_mem>>)
      } else {
      }
      %dma_start3A_197 = arith.constant 0 : i32
      %dma_start3A_198 = arith.constant 0 : i32
      %dma_start3A_199 = tpu.memref_slice %arg18[%dma_start3A_197, %dma_start3A_198] : memref<10112x128xf32, #tpu.memory_space<vmem_shared>> -> memref<10112x128xf32, #tpu.memory_space<vmem_shared>>
      tpu.enqueue_indirect_dma source(%arg12 : memref<128x128xf32, #tpu.memory_space<vmem>>) target(%dma_start3A_199 : memref<10112x128xf32, #tpu.memory_space<vmem_shared>>) offsets(%arg6 : memref<128xi32, #tpu.memory_space<vmem>>) semaphore(%arg16 : memref<!tpu.dma_semaphore, #tpu.memory_space<semaphore_mem>>) {add = true}
      %dma_start3A_200 = arith.constant 0 : i32
      %dma_start3A_201 = arith.constant 0 : i32
      %dma_start3A_202 = tpu.memref_slice %arg18[%dma_start3A_200, %dma_start3A_201] : memref<10112x128xf32, #tpu.memory_space<vmem_shared>> -> memref<10112x128xf32, #tpu.memory_space<vmem_shared>>
      tpu.enqueue_indirect_dma source(%arg13 : memref<128x128xf32, #tpu.memory_space<vmem>>) target(%dma_start3A_202 : memref<10112x128xf32, #tpu.memory_space<vmem_shared>>) offsets(%arg7 : memref<128xi32, #tpu.memory_space<vmem>>) semaphore(%arg17 : memref<!tpu.dma_semaphore, #tpu.memory_space<semaphore_mem>>) {add = true}
    }
    %dma_wait3A = arith.constant 0 : i32
    %dma_wait3A_54 = arith.constant 0 : i32
    %dma_wait3A_55 = tpu.memref_slice %arg18[%dma_wait3A, %dma_wait3A_54] : memref<10112x128xf32, #tpu.memory_space<vmem_shared>> -> memref<10112x128xf32, #tpu.memory_space<vmem_shared>>
    tpu.wait_indirect_dma semaphore(%arg16 : memref<!tpu.dma_semaphore, #tpu.memory_space<semaphore_mem>>) src(%arg12 : memref<128x128xf32, #tpu.memory_space<vmem>>) dst(%dma_wait3A_55 : memref<10112x128xf32, #tpu.memory_space<vmem_shared>>)
    %dma_wait3A_56 = arith.constant 0 : i32
    %dma_wait3A_57 = arith.constant 0 : i32
    %dma_wait3A_58 = tpu.memref_slice %arg18[%dma_wait3A_56, %dma_wait3A_57] : memref<10112x128xf32, #tpu.memory_space<vmem_shared>> -> memref<10112x128xf32, #tpu.memory_space<vmem_shared>>
    tpu.wait_indirect_dma semaphore(%arg17 : memref<!tpu.dma_semaphore, #tpu.memory_space<semaphore_mem>>) src(%arg13 : memref<128x128xf32, #tpu.memory_space<vmem>>) dst(%dma_wait3A_58 : memref<10112x128xf32, #tpu.memory_space<vmem_shared>>)
    %barrier3A_59 = arith.constant 0 : index
    tpu.barrier barrier_id(%barrier3A_59)
    %mul3A_60 = arith.constant 632 : i32
    %mul3A_61 = arith.muli %arg1, %mul3A_60 : i32
    %mul3A_62 = arith.constant 632 : i32
    %mul3A_63 = arith.muli %arg1, %mul3A_62 : i32
    "tpu.region"() ({
      %run_scoped3A_64 = tpu.sem_alloc : memref<!tpu.dma_semaphore, #tpu.memory_space<semaphore_mem>>
      %dma_start3A = arith.constant 0 : i32
      %dma_start3A_65 = tpu.memref_slice %arg5[%arg0, %mul3A_63, %dma_start3A] : memref<2x10112x128xf32, #tpu.memory_space<hbm>> -> memref<1x632x128xf32, #tpu.memory_space<hbm>>
      %dma_start3A_66 = tpu.memref_squeeze %dma_start3A_65 : memref<1x632x128xf32, #tpu.memory_space<hbm>> -> memref<632x128xf32, #tpu.memory_space<hbm>>
      %dma_start3A_67 = arith.constant 0 : i32
      %dma_start3A_68 = tpu.memref_slice %arg18[%mul3A_61, %dma_start3A_67] : memref<10112x128xf32, #tpu.memory_space<vmem_shared>> -> memref<632x128xf32, #tpu.memory_space<vmem_shared>>
      tpu.enqueue_dma source(%dma_start3A_68 : memref<632x128xf32, #tpu.memory_space<vmem_shared>>) target(%dma_start3A_66 : memref<632x128xf32, #tpu.memory_space<hbm>>) target_semaphore(%run_scoped3A_64 : memref<!tpu.dma_semaphore, #tpu.memory_space<semaphore_mem>>)
      %dma_wait3A_69 = arith.constant 0 : i32
      %dma_wait3A_70 = tpu.memref_slice %arg5[%arg0, %mul3A_63, %dma_wait3A_69] : memref<2x10112x128xf32, #tpu.memory_space<hbm>> -> memref<1x632x128xf32, #tpu.memory_space<hbm>>
      %dma_wait3A_71 = tpu.memref_squeeze %dma_wait3A_70 : memref<1x632x128xf32, #tpu.memory_space<hbm>> -> memref<632x128xf32, #tpu.memory_space<hbm>>
      %dma_wait3A_72 = arith.constant 0 : i32
      %dma_wait3A_73 = tpu.memref_slice %arg18[%mul3A_61, %dma_wait3A_72] : memref<10112x128xf32, #tpu.memory_space<vmem_shared>> -> memref<632x128xf32, #tpu.memory_space<vmem_shared>>
      tpu.wait_dma2 semaphore(%run_scoped3A_64 : memref<!tpu.dma_semaphore, #tpu.memory_space<semaphore_mem>>) src(%dma_wait3A_73 : memref<632x128xf32, #tpu.memory_space<vmem_shared>>) dst(%dma_wait3A_71 : memref<632x128xf32, #tpu.memory_space<hbm>>)
      tpu.yield
    }) : () -> ()
    return
  }
}

#map = affine_map<(d0, d1) -> (0, 0)>
#map1 = affine_map<(d0, d1) -> (0, 0, 0, 0)>
#map2 = affine_map<(d0, d1) -> (0, 0, 0)>
module attributes {stable_mosaic.version = 14 : i64} {
  func.func @_scatter_body(%arg0: i32, %arg1: i32, %arg2: memref<10000x128xf32, #tpu.memory_space<hbm>>, %arg3: memref<2x16x96x128xi32, #tpu.memory_space<hbm>>, %arg4: memref<2x16x96x128xi32, #tpu.memory_space<hbm>>, %arg5: memref<2x10112x128xf32, #tpu.memory_space<hbm>>, %arg6: memref<128xi32, #tpu.memory_space<vmem>>, %arg7: memref<128xi32, #tpu.memory_space<vmem>>, %arg8: memref<128xi32, #tpu.memory_space<vmem>>, %arg9: memref<128xi32, #tpu.memory_space<vmem>>, %arg10: memref<128xi32, #tpu.memory_space<vmem>>, %arg11: memref<128xi32, #tpu.memory_space<vmem>>, %arg12: memref<128x128xf32, #tpu.memory_space<vmem>>, %arg13: memref<128x128xf32, #tpu.memory_space<vmem>>, %arg14: memref<!tpu.dma_semaphore, #tpu.memory_space<semaphore_mem>>, %arg15: memref<!tpu.dma_semaphore, #tpu.memory_space<semaphore_mem>>, %arg16: memref<!tpu.dma_semaphore, #tpu.memory_space<semaphore_mem>>, %arg17: memref<!tpu.dma_semaphore, #tpu.memory_space<semaphore_mem>>, %arg18: memref<10112x128xf32, #tpu.memory_space<vmem_shared>>) attributes {dimension_semantics = [#tpu.dimension_semantics<core_parallel>, #tpu.dimension_semantics<subcore_parallel>], iteration_bounds = array<i64: 2, 16>, scalar_prefetch = 0 : i64, scratch_operands = 13 : i64, tpu.core_type = #tpu.core_type<sc_vector_subcore>, window_params = [{transform_indices = #map}, {transform_indices = #map1}, {transform_indices = #map1}, {transform_indices = #map2}]} {
    %eq3A = arith.constant 0 : i32
    %eq3A_0 = arith.cmpi eq, %arg0, %eq3A : i32
    %jit3A = arith.constant 92 : i32
    %jit3A_1 = arith.constant 66 : i32
    %select_n3A = arith.select %eq3A_0, %jit3A, %jit3A_1 : i32
    %broadcast_in_dim3A = arith.constant 0.000000e+00 : f32
    %broadcast_in_dim3A_2 = vector.broadcast %broadcast_in_dim3A : f32 to vector<16xf32>
    %scan3A = arith.constant 0 : i32
    %scan3A_3 = arith.constant 128 : i32
    %scan3A_4 = arith.addi %scan3A, %scan3A_3 : i32
    %scan3A_5 = arith.constant 1 : i32
    scf.for %scan3A_64 = %scan3A to %scan3A_4 step %scan3A_5  : i32 {
      %swap3A = arith.index_cast %scan3A_64 : i32 to index
      %swap3A_65 = arith.constant 0 : index
      %swap3A_66 = tpu.vector_load %arg12[%swap3A, %swap3A_65] {strides = array<i32>} : memref<128x128xf32, #tpu.memory_space<vmem>>, vector<1x16xf32>,
      %swap3A_67 = vector.shape_cast %swap3A_66 : vector<1x16xf32> to vector<16xf32>
      %swap3A_68 = vector.shape_cast %broadcast_in_dim3A_2 : vector<16xf32> to vector<1x16xf32>
      tpu.vector_store %arg12[%swap3A, %swap3A_65], %swap3A_68 {strides = array<i32>} : memref<128x128xf32, #tpu.memory_space<vmem>>, vector<1x16xf32>,
      %swap3A_69 = arith.index_cast %scan3A_64 : i32 to index
      %swap3A_70 = arith.constant 16 : index
      %swap3A_71 = tpu.vector_load %arg12[%swap3A_69, %swap3A_70] {strides = array<i32>} : memref<128x128xf32, #tpu.memory_space<vmem>>, vector<1x16xf32>,
      %swap3A_72 = vector.shape_cast %swap3A_71 : vector<1x16xf32> to vector<16xf32>
      %swap3A_73 = vector.shape_cast %broadcast_in_dim3A_2 : vector<16xf32> to vector<1x16xf32>
      tpu.vector_store %arg12[%swap3A_69, %swap3A_70], %swap3A_73 {strides = array<i32>} : memref<128x128xf32, #tpu.memory_space<vmem>>, vector<1x16xf32>,
      %swap3A_74 = arith.index_cast %scan3A_64 : i32 to index
      %swap3A_75 = arith.constant 32 : index
      %swap3A_76 = tpu.vector_load %arg12[%swap3A_74, %swap3A_75] {strides = array<i32>} : memref<128x128xf32, #tpu.memory_space<vmem>>, vector<1x16xf32>,
      %swap3A_77 = vector.shape_cast %swap3A_76 : vector<1x16xf32> to vector<16xf32>
      %swap3A_78 = vector.shape_cast %broadcast_in_dim3A_2 : vector<16xf32> to vector<1x16xf32>
      tpu.vector_store %arg12[%swap3A_74, %swap3A_75], %swap3A_78 {strides = array<i32>} : memref<128x128xf32, #tpu.memory_space<vmem>>, vector<1x16xf32>,
      %swap3A_79 = arith.index_cast %scan3A_64 : i32 to index
      %swap3A_80 = arith.constant 48 : index
      %swap3A_81 = tpu.vector_load %arg12[%swap3A_79, %swap3A_80] {strides = array<i32>} : memref<128x128xf32, #tpu.memory_space<vmem>>, vector<1x16xf32>,
      %swap3A_82 = vector.shape_cast %swap3A_81 : vector<1x16xf32> to vector<16xf32>
      %swap3A_83 = vector.shape_cast %broadcast_in_dim3A_2 : vector<16xf32> to vector<1x16xf32>
      tpu.vector_store %arg12[%swap3A_79, %swap3A_80], %swap3A_83 {strides = array<i32>} : memref<128x128xf32, #tpu.memory_space<vmem>>, vector<1x16xf32>,
      %swap3A_84 = arith.index_cast %scan3A_64 : i32 to index
      %swap3A_85 = arith.constant 64 : index
      %swap3A_86 = tpu.vector_load %arg12[%swap3A_84, %swap3A_85] {strides = array<i32>} : memref<128x128xf32, #tpu.memory_space<vmem>>, vector<1x16xf32>,
      %swap3A_87 = vector.shape_cast %swap3A_86 : vector<1x16xf32> to vector<16xf32>
      %swap3A_88 = vector.shape_cast %broadcast_in_dim3A_2 : vector<16xf32> to vector<1x16xf32>
      tpu.vector_store %arg12[%swap3A_84, %swap3A_85], %swap3A_88 {strides = array<i32>} : memref<128x128xf32, #tpu.memory_space<vmem>>, vector<1x16xf32>,
      %swap3A_89 = arith.index_cast %scan3A_64 : i32 to index
      %swap3A_90 = arith.constant 80 : index
      %swap3A_91 = tpu.vector_load %arg12[%swap3A_89, %swap3A_90] {strides = array<i32>} : memref<128x128xf32, #tpu.memory_space<vmem>>, vector<1x16xf32>,
      %swap3A_92 = vector.shape_cast %swap3A_91 : vector<1x16xf32> to vector<16xf32>
      %swap3A_93 = vector.shape_cast %broadcast_in_dim3A_2 : vector<16xf32> to vector<1x16xf32>
      tpu.vector_store %arg12[%swap3A_89, %swap3A_90], %swap3A_93 {strides = array<i32>} : memref<128x128xf32, #tpu.memory_space<vmem>>, vector<1x16xf32>,
      %swap3A_94 = arith.index_cast %scan3A_64 : i32 to index
      %swap3A_95 = arith.constant 96 : index
      %swap3A_96 = tpu.vector_load %arg12[%swap3A_94, %swap3A_95] {strides = array<i32>} : memref<128x128xf32, #tpu.memory_space<vmem>>, vector<1x16xf32>,
      %swap3A_97 = vector.shape_cast %swap3A_96 : vector<1x16xf32> to vector<16xf32>
      %swap3A_98 = vector.shape_cast %broadcast_in_dim3A_2 : vector<16xf32> to vector<1x16xf32>
      tpu.vector_store %arg12[%swap3A_94, %swap3A_95], %swap3A_98 {strides = array<i32>} : memref<128x128xf32, #tpu.memory_space<vmem>>, vector<1x16xf32>,
      %swap3A_99 = arith.index_cast %scan3A_64 : i32 to index
      %swap3A_100 = arith.constant 112 : index
      %swap3A_101 = tpu.vector_load %arg12[%swap3A_99, %swap3A_100] {strides = array<i32>} : memref<128x128xf32, #tpu.memory_space<vmem>>, vector<1x16xf32>,
      %swap3A_102 = vector.shape_cast %swap3A_101 : vector<1x16xf32> to vector<16xf32>
      %swap3A_103 = vector.shape_cast %broadcast_in_dim3A_2 : vector<16xf32> to vector<1x16xf32>
      tpu.vector_store %arg12[%swap3A_99, %swap3A_100], %swap3A_103 {strides = array<i32>} : memref<128x128xf32, #tpu.memory_space<vmem>>, vector<1x16xf32>,
    }
    %scan3A_6 = arith.constant 128 : i32
    %mul3A = arith.constant 632 : i32
    %mul3A_7 = arith.muli %arg1, %mul3A : i32
    %add3A = arith.constant 0 : i32
    %add3A_8 = arith.addi %mul3A_7, %add3A : i32
    "tpu.region"() ({
      %run_scoped3A_64 = tpu.sem_alloc : memref<!tpu.dma_semaphore, #tpu.memory_space<semaphore_mem>>
      %dma_start3A = arith.constant 0 : i32
      %dma_start3A_65 = tpu.memref_slice %arg18[%add3A_8, %dma_start3A] : memref<10112x128xf32, #tpu.memory_space<vmem_shared>> -> memref<128x128xf32, #tpu.memory_space<vmem_shared>>
      %dma_start3A_66 = arith.constant 0 : i32
      %dma_start3A_67 = tpu.memref_slice %arg18[%add3A_8, %dma_start3A_66] : memref<10112x128xf32, #tpu.memory_space<vmem_shared>> -> memref<128x128xf32, #tpu.memory_space<vmem_shared>>
      tpu.enqueue_dma source(%arg12 : memref<128x128xf32, #tpu.memory_space<vmem>>) target(%dma_start3A_67 : memref<128x128xf32, #tpu.memory_space<vmem_shared>>) target_semaphore(%run_scoped3A_64 : memref<!tpu.dma_semaphore, #tpu.memory_space<semaphore_mem>>)
      %dma_wait3A_68 = arith.constant 0 : i32
      %dma_wait3A_69 = tpu.memref_slice %arg18[%add3A_8, %dma_wait3A_68] : memref<10112x128xf32, #tpu.memory_space<vmem_shared>> -> memref<128x128xf32, #tpu.memory_space<vmem_shared>>
      %dma_wait3A_70 = arith.constant 0 : i32
      %dma_wait3A_71 = tpu.memref_slice %arg18[%add3A_8, %dma_wait3A_70] : memref<10112x128xf32, #tpu.memory_space<vmem_shared>> -> memref<128x128xf32, #tpu.memory_space<vmem_shared>>
      tpu.wait_dma2 semaphore(%run_scoped3A_64 : memref<!tpu.dma_semaphore, #tpu.memory_space<semaphore_mem>>) src(%arg12 : memref<128x128xf32, #tpu.memory_space<vmem>>) dst(%dma_wait3A_71 : memref<128x128xf32, #tpu.memory_space<vmem_shared>>)
      tpu.yield
    }) : () -> ()
    %mul3A_9 = arith.constant 632 : i32
    %mul3A_10 = arith.muli %arg1, %mul3A_9 : i32
    %add3A_11 = arith.constant 128 : i32
    %add3A_12 = arith.addi %mul3A_10, %add3A_11 : i32
    "tpu.region"() ({
      %run_scoped3A_64 = tpu.sem_alloc : memref<!tpu.dma_semaphore, #tpu.memory_space<semaphore_mem>>
      %dma_start3A = arith.constant 0 : i32
      %dma_start3A_65 = tpu.memref_slice %arg18[%add3A_12, %dma_start3A] : memref<10112x128xf32, #tpu.memory_space<vmem_shared>> -> memref<128x128xf32, #tpu.memory_space<vmem_shared>>
      %dma_start3A_66 = arith.constant 0 : i32
      %dma_start3A_67 = tpu.memref_slice %arg18[%add3A_12, %dma_start3A_66] : memref<10112x128xf32, #tpu.memory_space<vmem_shared>> -> memref<128x128xf32, #tpu.memory_space<vmem_shared>>
      tpu.enqueue_dma source(%arg12 : memref<128x128xf32, #tpu.memory_space<vmem>>) target(%dma_start3A_67 : memref<128x128xf32, #tpu.memory_space<vmem_shared>>) target_semaphore(%run_scoped3A_64 : memref<!tpu.dma_semaphore, #tpu.memory_space<semaphore_mem>>)
      %dma_wait3A_68 = arith.constant 0 : i32
      %dma_wait3A_69 = tpu.memref_slice %arg18[%add3A_12, %dma_wait3A_68] : memref<10112x128xf32, #tpu.memory_space<vmem_shared>> -> memref<128x128xf32, #tpu.memory_space<vmem_shared>>
      %dma_wait3A_70 = arith.constant 0 : i32
      %dma_wait3A_71 = tpu.memref_slice %arg18[%add3A_12, %dma_wait3A_70] : memref<10112x128xf32, #tpu.memory_space<vmem_shared>> -> memref<128x128xf32, #tpu.memory_space<vmem_shared>>
      tpu.wait_dma2 semaphore(%run_scoped3A_64 : memref<!tpu.dma_semaphore, #tpu.memory_space<semaphore_mem>>) src(%arg12 : memref<128x128xf32, #tpu.memory_space<vmem>>) dst(%dma_wait3A_71 : memref<128x128xf32, #tpu.memory_space<vmem_shared>>)
      tpu.yield
    }) : () -> ()
    %mul3A_13 = arith.constant 632 : i32
    %mul3A_14 = arith.muli %arg1, %mul3A_13 : i32
    %add3A_15 = arith.constant 256 : i32
    %add3A_16 = arith.addi %mul3A_14, %add3A_15 : i32
    "tpu.region"() ({
      %run_scoped3A_64 = tpu.sem_alloc : memref<!tpu.dma_semaphore, #tpu.memory_space<semaphore_mem>>
      %dma_start3A = arith.constant 0 : i32
      %dma_start3A_65 = tpu.memref_slice %arg18[%add3A_16, %dma_start3A] : memref<10112x128xf32, #tpu.memory_space<vmem_shared>> -> memref<128x128xf32, #tpu.memory_space<vmem_shared>>
      %dma_start3A_66 = arith.constant 0 : i32
      %dma_start3A_67 = tpu.memref_slice %arg18[%add3A_16, %dma_start3A_66] : memref<10112x128xf32, #tpu.memory_space<vmem_shared>> -> memref<128x128xf32, #tpu.memory_space<vmem_shared>>
      tpu.enqueue_dma source(%arg12 : memref<128x128xf32, #tpu.memory_space<vmem>>) target(%dma_start3A_67 : memref<128x128xf32, #tpu.memory_space<vmem_shared>>) target_semaphore(%run_scoped3A_64 : memref<!tpu.dma_semaphore, #tpu.memory_space<semaphore_mem>>)
      %dma_wait3A_68 = arith.constant 0 : i32
      %dma_wait3A_69 = tpu.memref_slice %arg18[%add3A_16, %dma_wait3A_68] : memref<10112x128xf32, #tpu.memory_space<vmem_shared>> -> memref<128x128xf32, #tpu.memory_space<vmem_shared>>
      %dma_wait3A_70 = arith.constant 0 : i32
      %dma_wait3A_71 = tpu.memref_slice %arg18[%add3A_16, %dma_wait3A_70] : memref<10112x128xf32, #tpu.memory_space<vmem_shared>> -> memref<128x128xf32, #tpu.memory_space<vmem_shared>>
      tpu.wait_dma2 semaphore(%run_scoped3A_64 : memref<!tpu.dma_semaphore, #tpu.memory_space<semaphore_mem>>) src(%arg12 : memref<128x128xf32, #tpu.memory_space<vmem>>) dst(%dma_wait3A_71 : memref<128x128xf32, #tpu.memory_space<vmem_shared>>)
      tpu.yield
    }) : () -> ()
    %mul3A_17 = arith.constant 632 : i32
    %mul3A_18 = arith.muli %arg1, %mul3A_17 : i32
    %add3A_19 = arith.constant 384 : i32
    %add3A_20 = arith.addi %mul3A_18, %add3A_19 : i32
    "tpu.region"() ({
      %run_scoped3A_64 = tpu.sem_alloc : memref<!tpu.dma_semaphore, #tpu.memory_space<semaphore_mem>>
      %dma_start3A = arith.constant 0 : i32
      %dma_start3A_65 = tpu.memref_slice %arg18[%add3A_20, %dma_start3A] : memref<10112x128xf32, #tpu.memory_space<vmem_shared>> -> memref<128x128xf32, #tpu.memory_space<vmem_shared>>
      %dma_start3A_66 = arith.constant 0 : i32
      %dma_start3A_67 = tpu.memref_slice %arg18[%add3A_20, %dma_start3A_66] : memref<10112x128xf32, #tpu.memory_space<vmem_shared>> -> memref<128x128xf32, #tpu.memory_space<vmem_shared>>
      tpu.enqueue_dma source(%arg12 : memref<128x128xf32, #tpu.memory_space<vmem>>) target(%dma_start3A_67 : memref<128x128xf32, #tpu.memory_space<vmem_shared>>) target_semaphore(%run_scoped3A_64 : memref<!tpu.dma_semaphore, #tpu.memory_space<semaphore_mem>>)
      %dma_wait3A_68 = arith.constant 0 : i32
      %dma_wait3A_69 = tpu.memref_slice %arg18[%add3A_20, %dma_wait3A_68] : memref<10112x128xf32, #tpu.memory_space<vmem_shared>> -> memref<128x128xf32, #tpu.memory_space<vmem_shared>>
      %dma_wait3A_70 = arith.constant 0 : i32
      %dma_wait3A_71 = tpu.memref_slice %arg18[%add3A_20, %dma_wait3A_70] : memref<10112x128xf32, #tpu.memory_space<vmem_shared>> -> memref<128x128xf32, #tpu.memory_space<vmem_shared>>
      tpu.wait_dma2 semaphore(%run_scoped3A_64 : memref<!tpu.dma_semaphore, #tpu.memory_space<semaphore_mem>>) src(%arg12 : memref<128x128xf32, #tpu.memory_space<vmem>>) dst(%dma_wait3A_71 : memref<128x128xf32, #tpu.memory_space<vmem_shared>>)
      tpu.yield
    }) : () -> ()
    %mul3A_21 = arith.constant 632 : i32
    %mul3A_22 = arith.muli %arg1, %mul3A_21 : i32
    %add3A_23 = arith.constant 512 : i32
    %add3A_24 = arith.addi %mul3A_22, %add3A_23 : i32
    "tpu.region"() ({
      %run_scoped3A_64 = tpu.sem_alloc : memref<!tpu.dma_semaphore, #tpu.memory_space<semaphore_mem>>
      %dma_start3A = arith.constant 0 : i32
      %dma_start3A_65 = arith.constant 0 : i32
      %dma_start3A_66 = tpu.memref_slice %arg12[%dma_start3A, %dma_start3A_65] : memref<128x128xf32, #tpu.memory_space<vmem>> -> memref<120x128xf32, #tpu.memory_space<vmem>>
      %dma_start3A_67 = arith.constant 0 : i32
      %dma_start3A_68 = tpu.memref_slice %arg18[%add3A_24, %dma_start3A_67] : memref<10112x128xf32, #tpu.memory_space<vmem_shared>> -> memref<120x128xf32, #tpu.memory_space<vmem_shared>>
      %dma_start3A_69 = arith.constant 0 : i32
      %dma_start3A_70 = tpu.memref_slice %arg18[%add3A_24, %dma_start3A_69] : memref<10112x128xf32, #tpu.memory_space<vmem_shared>> -> memref<120x128xf32, #tpu.memory_space<vmem_shared>>
      %dma_start3A_71 = arith.constant 0 : i32
      %dma_start3A_72 = arith.constant 0 : i32
      %dma_start3A_73 = tpu.memref_slice %arg12[%dma_start3A_71, %dma_start3A_72] : memref<128x128xf32, #tpu.memory_space<vmem>> -> memref<120x128xf32, #tpu.memory_space<vmem>>
      tpu.enqueue_dma source(%dma_start3A_73 : memref<120x128xf32, #tpu.memory_space<vmem>>) target(%dma_start3A_70 : memref<120x128xf32, #tpu.memory_space<vmem_shared>>) target_semaphore(%run_scoped3A_64 : memref<!tpu.dma_semaphore, #tpu.memory_space<semaphore_mem>>)
      %dma_wait3A_74 = arith.constant 0 : i32
      %dma_wait3A_75 = arith.constant 0 : i32
      %dma_wait3A_76 = tpu.memref_slice %arg12[%dma_wait3A_74, %dma_wait3A_75] : memref<128x128xf32, #tpu.memory_space<vmem>> -> memref<120x128xf32, #tpu.memory_space<vmem>>
      %dma_wait3A_77 = arith.constant 0 : i32
      %dma_wait3A_78 = tpu.memref_slice %arg18[%add3A_24, %dma_wait3A_77] : memref<10112x128xf32, #tpu.memory_space<vmem_shared>> -> memref<120x128xf32, #tpu.memory_space<vmem_shared>>
      %dma_wait3A_79 = arith.constant 0 : i32
      %dma_wait3A_80 = tpu.memref_slice %arg18[%add3A_24, %dma_wait3A_79] : memref<10112x128xf32, #tpu.memory_space<vmem_shared>> -> memref<120x128xf32, #tpu.memory_space<vmem_shared>>
      %dma_wait3A_81 = arith.constant 0 : i32
      %dma_wait3A_82 = arith.constant 0 : i32
      %dma_wait3A_83 = tpu.memref_slice %arg12[%dma_wait3A_81, %dma_wait3A_82] : memref<128x128xf32, #tpu.memory_space<vmem>> -> memref<120x128xf32, #tpu.memory_space<vmem>>
      tpu.wait_dma2 semaphore(%run_scoped3A_64 : memref<!tpu.dma_semaphore, #tpu.memory_space<semaphore_mem>>) src(%dma_wait3A_83 : memref<120x128xf32, #tpu.memory_space<vmem>>) dst(%dma_wait3A_80 : memref<120x128xf32, #tpu.memory_space<vmem_shared>>)
      tpu.yield
    }) : () -> ()
    %barrier3A = arith.constant 0 : index
    tpu.barrier barrier_id(%barrier3A)
    %jit3A_25 = arith.constant 2 : i32
    %div3A = arith.divsi %select_n3A, %jit3A_25 : i32
    %sign3A = arith.constant 0 : i32
    %sign3A_26 = arith.cmpi sgt, %select_n3A, %sign3A : i32
    %sign3A_27 = arith.extui %sign3A_26 : i1 to i32
    %sign3A_28 = arith.constant 0 : i32
    %sign3A_29 = arith.cmpi slt, %select_n3A, %sign3A_28 : i32
    %sign3A_30 = arith.extui %sign3A_29 : i1 to i32
    %sign3A_31 = arith.subi %sign3A_27, %sign3A_30 : i32
    %sign3A_32 = arith.constant 0 : i32
    %sign3A_33 = arith.cmpi sgt, %jit3A_25, %sign3A_32 : i32
    %sign3A_34 = arith.extui %sign3A_33 : i1 to i32
    %sign3A_35 = arith.constant 0 : i32
    %sign3A_36 = arith.cmpi slt, %jit3A_25, %sign3A_35 : i32
    %sign3A_37 = arith.extui %sign3A_36 : i1 to i32
    %sign3A_38 = arith.subi %sign3A_34, %sign3A_37 : i32
    %ne3A = arith.cmpi ne, %sign3A_31, %sign3A_38 : i32
    %rem3A = arith.remsi %select_n3A, %jit3A_25 : i32
    %ne3A_39 = arith.constant 0 : i32
    %ne3A_40 = arith.cmpi ne, %rem3A, %ne3A_39 : i32
    %and3A = arith.andi %ne3A, %ne3A_40 : i1
    %sub3A = arith.constant 1 : i32
    %sub3A_41 = arith.subi %div3A, %sub3A : i32
    %select_n3A_42 = arith.select %and3A, %sub3A_41, %div3A : i32
    %run_scoped3A = arith.constant 0 : i32
    "tpu.region"() ({
      %run_scoped3A_64 = tpu.sem_alloc : memref<!tpu.dma_semaphore, #tpu.memory_space<semaphore_mem>>
      %dma_start3A = arith.constant 0 : i32
      %dma_start3A_65 = tpu.memref_slice %arg3[%arg0, %arg1, %run_scoped3A, %dma_start3A] : memref<2x16x96x128xi32, #tpu.memory_space<hbm>> -> memref<1x1x1x128xi32, #tpu.memory_space<hbm>>
      %dma_start3A_66 = tpu.memref_squeeze %dma_start3A_65 : memref<1x1x1x128xi32, #tpu.memory_space<hbm>> -> memref<128xi32, #tpu.memory_space<hbm>>
      %dma_start3A_67 = arith.constant 0 : i32
      %dma_start3A_68 = tpu.memref_slice %arg3[%arg0, %arg1, %run_scoped3A, %dma_start3A_67] : memref<2x16x96x128xi32, #tpu.memory_space<hbm>> -> memref<1x1x1x128xi32, #tpu.memory_space<hbm>>
      %dma_start3A_69 = tpu.memref_squeeze %dma_start3A_68 : memref<1x1x1x128xi32, #tpu.memory_space<hbm>> -> memref<128xi32, #tpu.memory_space<hbm>>
      tpu.enqueue_dma source(%dma_start3A_69 : memref<128xi32, #tpu.memory_space<hbm>>) target(%arg8 : memref<128xi32, #tpu.memory_space<vmem>>) target_semaphore(%run_scoped3A_64 : memref<!tpu.dma_semaphore, #tpu.memory_space<semaphore_mem>>)
      %dma_wait3A_70 = arith.constant 0 : i32
      %dma_wait3A_71 = tpu.memref_slice %arg3[%arg0, %arg1, %run_scoped3A, %dma_wait3A_70] : memref<2x16x96x128xi32, #tpu.memory_space<hbm>> -> memref<1x1x1x128xi32, #tpu.memory_space<hbm>>
      %dma_wait3A_72 = tpu.memref_squeeze %dma_wait3A_71 : memref<1x1x1x128xi32, #tpu.memory_space<hbm>> -> memref<128xi32, #tpu.memory_space<hbm>>
      %dma_wait3A_73 = arith.constant 0 : i32
      %dma_wait3A_74 = tpu.memref_slice %arg3[%arg0, %arg1, %run_scoped3A, %dma_wait3A_73] : memref<2x16x96x128xi32, #tpu.memory_space<hbm>> -> memref<1x1x1x128xi32, #tpu.memory_space<hbm>>
      %dma_wait3A_75 = tpu.memref_squeeze %dma_wait3A_74 : memref<1x1x1x128xi32, #tpu.memory_space<hbm>> -> memref<128xi32, #tpu.memory_space<hbm>>
      tpu.wait_dma2 semaphore(%run_scoped3A_64 : memref<!tpu.dma_semaphore, #tpu.memory_space<semaphore_mem>>) src(%dma_wait3A_75 : memref<128xi32, #tpu.memory_space<hbm>>) dst(%arg8 : memref<128xi32, #tpu.memory_space<vmem>>)
      tpu.yield
    }) : () -> ()
    %run_scoped3A_43 = arith.constant 1 : i32
    "tpu.region"() ({
      %run_scoped3A_64 = tpu.sem_alloc : memref<!tpu.dma_semaphore, #tpu.memory_space<semaphore_mem>>
      %dma_start3A = arith.constant 0 : i32
      %dma_start3A_65 = tpu.memref_slice %arg3[%arg0, %arg1, %run_scoped3A_43, %dma_start3A] : memref<2x16x96x128xi32, #tpu.memory_space<hbm>> -> memref<1x1x1x128xi32, #tpu.memory_space<hbm>>
      %dma_start3A_66 = tpu.memref_squeeze %dma_start3A_65 : memref<1x1x1x128xi32, #tpu.memory_space<hbm>> -> memref<128xi32, #tpu.memory_space<hbm>>
      %dma_start3A_67 = arith.constant 0 : i32
      %dma_start3A_68 = tpu.memref_slice %arg3[%arg0, %arg1, %run_scoped3A_43, %dma_start3A_67] : memref<2x16x96x128xi32, #tpu.memory_space<hbm>> -> memref<1x1x1x128xi32, #tpu.memory_space<hbm>>
      %dma_start3A_69 = tpu.memref_squeeze %dma_start3A_68 : memref<1x1x1x128xi32, #tpu.memory_space<hbm>> -> memref<128xi32, #tpu.memory_space<hbm>>
      tpu.enqueue_dma source(%dma_start3A_69 : memref<128xi32, #tpu.memory_space<hbm>>) target(%arg9 : memref<128xi32, #tpu.memory_space<vmem>>) target_semaphore(%run_scoped3A_64 : memref<!tpu.dma_semaphore, #tpu.memory_space<semaphore_mem>>)
      %dma_wait3A_70 = arith.constant 0 : i32
      %dma_wait3A_71 = tpu.memref_slice %arg3[%arg0, %arg1, %run_scoped3A_43, %dma_wait3A_70] : memref<2x16x96x128xi32, #tpu.memory_space<hbm>> -> memref<1x1x1x128xi32, #tpu.memory_space<hbm>>
      %dma_wait3A_72 = tpu.memref_squeeze %dma_wait3A_71 : memref<1x1x1x128xi32, #tpu.memory_space<hbm>> -> memref<128xi32, #tpu.memory_space<hbm>>
      %dma_wait3A_73 = arith.constant 0 : i32
      %dma_wait3A_74 = tpu.memref_slice %arg3[%arg0, %arg1, %run_scoped3A_43, %dma_wait3A_73] : memref<2x16x96x128xi32, #tpu.memory_space<hbm>> -> memref<1x1x1x128xi32, #tpu.memory_space<hbm>>
      %dma_wait3A_75 = tpu.memref_squeeze %dma_wait3A_74 : memref<1x1x1x128xi32, #tpu.memory_space<hbm>> -> memref<128xi32, #tpu.memory_space<hbm>>
      tpu.wait_dma2 semaphore(%run_scoped3A_64 : memref<!tpu.dma_semaphore, #tpu.memory_space<semaphore_mem>>) src(%dma_wait3A_75 : memref<128xi32, #tpu.memory_space<hbm>>) dst(%arg9 : memref<128xi32, #tpu.memory_space<vmem>>)
      tpu.yield
    }) : () -> ()
    %run_scoped3A_44 = arith.constant 0 : i32
    "tpu.region"() ({
      %run_scoped3A_64 = tpu.sem_alloc : memref<!tpu.dma_semaphore, #tpu.memory_space<semaphore_mem>>
      %dma_start3A = arith.constant 0 : i32
      %dma_start3A_65 = tpu.memref_slice %arg4[%arg0, %arg1, %run_scoped3A_44, %dma_start3A] : memref<2x16x96x128xi32, #tpu.memory_space<hbm>> -> memref<1x1x1x128xi32, #tpu.memory_space<hbm>>
      %dma_start3A_66 = tpu.memref_squeeze %dma_start3A_65 : memref<1x1x1x128xi32, #tpu.memory_space<hbm>> -> memref<128xi32, #tpu.memory_space<hbm>>
      %dma_start3A_67 = arith.constant 0 : i32
      %dma_start3A_68 = tpu.memref_slice %arg4[%arg0, %arg1, %run_scoped3A_44, %dma_start3A_67] : memref<2x16x96x128xi32, #tpu.memory_space<hbm>> -> memref<1x1x1x128xi32, #tpu.memory_space<hbm>>
      %dma_start3A_69 = tpu.memref_squeeze %dma_start3A_68 : memref<1x1x1x128xi32, #tpu.memory_space<hbm>> -> memref<128xi32, #tpu.memory_space<hbm>>
      tpu.enqueue_dma source(%dma_start3A_69 : memref<128xi32, #tpu.memory_space<hbm>>) target(%arg10 : memref<128xi32, #tpu.memory_space<vmem>>) target_semaphore(%run_scoped3A_64 : memref<!tpu.dma_semaphore, #tpu.memory_space<semaphore_mem>>)
      %dma_wait3A_70 = arith.constant 0 : i32
      %dma_wait3A_71 = tpu.memref_slice %arg4[%arg0, %arg1, %run_scoped3A_44, %dma_wait3A_70] : memref<2x16x96x128xi32, #tpu.memory_space<hbm>> -> memref<1x1x1x128xi32, #tpu.memory_space<hbm>>
      %dma_wait3A_72 = tpu.memref_squeeze %dma_wait3A_71 : memref<1x1x1x128xi32, #tpu.memory_space<hbm>> -> memref<128xi32, #tpu.memory_space<hbm>>
      %dma_wait3A_73 = arith.constant 0 : i32
      %dma_wait3A_74 = tpu.memref_slice %arg4[%arg0, %arg1, %run_scoped3A_44, %dma_wait3A_73] : memref<2x16x96x128xi32, #tpu.memory_space<hbm>> -> memref<1x1x1x128xi32, #tpu.memory_space<hbm>>
      %dma_wait3A_75 = tpu.memref_squeeze %dma_wait3A_74 : memref<1x1x1x128xi32, #tpu.memory_space<hbm>> -> memref<128xi32, #tpu.memory_space<hbm>>
      tpu.wait_dma2 semaphore(%run_scoped3A_64 : memref<!tpu.dma_semaphore, #tpu.memory_space<semaphore_mem>>) src(%dma_wait3A_75 : memref<128xi32, #tpu.memory_space<hbm>>) dst(%arg10 : memref<128xi32, #tpu.memory_space<vmem>>)
      tpu.yield
    }) : () -> ()
    %run_scoped3A_45 = arith.constant 1 : i32
    "tpu.region"() ({
      %run_scoped3A_64 = tpu.sem_alloc : memref<!tpu.dma_semaphore, #tpu.memory_space<semaphore_mem>>
      %dma_start3A = arith.constant 0 : i32
      %dma_start3A_65 = tpu.memref_slice %arg4[%arg0, %arg1, %run_scoped3A_45, %dma_start3A] : memref<2x16x96x128xi32, #tpu.memory_space<hbm>> -> memref<1x1x1x128xi32, #tpu.memory_space<hbm>>
      %dma_start3A_66 = tpu.memref_squeeze %dma_start3A_65 : memref<1x1x1x128xi32, #tpu.memory_space<hbm>> -> memref<128xi32, #tpu.memory_space<hbm>>
      %dma_start3A_67 = arith.constant 0 : i32
      %dma_start3A_68 = tpu.memref_slice %arg4[%arg0, %arg1, %run_scoped3A_45, %dma_start3A_67] : memref<2x16x96x128xi32, #tpu.memory_space<hbm>> -> memref<1x1x1x128xi32, #tpu.memory_space<hbm>>
      %dma_start3A_69 = tpu.memref_squeeze %dma_start3A_68 : memref<1x1x1x128xi32, #tpu.memory_space<hbm>> -> memref<128xi32, #tpu.memory_space<hbm>>
      tpu.enqueue_dma source(%dma_start3A_69 : memref<128xi32, #tpu.memory_space<hbm>>) target(%arg11 : memref<128xi32, #tpu.memory_space<vmem>>) target_semaphore(%run_scoped3A_64 : memref<!tpu.dma_semaphore, #tpu.memory_space<semaphore_mem>>)
      %dma_wait3A_70 = arith.constant 0 : i32
      %dma_wait3A_71 = tpu.memref_slice %arg4[%arg0, %arg1, %run_scoped3A_45, %dma_wait3A_70] : memref<2x16x96x128xi32, #tpu.memory_space<hbm>> -> memref<1x1x1x128xi32, #tpu.memory_space<hbm>>
      %dma_wait3A_72 = tpu.memref_squeeze %dma_wait3A_71 : memref<1x1x1x128xi32, #tpu.memory_space<hbm>> -> memref<128xi32, #tpu.memory_space<hbm>>
      %dma_wait3A_73 = arith.constant 0 : i32
      %dma_wait3A_74 = tpu.memref_slice %arg4[%arg0, %arg1, %run_scoped3A_45, %dma_wait3A_73] : memref<2x16x96x128xi32, #tpu.memory_space<hbm>> -> memref<1x1x1x128xi32, #tpu.memory_space<hbm>>
      %dma_wait3A_75 = tpu.memref_squeeze %dma_wait3A_74 : memref<1x1x1x128xi32, #tpu.memory_space<hbm>> -> memref<128xi32, #tpu.memory_space<hbm>>
      tpu.wait_dma2 semaphore(%run_scoped3A_64 : memref<!tpu.dma_semaphore, #tpu.memory_space<semaphore_mem>>) src(%dma_wait3A_75 : memref<128xi32, #tpu.memory_space<hbm>>) dst(%arg11 : memref<128xi32, #tpu.memory_space<vmem>>)
      tpu.yield
    }) : () -> ()
    %while3A = arith.constant 0 : i32
    %while3A_46 = arith.subi %select_n3A_42, %while3A : i32
    %while3A_47 = arith.addi %while3A, %while3A_46 : i32
    %while3A_48 = arith.constant 1 : i32
    %while3A_49 = arith.divsi %while3A_46, %while3A_48 : i32
    %while3A_50 = arith.muli %while3A_49, %while3A_48 : i32
    %while3A_51 = arith.addi %while3A, %while3A_50 : i32
    %while3A_52 = arith.constant 1 : i32
    scf.for %while3A_64 = %while3A to %while3A_51 step %while3A_52  : i32 {
      %mul3A_65 = arith.constant 2 : i32
      %mul3A_66 = arith.muli %mul3A_65, %while3A_64 : i32
      %add3A_67 = arith.constant 1 : i32
      %add3A_68 = arith.addi %mul3A_66, %add3A_67 : i32
      %gt3A = arith.constant 0 : i32
      %gt3A_69 = arith.cmpi sgt, %while3A_64, %gt3A : i32
      %convert_element_type3A = arith.extui %gt3A_69 : i1 to i32
      %cond3A = arith.constant 0 : i32
      %cond3A_70 = arith.cmpi ne, %convert_element_type3A, %cond3A : i32
      scf.if %cond3A_70 {
        %dma_wait3A_203 = arith.constant 0 : i32
        %dma_wait3A_204 = tpu.memref_slice %arg3[%arg0, %arg1, %mul3A_66, %dma_wait3A_203] : memref<2x16x96x128xi32, #tpu.memory_space<hbm>> -> memref<1x1x1x128xi32, #tpu.memory_space<hbm>>
        %dma_wait3A_205 = tpu.memref_squeeze %dma_wait3A_204 : memref<1x1x1x128xi32, #tpu.memory_space<hbm>> -> memref<128xi32, #tpu.memory_space<hbm>>
        %dma_wait3A_206 = arith.constant 0 : i32
        %dma_wait3A_207 = tpu.memref_slice %arg3[%arg0, %arg1, %mul3A_66, %dma_wait3A_206] : memref<2x16x96x128xi32, #tpu.memory_space<hbm>> -> memref<1x1x1x128xi32, #tpu.memory_space<hbm>>
        %dma_wait3A_208 = tpu.memref_squeeze %dma_wait3A_207 : memref<1x1x1x128xi32, #tpu.memory_space<hbm>> -> memref<128xi32, #tpu.memory_space<hbm>>
        tpu.wait_dma2 semaphore(%arg15 : memref<!tpu.dma_semaphore, #tpu.memory_space<semaphore_mem>>) src(%dma_wait3A_208 : memref<128xi32, #tpu.memory_space<hbm>>) dst(%arg8 : memref<128xi32, #tpu.memory_space<vmem>>)
        %dma_wait3A_209 = arith.constant 0 : i32
        %dma_wait3A_210 = tpu.memref_slice %arg3[%arg0, %arg1, %add3A_68, %dma_wait3A_209] : memref<2x16x96x128xi32, #tpu.memory_space<hbm>> -> memref<1x1x1x128xi32, #tpu.memory_space<hbm>>
        %dma_wait3A_211 = tpu.memref_squeeze %dma_wait3A_210 : memref<1x1x1x128xi32, #tpu.memory_space<hbm>> -> memref<128xi32, #tpu.memory_space<hbm>>
        %dma_wait3A_212 = arith.constant 0 : i32
        %dma_wait3A_213 = tpu.memref_slice %arg3[%arg0, %arg1, %add3A_68, %dma_wait3A_212] : memref<2x16x96x128xi32, #tpu.memory_space<hbm>> -> memref<1x1x1x128xi32, #tpu.memory_space<hbm>>
        %dma_wait3A_214 = tpu.memref_squeeze %dma_wait3A_213 : memref<1x1x1x128xi32, #tpu.memory_space<hbm>> -> memref<128xi32, #tpu.memory_space<hbm>>
        tpu.wait_dma2 semaphore(%arg15 : memref<!tpu.dma_semaphore, #tpu.memory_space<semaphore_mem>>) src(%dma_wait3A_214 : memref<128xi32, #tpu.memory_space<hbm>>) dst(%arg9 : memref<128xi32, #tpu.memory_space<vmem>>)
        %dma_wait3A_215 = arith.constant 0 : i32
        %dma_wait3A_216 = tpu.memref_slice %arg4[%arg0, %arg1, %mul3A_66, %dma_wait3A_215] : memref<2x16x96x128xi32, #tpu.memory_space<hbm>> -> memref<1x1x1x128xi32, #tpu.memory_space<hbm>>
        %dma_wait3A_217 = tpu.memref_squeeze %dma_wait3A_216 : memref<1x1x1x128xi32, #tpu.memory_space<hbm>> -> memref<128xi32, #tpu.memory_space<hbm>>
        %dma_wait3A_218 = arith.constant 0 : i32
        %dma_wait3A_219 = tpu.memref_slice %arg4[%arg0, %arg1, %mul3A_66, %dma_wait3A_218] : memref<2x16x96x128xi32, #tpu.memory_space<hbm>> -> memref<1x1x1x128xi32, #tpu.memory_space<hbm>>
        %dma_wait3A_220 = tpu.memref_squeeze %dma_wait3A_219 : memref<1x1x1x128xi32, #tpu.memory_space<hbm>> -> memref<128xi32, #tpu.memory_space<hbm>>
        tpu.wait_dma2 semaphore(%arg15 : memref<!tpu.dma_semaphore, #tpu.memory_space<semaphore_mem>>) src(%dma_wait3A_220 : memref<128xi32, #tpu.memory_space<hbm>>) dst(%arg10 : memref<128xi32, #tpu.memory_space<vmem>>)
        %dma_wait3A_221 = arith.constant 0 : i32
        %dma_wait3A_222 = tpu.memref_slice %arg4[%arg0, %arg1, %add3A_68, %dma_wait3A_221] : memref<2x16x96x128xi32, #tpu.memory_space<hbm>> -> memref<1x1x1x128xi32, #tpu.memory_space<hbm>>
        %dma_wait3A_223 = tpu.memref_squeeze %dma_wait3A_222 : memref<1x1x1x128xi32, #tpu.memory_space<hbm>> -> memref<128xi32, #tpu.memory_space<hbm>>
        %dma_wait3A_224 = arith.constant 0 : i32
        %dma_wait3A_225 = tpu.memref_slice %arg4[%arg0, %arg1, %add3A_68, %dma_wait3A_224] : memref<2x16x96x128xi32, #tpu.memory_space<hbm>> -> memref<1x1x1x128xi32, #tpu.memory_space<hbm>>
        %dma_wait3A_226 = tpu.memref_squeeze %dma_wait3A_225 : memref<1x1x1x128xi32, #tpu.memory_space<hbm>> -> memref<128xi32, #tpu.memory_space<hbm>>
        tpu.wait_dma2 semaphore(%arg15 : memref<!tpu.dma_semaphore, #tpu.memory_space<semaphore_mem>>) src(%dma_wait3A_226 : memref<128xi32, #tpu.memory_space<hbm>>) dst(%arg11 : memref<128xi32, #tpu.memory_space<vmem>>)
        %dma_wait3A_227 = arith.constant 0 : i32
        %dma_wait3A_228 = arith.constant 0 : i32
        %dma_wait3A_229 = tpu.memref_slice %arg18[%dma_wait3A_227, %dma_wait3A_228] : memref<10112x128xf32, #tpu.memory_space<vmem_shared>> -> memref<10112x128xf32, #tpu.memory_space<vmem_shared>>
        tpu.wait_indirect_dma semaphore(%arg16 : memref<!tpu.dma_semaphore, #tpu.memory_space<semaphore_mem>>) src(%arg12 : memref<128x128xf32, #tpu.memory_space<vmem>>) dst(%dma_wait3A_229 : memref<10112x128xf32, #tpu.memory_space<vmem_shared>>)
        %dma_wait3A_230 = arith.constant 0 : i32
        %dma_wait3A_231 = arith.constant 0 : i32
        %dma_wait3A_232 = tpu.memref_slice %arg18[%dma_wait3A_230, %dma_wait3A_231] : memref<10112x128xf32, #tpu.memory_space<vmem_shared>> -> memref<10112x128xf32, #tpu.memory_space<vmem_shared>>
        tpu.wait_indirect_dma semaphore(%arg17 : memref<!tpu.dma_semaphore, #tpu.memory_space<semaphore_mem>>) src(%arg13 : memref<128x128xf32, #tpu.memory_space<vmem>>) dst(%dma_wait3A_232 : memref<10112x128xf32, #tpu.memory_space<vmem_shared>>)
      } else {
      }
      %dma_start3A = arith.constant 0 : i32
      %dma_start3A_71 = arith.constant 0 : i32
      %dma_start3A_72 = tpu.memref_slice %arg2[%dma_start3A, %dma_start3A_71] : memref<10000x128xf32, #tpu.memory_space<hbm>> -> memref<10000x128xf32, #tpu.memory_space<hbm>>
      tpu.enqueue_indirect_dma source(%dma_start3A_72 : memref<10000x128xf32, #tpu.memory_space<hbm>>) target(%arg12 : memref<128x128xf32, #tpu.memory_space<vmem>>) offsets(%arg8 : memref<128xi32, #tpu.memory_space<vmem>>) semaphore(%arg14 : memref<!tpu.dma_semaphore, #tpu.memory_space<semaphore_mem>>)
      %dma_start3A_73 = arith.constant 0 : i32
      %dma_start3A_74 = arith.constant 0 : i32
      %dma_start3A_75 = tpu.memref_slice %arg2[%dma_start3A_73, %dma_start3A_74] : memref<10000x128xf32, #tpu.memory_space<hbm>> -> memref<10000x128xf32, #tpu.memory_space<hbm>>
      tpu.enqueue_indirect_dma source(%dma_start3A_75 : memref<10000x128xf32, #tpu.memory_space<hbm>>) target(%arg13 : memref<128x128xf32, #tpu.memory_space<vmem>>) offsets(%arg9 : memref<128xi32, #tpu.memory_space<vmem>>) semaphore(%arg14 : memref<!tpu.dma_semaphore, #tpu.memory_space<semaphore_mem>>)
      %dma_wait3A_76 = arith.constant 0 : i32
      %dma_wait3A_77 = arith.constant 0 : i32
      %dma_wait3A_78 = tpu.memref_slice %arg2[%dma_wait3A_76, %dma_wait3A_77] : memref<10000x128xf32, #tpu.memory_space<hbm>> -> memref<10000x128xf32, #tpu.memory_space<hbm>>
      tpu.wait_indirect_dma semaphore(%arg14 : memref<!tpu.dma_semaphore, #tpu.memory_space<semaphore_mem>>) src(%dma_wait3A_78 : memref<10000x128xf32, #tpu.memory_space<hbm>>) dst(%arg12 : memref<128x128xf32, #tpu.memory_space<vmem>>)
      %dma_wait3A_79 = arith.constant 0 : i32
      %dma_wait3A_80 = arith.constant 0 : i32
      %dma_wait3A_81 = tpu.memref_slice %arg2[%dma_wait3A_79, %dma_wait3A_80] : memref<10000x128xf32, #tpu.memory_space<hbm>> -> memref<10000x128xf32, #tpu.memory_space<hbm>>
      tpu.wait_indirect_dma semaphore(%arg14 : memref<!tpu.dma_semaphore, #tpu.memory_space<semaphore_mem>>) src(%dma_wait3A_81 : memref<10000x128xf32, #tpu.memory_space<hbm>>) dst(%arg13 : memref<128x128xf32, #tpu.memory_space<vmem>>)
      %get3A = arith.constant 0 : index
      %get3A_82 = tpu.vector_load %arg10[%get3A] {strides = array<i32>} : memref<128xi32, #tpu.memory_space<vmem>>, vector<16xi32>,
      %get3A_83 = vector.shape_cast %get3A_82 : vector<16xi32> to vector<16xi32>
      %swap3A = arith.constant 0 : index
      %swap3A_84 = tpu.vector_load %arg6[%swap3A] {strides = array<i32>} : memref<128xi32, #tpu.memory_space<vmem>>, vector<16xi32>,
      %swap3A_85 = vector.shape_cast %swap3A_84 : vector<16xi32> to vector<16xi32>
      %swap3A_86 = vector.shape_cast %get3A_83 : vector<16xi32> to vector<16xi32>
      tpu.vector_store %arg6[%swap3A], %swap3A_86 {strides = array<i32>} : memref<128xi32, #tpu.memory_space<vmem>>, vector<16xi32>,
      %get3A_87 = arith.constant 16 : index
      %get3A_88 = tpu.vector_load %arg10[%get3A_87] {strides = array<i32>} : memref<128xi32, #tpu.memory_space<vmem>>, vector<16xi32>,
      %get3A_89 = vector.shape_cast %get3A_88 : vector<16xi32> to vector<16xi32>
      %swap3A_90 = arith.constant 16 : index
      %swap3A_91 = tpu.vector_load %arg6[%swap3A_90] {strides = array<i32>} : memref<128xi32, #tpu.memory_space<vmem>>, vector<16xi32>,
      %swap3A_92 = vector.shape_cast %swap3A_91 : vector<16xi32> to vector<16xi32>
      %swap3A_93 = vector.shape_cast %get3A_89 : vector<16xi32> to vector<16xi32>
      tpu.vector_store %arg6[%swap3A_90], %swap3A_93 {strides = array<i32>} : memref<128xi32, #tpu.memory_space<vmem>>, vector<16xi32>,
      %get3A_94 = arith.constant 32 : index
      %get3A_95 = tpu.vector_load %arg10[%get3A_94] {strides = array<i32>} : memref<128xi32, #tpu.memory_space<vmem>>, vector<16xi32>,
      %get3A_96 = vector.shape_cast %get3A_95 : vector<16xi32> to vector<16xi32>
      %swap3A_97 = arith.constant 32 : index
      %swap3A_98 = tpu.vector_load %arg6[%swap3A_97] {strides = array<i32>} : memref<128xi32, #tpu.memory_space<vmem>>, vector<16xi32>,
      %swap3A_99 = vector.shape_cast %swap3A_98 : vector<16xi32> to vector<16xi32>
      %swap3A_100 = vector.shape_cast %get3A_96 : vector<16xi32> to vector<16xi32>
      tpu.vector_store %arg6[%swap3A_97], %swap3A_100 {strides = array<i32>} : memref<128xi32, #tpu.memory_space<vmem>>, vector<16xi32>,
      %get3A_101 = arith.constant 48 : index
      %get3A_102 = tpu.vector_load %arg10[%get3A_101] {strides = array<i32>} : memref<128xi32, #tpu.memory_space<vmem>>, vector<16xi32>,
      %get3A_103 = vector.shape_cast %get3A_102 : vector<16xi32> to vector<16xi32>
      %swap3A_104 = arith.constant 48 : index
      %swap3A_105 = tpu.vector_load %arg6[%swap3A_104] {strides = array<i32>} : memref<128xi32, #tpu.memory_space<vmem>>, vector<16xi32>,
      %swap3A_106 = vector.shape_cast %swap3A_105 : vector<16xi32> to vector<16xi32>
      %swap3A_107 = vector.shape_cast %get3A_103 : vector<16xi32> to vector<16xi32>
      tpu.vector_store %arg6[%swap3A_104], %swap3A_107 {strides = array<i32>} : memref<128xi32, #tpu.memory_space<vmem>>, vector<16xi32>,
      %get3A_108 = arith.constant 64 : index
      %get3A_109 = tpu.vector_load %arg10[%get3A_108] {strides = array<i32>} : memref<128xi32, #tpu.memory_space<vmem>>, vector<16xi32>,
      %get3A_110 = vector.shape_cast %get3A_109 : vector<16xi32> to vector<16xi32>
      %swap3A_111 = arith.constant 64 : index
      %swap3A_112 = tpu.vector_load %arg6[%swap3A_111] {strides = array<i32>} : memref<128xi32, #tpu.memory_space<vmem>>, vector<16xi32>,
      %swap3A_113 = vector.shape_cast %swap3A_112 : vector<16xi32> to vector<16xi32>
      %swap3A_114 = vector.shape_cast %get3A_110 : vector<16xi32> to vector<16xi32>
      tpu.vector_store %arg6[%swap3A_111], %swap3A_114 {strides = array<i32>} : memref<128xi32, #tpu.memory_space<vmem>>, vector<16xi32>,
      %get3A_115 = arith.constant 80 : index
      %get3A_116 = tpu.vector_load %arg10[%get3A_115] {strides = array<i32>} : memref<128xi32, #tpu.memory_space<vmem>>, vector<16xi32>,
      %get3A_117 = vector.shape_cast %get3A_116 : vector<16xi32> to vector<16xi32>
      %swap3A_118 = arith.constant 80 : index
      %swap3A_119 = tpu.vector_load %arg6[%swap3A_118] {strides = array<i32>} : memref<128xi32, #tpu.memory_space<vmem>>, vector<16xi32>,
      %swap3A_120 = vector.shape_cast %swap3A_119 : vector<16xi32> to vector<16xi32>
      %swap3A_121 = vector.shape_cast %get3A_117 : vector<16xi32> to vector<16xi32>
      tpu.vector_store %arg6[%swap3A_118], %swap3A_121 {strides = array<i32>} : memref<128xi32, #tpu.memory_space<vmem>>, vector<16xi32>,
      %get3A_122 = arith.constant 96 : index
      %get3A_123 = tpu.vector_load %arg10[%get3A_122] {strides = array<i32>} : memref<128xi32, #tpu.memory_space<vmem>>, vector<16xi32>,
      %get3A_124 = vector.shape_cast %get3A_123 : vector<16xi32> to vector<16xi32>
      %swap3A_125 = arith.constant 96 : index
      %swap3A_126 = tpu.vector_load %arg6[%swap3A_125] {strides = array<i32>} : memref<128xi32, #tpu.memory_space<vmem>>, vector<16xi32>,
      %swap3A_127 = vector.shape_cast %swap3A_126 : vector<16xi32> to vector<16xi32>
      %swap3A_128 = vector.shape_cast %get3A_124 : vector<16xi32> to vector<16xi32>
      tpu.vector_store %arg6[%swap3A_125], %swap3A_128 {strides = array<i32>} : memref<128xi32, #tpu.memory_space<vmem>>, vector<16xi32>,
      %get3A_129 = arith.constant 112 : index
      %get3A_130 = tpu.vector_load %arg10[%get3A_129] {strides = array<i32>} : memref<128xi32, #tpu.memory_space<vmem>>, vector<16xi32>,
      %get3A_131 = vector.shape_cast %get3A_130 : vector<16xi32> to vector<16xi32>
      %swap3A_132 = arith.constant 112 : index
      %swap3A_133 = tpu.vector_load %arg6[%swap3A_132] {strides = array<i32>} : memref<128xi32, #tpu.memory_space<vmem>>, vector<16xi32>,
      %swap3A_134 = vector.shape_cast %swap3A_133 : vector<16xi32> to vector<16xi32>
      %swap3A_135 = vector.shape_cast %get3A_131 : vector<16xi32> to vector<16xi32>
      tpu.vector_store %arg6[%swap3A_132], %swap3A_135 {strides = array<i32>} : memref<128xi32, #tpu.memory_space<vmem>>, vector<16xi32>,
      %get3A_136 = arith.constant 0 : index
      %get3A_137 = tpu.vector_load %arg11[%get3A_136] {strides = array<i32>} : memref<128xi32, #tpu.memory_space<vmem>>, vector<16xi32>,
      %get3A_138 = vector.shape_cast %get3A_137 : vector<16xi32> to vector<16xi32>
      %swap3A_139 = arith.constant 0 : index
      %swap3A_140 = tpu.vector_load %arg7[%swap3A_139] {strides = array<i32>} : memref<128xi32, #tpu.memory_space<vmem>>, vector<16xi32>,
      %swap3A_141 = vector.shape_cast %swap3A_140 : vector<16xi32> to vector<16xi32>
      %swap3A_142 = vector.shape_cast %get3A_138 : vector<16xi32> to vector<16xi32>
      tpu.vector_store %arg7[%swap3A_139], %swap3A_142 {strides = array<i32>} : memref<128xi32, #tpu.memory_space<vmem>>, vector<16xi32>,
      %get3A_143 = arith.constant 16 : index
      %get3A_144 = tpu.vector_load %arg11[%get3A_143] {strides = array<i32>} : memref<128xi32, #tpu.memory_space<vmem>>, vector<16xi32>,
      %get3A_145 = vector.shape_cast %get3A_144 : vector<16xi32> to vector<16xi32>
      %swap3A_146 = arith.constant 16 : index
      %swap3A_147 = tpu.vector_load %arg7[%swap3A_146] {strides = array<i32>} : memref<128xi32, #tpu.memory_space<vmem>>, vector<16xi32>,
      %swap3A_148 = vector.shape_cast %swap3A_147 : vector<16xi32> to vector<16xi32>
      %swap3A_149 = vector.shape_cast %get3A_145 : vector<16xi32> to vector<16xi32>
      tpu.vector_store %arg7[%swap3A_146], %swap3A_149 {strides = array<i32>} : memref<128xi32, #tpu.memory_space<vmem>>, vector<16xi32>,
      %get3A_150 = arith.constant 32 : index
      %get3A_151 = tpu.vector_load %arg11[%get3A_150] {strides = array<i32>} : memref<128xi32, #tpu.memory_space<vmem>>, vector<16xi32>,
      %get3A_152 = vector.shape_cast %get3A_151 : vector<16xi32> to vector<16xi32>
      %swap3A_153 = arith.constant 32 : index
      %swap3A_154 = tpu.vector_load %arg7[%swap3A_153] {strides = array<i32>} : memref<128xi32, #tpu.memory_space<vmem>>, vector<16xi32>,
      %swap3A_155 = vector.shape_cast %swap3A_154 : vector<16xi32> to vector<16xi32>
      %swap3A_156 = vector.shape_cast %get3A_152 : vector<16xi32> to vector<16xi32>
      tpu.vector_store %arg7[%swap3A_153], %swap3A_156 {strides = array<i32>} : memref<128xi32, #tpu.memory_space<vmem>>, vector<16xi32>,
      %get3A_157 = arith.constant 48 : index
      %get3A_158 = tpu.vector_load %arg11[%get3A_157] {strides = array<i32>} : memref<128xi32, #tpu.memory_space<vmem>>, vector<16xi32>,
      %get3A_159 = vector.shape_cast %get3A_158 : vector<16xi32> to vector<16xi32>
      %swap3A_160 = arith.constant 48 : index
      %swap3A_161 = tpu.vector_load %arg7[%swap3A_160] {strides = array<i32>} : memref<128xi32, #tpu.memory_space<vmem>>, vector<16xi32>,
      %swap3A_162 = vector.shape_cast %swap3A_161 : vector<16xi32> to vector<16xi32>
      %swap3A_163 = vector.shape_cast %get3A_159 : vector<16xi32> to vector<16xi32>
      tpu.vector_store %arg7[%swap3A_160], %swap3A_163 {strides = array<i32>} : memref<128xi32, #tpu.memory_space<vmem>>, vector<16xi32>,
      %get3A_164 = arith.constant 64 : index
      %get3A_165 = tpu.vector_load %arg11[%get3A_164] {strides = array<i32>} : memref<128xi32, #tpu.memory_space<vmem>>, vector<16xi32>,
      %get3A_166 = vector.shape_cast %get3A_165 : vector<16xi32> to vector<16xi32>
      %swap3A_167 = arith.constant 64 : index
      %swap3A_168 = tpu.vector_load %arg7[%swap3A_167] {strides = array<i32>} : memref<128xi32, #tpu.memory_space<vmem>>, vector<16xi32>,
      %swap3A_169 = vector.shape_cast %swap3A_168 : vector<16xi32> to vector<16xi32>
      %swap3A_170 = vector.shape_cast %get3A_166 : vector<16xi32> to vector<16xi32>
      tpu.vector_store %arg7[%swap3A_167], %swap3A_170 {strides = array<i32>} : memref<128xi32, #tpu.memory_space<vmem>>, vector<16xi32>,
      %get3A_171 = arith.constant 80 : index
      %get3A_172 = tpu.vector_load %arg11[%get3A_171] {strides = array<i32>} : memref<128xi32, #tpu.memory_space<vmem>>, vector<16xi32>,
      %get3A_173 = vector.shape_cast %get3A_172 : vector<16xi32> to vector<16xi32>
      %swap3A_174 = arith.constant 80 : index
      %swap3A_175 = tpu.vector_load %arg7[%swap3A_174] {strides = array<i32>} : memref<128xi32, #tpu.memory_space<vmem>>, vector<16xi32>,
      %swap3A_176 = vector.shape_cast %swap3A_175 : vector<16xi32> to vector<16xi32>
      %swap3A_177 = vector.shape_cast %get3A_173 : vector<16xi32> to vector<16xi32>
      tpu.vector_store %arg7[%swap3A_174], %swap3A_177 {strides = array<i32>} : memref<128xi32, #tpu.memory_space<vmem>>, vector<16xi32>,
      %get3A_178 = arith.constant 96 : index
      %get3A_179 = tpu.vector_load %arg11[%get3A_178] {strides = array<i32>} : memref<128xi32, #tpu.memory_space<vmem>>, vector<16xi32>,
      %get3A_180 = vector.shape_cast %get3A_179 : vector<16xi32> to vector<16xi32>
      %swap3A_181 = arith.constant 96 : index
      %swap3A_182 = tpu.vector_load %arg7[%swap3A_181] {strides = array<i32>} : memref<128xi32, #tpu.memory_space<vmem>>, vector<16xi32>,
      %swap3A_183 = vector.shape_cast %swap3A_182 : vector<16xi32> to vector<16xi32>
      %swap3A_184 = vector.shape_cast %get3A_180 : vector<16xi32> to vector<16xi32>
      tpu.vector_store %arg7[%swap3A_181], %swap3A_184 {strides = array<i32>} : memref<128xi32, #tpu.memory_space<vmem>>, vector<16xi32>,
      %get3A_185 = arith.constant 112 : index
      %get3A_186 = tpu.vector_load %arg11[%get3A_185] {strides = array<i32>} : memref<128xi32, #tpu.memory_space<vmem>>, vector<16xi32>,
      %get3A_187 = vector.shape_cast %get3A_186 : vector<16xi32> to vector<16xi32>
      %swap3A_188 = arith.constant 112 : index
      %swap3A_189 = tpu.vector_load %arg7[%swap3A_188] {strides = array<i32>} : memref<128xi32, #tpu.memory_space<vmem>>, vector<16xi32>,
      %swap3A_190 = vector.shape_cast %swap3A_189 : vector<16xi32> to vector<16xi32>
      %swap3A_191 = vector.shape_cast %get3A_187 : vector<16xi32> to vector<16xi32>
      tpu.vector_store %arg7[%swap3A_188], %swap3A_191 {strides = array<i32>} : memref<128xi32, #tpu.memory_space<vmem>>, vector<16xi32>,
      %add3A_192 = arith.constant 1 : i32
      %add3A_193 = arith.addi %while3A_64, %add3A_192 : i32
      %lt3A = arith.cmpi slt, %add3A_193, %select_n3A_42 : i32
      %convert_element_type3A_194 = arith.extui %lt3A : i1 to i32
      %cond3A_195 = arith.constant 0 : i32
      %cond3A_196 = arith.cmpi ne, %convert_element_type3A_194, %cond3A_195 : i32
      scf.if %cond3A_196 {
        %add3A_203 = arith.constant 2 : i32
        %add3A_204 = arith.addi %mul3A_66, %add3A_203 : i32
        %dma_start3A_205 = arith.constant 0 : i32
        %dma_start3A_206 = tpu.memref_slice %arg3[%arg0, %arg1, %add3A_204, %dma_start3A_205] : memref<2x16x96x128xi32, #tpu.memory_space<hbm>> -> memref<1x1x1x128xi32, #tpu.memory_space<hbm>>
        %dma_start3A_207 = tpu.memref_squeeze %dma_start3A_206 : memref<1x1x1x128xi32, #tpu.memory_space<hbm>> -> memref<128xi32, #tpu.memory_space<hbm>>
        %dma_start3A_208 = arith.constant 0 : i32
        %dma_start3A_209 = tpu.memref_slice %arg3[%arg0, %arg1, %add3A_204, %dma_start3A_208] : memref<2x16x96x128xi32, #tpu.memory_space<hbm>> -> memref<1x1x1x128xi32, #tpu.memory_space<hbm>>
        %dma_start3A_210 = tpu.memref_squeeze %dma_start3A_209 : memref<1x1x1x128xi32, #tpu.memory_space<hbm>> -> memref<128xi32, #tpu.memory_space<hbm>>
        tpu.enqueue_dma source(%dma_start3A_210 : memref<128xi32, #tpu.memory_space<hbm>>) target(%arg8 : memref<128xi32, #tpu.memory_space<vmem>>) target_semaphore(%arg15 : memref<!tpu.dma_semaphore, #tpu.memory_space<semaphore_mem>>)
        %add3A_211 = arith.constant 2 : i32
        %add3A_212 = arith.addi %add3A_68, %add3A_211 : i32
        %dma_start3A_213 = arith.constant 0 : i32
        %dma_start3A_214 = tpu.memref_slice %arg3[%arg0, %arg1, %add3A_212, %dma_start3A_213] : memref<2x16x96x128xi32, #tpu.memory_space<hbm>> -> memref<1x1x1x128xi32, #tpu.memory_space<hbm>>
        %dma_start3A_215 = tpu.memref_squeeze %dma_start3A_214 : memref<1x1x1x128xi32, #tpu.memory_space<hbm>> -> memref<128xi32, #tpu.memory_space<hbm>>
        %dma_start3A_216 = arith.constant 0 : i32
        %dma_start3A_217 = tpu.memref_slice %arg3[%arg0, %arg1, %add3A_212, %dma_start3A_216] : memref<2x16x96x128xi32, #tpu.memory_space<hbm>> -> memref<1x1x1x128xi32, #tpu.memory_space<hbm>>
        %dma_start3A_218 = tpu.memref_squeeze %dma_start3A_217 : memref<1x1x1x128xi32, #tpu.memory_space<hbm>> -> memref<128xi32, #tpu.memory_space<hbm>>
        tpu.enqueue_dma source(%dma_start3A_218 : memref<128xi32, #tpu.memory_space<hbm>>) target(%arg9 : memref<128xi32, #tpu.memory_space<vmem>>) target_semaphore(%arg15 : memref<!tpu.dma_semaphore, #tpu.memory_space<semaphore_mem>>)
        %add3A_219 = arith.constant 2 : i32
        %add3A_220 = arith.addi %mul3A_66, %add3A_219 : i32
        %dma_start3A_221 = arith.constant 0 : i32
        %dma_start3A_222 = tpu.memref_slice %arg4[%arg0, %arg1, %add3A_220, %dma_start3A_221] : memref<2x16x96x128xi32, #tpu.memory_space<hbm>> -> memref<1x1x1x128xi32, #tpu.memory_space<hbm>>
        %dma_start3A_223 = tpu.memref_squeeze %dma_start3A_222 : memref<1x1x1x128xi32, #tpu.memory_space<hbm>> -> memref<128xi32, #tpu.memory_space<hbm>>
        %dma_start3A_224 = arith.constant 0 : i32
        %dma_start3A_225 = tpu.memref_slice %arg4[%arg0, %arg1, %add3A_220, %dma_start3A_224] : memref<2x16x96x128xi32, #tpu.memory_space<hbm>> -> memref<1x1x1x128xi32, #tpu.memory_space<hbm>>
        %dma_start3A_226 = tpu.memref_squeeze %dma_start3A_225 : memref<1x1x1x128xi32, #tpu.memory_space<hbm>> -> memref<128xi32, #tpu.memory_space<hbm>>
        tpu.enqueue_dma source(%dma_start3A_226 : memref<128xi32, #tpu.memory_space<hbm>>) target(%arg10 : memref<128xi32, #tpu.memory_space<vmem>>) target_semaphore(%arg15 : memref<!tpu.dma_semaphore, #tpu.memory_space<semaphore_mem>>)
        %add3A_227 = arith.constant 2 : i32
        %add3A_228 = arith.addi %add3A_68, %add3A_227 : i32
        %dma_start3A_229 = arith.constant 0 : i32
        %dma_start3A_230 = tpu.memref_slice %arg4[%arg0, %arg1, %add3A_228, %dma_start3A_229] : memref<2x16x96x128xi32, #tpu.memory_space<hbm>> -> memref<1x1x1x128xi32, #tpu.memory_space<hbm>>
        %dma_start3A_231 = tpu.memref_squeeze %dma_start3A_230 : memref<1x1x1x128xi32, #tpu.memory_space<hbm>> -> memref<128xi32, #tpu.memory_space<hbm>>
        %dma_start3A_232 = arith.constant 0 : i32
        %dma_start3A_233 = tpu.memref_slice %arg4[%arg0, %arg1, %add3A_228, %dma_start3A_232] : memref<2x16x96x128xi32, #tpu.memory_space<hbm>> -> memref<1x1x1x128xi32, #tpu.memory_space<hbm>>
        %dma_start3A_234 = tpu.memref_squeeze %dma_start3A_233 : memref<1x1x1x128xi32, #tpu.memory_space<hbm>> -> memref<128xi32, #tpu.memory_space<hbm>>
        tpu.enqueue_dma source(%dma_start3A_234 : memref<128xi32, #tpu.memory_space<hbm>>) target(%arg11 : memref<128xi32, #tpu.memory_space<vmem>>) target_semaphore(%arg15 : memref<!tpu.dma_semaphore, #tpu.memory_space<semaphore_mem>>)
      } else {
      }
      %dma_start3A_197 = arith.constant 0 : i32
      %dma_start3A_198 = arith.constant 0 : i32
      %dma_start3A_199 = tpu.memref_slice %arg18[%dma_start3A_197, %dma_start3A_198] : memref<10112x128xf32, #tpu.memory_space<vmem_shared>> -> memref<10112x128xf32, #tpu.memory_space<vmem_shared>>
      tpu.enqueue_indirect_dma source(%arg12 : memref<128x128xf32, #tpu.memory_space<vmem>>) target(%dma_start3A_199 : memref<10112x128xf32, #tpu.memory_space<vmem_shared>>) offsets(%arg6 : memref<128xi32, #tpu.memory_space<vmem>>) semaphore(%arg16 : memref<!tpu.dma_semaphore, #tpu.memory_space<semaphore_mem>>) {add = true}
      %dma_start3A_200 = arith.constant 0 : i32
      %dma_start3A_201 = arith.constant 0 : i32
      %dma_start3A_202 = tpu.memref_slice %arg18[%dma_start3A_200, %dma_start3A_201] : memref<10112x128xf32, #tpu.memory_space<vmem_shared>> -> memref<10112x128xf32, #tpu.memory_space<vmem_shared>>
      tpu.enqueue_indirect_dma source(%arg13 : memref<128x128xf32, #tpu.memory_space<vmem>>) target(%dma_start3A_202 : memref<10112x128xf32, #tpu.memory_space<vmem_shared>>) offsets(%arg7 : memref<128xi32, #tpu.memory_space<vmem>>) semaphore(%arg17 : memref<!tpu.dma_semaphore, #tpu.memory_space<semaphore_mem>>) {add = true}
    }
    %while3A_53 = arith.constant 1 : i32
    scf.for %while3A_64 = %while3A_51 to %while3A_47 step %while3A_53  : i32 {
      %mul3A_65 = arith.constant 2 : i32
      %mul3A_66 = arith.muli %mul3A_65, %while3A_64 : i32
      %add3A_67 = arith.constant 1 : i32
      %add3A_68 = arith.addi %mul3A_66, %add3A_67 : i32
      %gt3A = arith.constant 0 : i32
      %gt3A_69 = arith.cmpi sgt, %while3A_64, %gt3A : i32
      %convert_element_type3A = arith.extui %gt3A_69 : i1 to i32
      %cond3A = arith.constant 0 : i32
      %cond3A_70 = arith.cmpi ne, %convert_element_type3A, %cond3A : i32
      scf.if %cond3A_70 {
        %dma_wait3A_203 = arith.constant 0 : i32
        %dma_wait3A_204 = tpu.memref_slice %arg3[%arg0, %arg1, %mul3A_66, %dma_wait3A_203] : memref<2x16x96x128xi32, #tpu.memory_space<hbm>> -> memref<1x1x1x128xi32, #tpu.memory_space<hbm>>
        %dma_wait3A_205 = tpu.memref_squeeze %dma_wait3A_204 : memref<1x1x1x128xi32, #tpu.memory_space<hbm>> -> memref<128xi32, #tpu.memory_space<hbm>>
        %dma_wait3A_206 = arith.constant 0 : i32
        %dma_wait3A_207 = tpu.memref_slice %arg3[%arg0, %arg1, %mul3A_66, %dma_wait3A_206] : memref<2x16x96x128xi32, #tpu.memory_space<hbm>> -> memref<1x1x1x128xi32, #tpu.memory_space<hbm>>
        %dma_wait3A_208 = tpu.memref_squeeze %dma_wait3A_207 : memref<1x1x1x128xi32, #tpu.memory_space<hbm>> -> memref<128xi32, #tpu.memory_space<hbm>>
        tpu.wait_dma2 semaphore(%arg15 : memref<!tpu.dma_semaphore, #tpu.memory_space<semaphore_mem>>) src(%dma_wait3A_208 : memref<128xi32, #tpu.memory_space<hbm>>) dst(%arg8 : memref<128xi32, #tpu.memory_space<vmem>>)
        %dma_wait3A_209 = arith.constant 0 : i32
        %dma_wait3A_210 = tpu.memref_slice %arg3[%arg0, %arg1, %add3A_68, %dma_wait3A_209] : memref<2x16x96x128xi32, #tpu.memory_space<hbm>> -> memref<1x1x1x128xi32, #tpu.memory_space<hbm>>
        %dma_wait3A_211 = tpu.memref_squeeze %dma_wait3A_210 : memref<1x1x1x128xi32, #tpu.memory_space<hbm>> -> memref<128xi32, #tpu.memory_space<hbm>>
        %dma_wait3A_212 = arith.constant 0 : i32
        %dma_wait3A_213 = tpu.memref_slice %arg3[%arg0, %arg1, %add3A_68, %dma_wait3A_212] : memref<2x16x96x128xi32, #tpu.memory_space<hbm>> -> memref<1x1x1x128xi32, #tpu.memory_space<hbm>>
        %dma_wait3A_214 = tpu.memref_squeeze %dma_wait3A_213 : memref<1x1x1x128xi32, #tpu.memory_space<hbm>> -> memref<128xi32, #tpu.memory_space<hbm>>
        tpu.wait_dma2 semaphore(%arg15 : memref<!tpu.dma_semaphore, #tpu.memory_space<semaphore_mem>>) src(%dma_wait3A_214 : memref<128xi32, #tpu.memory_space<hbm>>) dst(%arg9 : memref<128xi32, #tpu.memory_space<vmem>>)
        %dma_wait3A_215 = arith.constant 0 : i32
        %dma_wait3A_216 = tpu.memref_slice %arg4[%arg0, %arg1, %mul3A_66, %dma_wait3A_215] : memref<2x16x96x128xi32, #tpu.memory_space<hbm>> -> memref<1x1x1x128xi32, #tpu.memory_space<hbm>>
        %dma_wait3A_217 = tpu.memref_squeeze %dma_wait3A_216 : memref<1x1x1x128xi32, #tpu.memory_space<hbm>> -> memref<128xi32, #tpu.memory_space<hbm>>
        %dma_wait3A_218 = arith.constant 0 : i32
        %dma_wait3A_219 = tpu.memref_slice %arg4[%arg0, %arg1, %mul3A_66, %dma_wait3A_218] : memref<2x16x96x128xi32, #tpu.memory_space<hbm>> -> memref<1x1x1x128xi32, #tpu.memory_space<hbm>>
        %dma_wait3A_220 = tpu.memref_squeeze %dma_wait3A_219 : memref<1x1x1x128xi32, #tpu.memory_space<hbm>> -> memref<128xi32, #tpu.memory_space<hbm>>
        tpu.wait_dma2 semaphore(%arg15 : memref<!tpu.dma_semaphore, #tpu.memory_space<semaphore_mem>>) src(%dma_wait3A_220 : memref<128xi32, #tpu.memory_space<hbm>>) dst(%arg10 : memref<128xi32, #tpu.memory_space<vmem>>)
        %dma_wait3A_221 = arith.constant 0 : i32
        %dma_wait3A_222 = tpu.memref_slice %arg4[%arg0, %arg1, %add3A_68, %dma_wait3A_221] : memref<2x16x96x128xi32, #tpu.memory_space<hbm>> -> memref<1x1x1x128xi32, #tpu.memory_space<hbm>>
        %dma_wait3A_223 = tpu.memref_squeeze %dma_wait3A_222 : memref<1x1x1x128xi32, #tpu.memory_space<hbm>> -> memref<128xi32, #tpu.memory_space<hbm>>
        %dma_wait3A_224 = arith.constant 0 : i32
        %dma_wait3A_225 = tpu.memref_slice %arg4[%arg0, %arg1, %add3A_68, %dma_wait3A_224] : memref<2x16x96x128xi32, #tpu.memory_space<hbm>> -> memref<1x1x1x128xi32, #tpu.memory_space<hbm>>
        %dma_wait3A_226 = tpu.memref_squeeze %dma_wait3A_225 : memref<1x1x1x128xi32, #tpu.memory_space<hbm>> -> memref<128xi32, #tpu.memory_space<hbm>>
        tpu.wait_dma2 semaphore(%arg15 : memref<!tpu.dma_semaphore, #tpu.memory_space<semaphore_mem>>) src(%dma_wait3A_226 : memref<128xi32, #tpu.memory_space<hbm>>) dst(%arg11 : memref<128xi32, #tpu.memory_space<vmem>>)
        %dma_wait3A_227 = arith.constant 0 : i32
        %dma_wait3A_228 = arith.constant 0 : i32
        %dma_wait3A_229 = tpu.memref_slice %arg18[%dma_wait3A_227, %dma_wait3A_228] : memref<10112x128xf32, #tpu.memory_space<vmem_shared>> -> memref<10112x128xf32, #tpu.memory_space<vmem_shared>>
        tpu.wait_indirect_dma semaphore(%arg16 : memref<!tpu.dma_semaphore, #tpu.memory_space<semaphore_mem>>) src(%arg12 : memref<128x128xf32, #tpu.memory_space<vmem>>) dst(%dma_wait3A_229 : memref<10112x128xf32, #tpu.memory_space<vmem_shared>>)
        %dma_wait3A_230 = arith.constant 0 : i32
        %dma_wait3A_231 = arith.constant 0 : i32
        %dma_wait3A_232 = tpu.memref_slice %arg18[%dma_wait3A_230, %dma_wait3A_231] : memref<10112x128xf32, #tpu.memory_space<vmem_shared>> -> memref<10112x128xf32, #tpu.memory_space<vmem_shared>>
        tpu.wait_indirect_dma semaphore(%arg17 : memref<!tpu.dma_semaphore, #tpu.memory_space<semaphore_mem>>) src(%arg13 : memref<128x128xf32, #tpu.memory_space<vmem>>) dst(%dma_wait3A_232 : memref<10112x128xf32, #tpu.memory_space<vmem_shared>>)
      } else {
      }
      %dma_start3A = arith.constant 0 : i32
      %dma_start3A_71 = arith.constant 0 : i32
      %dma_start3A_72 = tpu.memref_slice %arg2[%dma_start3A, %dma_start3A_71] : memref<10000x128xf32, #tpu.memory_space<hbm>> -> memref<10000x128xf32, #tpu.memory_space<hbm>>
      tpu.enqueue_indirect_dma source(%dma_start3A_72 : memref<10000x128xf32, #tpu.memory_space<hbm>>) target(%arg12 : memref<128x128xf32, #tpu.memory_space<vmem>>) offsets(%arg8 : memref<128xi32, #tpu.memory_space<vmem>>) semaphore(%arg14 : memref<!tpu.dma_semaphore, #tpu.memory_space<semaphore_mem>>)
      %dma_start3A_73 = arith.constant 0 : i32
      %dma_start3A_74 = arith.constant 0 : i32
      %dma_start3A_75 = tpu.memref_slice %arg2[%dma_start3A_73, %dma_start3A_74] : memref<10000x128xf32, #tpu.memory_space<hbm>> -> memref<10000x128xf32, #tpu.memory_space<hbm>>
      tpu.enqueue_indirect_dma source(%dma_start3A_75 : memref<10000x128xf32, #tpu.memory_space<hbm>>) target(%arg13 : memref<128x128xf32, #tpu.memory_space<vmem>>) offsets(%arg9 : memref<128xi32, #tpu.memory_space<vmem>>) semaphore(%arg14 : memref<!tpu.dma_semaphore, #tpu.memory_space<semaphore_mem>>)
      %dma_wait3A_76 = arith.constant 0 : i32
      %dma_wait3A_77 = arith.constant 0 : i32
      %dma_wait3A_78 = tpu.memref_slice %arg2[%dma_wait3A_76, %dma_wait3A_77] : memref<10000x128xf32, #tpu.memory_space<hbm>> -> memref<10000x128xf32, #tpu.memory_space<hbm>>
      tpu.wait_indirect_dma semaphore(%arg14 : memref<!tpu.dma_semaphore, #tpu.memory_space<semaphore_mem>>) src(%dma_wait3A_78 : memref<10000x128xf32, #tpu.memory_space<hbm>>) dst(%arg12 : memref<128x128xf32, #tpu.memory_space<vmem>>)
      %dma_wait3A_79 = arith.constant 0 : i32
      %dma_wait3A_80 = arith.constant 0 : i32
      %dma_wait3A_81 = tpu.memref_slice %arg2[%dma_wait3A_79, %dma_wait3A_80] : memref<10000x128xf32, #tpu.memory_space<hbm>> -> memref<10000x128xf32, #tpu.memory_space<hbm>>
      tpu.wait_indirect_dma semaphore(%arg14 : memref<!tpu.dma_semaphore, #tpu.memory_space<semaphore_mem>>) src(%dma_wait3A_81 : memref<10000x128xf32, #tpu.memory_space<hbm>>) dst(%arg13 : memref<128x128xf32, #tpu.memory_space<vmem>>)
      %get3A = arith.constant 0 : index
      %get3A_82 = tpu.vector_load %arg10[%get3A] {strides = array<i32>} : memref<128xi32, #tpu.memory_space<vmem>>, vector<16xi32>,
      %get3A_83 = vector.shape_cast %get3A_82 : vector<16xi32> to vector<16xi32>
      %swap3A = arith.constant 0 : index
      %swap3A_84 = tpu.vector_load %arg6[%swap3A] {strides = array<i32>} : memref<128xi32, #tpu.memory_space<vmem>>, vector<16xi32>,
      %swap3A_85 = vector.shape_cast %swap3A_84 : vector<16xi32> to vector<16xi32>
      %swap3A_86 = vector.shape_cast %get3A_83 : vector<16xi32> to vector<16xi32>
      tpu.vector_store %arg6[%swap3A], %swap3A_86 {strides = array<i32>} : memref<128xi32, #tpu.memory_space<vmem>>, vector<16xi32>,
      %get3A_87 = arith.constant 16 : index
      %get3A_88 = tpu.vector_load %arg10[%get3A_87] {strides = array<i32>} : memref<128xi32, #tpu.memory_space<vmem>>, vector<16xi32>,
      %get3A_89 = vector.shape_cast %get3A_88 : vector<16xi32> to vector<16xi32>
      %swap3A_90 = arith.constant 16 : index
      %swap3A_91 = tpu.vector_load %arg6[%swap3A_90] {strides = array<i32>} : memref<128xi32, #tpu.memory_space<vmem>>, vector<16xi32>,
      %swap3A_92 = vector.shape_cast %swap3A_91 : vector<16xi32> to vector<16xi32>
      %swap3A_93 = vector.shape_cast %get3A_89 : vector<16xi32> to vector<16xi32>
      tpu.vector_store %arg6[%swap3A_90], %swap3A_93 {strides = array<i32>} : memref<128xi32, #tpu.memory_space<vmem>>, vector<16xi32>,
      %get3A_94 = arith.constant 32 : index
      %get3A_95 = tpu.vector_load %arg10[%get3A_94] {strides = array<i32>} : memref<128xi32, #tpu.memory_space<vmem>>, vector<16xi32>,
      %get3A_96 = vector.shape_cast %get3A_95 : vector<16xi32> to vector<16xi32>
      %swap3A_97 = arith.constant 32 : index
      %swap3A_98 = tpu.vector_load %arg6[%swap3A_97] {strides = array<i32>} : memref<128xi32, #tpu.memory_space<vmem>>, vector<16xi32>,
      %swap3A_99 = vector.shape_cast %swap3A_98 : vector<16xi32> to vector<16xi32>
      %swap3A_100 = vector.shape_cast %get3A_96 : vector<16xi32> to vector<16xi32>
      tpu.vector_store %arg6[%swap3A_97], %swap3A_100 {strides = array<i32>} : memref<128xi32, #tpu.memory_space<vmem>>, vector<16xi32>,
      %get3A_101 = arith.constant 48 : index
      %get3A_102 = tpu.vector_load %arg10[%get3A_101] {strides = array<i32>} : memref<128xi32, #tpu.memory_space<vmem>>, vector<16xi32>,
      %get3A_103 = vector.shape_cast %get3A_102 : vector<16xi32> to vector<16xi32>
      %swap3A_104 = arith.constant 48 : index
      %swap3A_105 = tpu.vector_load %arg6[%swap3A_104] {strides = array<i32>} : memref<128xi32, #tpu.memory_space<vmem>>, vector<16xi32>,
      %swap3A_106 = vector.shape_cast %swap3A_105 : vector<16xi32> to vector<16xi32>
      %swap3A_107 = vector.shape_cast %get3A_103 : vector<16xi32> to vector<16xi32>
      tpu.vector_store %arg6[%swap3A_104], %swap3A_107 {strides = array<i32>} : memref<128xi32, #tpu.memory_space<vmem>>, vector<16xi32>,
      %get3A_108 = arith.constant 64 : index
      %get3A_109 = tpu.vector_load %arg10[%get3A_108] {strides = array<i32>} : memref<128xi32, #tpu.memory_space<vmem>>, vector<16xi32>,
      %get3A_110 = vector.shape_cast %get3A_109 : vector<16xi32> to vector<16xi32>
      %swap3A_111 = arith.constant 64 : index
      %swap3A_112 = tpu.vector_load %arg6[%swap3A_111] {strides = array<i32>} : memref<128xi32, #tpu.memory_space<vmem>>, vector<16xi32>,
      %swap3A_113 = vector.shape_cast %swap3A_112 : vector<16xi32> to vector<16xi32>
      %swap3A_114 = vector.shape_cast %get3A_110 : vector<16xi32> to vector<16xi32>
      tpu.vector_store %arg6[%swap3A_111], %swap3A_114 {strides = array<i32>} : memref<128xi32, #tpu.memory_space<vmem>>, vector<16xi32>,
      %get3A_115 = arith.constant 80 : index
      %get3A_116 = tpu.vector_load %arg10[%get3A_115] {strides = array<i32>} : memref<128xi32, #tpu.memory_space<vmem>>, vector<16xi32>,
      %get3A_117 = vector.shape_cast %get3A_116 : vector<16xi32> to vector<16xi32>
      %swap3A_118 = arith.constant 80 : index
      %swap3A_119 = tpu.vector_load %arg6[%swap3A_118] {strides = array<i32>} : memref<128xi32, #tpu.memory_space<vmem>>, vector<16xi32>,
      %swap3A_120 = vector.shape_cast %swap3A_119 : vector<16xi32> to vector<16xi32>
      %swap3A_121 = vector.shape_cast %get3A_117 : vector<16xi32> to vector<16xi32>
      tpu.vector_store %arg6[%swap3A_118], %swap3A_121 {strides = array<i32>} : memref<128xi32, #tpu.memory_space<vmem>>, vector<16xi32>,
      %get3A_122 = arith.constant 96 : index
      %get3A_123 = tpu.vector_load %arg10[%get3A_122] {strides = array<i32>} : memref<128xi32, #tpu.memory_space<vmem>>, vector<16xi32>,
      %get3A_124 = vector.shape_cast %get3A_123 : vector<16xi32> to vector<16xi32>
      %swap3A_125 = arith.constant 96 : index
      %swap3A_126 = tpu.vector_load %arg6[%swap3A_125] {strides = array<i32>} : memref<128xi32, #tpu.memory_space<vmem>>, vector<16xi32>,
      %swap3A_127 = vector.shape_cast %swap3A_126 : vector<16xi32> to vector<16xi32>
      %swap3A_128 = vector.shape_cast %get3A_124 : vector<16xi32> to vector<16xi32>
      tpu.vector_store %arg6[%swap3A_125], %swap3A_128 {strides = array<i32>} : memref<128xi32, #tpu.memory_space<vmem>>, vector<16xi32>,
      %get3A_129 = arith.constant 112 : index
      %get3A_130 = tpu.vector_load %arg10[%get3A_129] {strides = array<i32>} : memref<128xi32, #tpu.memory_space<vmem>>, vector<16xi32>,
      %get3A_131 = vector.shape_cast %get3A_130 : vector<16xi32> to vector<16xi32>
      %swap3A_132 = arith.constant 112 : index
      %swap3A_133 = tpu.vector_load %arg6[%swap3A_132] {strides = array<i32>} : memref<128xi32, #tpu.memory_space<vmem>>, vector<16xi32>,
      %swap3A_134 = vector.shape_cast %swap3A_133 : vector<16xi32> to vector<16xi32>
      %swap3A_135 = vector.shape_cast %get3A_131 : vector<16xi32> to vector<16xi32>
      tpu.vector_store %arg6[%swap3A_132], %swap3A_135 {strides = array<i32>} : memref<128xi32, #tpu.memory_space<vmem>>, vector<16xi32>,
      %get3A_136 = arith.constant 0 : index
      %get3A_137 = tpu.vector_load %arg11[%get3A_136] {strides = array<i32>} : memref<128xi32, #tpu.memory_space<vmem>>, vector<16xi32>,
      %get3A_138 = vector.shape_cast %get3A_137 : vector<16xi32> to vector<16xi32>
      %swap3A_139 = arith.constant 0 : index
      %swap3A_140 = tpu.vector_load %arg7[%swap3A_139] {strides = array<i32>} : memref<128xi32, #tpu.memory_space<vmem>>, vector<16xi32>,
      %swap3A_141 = vector.shape_cast %swap3A_140 : vector<16xi32> to vector<16xi32>
      %swap3A_142 = vector.shape_cast %get3A_138 : vector<16xi32> to vector<16xi32>
      tpu.vector_store %arg7[%swap3A_139], %swap3A_142 {strides = array<i32>} : memref<128xi32, #tpu.memory_space<vmem>>, vector<16xi32>,
      %get3A_143 = arith.constant 16 : index
      %get3A_144 = tpu.vector_load %arg11[%get3A_143] {strides = array<i32>} : memref<128xi32, #tpu.memory_space<vmem>>, vector<16xi32>,
      %get3A_145 = vector.shape_cast %get3A_144 : vector<16xi32> to vector<16xi32>
      %swap3A_146 = arith.constant 16 : index
      %swap3A_147 = tpu.vector_load %arg7[%swap3A_146] {strides = array<i32>} : memref<128xi32, #tpu.memory_space<vmem>>, vector<16xi32>,
      %swap3A_148 = vector.shape_cast %swap3A_147 : vector<16xi32> to vector<16xi32>
      %swap3A_149 = vector.shape_cast %get3A_145 : vector<16xi32> to vector<16xi32>
      tpu.vector_store %arg7[%swap3A_146], %swap3A_149 {strides = array<i32>} : memref<128xi32, #tpu.memory_space<vmem>>, vector<16xi32>,
      %get3A_150 = arith.constant 32 : index
      %get3A_151 = tpu.vector_load %arg11[%get3A_150] {strides = array<i32>} : memref<128xi32, #tpu.memory_space<vmem>>, vector<16xi32>,
      %get3A_152 = vector.shape_cast %get3A_151 : vector<16xi32> to vector<16xi32>
      %swap3A_153 = arith.constant 32 : index
      %swap3A_154 = tpu.vector_load %arg7[%swap3A_153] {strides = array<i32>} : memref<128xi32, #tpu.memory_space<vmem>>, vector<16xi32>,
      %swap3A_155 = vector.shape_cast %swap3A_154 : vector<16xi32> to vector<16xi32>
      %swap3A_156 = vector.shape_cast %get3A_152 : vector<16xi32> to vector<16xi32>
      tpu.vector_store %arg7[%swap3A_153], %swap3A_156 {strides = array<i32>} : memref<128xi32, #tpu.memory_space<vmem>>, vector<16xi32>,
      %get3A_157 = arith.constant 48 : index
      %get3A_158 = tpu.vector_load %arg11[%get3A_157] {strides = array<i32>} : memref<128xi32, #tpu.memory_space<vmem>>, vector<16xi32>,
      %get3A_159 = vector.shape_cast %get3A_158 : vector<16xi32> to vector<16xi32>
      %swap3A_160 = arith.constant 48 : index
      %swap3A_161 = tpu.vector_load %arg7[%swap3A_160] {strides = array<i32>} : memref<128xi32, #tpu.memory_space<vmem>>, vector<16xi32>,
      %swap3A_162 = vector.shape_cast %swap3A_161 : vector<16xi32> to vector<16xi32>
      %swap3A_163 = vector.shape_cast %get3A_159 : vector<16xi32> to vector<16xi32>
      tpu.vector_store %arg7[%swap3A_160], %swap3A_163 {strides = array<i32>} : memref<128xi32, #tpu.memory_space<vmem>>, vector<16xi32>,
      %get3A_164 = arith.constant 64 : index
      %get3A_165 = tpu.vector_load %arg11[%get3A_164] {strides = array<i32>} : memref<128xi32, #tpu.memory_space<vmem>>, vector<16xi32>,
      %get3A_166 = vector.shape_cast %get3A_165 : vector<16xi32> to vector<16xi32>
      %swap3A_167 = arith.constant 64 : index
      %swap3A_168 = tpu.vector_load %arg7[%swap3A_167] {strides = array<i32>} : memref<128xi32, #tpu.memory_space<vmem>>, vector<16xi32>,
      %swap3A_169 = vector.shape_cast %swap3A_168 : vector<16xi32> to vector<16xi32>
      %swap3A_170 = vector.shape_cast %get3A_166 : vector<16xi32> to vector<16xi32>
      tpu.vector_store %arg7[%swap3A_167], %swap3A_170 {strides = array<i32>} : memref<128xi32, #tpu.memory_space<vmem>>, vector<16xi32>,
      %get3A_171 = arith.constant 80 : index
      %get3A_172 = tpu.vector_load %arg11[%get3A_171] {strides = array<i32>} : memref<128xi32, #tpu.memory_space<vmem>>, vector<16xi32>,
      %get3A_173 = vector.shape_cast %get3A_172 : vector<16xi32> to vector<16xi32>
      %swap3A_174 = arith.constant 80 : index
      %swap3A_175 = tpu.vector_load %arg7[%swap3A_174] {strides = array<i32>} : memref<128xi32, #tpu.memory_space<vmem>>, vector<16xi32>,
      %swap3A_176 = vector.shape_cast %swap3A_175 : vector<16xi32> to vector<16xi32>
      %swap3A_177 = vector.shape_cast %get3A_173 : vector<16xi32> to vector<16xi32>
      tpu.vector_store %arg7[%swap3A_174], %swap3A_177 {strides = array<i32>} : memref<128xi32, #tpu.memory_space<vmem>>, vector<16xi32>,
      %get3A_178 = arith.constant 96 : index
      %get3A_179 = tpu.vector_load %arg11[%get3A_178] {strides = array<i32>} : memref<128xi32, #tpu.memory_space<vmem>>, vector<16xi32>,
      %get3A_180 = vector.shape_cast %get3A_179 : vector<16xi32> to vector<16xi32>
      %swap3A_181 = arith.constant 96 : index
      %swap3A_182 = tpu.vector_load %arg7[%swap3A_181] {strides = array<i32>} : memref<128xi32, #tpu.memory_space<vmem>>, vector<16xi32>,
      %swap3A_183 = vector.shape_cast %swap3A_182 : vector<16xi32> to vector<16xi32>
      %swap3A_184 = vector.shape_cast %get3A_180 : vector<16xi32> to vector<16xi32>
      tpu.vector_store %arg7[%swap3A_181], %swap3A_184 {strides = array<i32>} : memref<128xi32, #tpu.memory_space<vmem>>, vector<16xi32>,
      %get3A_185 = arith.constant 112 : index
      %get3A_186 = tpu.vector_load %arg11[%get3A_185] {strides = array<i32>} : memref<128xi32, #tpu.memory_space<vmem>>, vector<16xi32>,
      %get3A_187 = vector.shape_cast %get3A_186 : vector<16xi32> to vector<16xi32>
      %swap3A_188 = arith.constant 112 : index
      %swap3A_189 = tpu.vector_load %arg7[%swap3A_188] {strides = array<i32>} : memref<128xi32, #tpu.memory_space<vmem>>, vector<16xi32>,
      %swap3A_190 = vector.shape_cast %swap3A_189 : vector<16xi32> to vector<16xi32>
      %swap3A_191 = vector.shape_cast %get3A_187 : vector<16xi32> to vector<16xi32>
      tpu.vector_store %arg7[%swap3A_188], %swap3A_191 {strides = array<i32>} : memref<128xi32, #tpu.memory_space<vmem>>, vector<16xi32>,
      %add3A_192 = arith.constant 1 : i32
      %add3A_193 = arith.addi %while3A_64, %add3A_192 : i32
      %lt3A = arith.cmpi slt, %add3A_193, %select_n3A_42 : i32
      %convert_element_type3A_194 = arith.extui %lt3A : i1 to i32
      %cond3A_195 = arith.constant 0 : i32
      %cond3A_196 = arith.cmpi ne, %convert_element_type3A_194, %cond3A_195 : i32
      scf.if %cond3A_196 {
        %add3A_203 = arith.constant 2 : i32
        %add3A_204 = arith.addi %mul3A_66, %add3A_203 : i32
        %dma_start3A_205 = arith.constant 0 : i32
        %dma_start3A_206 = tpu.memref_slice %arg3[%arg0, %arg1, %add3A_204, %dma_start3A_205] : memref<2x16x96x128xi32, #tpu.memory_space<hbm>> -> memref<1x1x1x128xi32, #tpu.memory_space<hbm>>
        %dma_start3A_207 = tpu.memref_squeeze %dma_start3A_206 : memref<1x1x1x128xi32, #tpu.memory_space<hbm>> -> memref<128xi32, #tpu.memory_space<hbm>>
        %dma_start3A_208 = arith.constant 0 : i32
        %dma_start3A_209 = tpu.memref_slice %arg3[%arg0, %arg1, %add3A_204, %dma_start3A_208] : memref<2x16x96x128xi32, #tpu.memory_space<hbm>> -> memref<1x1x1x128xi32, #tpu.memory_space<hbm>>
        %dma_start3A_210 = tpu.memref_squeeze %dma_start3A_209 : memref<1x1x1x128xi32, #tpu.memory_space<hbm>> -> memref<128xi32, #tpu.memory_space<hbm>>
        tpu.enqueue_dma source(%dma_start3A_210 : memref<128xi32, #tpu.memory_space<hbm>>) target(%arg8 : memref<128xi32, #tpu.memory_space<vmem>>) target_semaphore(%arg15 : memref<!tpu.dma_semaphore, #tpu.memory_space<semaphore_mem>>)
        %add3A_211 = arith.constant 2 : i32
        %add3A_212 = arith.addi %add3A_68, %add3A_211 : i32
        %dma_start3A_213 = arith.constant 0 : i32
        %dma_start3A_214 = tpu.memref_slice %arg3[%arg0, %arg1, %add3A_212, %dma_start3A_213] : memref<2x16x96x128xi32, #tpu.memory_space<hbm>> -> memref<1x1x1x128xi32, #tpu.memory_space<hbm>>
        %dma_start3A_215 = tpu.memref_squeeze %dma_start3A_214 : memref<1x1x1x128xi32, #tpu.memory_space<hbm>> -> memref<128xi32, #tpu.memory_space<hbm>>
        %dma_start3A_216 = arith.constant 0 : i32
        %dma_start3A_217 = tpu.memref_slice %arg3[%arg0, %arg1, %add3A_212, %dma_start3A_216] : memref<2x16x96x128xi32, #tpu.memory_space<hbm>> -> memref<1x1x1x128xi32, #tpu.memory_space<hbm>>
        %dma_start3A_218 = tpu.memref_squeeze %dma_start3A_217 : memref<1x1x1x128xi32, #tpu.memory_space<hbm>> -> memref<128xi32, #tpu.memory_space<hbm>>
        tpu.enqueue_dma source(%dma_start3A_218 : memref<128xi32, #tpu.memory_space<hbm>>) target(%arg9 : memref<128xi32, #tpu.memory_space<vmem>>) target_semaphore(%arg15 : memref<!tpu.dma_semaphore, #tpu.memory_space<semaphore_mem>>)
        %add3A_219 = arith.constant 2 : i32
        %add3A_220 = arith.addi %mul3A_66, %add3A_219 : i32
        %dma_start3A_221 = arith.constant 0 : i32
        %dma_start3A_222 = tpu.memref_slice %arg4[%arg0, %arg1, %add3A_220, %dma_start3A_221] : memref<2x16x96x128xi32, #tpu.memory_space<hbm>> -> memref<1x1x1x128xi32, #tpu.memory_space<hbm>>
        %dma_start3A_223 = tpu.memref_squeeze %dma_start3A_222 : memref<1x1x1x128xi32, #tpu.memory_space<hbm>> -> memref<128xi32, #tpu.memory_space<hbm>>
        %dma_start3A_224 = arith.constant 0 : i32
        %dma_start3A_225 = tpu.memref_slice %arg4[%arg0, %arg1, %add3A_220, %dma_start3A_224] : memref<2x16x96x128xi32, #tpu.memory_space<hbm>> -> memref<1x1x1x128xi32, #tpu.memory_space<hbm>>
        %dma_start3A_226 = tpu.memref_squeeze %dma_start3A_225 : memref<1x1x1x128xi32, #tpu.memory_space<hbm>> -> memref<128xi32, #tpu.memory_space<hbm>>
        tpu.enqueue_dma source(%dma_start3A_226 : memref<128xi32, #tpu.memory_space<hbm>>) target(%arg10 : memref<128xi32, #tpu.memory_space<vmem>>) target_semaphore(%arg15 : memref<!tpu.dma_semaphore, #tpu.memory_space<semaphore_mem>>)
        %add3A_227 = arith.constant 2 : i32
        %add3A_228 = arith.addi %add3A_68, %add3A_227 : i32
        %dma_start3A_229 = arith.constant 0 : i32
        %dma_start3A_230 = tpu.memref_slice %arg4[%arg0, %arg1, %add3A_228, %dma_start3A_229] : memref<2x16x96x128xi32, #tpu.memory_space<hbm>> -> memref<1x1x1x128xi32, #tpu.memory_space<hbm>>
        %dma_start3A_231 = tpu.memref_squeeze %dma_start3A_230 : memref<1x1x1x128xi32, #tpu.memory_space<hbm>> -> memref<128xi32, #tpu.memory_space<hbm>>
        %dma_start3A_232 = arith.constant 0 : i32
        %dma_start3A_233 = tpu.memref_slice %arg4[%arg0, %arg1, %add3A_228, %dma_start3A_232] : memref<2x16x96x128xi32, #tpu.memory_space<hbm>> -> memref<1x1x1x128xi32, #tpu.memory_space<hbm>>
        %dma_start3A_234 = tpu.memref_squeeze %dma_start3A_233 : memref<1x1x1x128xi32, #tpu.memory_space<hbm>> -> memref<128xi32, #tpu.memory_space<hbm>>
        tpu.enqueue_dma source(%dma_start3A_234 : memref<128xi32, #tpu.memory_space<hbm>>) target(%arg11 : memref<128xi32, #tpu.memory_space<vmem>>) target_semaphore(%arg15 : memref<!tpu.dma_semaphore, #tpu.memory_space<semaphore_mem>>)
      } else {
      }
      %dma_start3A_197 = arith.constant 0 : i32
      %dma_start3A_198 = arith.constant 0 : i32
      %dma_start3A_199 = tpu.memref_slice %arg18[%dma_start3A_197, %dma_start3A_198] : memref<10112x128xf32, #tpu.memory_space<vmem_shared>> -> memref<10112x128xf32, #tpu.memory_space<vmem_shared>>
      tpu.enqueue_indirect_dma source(%arg12 : memref<128x128xf32, #tpu.memory_space<vmem>>) target(%dma_start3A_199 : memref<10112x128xf32, #tpu.memory_space<vmem_shared>>) offsets(%arg6 : memref<128xi32, #tpu.memory_space<vmem>>) semaphore(%arg16 : memref<!tpu.dma_semaphore, #tpu.memory_space<semaphore_mem>>) {add = true}
      %dma_start3A_200 = arith.constant 0 : i32
      %dma_start3A_201 = arith.constant 0 : i32
      %dma_start3A_202 = tpu.memref_slice %arg18[%dma_start3A_200, %dma_start3A_201] : memref<10112x128xf32, #tpu.memory_space<vmem_shared>> -> memref<10112x128xf32, #tpu.memory_space<vmem_shared>>
      tpu.enqueue_indirect_dma source(%arg13 : memref<128x128xf32, #tpu.memory_space<vmem>>) target(%dma_start3A_202 : memref<10112x128xf32, #tpu.memory_space<vmem_shared>>) offsets(%arg7 : memref<128xi32, #tpu.memory_space<vmem>>) semaphore(%arg17 : memref<!tpu.dma_semaphore, #tpu.memory_space<semaphore_mem>>) {add = true}
    }
    %dma_wait3A = arith.constant 0 : i32
    %dma_wait3A_54 = arith.constant 0 : i32
    %dma_wait3A_55 = tpu.memref_slice %arg18[%dma_wait3A, %dma_wait3A_54] : memref<10112x128xf32, #tpu.memory_space<vmem_shared>> -> memref<10112x128xf32, #tpu.memory_space<vmem_shared>>
    tpu.wait_indirect_dma semaphore(%arg16 : memref<!tpu.dma_semaphore, #tpu.memory_space<semaphore_mem>>) src(%arg12 : memref<128x128xf32, #tpu.memory_space<vmem>>) dst(%dma_wait3A_55 : memref<10112x128xf32, #tpu.memory_space<vmem_shared>>)
    %dma_wait3A_56 = arith.constant 0 : i32
    %dma_wait3A_57 = arith.constant 0 : i32
    %dma_wait3A_58 = tpu.memref_slice %arg18[%dma_wait3A_56, %dma_wait3A_57] : memref<10112x128xf32, #tpu.memory_space<vmem_shared>> -> memref<10112x128xf32, #tpu.memory_space<vmem_shared>>
    tpu.wait_indirect_dma semaphore(%arg17 : memref<!tpu.dma_semaphore, #tpu.memory_space<semaphore_mem>>) src(%arg13 : memref<128x128xf32, #tpu.memory_space<vmem>>) dst(%dma_wait3A_58 : memref<10112x128xf32, #tpu.memory_space<vmem_shared>>)
    %barrier3A_59 = arith.constant 0 : index
    tpu.barrier barrier_id(%barrier3A_59)
    %mul3A_60 = arith.constant 632 : i32
    %mul3A_61 = arith.muli %arg1, %mul3A_60 : i32
    %mul3A_62 = arith.constant 632 : i32
    %mul3A_63 = arith.muli %arg1, %mul3A_62 : i32
    "tpu.region"() ({
      %run_scoped3A_64 = tpu.sem_alloc : memref<!tpu.dma_semaphore, #tpu.memory_space<semaphore_mem>>
      %dma_start3A = arith.constant 0 : i32
      %dma_start3A_65 = tpu.memref_slice %arg5[%arg0, %mul3A_63, %dma_start3A] : memref<2x10112x128xf32, #tpu.memory_space<hbm>> -> memref<1x632x128xf32, #tpu.memory_space<hbm>>
      %dma_start3A_66 = tpu.memref_squeeze %dma_start3A_65 : memref<1x632x128xf32, #tpu.memory_space<hbm>> -> memref<632x128xf32, #tpu.memory_space<hbm>>
      %dma_start3A_67 = arith.constant 0 : i32
      %dma_start3A_68 = tpu.memref_slice %arg18[%mul3A_61, %dma_start3A_67] : memref<10112x128xf32, #tpu.memory_space<vmem_shared>> -> memref<632x128xf32, #tpu.memory_space<vmem_shared>>
      tpu.enqueue_dma source(%dma_start3A_68 : memref<632x128xf32, #tpu.memory_space<vmem_shared>>) target(%dma_start3A_66 : memref<632x128xf32, #tpu.memory_space<hbm>>) target_semaphore(%run_scoped3A_64 : memref<!tpu.dma_semaphore, #tpu.memory_space<semaphore_mem>>)
      %dma_wait3A_69 = arith.constant 0 : i32
      %dma_wait3A_70 = tpu.memref_slice %arg5[%arg0, %mul3A_63, %dma_wait3A_69] : memref<2x10112x128xf32, #tpu.memory_space<hbm>> -> memref<1x632x128xf32, #tpu.memory_space<hbm>>
      %dma_wait3A_71 = tpu.memref_squeeze %dma_wait3A_70 : memref<1x632x128xf32, #tpu.memory_space<hbm>> -> memref<632x128xf32, #tpu.memory_space<hbm>>
      %dma_wait3A_72 = arith.constant 0 : i32
      %dma_wait3A_73 = tpu.memref_slice %arg18[%mul3A_61, %dma_wait3A_72] : memref<10112x128xf32, #tpu.memory_space<vmem_shared>> -> memref<632x128xf32, #tpu.memory_space<vmem_shared>>
      tpu.wait_dma2 semaphore(%run_scoped3A_64 : memref<!tpu.dma_semaphore, #tpu.memory_space<semaphore_mem>>) src(%dma_wait3A_73 : memref<632x128xf32, #tpu.memory_space<vmem_shared>>) dst(%dma_wait3A_71 : memref<632x128xf32, #tpu.memory_space<hbm>>)
      tpu.yield
    }) : () -> ()
    return
  }
}

#map = affine_map<(d0, d1) -> (0, 0)>
#map1 = affine_map<(d0, d1) -> (0, 0, 0, 0)>
#map2 = affine_map<(d0, d1) -> (0, 0, 0)>
module attributes {stable_mosaic.version = 14 : i64} {
  func.func @_scatter_body(%arg0: i32, %arg1: i32, %arg2: memref<10000x128xf32, #tpu.memory_space<hbm>>, %arg3: memref<2x16x96x128xi32, #tpu.memory_space<hbm>>, %arg4: memref<2x16x96x128xi32, #tpu.memory_space<hbm>>, %arg5: memref<2x10112x128xf32, #tpu.memory_space<hbm>>, %arg6: memref<128xi32, #tpu.memory_space<vmem>>, %arg7: memref<128xi32, #tpu.memory_space<vmem>>, %arg8: memref<128xi32, #tpu.memory_space<vmem>>, %arg9: memref<128xi32, #tpu.memory_space<vmem>>, %arg10: memref<128xi32, #tpu.memory_space<vmem>>, %arg11: memref<128xi32, #tpu.memory_space<vmem>>, %arg12: memref<128x128xf32, #tpu.memory_space<vmem>>, %arg13: memref<128x128xf32, #tpu.memory_space<vmem>>, %arg14: memref<!tpu.dma_semaphore, #tpu.memory_space<semaphore_mem>>, %arg15: memref<!tpu.dma_semaphore, #tpu.memory_space<semaphore_mem>>, %arg16: memref<!tpu.dma_semaphore, #tpu.memory_space<semaphore_mem>>, %arg17: memref<!tpu.dma_semaphore, #tpu.memory_space<semaphore_mem>>, %arg18: memref<10112x128xf32, #tpu.memory_space<vmem_shared>>) attributes {dimension_semantics = [#tpu.dimension_semantics<core_parallel>, #tpu.dimension_semantics<subcore_parallel>], iteration_bounds = array<i64: 2, 16>, scalar_prefetch = 0 : i64, scratch_operands = 13 : i64, tpu.core_type = #tpu.core_type<sc_vector_subcore>, window_params = [{transform_indices = #map}, {transform_indices = #map1}, {transform_indices = #map1}, {transform_indices = #map2}]} {
    %eq3A = arith.constant 0 : i32
    %eq3A_0 = arith.cmpi eq, %arg0, %eq3A : i32
    %jit3A = arith.constant 92 : i32
    %jit3A_1 = arith.constant 66 : i32
    %select_n3A = arith.select %eq3A_0, %jit3A, %jit3A_1 : i32
    %broadcast_in_dim3A = arith.constant 0.000000e+00 : f32
    %broadcast_in_dim3A_2 = vector.broadcast %broadcast_in_dim3A : f32 to vector<16xf32>
    %scan3A = arith.constant 0 : i32
    %scan3A_3 = arith.constant 128 : i32
    %scan3A_4 = arith.addi %scan3A, %scan3A_3 : i32
    %scan3A_5 = arith.constant 1 : i32
    scf.for %scan3A_64 = %scan3A to %scan3A_4 step %scan3A_5  : i32 {
      %swap3A = arith.index_cast %scan3A_64 : i32 to index
      %swap3A_65 = arith.constant 0 : index
      %swap3A_66 = tpu.vector_load %arg12[%swap3A, %swap3A_65] {strides = array<i32>} : memref<128x128xf32, #tpu.memory_space<vmem>>, vector<1x16xf32>,
      %swap3A_67 = vector.shape_cast %swap3A_66 : vector<1x16xf32> to vector<16xf32>
      %swap3A_68 = vector.shape_cast %broadcast_in_dim3A_2 : vector<16xf32> to vector<1x16xf32>
      tpu.vector_store %arg12[%swap3A, %swap3A_65], %swap3A_68 {strides = array<i32>} : memref<128x128xf32, #tpu.memory_space<vmem>>, vector<1x16xf32>,
      %swap3A_69 = arith.index_cast %scan3A_64 : i32 to index
      %swap3A_70 = arith.constant 16 : index
      %swap3A_71 = tpu.vector_load %arg12[%swap3A_69, %swap3A_70] {strides = array<i32>} : memref<128x128xf32, #tpu.memory_space<vmem>>, vector<1x16xf32>,
      %swap3A_72 = vector.shape_cast %swap3A_71 : vector<1x16xf32> to vector<16xf32>
      %swap3A_73 = vector.shape_cast %broadcast_in_dim3A_2 : vector<16xf32> to vector<1x16xf32>
      tpu.vector_store %arg12[%swap3A_69, %swap3A_70], %swap3A_73 {strides = array<i32>} : memref<128x128xf32, #tpu.memory_space<vmem>>, vector<1x16xf32>,
      %swap3A_74 = arith.index_cast %scan3A_64 : i32 to index
      %swap3A_75 = arith.constant 32 : index
      %swap3A_76 = tpu.vector_load %arg12[%swap3A_74, %swap3A_75] {strides = array<i32>} : memref<128x128xf32, #tpu.memory_space<vmem>>, vector<1x16xf32>,
      %swap3A_77 = vector.shape_cast %swap3A_76 : vector<1x16xf32> to vector<16xf32>
      %swap3A_78 = vector.shape_cast %broadcast_in_dim3A_2 : vector<16xf32> to vector<1x16xf32>
      tpu.vector_store %arg12[%swap3A_74, %swap3A_75], %swap3A_78 {strides = array<i32>} : memref<128x128xf32, #tpu.memory_space<vmem>>, vector<1x16xf32>,
      %swap3A_79 = arith.index_cast %scan3A_64 : i32 to index
      %swap3A_80 = arith.constant 48 : index
      %swap3A_81 = tpu.vector_load %arg12[%swap3A_79, %swap3A_80] {strides = array<i32>} : memref<128x128xf32, #tpu.memory_space<vmem>>, vector<1x16xf32>,
      %swap3A_82 = vector.shape_cast %swap3A_81 : vector<1x16xf32> to vector<16xf32>
      %swap3A_83 = vector.shape_cast %broadcast_in_dim3A_2 : vector<16xf32> to vector<1x16xf32>
      tpu.vector_store %arg12[%swap3A_79, %swap3A_80], %swap3A_83 {strides = array<i32>} : memref<128x128xf32, #tpu.memory_space<vmem>>, vector<1x16xf32>,
      %swap3A_84 = arith.index_cast %scan3A_64 : i32 to index
      %swap3A_85 = arith.constant 64 : index
      %swap3A_86 = tpu.vector_load %arg12[%swap3A_84, %swap3A_85] {strides = array<i32>} : memref<128x128xf32, #tpu.memory_space<vmem>>, vector<1x16xf32>,
      %swap3A_87 = vector.shape_cast %swap3A_86 : vector<1x16xf32> to vector<16xf32>
      %swap3A_88 = vector.shape_cast %broadcast_in_dim3A_2 : vector<16xf32> to vector<1x16xf32>
      tpu.vector_store %arg12[%swap3A_84, %swap3A_85], %swap3A_88 {strides = array<i32>} : memref<128x128xf32, #tpu.memory_space<vmem>>, vector<1x16xf32>,
      %swap3A_89 = arith.index_cast %scan3A_64 : i32 to index
      %swap3A_90 = arith.constant 80 : index
      %swap3A_91 = tpu.vector_load %arg12[%swap3A_89, %swap3A_90] {strides = array<i32>} : memref<128x128xf32, #tpu.memory_space<vmem>>, vector<1x16xf32>,
      %swap3A_92 = vector.shape_cast %swap3A_91 : vector<1x16xf32> to vector<16xf32>
      %swap3A_93 = vector.shape_cast %broadcast_in_dim3A_2 : vector<16xf32> to vector<1x16xf32>
      tpu.vector_store %arg12[%swap3A_89, %swap3A_90], %swap3A_93 {strides = array<i32>} : memref<128x128xf32, #tpu.memory_space<vmem>>, vector<1x16xf32>,
      %swap3A_94 = arith.index_cast %scan3A_64 : i32 to index
      %swap3A_95 = arith.constant 96 : index
      %swap3A_96 = tpu.vector_load %arg12[%swap3A_94, %swap3A_95] {strides = array<i32>} : memref<128x128xf32, #tpu.memory_space<vmem>>, vector<1x16xf32>,
      %swap3A_97 = vector.shape_cast %swap3A_96 : vector<1x16xf32> to vector<16xf32>
      %swap3A_98 = vector.shape_cast %broadcast_in_dim3A_2 : vector<16xf32> to vector<1x16xf32>
      tpu.vector_store %arg12[%swap3A_94, %swap3A_95], %swap3A_98 {strides = array<i32>} : memref<128x128xf32, #tpu.memory_space<vmem>>, vector<1x16xf32>,
      %swap3A_99 = arith.index_cast %scan3A_64 : i32 to index
      %swap3A_100 = arith.constant 112 : index
      %swap3A_101 = tpu.vector_load %arg12[%swap3A_99, %swap3A_100] {strides = array<i32>} : memref<128x128xf32, #tpu.memory_space<vmem>>, vector<1x16xf32>,
      %swap3A_102 = vector.shape_cast %swap3A_101 : vector<1x16xf32> to vector<16xf32>
      %swap3A_103 = vector.shape_cast %broadcast_in_dim3A_2 : vector<16xf32> to vector<1x16xf32>
      tpu.vector_store %arg12[%swap3A_99, %swap3A_100], %swap3A_103 {strides = array<i32>} : memref<128x128xf32, #tpu.memory_space<vmem>>, vector<1x16xf32>,
    }
    %scan3A_6 = arith.constant 128 : i32
    %mul3A = arith.constant 632 : i32
    %mul3A_7 = arith.muli %arg1, %mul3A : i32
    %add3A = arith.constant 0 : i32
    %add3A_8 = arith.addi %mul3A_7, %add3A : i32
    "tpu.region"() ({
      %run_scoped3A_64 = tpu.sem_alloc : memref<!tpu.dma_semaphore, #tpu.memory_space<semaphore_mem>>
      %dma_start3A = arith.constant 0 : i32
      %dma_start3A_65 = tpu.memref_slice %arg18[%add3A_8, %dma_start3A] : memref<10112x128xf32, #tpu.memory_space<vmem_shared>> -> memref<128x128xf32, #tpu.memory_space<vmem_shared>>
      %dma_start3A_66 = arith.constant 0 : i32
      %dma_start3A_67 = tpu.memref_slice %arg18[%add3A_8, %dma_start3A_66] : memref<10112x128xf32, #tpu.memory_space<vmem_shared>> -> memref<128x128xf32, #tpu.memory_space<vmem_shared>>
      tpu.enqueue_dma source(%arg12 : memref<128x128xf32, #tpu.memory_space<vmem>>) target(%dma_start3A_67 : memref<128x128xf32, #tpu.memory_space<vmem_shared>>) target_semaphore(%run_scoped3A_64 : memref<!tpu.dma_semaphore, #tpu.memory_space<semaphore_mem>>)
      %dma_wait3A_68 = arith.constant 0 : i32
      %dma_wait3A_69 = tpu.memref_slice %arg18[%add3A_8, %dma_wait3A_68] : memref<10112x128xf32, #tpu.memory_space<vmem_shared>> -> memref<128x128xf32, #tpu.memory_space<vmem_shared>>
      %dma_wait3A_70 = arith.constant 0 : i32
      %dma_wait3A_71 = tpu.memref_slice %arg18[%add3A_8, %dma_wait3A_70] : memref<10112x128xf32, #tpu.memory_space<vmem_shared>> -> memref<128x128xf32, #tpu.memory_space<vmem_shared>>
      tpu.wait_dma2 semaphore(%run_scoped3A_64 : memref<!tpu.dma_semaphore, #tpu.memory_space<semaphore_mem>>) src(%arg12 : memref<128x128xf32, #tpu.memory_space<vmem>>) dst(%dma_wait3A_71 : memref<128x128xf32, #tpu.memory_space<vmem_shared>>)
      tpu.yield
    }) : () -> ()
    %mul3A_9 = arith.constant 632 : i32
    %mul3A_10 = arith.muli %arg1, %mul3A_9 : i32
    %add3A_11 = arith.constant 128 : i32
    %add3A_12 = arith.addi %mul3A_10, %add3A_11 : i32
    "tpu.region"() ({
      %run_scoped3A_64 = tpu.sem_alloc : memref<!tpu.dma_semaphore, #tpu.memory_space<semaphore_mem>>
      %dma_start3A = arith.constant 0 : i32
      %dma_start3A_65 = tpu.memref_slice %arg18[%add3A_12, %dma_start3A] : memref<10112x128xf32, #tpu.memory_space<vmem_shared>> -> memref<128x128xf32, #tpu.memory_space<vmem_shared>>
      %dma_start3A_66 = arith.constant 0 : i32
      %dma_start3A_67 = tpu.memref_slice %arg18[%add3A_12, %dma_start3A_66] : memref<10112x128xf32, #tpu.memory_space<vmem_shared>> -> memref<128x128xf32, #tpu.memory_space<vmem_shared>>
      tpu.enqueue_dma source(%arg12 : memref<128x128xf32, #tpu.memory_space<vmem>>) target(%dma_start3A_67 : memref<128x128xf32, #tpu.memory_space<vmem_shared>>) target_semaphore(%run_scoped3A_64 : memref<!tpu.dma_semaphore, #tpu.memory_space<semaphore_mem>>)
      %dma_wait3A_68 = arith.constant 0 : i32
      %dma_wait3A_69 = tpu.memref_slice %arg18[%add3A_12, %dma_wait3A_68] : memref<10112x128xf32, #tpu.memory_space<vmem_shared>> -> memref<128x128xf32, #tpu.memory_space<vmem_shared>>
      %dma_wait3A_70 = arith.constant 0 : i32
      %dma_wait3A_71 = tpu.memref_slice %arg18[%add3A_12, %dma_wait3A_70] : memref<10112x128xf32, #tpu.memory_space<vmem_shared>> -> memref<128x128xf32, #tpu.memory_space<vmem_shared>>
      tpu.wait_dma2 semaphore(%run_scoped3A_64 : memref<!tpu.dma_semaphore, #tpu.memory_space<semaphore_mem>>) src(%arg12 : memref<128x128xf32, #tpu.memory_space<vmem>>) dst(%dma_wait3A_71 : memref<128x128xf32, #tpu.memory_space<vmem_shared>>)
      tpu.yield
    }) : () -> ()
    %mul3A_13 = arith.constant 632 : i32
    %mul3A_14 = arith.muli %arg1, %mul3A_13 : i32
    %add3A_15 = arith.constant 256 : i32
    %add3A_16 = arith.addi %mul3A_14, %add3A_15 : i32
    "tpu.region"() ({
      %run_scoped3A_64 = tpu.sem_alloc : memref<!tpu.dma_semaphore, #tpu.memory_space<semaphore_mem>>
      %dma_start3A = arith.constant 0 : i32
      %dma_start3A_65 = tpu.memref_slice %arg18[%add3A_16, %dma_start3A] : memref<10112x128xf32, #tpu.memory_space<vmem_shared>> -> memref<128x128xf32, #tpu.memory_space<vmem_shared>>
      %dma_start3A_66 = arith.constant 0 : i32
      %dma_start3A_67 = tpu.memref_slice %arg18[%add3A_16, %dma_start3A_66] : memref<10112x128xf32, #tpu.memory_space<vmem_shared>> -> memref<128x128xf32, #tpu.memory_space<vmem_shared>>
      tpu.enqueue_dma source(%arg12 : memref<128x128xf32, #tpu.memory_space<vmem>>) target(%dma_start3A_67 : memref<128x128xf32, #tpu.memory_space<vmem_shared>>) target_semaphore(%run_scoped3A_64 : memref<!tpu.dma_semaphore, #tpu.memory_space<semaphore_mem>>)
      %dma_wait3A_68 = arith.constant 0 : i32
      %dma_wait3A_69 = tpu.memref_slice %arg18[%add3A_16, %dma_wait3A_68] : memref<10112x128xf32, #tpu.memory_space<vmem_shared>> -> memref<128x128xf32, #tpu.memory_space<vmem_shared>>
      %dma_wait3A_70 = arith.constant 0 : i32
      %dma_wait3A_71 = tpu.memref_slice %arg18[%add3A_16, %dma_wait3A_70] : memref<10112x128xf32, #tpu.memory_space<vmem_shared>> -> memref<128x128xf32, #tpu.memory_space<vmem_shared>>
      tpu.wait_dma2 semaphore(%run_scoped3A_64 : memref<!tpu.dma_semaphore, #tpu.memory_space<semaphore_mem>>) src(%arg12 : memref<128x128xf32, #tpu.memory_space<vmem>>) dst(%dma_wait3A_71 : memref<128x128xf32, #tpu.memory_space<vmem_shared>>)
      tpu.yield
    }) : () -> ()
    %mul3A_17 = arith.constant 632 : i32
    %mul3A_18 = arith.muli %arg1, %mul3A_17 : i32
    %add3A_19 = arith.constant 384 : i32
    %add3A_20 = arith.addi %mul3A_18, %add3A_19 : i32
    "tpu.region"() ({
      %run_scoped3A_64 = tpu.sem_alloc : memref<!tpu.dma_semaphore, #tpu.memory_space<semaphore_mem>>
      %dma_start3A = arith.constant 0 : i32
      %dma_start3A_65 = tpu.memref_slice %arg18[%add3A_20, %dma_start3A] : memref<10112x128xf32, #tpu.memory_space<vmem_shared>> -> memref<128x128xf32, #tpu.memory_space<vmem_shared>>
      %dma_start3A_66 = arith.constant 0 : i32
      %dma_start3A_67 = tpu.memref_slice %arg18[%add3A_20, %dma_start3A_66] : memref<10112x128xf32, #tpu.memory_space<vmem_shared>> -> memref<128x128xf32, #tpu.memory_space<vmem_shared>>
      tpu.enqueue_dma source(%arg12 : memref<128x128xf32, #tpu.memory_space<vmem>>) target(%dma_start3A_67 : memref<128x128xf32, #tpu.memory_space<vmem_shared>>) target_semaphore(%run_scoped3A_64 : memref<!tpu.dma_semaphore, #tpu.memory_space<semaphore_mem>>)
      %dma_wait3A_68 = arith.constant 0 : i32
      %dma_wait3A_69 = tpu.memref_slice %arg18[%add3A_20, %dma_wait3A_68] : memref<10112x128xf32, #tpu.memory_space<vmem_shared>> -> memref<128x128xf32, #tpu.memory_space<vmem_shared>>
      %dma_wait3A_70 = arith.constant 0 : i32
      %dma_wait3A_71 = tpu.memref_slice %arg18[%add3A_20, %dma_wait3A_70] : memref<10112x128xf32, #tpu.memory_space<vmem_shared>> -> memref<128x128xf32, #tpu.memory_space<vmem_shared>>
      tpu.wait_dma2 semaphore(%run_scoped3A_64 : memref<!tpu.dma_semaphore, #tpu.memory_space<semaphore_mem>>) src(%arg12 : memref<128x128xf32, #tpu.memory_space<vmem>>) dst(%dma_wait3A_71 : memref<128x128xf32, #tpu.memory_space<vmem_shared>>)
      tpu.yield
    }) : () -> ()
    %mul3A_21 = arith.constant 632 : i32
    %mul3A_22 = arith.muli %arg1, %mul3A_21 : i32
    %add3A_23 = arith.constant 512 : i32
    %add3A_24 = arith.addi %mul3A_22, %add3A_23 : i32
    "tpu.region"() ({
      %run_scoped3A_64 = tpu.sem_alloc : memref<!tpu.dma_semaphore, #tpu.memory_space<semaphore_mem>>
      %dma_start3A = arith.constant 0 : i32
      %dma_start3A_65 = arith.constant 0 : i32
      %dma_start3A_66 = tpu.memref_slice %arg12[%dma_start3A, %dma_start3A_65] : memref<128x128xf32, #tpu.memory_space<vmem>> -> memref<120x128xf32, #tpu.memory_space<vmem>>
      %dma_start3A_67 = arith.constant 0 : i32
      %dma_start3A_68 = tpu.memref_slice %arg18[%add3A_24, %dma_start3A_67] : memref<10112x128xf32, #tpu.memory_space<vmem_shared>> -> memref<120x128xf32, #tpu.memory_space<vmem_shared>>
      %dma_start3A_69 = arith.constant 0 : i32
      %dma_start3A_70 = tpu.memref_slice %arg18[%add3A_24, %dma_start3A_69] : memref<10112x128xf32, #tpu.memory_space<vmem_shared>> -> memref<120x128xf32, #tpu.memory_space<vmem_shared>>
      %dma_start3A_71 = arith.constant 0 : i32
      %dma_start3A_72 = arith.constant 0 : i32
      %dma_start3A_73 = tpu.memref_slice %arg12[%dma_start3A_71, %dma_start3A_72] : memref<128x128xf32, #tpu.memory_space<vmem>> -> memref<120x128xf32, #tpu.memory_space<vmem>>
      tpu.enqueue_dma source(%dma_start3A_73 : memref<120x128xf32, #tpu.memory_space<vmem>>) target(%dma_start3A_70 : memref<120x128xf32, #tpu.memory_space<vmem_shared>>) target_semaphore(%run_scoped3A_64 : memref<!tpu.dma_semaphore, #tpu.memory_space<semaphore_mem>>)
      %dma_wait3A_74 = arith.constant 0 : i32
      %dma_wait3A_75 = arith.constant 0 : i32
      %dma_wait3A_76 = tpu.memref_slice %arg12[%dma_wait3A_74, %dma_wait3A_75] : memref<128x128xf32, #tpu.memory_space<vmem>> -> memref<120x128xf32, #tpu.memory_space<vmem>>
      %dma_wait3A_77 = arith.constant 0 : i32
      %dma_wait3A_78 = tpu.memref_slice %arg18[%add3A_24, %dma_wait3A_77] : memref<10112x128xf32, #tpu.memory_space<vmem_shared>> -> memref<120x128xf32, #tpu.memory_space<vmem_shared>>
      %dma_wait3A_79 = arith.constant 0 : i32
      %dma_wait3A_80 = tpu.memref_slice %arg18[%add3A_24, %dma_wait3A_79] : memref<10112x128xf32, #tpu.memory_space<vmem_shared>> -> memref<120x128xf32, #tpu.memory_space<vmem_shared>>
      %dma_wait3A_81 = arith.constant 0 : i32
      %dma_wait3A_82 = arith.constant 0 : i32
      %dma_wait3A_83 = tpu.memref_slice %arg12[%dma_wait3A_81, %dma_wait3A_82] : memref<128x128xf32, #tpu.memory_space<vmem>> -> memref<120x128xf32, #tpu.memory_space<vmem>>
      tpu.wait_dma2 semaphore(%run_scoped3A_64 : memref<!tpu.dma_semaphore, #tpu.memory_space<semaphore_mem>>) src(%dma_wait3A_83 : memref<120x128xf32, #tpu.memory_space<vmem>>) dst(%dma_wait3A_80 : memref<120x128xf32, #tpu.memory_space<vmem_shared>>)
      tpu.yield
    }) : () -> ()
    %barrier3A = arith.constant 0 : index
    tpu.barrier barrier_id(%barrier3A)
    %jit3A_25 = arith.constant 2 : i32
    %div3A = arith.divsi %select_n3A, %jit3A_25 : i32
    %sign3A = arith.constant 0 : i32
    %sign3A_26 = arith.cmpi sgt, %select_n3A, %sign3A : i32
    %sign3A_27 = arith.extui %sign3A_26 : i1 to i32
    %sign3A_28 = arith.constant 0 : i32
    %sign3A_29 = arith.cmpi slt, %select_n3A, %sign3A_28 : i32
    %sign3A_30 = arith.extui %sign3A_29 : i1 to i32
    %sign3A_31 = arith.subi %sign3A_27, %sign3A_30 : i32
    %sign3A_32 = arith.constant 0 : i32
    %sign3A_33 = arith.cmpi sgt, %jit3A_25, %sign3A_32 : i32
    %sign3A_34 = arith.extui %sign3A_33 : i1 to i32
    %sign3A_35 = arith.constant 0 : i32
    %sign3A_36 = arith.cmpi slt, %jit3A_25, %sign3A_35 : i32
    %sign3A_37 = arith.extui %sign3A_36 : i1 to i32
    %sign3A_38 = arith.subi %sign3A_34, %sign3A_37 : i32
    %ne3A = arith.cmpi ne, %sign3A_31, %sign3A_38 : i32
    %rem3A = arith.remsi %select_n3A, %jit3A_25 : i32
    %ne3A_39 = arith.constant 0 : i32
    %ne3A_40 = arith.cmpi ne, %rem3A, %ne3A_39 : i32
    %and3A = arith.andi %ne3A, %ne3A_40 : i1
    %sub3A = arith.constant 1 : i32
    %sub3A_41 = arith.subi %div3A, %sub3A : i32
    %select_n3A_42 = arith.select %and3A, %sub3A_41, %div3A : i32
    %run_scoped3A = arith.constant 0 : i32
    "tpu.region"() ({
      %run_scoped3A_64 = tpu.sem_alloc : memref<!tpu.dma_semaphore, #tpu.memory_space<semaphore_mem>>
      %dma_start3A = arith.constant 0 : i32
      %dma_start3A_65 = tpu.memref_slice %arg3[%arg0, %arg1, %run_scoped3A, %dma_start3A] : memref<2x16x96x128xi32, #tpu.memory_space<hbm>> -> memref<1x1x1x128xi32, #tpu.memory_space<hbm>>
      %dma_start3A_66 = tpu.memref_squeeze %dma_start3A_65 : memref<1x1x1x128xi32, #tpu.memory_space<hbm>> -> memref<128xi32, #tpu.memory_space<hbm>>
      %dma_start3A_67 = arith.constant 0 : i32
      %dma_start3A_68 = tpu.memref_slice %arg3[%arg0, %arg1, %run_scoped3A, %dma_start3A_67] : memref<2x16x96x128xi32, #tpu.memory_space<hbm>> -> memref<1x1x1x128xi32, #tpu.memory_space<hbm>>
      %dma_start3A_69 = tpu.memref_squeeze %dma_start3A_68 : memref<1x1x1x128xi32, #tpu.memory_space<hbm>> -> memref<128xi32, #tpu.memory_space<hbm>>
      tpu.enqueue_dma source(%dma_start3A_69 : memref<128xi32, #tpu.memory_space<hbm>>) target(%arg8 : memref<128xi32, #tpu.memory_space<vmem>>) target_semaphore(%run_scoped3A_64 : memref<!tpu.dma_semaphore, #tpu.memory_space<semaphore_mem>>)
      %dma_wait3A_70 = arith.constant 0 : i32
      %dma_wait3A_71 = tpu.memref_slice %arg3[%arg0, %arg1, %run_scoped3A, %dma_wait3A_70] : memref<2x16x96x128xi32, #tpu.memory_space<hbm>> -> memref<1x1x1x128xi32, #tpu.memory_space<hbm>>
      %dma_wait3A_72 = tpu.memref_squeeze %dma_wait3A_71 : memref<1x1x1x128xi32, #tpu.memory_space<hbm>> -> memref<128xi32, #tpu.memory_space<hbm>>
      %dma_wait3A_73 = arith.constant 0 : i32
      %dma_wait3A_74 = tpu.memref_slice %arg3[%arg0, %arg1, %run_scoped3A, %dma_wait3A_73] : memref<2x16x96x128xi32, #tpu.memory_space<hbm>> -> memref<1x1x1x128xi32, #tpu.memory_space<hbm>>
      %dma_wait3A_75 = tpu.memref_squeeze %dma_wait3A_74 : memref<1x1x1x128xi32, #tpu.memory_space<hbm>> -> memref<128xi32, #tpu.memory_space<hbm>>
      tpu.wait_dma2 semaphore(%run_scoped3A_64 : memref<!tpu.dma_semaphore, #tpu.memory_space<semaphore_mem>>) src(%dma_wait3A_75 : memref<128xi32, #tpu.memory_space<hbm>>) dst(%arg8 : memref<128xi32, #tpu.memory_space<vmem>>)
      tpu.yield
    }) : () -> ()
    %run_scoped3A_43 = arith.constant 1 : i32
    "tpu.region"() ({
      %run_scoped3A_64 = tpu.sem_alloc : memref<!tpu.dma_semaphore, #tpu.memory_space<semaphore_mem>>
      %dma_start3A = arith.constant 0 : i32
      %dma_start3A_65 = tpu.memref_slice %arg3[%arg0, %arg1, %run_scoped3A_43, %dma_start3A] : memref<2x16x96x128xi32, #tpu.memory_space<hbm>> -> memref<1x1x1x128xi32, #tpu.memory_space<hbm>>
      %dma_start3A_66 = tpu.memref_squeeze %dma_start3A_65 : memref<1x1x1x128xi32, #tpu.memory_space<hbm>> -> memref<128xi32, #tpu.memory_space<hbm>>
      %dma_start3A_67 = arith.constant 0 : i32
      %dma_start3A_68 = tpu.memref_slice %arg3[%arg0, %arg1, %run_scoped3A_43, %dma_start3A_67] : memref<2x16x96x128xi32, #tpu.memory_space<hbm>> -> memref<1x1x1x128xi32, #tpu.memory_space<hbm>>
      %dma_start3A_69 = tpu.memref_squeeze %dma_start3A_68 : memref<1x1x1x128xi32, #tpu.memory_space<hbm>> -> memref<128xi32, #tpu.memory_space<hbm>>
      tpu.enqueue_dma source(%dma_start3A_69 : memref<128xi32, #tpu.memory_space<hbm>>) target(%arg9 : memref<128xi32, #tpu.memory_space<vmem>>) target_semaphore(%run_scoped3A_64 : memref<!tpu.dma_semaphore, #tpu.memory_space<semaphore_mem>>)
      %dma_wait3A_70 = arith.constant 0 : i32
      %dma_wait3A_71 = tpu.memref_slice %arg3[%arg0, %arg1, %run_scoped3A_43, %dma_wait3A_70] : memref<2x16x96x128xi32, #tpu.memory_space<hbm>> -> memref<1x1x1x128xi32, #tpu.memory_space<hbm>>
      %dma_wait3A_72 = tpu.memref_squeeze %dma_wait3A_71 : memref<1x1x1x128xi32, #tpu.memory_space<hbm>> -> memref<128xi32, #tpu.memory_space<hbm>>
      %dma_wait3A_73 = arith.constant 0 : i32
      %dma_wait3A_74 = tpu.memref_slice %arg3[%arg0, %arg1, %run_scoped3A_43, %dma_wait3A_73] : memref<2x16x96x128xi32, #tpu.memory_space<hbm>> -> memref<1x1x1x128xi32, #tpu.memory_space<hbm>>
      %dma_wait3A_75 = tpu.memref_squeeze %dma_wait3A_74 : memref<1x1x1x128xi32, #tpu.memory_space<hbm>> -> memref<128xi32, #tpu.memory_space<hbm>>
      tpu.wait_dma2 semaphore(%run_scoped3A_64 : memref<!tpu.dma_semaphore, #tpu.memory_space<semaphore_mem>>) src(%dma_wait3A_75 : memref<128xi32, #tpu.memory_space<hbm>>) dst(%arg9 : memref<128xi32, #tpu.memory_space<vmem>>)
      tpu.yield
    }) : () -> ()
    %run_scoped3A_44 = arith.constant 0 : i32
    "tpu.region"() ({
      %run_scoped3A_64 = tpu.sem_alloc : memref<!tpu.dma_semaphore, #tpu.memory_space<semaphore_mem>>
      %dma_start3A = arith.constant 0 : i32
      %dma_start3A_65 = tpu.memref_slice %arg4[%arg0, %arg1, %run_scoped3A_44, %dma_start3A] : memref<2x16x96x128xi32, #tpu.memory_space<hbm>> -> memref<1x1x1x128xi32, #tpu.memory_space<hbm>>
      %dma_start3A_66 = tpu.memref_squeeze %dma_start3A_65 : memref<1x1x1x128xi32, #tpu.memory_space<hbm>> -> memref<128xi32, #tpu.memory_space<hbm>>
      %dma_start3A_67 = arith.constant 0 : i32
      %dma_start3A_68 = tpu.memref_slice %arg4[%arg0, %arg1, %run_scoped3A_44, %dma_start3A_67] : memref<2x16x96x128xi32, #tpu.memory_space<hbm>> -> memref<1x1x1x128xi32, #tpu.memory_space<hbm>>
      %dma_start3A_69 = tpu.memref_squeeze %dma_start3A_68 : memref<1x1x1x128xi32, #tpu.memory_space<hbm>> -> memref<128xi32, #tpu.memory_space<hbm>>
      tpu.enqueue_dma source(%dma_start3A_69 : memref<128xi32, #tpu.memory_space<hbm>>) target(%arg10 : memref<128xi32, #tpu.memory_space<vmem>>) target_semaphore(%run_scoped3A_64 : memref<!tpu.dma_semaphore, #tpu.memory_space<semaphore_mem>>)
      %dma_wait3A_70 = arith.constant 0 : i32
      %dma_wait3A_71 = tpu.memref_slice %arg4[%arg0, %arg1, %run_scoped3A_44, %dma_wait3A_70] : memref<2x16x96x128xi32, #tpu.memory_space<hbm>> -> memref<1x1x1x128xi32, #tpu.memory_space<hbm>>
      %dma_wait3A_72 = tpu.memref_squeeze %dma_wait3A_71 : memref<1x1x1x128xi32, #tpu.memory_space<hbm>> -> memref<128xi32, #tpu.memory_space<hbm>>
      %dma_wait3A_73 = arith.constant 0 : i32
      %dma_wait3A_74 = tpu.memref_slice %arg4[%arg0, %arg1, %run_scoped3A_44, %dma_wait3A_73] : memref<2x16x96x128xi32, #tpu.memory_space<hbm>> -> memref<1x1x1x128xi32, #tpu.memory_space<hbm>>
      %dma_wait3A_75 = tpu.memref_squeeze %dma_wait3A_74 : memref<1x1x1x128xi32, #tpu.memory_space<hbm>> -> memref<128xi32, #tpu.memory_space<hbm>>
      tpu.wait_dma2 semaphore(%run_scoped3A_64 : memref<!tpu.dma_semaphore, #tpu.memory_space<semaphore_mem>>) src(%dma_wait3A_75 : memref<128xi32, #tpu.memory_space<hbm>>) dst(%arg10 : memref<128xi32, #tpu.memory_space<vmem>>)
      tpu.yield
    }) : () -> ()
    %run_scoped3A_45 = arith.constant 1 : i32
    "tpu.region"() ({
      %run_scoped3A_64 = tpu.sem_alloc : memref<!tpu.dma_semaphore, #tpu.memory_space<semaphore_mem>>
      %dma_start3A = arith.constant 0 : i32
      %dma_start3A_65 = tpu.memref_slice %arg4[%arg0, %arg1, %run_scoped3A_45, %dma_start3A] : memref<2x16x96x128xi32, #tpu.memory_space<hbm>> -> memref<1x1x1x128xi32, #tpu.memory_space<hbm>>
      %dma_start3A_66 = tpu.memref_squeeze %dma_start3A_65 : memref<1x1x1x128xi32, #tpu.memory_space<hbm>> -> memref<128xi32, #tpu.memory_space<hbm>>
      %dma_start3A_67 = arith.constant 0 : i32
      %dma_start3A_68 = tpu.memref_slice %arg4[%arg0, %arg1, %run_scoped3A_45, %dma_start3A_67] : memref<2x16x96x128xi32, #tpu.memory_space<hbm>> -> memref<1x1x1x128xi32, #tpu.memory_space<hbm>>
      %dma_start3A_69 = tpu.memref_squeeze %dma_start3A_68 : memref<1x1x1x128xi32, #tpu.memory_space<hbm>> -> memref<128xi32, #tpu.memory_space<hbm>>
      tpu.enqueue_dma source(%dma_start3A_69 : memref<128xi32, #tpu.memory_space<hbm>>) target(%arg11 : memref<128xi32, #tpu.memory_space<vmem>>) target_semaphore(%run_scoped3A_64 : memref<!tpu.dma_semaphore, #tpu.memory_space<semaphore_mem>>)
      %dma_wait3A_70 = arith.constant 0 : i32
      %dma_wait3A_71 = tpu.memref_slice %arg4[%arg0, %arg1, %run_scoped3A_45, %dma_wait3A_70] : memref<2x16x96x128xi32, #tpu.memory_space<hbm>> -> memref<1x1x1x128xi32, #tpu.memory_space<hbm>>
      %dma_wait3A_72 = tpu.memref_squeeze %dma_wait3A_71 : memref<1x1x1x128xi32, #tpu.memory_space<hbm>> -> memref<128xi32, #tpu.memory_space<hbm>>
      %dma_wait3A_73 = arith.constant 0 : i32
      %dma_wait3A_74 = tpu.memref_slice %arg4[%arg0, %arg1, %run_scoped3A_45, %dma_wait3A_73] : memref<2x16x96x128xi32, #tpu.memory_space<hbm>> -> memref<1x1x1x128xi32, #tpu.memory_space<hbm>>
      %dma_wait3A_75 = tpu.memref_squeeze %dma_wait3A_74 : memref<1x1x1x128xi32, #tpu.memory_space<hbm>> -> memref<128xi32, #tpu.memory_space<hbm>>
      tpu.wait_dma2 semaphore(%run_scoped3A_64 : memref<!tpu.dma_semaphore, #tpu.memory_space<semaphore_mem>>) src(%dma_wait3A_75 : memref<128xi32, #tpu.memory_space<hbm>>) dst(%arg11 : memref<128xi32, #tpu.memory_space<vmem>>)
      tpu.yield
    }) : () -> ()
    %while3A = arith.constant 0 : i32
    %while3A_46 = arith.subi %select_n3A_42, %while3A : i32
    %while3A_47 = arith.addi %while3A, %while3A_46 : i32
    %while3A_48 = arith.constant 1 : i32
    %while3A_49 = arith.divsi %while3A_46, %while3A_48 : i32
    %while3A_50 = arith.muli %while3A_49, %while3A_48 : i32
    %while3A_51 = arith.addi %while3A, %while3A_50 : i32
    %while3A_52 = arith.constant 1 : i32
    scf.for %while3A_64 = %while3A to %while3A_51 step %while3A_52  : i32 {
      %mul3A_65 = arith.constant 2 : i32
      %mul3A_66 = arith.muli %mul3A_65, %while3A_64 : i32
      %add3A_67 = arith.constant 1 : i32
      %add3A_68 = arith.addi %mul3A_66, %add3A_67 : i32
      %gt3A = arith.constant 0 : i32
      %gt3A_69 = arith.cmpi sgt, %while3A_64, %gt3A : i32
      %convert_element_type3A = arith.extui %gt3A_69 : i1 to i32
      %cond3A = arith.constant 0 : i32
      %cond3A_70 = arith.cmpi ne, %convert_element_type3A, %cond3A : i32
      scf.if %cond3A_70 {
        %dma_wait3A_203 = arith.constant 0 : i32
        %dma_wait3A_204 = tpu.memref_slice %arg3[%arg0, %arg1, %mul3A_66, %dma_wait3A_203] : memref<2x16x96x128xi32, #tpu.memory_space<hbm>> -> memref<1x1x1x128xi32, #tpu.memory_space<hbm>>
        %dma_wait3A_205 = tpu.memref_squeeze %dma_wait3A_204 : memref<1x1x1x128xi32, #tpu.memory_space<hbm>> -> memref<128xi32, #tpu.memory_space<hbm>>
        %dma_wait3A_206 = arith.constant 0 : i32
        %dma_wait3A_207 = tpu.memref_slice %arg3[%arg0, %arg1, %mul3A_66, %dma_wait3A_206] : memref<2x16x96x128xi32, #tpu.memory_space<hbm>> -> memref<1x1x1x128xi32, #tpu.memory_space<hbm>>
        %dma_wait3A_208 = tpu.memref_squeeze %dma_wait3A_207 : memref<1x1x1x128xi32, #tpu.memory_space<hbm>> -> memref<128xi32, #tpu.memory_space<hbm>>
        tpu.wait_dma2 semaphore(%arg15 : memref<!tpu.dma_semaphore, #tpu.memory_space<semaphore_mem>>) src(%dma_wait3A_208 : memref<128xi32, #tpu.memory_space<hbm>>) dst(%arg8 : memref<128xi32, #tpu.memory_space<vmem>>)
        %dma_wait3A_209 = arith.constant 0 : i32
        %dma_wait3A_210 = tpu.memref_slice %arg3[%arg0, %arg1, %add3A_68, %dma_wait3A_209] : memref<2x16x96x128xi32, #tpu.memory_space<hbm>> -> memref<1x1x1x128xi32, #tpu.memory_space<hbm>>
        %dma_wait3A_211 = tpu.memref_squeeze %dma_wait3A_210 : memref<1x1x1x128xi32, #tpu.memory_space<hbm>> -> memref<128xi32, #tpu.memory_space<hbm>>
        %dma_wait3A_212 = arith.constant 0 : i32
        %dma_wait3A_213 = tpu.memref_slice %arg3[%arg0, %arg1, %add3A_68, %dma_wait3A_212] : memref<2x16x96x128xi32, #tpu.memory_space<hbm>> -> memref<1x1x1x128xi32, #tpu.memory_space<hbm>>
        %dma_wait3A_214 = tpu.memref_squeeze %dma_wait3A_213 : memref<1x1x1x128xi32, #tpu.memory_space<hbm>> -> memref<128xi32, #tpu.memory_space<hbm>>
        tpu.wait_dma2 semaphore(%arg15 : memref<!tpu.dma_semaphore, #tpu.memory_space<semaphore_mem>>) src(%dma_wait3A_214 : memref<128xi32, #tpu.memory_space<hbm>>) dst(%arg9 : memref<128xi32, #tpu.memory_space<vmem>>)
        %dma_wait3A_215 = arith.constant 0 : i32
        %dma_wait3A_216 = tpu.memref_slice %arg4[%arg0, %arg1, %mul3A_66, %dma_wait3A_215] : memref<2x16x96x128xi32, #tpu.memory_space<hbm>> -> memref<1x1x1x128xi32, #tpu.memory_space<hbm>>
        %dma_wait3A_217 = tpu.memref_squeeze %dma_wait3A_216 : memref<1x1x1x128xi32, #tpu.memory_space<hbm>> -> memref<128xi32, #tpu.memory_space<hbm>>
        %dma_wait3A_218 = arith.constant 0 : i32
        %dma_wait3A_219 = tpu.memref_slice %arg4[%arg0, %arg1, %mul3A_66, %dma_wait3A_218] : memref<2x16x96x128xi32, #tpu.memory_space<hbm>> -> memref<1x1x1x128xi32, #tpu.memory_space<hbm>>
        %dma_wait3A_220 = tpu.memref_squeeze %dma_wait3A_219 : memref<1x1x1x128xi32, #tpu.memory_space<hbm>> -> memref<128xi32, #tpu.memory_space<hbm>>
        tpu.wait_dma2 semaphore(%arg15 : memref<!tpu.dma_semaphore, #tpu.memory_space<semaphore_mem>>) src(%dma_wait3A_220 : memref<128xi32, #tpu.memory_space<hbm>>) dst(%arg10 : memref<128xi32, #tpu.memory_space<vmem>>)
        %dma_wait3A_221 = arith.constant 0 : i32
        %dma_wait3A_222 = tpu.memref_slice %arg4[%arg0, %arg1, %add3A_68, %dma_wait3A_221] : memref<2x16x96x128xi32, #tpu.memory_space<hbm>> -> memref<1x1x1x128xi32, #tpu.memory_space<hbm>>
        %dma_wait3A_223 = tpu.memref_squeeze %dma_wait3A_222 : memref<1x1x1x128xi32, #tpu.memory_space<hbm>> -> memref<128xi32, #tpu.memory_space<hbm>>
        %dma_wait3A_224 = arith.constant 0 : i32
        %dma_wait3A_225 = tpu.memref_slice %arg4[%arg0, %arg1, %add3A_68, %dma_wait3A_224] : memref<2x16x96x128xi32, #tpu.memory_space<hbm>> -> memref<1x1x1x128xi32, #tpu.memory_space<hbm>>
        %dma_wait3A_226 = tpu.memref_squeeze %dma_wait3A_225 : memref<1x1x1x128xi32, #tpu.memory_space<hbm>> -> memref<128xi32, #tpu.memory_space<hbm>>
        tpu.wait_dma2 semaphore(%arg15 : memref<!tpu.dma_semaphore, #tpu.memory_space<semaphore_mem>>) src(%dma_wait3A_226 : memref<128xi32, #tpu.memory_space<hbm>>) dst(%arg11 : memref<128xi32, #tpu.memory_space<vmem>>)
        %dma_wait3A_227 = arith.constant 0 : i32
        %dma_wait3A_228 = arith.constant 0 : i32
        %dma_wait3A_229 = tpu.memref_slice %arg18[%dma_wait3A_227, %dma_wait3A_228] : memref<10112x128xf32, #tpu.memory_space<vmem_shared>> -> memref<10112x128xf32, #tpu.memory_space<vmem_shared>>
        tpu.wait_indirect_dma semaphore(%arg16 : memref<!tpu.dma_semaphore, #tpu.memory_space<semaphore_mem>>) src(%arg12 : memref<128x128xf32, #tpu.memory_space<vmem>>) dst(%dma_wait3A_229 : memref<10112x128xf32, #tpu.memory_space<vmem_shared>>)
        %dma_wait3A_230 = arith.constant 0 : i32
        %dma_wait3A_231 = arith.constant 0 : i32
        %dma_wait3A_232 = tpu.memref_slice %arg18[%dma_wait3A_230, %dma_wait3A_231] : memref<10112x128xf32, #tpu.memory_space<vmem_shared>> -> memref<10112x128xf32, #tpu.memory_space<vmem_shared>>
        tpu.wait_indirect_dma semaphore(%arg17 : memref<!tpu.dma_semaphore, #tpu.memory_space<semaphore_mem>>) src(%arg13 : memref<128x128xf32, #tpu.memory_space<vmem>>) dst(%dma_wait3A_232 : memref<10112x128xf32, #tpu.memory_space<vmem_shared>>)
      } else {
      }
      %dma_start3A = arith.constant 0 : i32
      %dma_start3A_71 = arith.constant 0 : i32
      %dma_start3A_72 = tpu.memref_slice %arg2[%dma_start3A, %dma_start3A_71] : memref<10000x128xf32, #tpu.memory_space<hbm>> -> memref<10000x128xf32, #tpu.memory_space<hbm>>
      tpu.enqueue_indirect_dma source(%dma_start3A_72 : memref<10000x128xf32, #tpu.memory_space<hbm>>) target(%arg12 : memref<128x128xf32, #tpu.memory_space<vmem>>) offsets(%arg8 : memref<128xi32, #tpu.memory_space<vmem>>) semaphore(%arg14 : memref<!tpu.dma_semaphore, #tpu.memory_space<semaphore_mem>>)
      %dma_start3A_73 = arith.constant 0 : i32
      %dma_start3A_74 = arith.constant 0 : i32
      %dma_start3A_75 = tpu.memref_slice %arg2[%dma_start3A_73, %dma_start3A_74] : memref<10000x128xf32, #tpu.memory_space<hbm>> -> memref<10000x128xf32, #tpu.memory_space<hbm>>
      tpu.enqueue_indirect_dma source(%dma_start3A_75 : memref<10000x128xf32, #tpu.memory_space<hbm>>) target(%arg13 : memref<128x128xf32, #tpu.memory_space<vmem>>) offsets(%arg9 : memref<128xi32, #tpu.memory_space<vmem>>) semaphore(%arg14 : memref<!tpu.dma_semaphore, #tpu.memory_space<semaphore_mem>>)
      %dma_wait3A_76 = arith.constant 0 : i32
      %dma_wait3A_77 = arith.constant 0 : i32
      %dma_wait3A_78 = tpu.memref_slice %arg2[%dma_wait3A_76, %dma_wait3A_77] : memref<10000x128xf32, #tpu.memory_space<hbm>> -> memref<10000x128xf32, #tpu.memory_space<hbm>>
      tpu.wait_indirect_dma semaphore(%arg14 : memref<!tpu.dma_semaphore, #tpu.memory_space<semaphore_mem>>) src(%dma_wait3A_78 : memref<10000x128xf32, #tpu.memory_space<hbm>>) dst(%arg12 : memref<128x128xf32, #tpu.memory_space<vmem>>)
      %dma_wait3A_79 = arith.constant 0 : i32
      %dma_wait3A_80 = arith.constant 0 : i32
      %dma_wait3A_81 = tpu.memref_slice %arg2[%dma_wait3A_79, %dma_wait3A_80] : memref<10000x128xf32, #tpu.memory_space<hbm>> -> memref<10000x128xf32, #tpu.memory_space<hbm>>
      tpu.wait_indirect_dma semaphore(%arg14 : memref<!tpu.dma_semaphore, #tpu.memory_space<semaphore_mem>>) src(%dma_wait3A_81 : memref<10000x128xf32, #tpu.memory_space<hbm>>) dst(%arg13 : memref<128x128xf32, #tpu.memory_space<vmem>>)
      %get3A = arith.constant 0 : index
      %get3A_82 = tpu.vector_load %arg10[%get3A] {strides = array<i32>} : memref<128xi32, #tpu.memory_space<vmem>>, vector<16xi32>,
      %get3A_83 = vector.shape_cast %get3A_82 : vector<16xi32> to vector<16xi32>
      %swap3A = arith.constant 0 : index
      %swap3A_84 = tpu.vector_load %arg6[%swap3A] {strides = array<i32>} : memref<128xi32, #tpu.memory_space<vmem>>, vector<16xi32>,
      %swap3A_85 = vector.shape_cast %swap3A_84 : vector<16xi32> to vector<16xi32>
      %swap3A_86 = vector.shape_cast %get3A_83 : vector<16xi32> to vector<16xi32>
      tpu.vector_store %arg6[%swap3A], %swap3A_86 {strides = array<i32>} : memref<128xi32, #tpu.memory_space<vmem>>, vector<16xi32>,
      %get3A_87 = arith.constant 16 : index
      %get3A_88 = tpu.vector_load %arg10[%get3A_87] {strides = array<i32>} : memref<128xi32, #tpu.memory_space<vmem>>, vector<16xi32>,
      %get3A_89 = vector.shape_cast %get3A_88 : vector<16xi32> to vector<16xi32>
      %swap3A_90 = arith.constant 16 : index
      %swap3A_91 = tpu.vector_load %arg6[%swap3A_90] {strides = array<i32>} : memref<128xi32, #tpu.memory_space<vmem>>, vector<16xi32>,
      %swap3A_92 = vector.shape_cast %swap3A_91 : vector<16xi32> to vector<16xi32>
      %swap3A_93 = vector.shape_cast %get3A_89 : vector<16xi32> to vector<16xi32>
      tpu.vector_store %arg6[%swap3A_90], %swap3A_93 {strides = array<i32>} : memref<128xi32, #tpu.memory_space<vmem>>, vector<16xi32>,
      %get3A_94 = arith.constant 32 : index
      %get3A_95 = tpu.vector_load %arg10[%get3A_94] {strides = array<i32>} : memref<128xi32, #tpu.memory_space<vmem>>, vector<16xi32>,
      %get3A_96 = vector.shape_cast %get3A_95 : vector<16xi32> to vector<16xi32>
      %swap3A_97 = arith.constant 32 : index
      %swap3A_98 = tpu.vector_load %arg6[%swap3A_97] {strides = array<i32>} : memref<128xi32, #tpu.memory_space<vmem>>, vector<16xi32>,
      %swap3A_99 = vector.shape_cast %swap3A_98 : vector<16xi32> to vector<16xi32>
      %swap3A_100 = vector.shape_cast %get3A_96 : vector<16xi32> to vector<16xi32>
      tpu.vector_store %arg6[%swap3A_97], %swap3A_100 {strides = array<i32>} : memref<128xi32, #tpu.memory_space<vmem>>, vector<16xi32>,
      %get3A_101 = arith.constant 48 : index
      %get3A_102 = tpu.vector_load %arg10[%get3A_101] {strides = array<i32>} : memref<128xi32, #tpu.memory_space<vmem>>, vector<16xi32>,
      %get3A_103 = vector.shape_cast %get3A_102 : vector<16xi32> to vector<16xi32>
      %swap3A_104 = arith.constant 48 : index
      %swap3A_105 = tpu.vector_load %arg6[%swap3A_104] {strides = array<i32>} : memref<128xi32, #tpu.memory_space<vmem>>, vector<16xi32>,
      %swap3A_106 = vector.shape_cast %swap3A_105 : vector<16xi32> to vector<16xi32>
      %swap3A_107 = vector.shape_cast %get3A_103 : vector<16xi32> to vector<16xi32>
      tpu.vector_store %arg6[%swap3A_104], %swap3A_107 {strides = array<i32>} : memref<128xi32, #tpu.memory_space<vmem>>, vector<16xi32>,
      %get3A_108 = arith.constant 64 : index
      %get3A_109 = tpu.vector_load %arg10[%get3A_108] {strides = array<i32>} : memref<128xi32, #tpu.memory_space<vmem>>, vector<16xi32>,
      %get3A_110 = vector.shape_cast %get3A_109 : vector<16xi32> to vector<16xi32>
      %swap3A_111 = arith.constant 64 : index
      %swap3A_112 = tpu.vector_load %arg6[%swap3A_111] {strides = array<i32>} : memref<128xi32, #tpu.memory_space<vmem>>, vector<16xi32>,
      %swap3A_113 = vector.shape_cast %swap3A_112 : vector<16xi32> to vector<16xi32>
      %swap3A_114 = vector.shape_cast %get3A_110 : vector<16xi32> to vector<16xi32>
      tpu.vector_store %arg6[%swap3A_111], %swap3A_114 {strides = array<i32>} : memref<128xi32, #tpu.memory_space<vmem>>, vector<16xi32>,
      %get3A_115 = arith.constant 80 : index
      %get3A_116 = tpu.vector_load %arg10[%get3A_115] {strides = array<i32>} : memref<128xi32, #tpu.memory_space<vmem>>, vector<16xi32>,
      %get3A_117 = vector.shape_cast %get3A_116 : vector<16xi32> to vector<16xi32>
      %swap3A_118 = arith.constant 80 : index
      %swap3A_119 = tpu.vector_load %arg6[%swap3A_118] {strides = array<i32>} : memref<128xi32, #tpu.memory_space<vmem>>, vector<16xi32>,
      %swap3A_120 = vector.shape_cast %swap3A_119 : vector<16xi32> to vector<16xi32>
      %swap3A_121 = vector.shape_cast %get3A_117 : vector<16xi32> to vector<16xi32>
      tpu.vector_store %arg6[%swap3A_118], %swap3A_121 {strides = array<i32>} : memref<128xi32, #tpu.memory_space<vmem>>, vector<16xi32>,
      %get3A_122 = arith.constant 96 : index
      %get3A_123 = tpu.vector_load %arg10[%get3A_122] {strides = array<i32>} : memref<128xi32, #tpu.memory_space<vmem>>, vector<16xi32>,
      %get3A_124 = vector.shape_cast %get3A_123 : vector<16xi32> to vector<16xi32>
      %swap3A_125 = arith.constant 96 : index
      %swap3A_126 = tpu.vector_load %arg6[%swap3A_125] {strides = array<i32>} : memref<128xi32, #tpu.memory_space<vmem>>, vector<16xi32>,
      %swap3A_127 = vector.shape_cast %swap3A_126 : vector<16xi32> to vector<16xi32>
      %swap3A_128 = vector.shape_cast %get3A_124 : vector<16xi32> to vector<16xi32>
      tpu.vector_store %arg6[%swap3A_125], %swap3A_128 {strides = array<i32>} : memref<128xi32, #tpu.memory_space<vmem>>, vector<16xi32>,
      %get3A_129 = arith.constant 112 : index
      %get3A_130 = tpu.vector_load %arg10[%get3A_129] {strides = array<i32>} : memref<128xi32, #tpu.memory_space<vmem>>, vector<16xi32>,
      %get3A_131 = vector.shape_cast %get3A_130 : vector<16xi32> to vector<16xi32>
      %swap3A_132 = arith.constant 112 : index
      %swap3A_133 = tpu.vector_load %arg6[%swap3A_132] {strides = array<i32>} : memref<128xi32, #tpu.memory_space<vmem>>, vector<16xi32>,
      %swap3A_134 = vector.shape_cast %swap3A_133 : vector<16xi32> to vector<16xi32>
      %swap3A_135 = vector.shape_cast %get3A_131 : vector<16xi32> to vector<16xi32>
      tpu.vector_store %arg6[%swap3A_132], %swap3A_135 {strides = array<i32>} : memref<128xi32, #tpu.memory_space<vmem>>, vector<16xi32>,
      %get3A_136 = arith.constant 0 : index
      %get3A_137 = tpu.vector_load %arg11[%get3A_136] {strides = array<i32>} : memref<128xi32, #tpu.memory_space<vmem>>, vector<16xi32>,
      %get3A_138 = vector.shape_cast %get3A_137 : vector<16xi32> to vector<16xi32>
      %swap3A_139 = arith.constant 0 : index
      %swap3A_140 = tpu.vector_load %arg7[%swap3A_139] {strides = array<i32>} : memref<128xi32, #tpu.memory_space<vmem>>, vector<16xi32>,
      %swap3A_141 = vector.shape_cast %swap3A_140 : vector<16xi32> to vector<16xi32>
      %swap3A_142 = vector.shape_cast %get3A_138 : vector<16xi32> to vector<16xi32>
      tpu.vector_store %arg7[%swap3A_139], %swap3A_142 {strides = array<i32>} : memref<128xi32, #tpu.memory_space<vmem>>, vector<16xi32>,
      %get3A_143 = arith.constant 16 : index
      %get3A_144 = tpu.vector_load %arg11[%get3A_143] {strides = array<i32>} : memref<128xi32, #tpu.memory_space<vmem>>, vector<16xi32>,
      %get3A_145 = vector.shape_cast %get3A_144 : vector<16xi32> to vector<16xi32>
      %swap3A_146 = arith.constant 16 : index
      %swap3A_147 = tpu.vector_load %arg7[%swap3A_146] {strides = array<i32>} : memref<128xi32, #tpu.memory_space<vmem>>, vector<16xi32>,
      %swap3A_148 = vector.shape_cast %swap3A_147 : vector<16xi32> to vector<16xi32>
      %swap3A_149 = vector.shape_cast %get3A_145 : vector<16xi32> to vector<16xi32>
      tpu.vector_store %arg7[%swap3A_146], %swap3A_149 {strides = array<i32>} : memref<128xi32, #tpu.memory_space<vmem>>, vector<16xi32>,
      %get3A_150 = arith.constant 32 : index
      %get3A_151 = tpu.vector_load %arg11[%get3A_150] {strides = array<i32>} : memref<128xi32, #tpu.memory_space<vmem>>, vector<16xi32>,
      %get3A_152 = vector.shape_cast %get3A_151 : vector<16xi32> to vector<16xi32>
      %swap3A_153 = arith.constant 32 : index
      %swap3A_154 = tpu.vector_load %arg7[%swap3A_153] {strides = array<i32>} : memref<128xi32, #tpu.memory_space<vmem>>, vector<16xi32>,
      %swap3A_155 = vector.shape_cast %swap3A_154 : vector<16xi32> to vector<16xi32>
      %swap3A_156 = vector.shape_cast %get3A_152 : vector<16xi32> to vector<16xi32>
      tpu.vector_store %arg7[%swap3A_153], %swap3A_156 {strides = array<i32>} : memref<128xi32, #tpu.memory_space<vmem>>, vector<16xi32>,
      %get3A_157 = arith.constant 48 : index
      %get3A_158 = tpu.vector_load %arg11[%get3A_157] {strides = array<i32>} : memref<128xi32, #tpu.memory_space<vmem>>, vector<16xi32>,
      %get3A_159 = vector.shape_cast %get3A_158 : vector<16xi32> to vector<16xi32>
      %swap3A_160 = arith.constant 48 : index
      %swap3A_161 = tpu.vector_load %arg7[%swap3A_160] {strides = array<i32>} : memref<128xi32, #tpu.memory_space<vmem>>, vector<16xi32>,
      %swap3A_162 = vector.shape_cast %swap3A_161 : vector<16xi32> to vector<16xi32>
      %swap3A_163 = vector.shape_cast %get3A_159 : vector<16xi32> to vector<16xi32>
      tpu.vector_store %arg7[%swap3A_160], %swap3A_163 {strides = array<i32>} : memref<128xi32, #tpu.memory_space<vmem>>, vector<16xi32>,
      %get3A_164 = arith.constant 64 : index
      %get3A_165 = tpu.vector_load %arg11[%get3A_164] {strides = array<i32>} : memref<128xi32, #tpu.memory_space<vmem>>, vector<16xi32>,
      %get3A_166 = vector.shape_cast %get3A_165 : vector<16xi32> to vector<16xi32>
      %swap3A_167 = arith.constant 64 : index
      %swap3A_168 = tpu.vector_load %arg7[%swap3A_167] {strides = array<i32>} : memref<128xi32, #tpu.memory_space<vmem>>, vector<16xi32>,
      %swap3A_169 = vector.shape_cast %swap3A_168 : vector<16xi32> to vector<16xi32>
      %swap3A_170 = vector.shape_cast %get3A_166 : vector<16xi32> to vector<16xi32>
      tpu.vector_store %arg7[%swap3A_167], %swap3A_170 {strides = array<i32>} : memref<128xi32, #tpu.memory_space<vmem>>, vector<16xi32>,
      %get3A_171 = arith.constant 80 : index
      %get3A_172 = tpu.vector_load %arg11[%get3A_171] {strides = array<i32>} : memref<128xi32, #tpu.memory_space<vmem>>, vector<16xi32>,
      %get3A_173 = vector.shape_cast %get3A_172 : vector<16xi32> to vector<16xi32>
      %swap3A_174 = arith.constant 80 : index
      %swap3A_175 = tpu.vector_load %arg7[%swap3A_174] {strides = array<i32>} : memref<128xi32, #tpu.memory_space<vmem>>, vector<16xi32>,
      %swap3A_176 = vector.shape_cast %swap3A_175 : vector<16xi32> to vector<16xi32>
      %swap3A_177 = vector.shape_cast %get3A_173 : vector<16xi32> to vector<16xi32>
      tpu.vector_store %arg7[%swap3A_174], %swap3A_177 {strides = array<i32>} : memref<128xi32, #tpu.memory_space<vmem>>, vector<16xi32>,
      %get3A_178 = arith.constant 96 : index
      %get3A_179 = tpu.vector_load %arg11[%get3A_178] {strides = array<i32>} : memref<128xi32, #tpu.memory_space<vmem>>, vector<16xi32>,
      %get3A_180 = vector.shape_cast %get3A_179 : vector<16xi32> to vector<16xi32>
      %swap3A_181 = arith.constant 96 : index
      %swap3A_182 = tpu.vector_load %arg7[%swap3A_181] {strides = array<i32>} : memref<128xi32, #tpu.memory_space<vmem>>, vector<16xi32>,
      %swap3A_183 = vector.shape_cast %swap3A_182 : vector<16xi32> to vector<16xi32>
      %swap3A_184 = vector.shape_cast %get3A_180 : vector<16xi32> to vector<16xi32>
      tpu.vector_store %arg7[%swap3A_181], %swap3A_184 {strides = array<i32>} : memref<128xi32, #tpu.memory_space<vmem>>, vector<16xi32>,
      %get3A_185 = arith.constant 112 : index
      %get3A_186 = tpu.vector_load %arg11[%get3A_185] {strides = array<i32>} : memref<128xi32, #tpu.memory_space<vmem>>, vector<16xi32>,
      %get3A_187 = vector.shape_cast %get3A_186 : vector<16xi32> to vector<16xi32>
      %swap3A_188 = arith.constant 112 : index
      %swap3A_189 = tpu.vector_load %arg7[%swap3A_188] {strides = array<i32>} : memref<128xi32, #tpu.memory_space<vmem>>, vector<16xi32>,
      %swap3A_190 = vector.shape_cast %swap3A_189 : vector<16xi32> to vector<16xi32>
      %swap3A_191 = vector.shape_cast %get3A_187 : vector<16xi32> to vector<16xi32>
      tpu.vector_store %arg7[%swap3A_188], %swap3A_191 {strides = array<i32>} : memref<128xi32, #tpu.memory_space<vmem>>, vector<16xi32>,
      %add3A_192 = arith.constant 1 : i32
      %add3A_193 = arith.addi %while3A_64, %add3A_192 : i32
      %lt3A = arith.cmpi slt, %add3A_193, %select_n3A_42 : i32
      %convert_element_type3A_194 = arith.extui %lt3A : i1 to i32
      %cond3A_195 = arith.constant 0 : i32
      %cond3A_196 = arith.cmpi ne, %convert_element_type3A_194, %cond3A_195 : i32
      scf.if %cond3A_196 {
        %add3A_203 = arith.constant 2 : i32
        %add3A_204 = arith.addi %mul3A_66, %add3A_203 : i32
        %dma_start3A_205 = arith.constant 0 : i32
        %dma_start3A_206 = tpu.memref_slice %arg3[%arg0, %arg1, %add3A_204, %dma_start3A_205] : memref<2x16x96x128xi32, #tpu.memory_space<hbm>> -> memref<1x1x1x128xi32, #tpu.memory_space<hbm>>
        %dma_start3A_207 = tpu.memref_squeeze %dma_start3A_206 : memref<1x1x1x128xi32, #tpu.memory_space<hbm>> -> memref<128xi32, #tpu.memory_space<hbm>>
        %dma_start3A_208 = arith.constant 0 : i32
        %dma_start3A_209 = tpu.memref_slice %arg3[%arg0, %arg1, %add3A_204, %dma_start3A_208] : memref<2x16x96x128xi32, #tpu.memory_space<hbm>> -> memref<1x1x1x128xi32, #tpu.memory_space<hbm>>
        %dma_start3A_210 = tpu.memref_squeeze %dma_start3A_209 : memref<1x1x1x128xi32, #tpu.memory_space<hbm>> -> memref<128xi32, #tpu.memory_space<hbm>>
        tpu.enqueue_dma source(%dma_start3A_210 : memref<128xi32, #tpu.memory_space<hbm>>) target(%arg8 : memref<128xi32, #tpu.memory_space<vmem>>) target_semaphore(%arg15 : memref<!tpu.dma_semaphore, #tpu.memory_space<semaphore_mem>>)
        %add3A_211 = arith.constant 2 : i32
        %add3A_212 = arith.addi %add3A_68, %add3A_211 : i32
        %dma_start3A_213 = arith.constant 0 : i32
        %dma_start3A_214 = tpu.memref_slice %arg3[%arg0, %arg1, %add3A_212, %dma_start3A_213] : memref<2x16x96x128xi32, #tpu.memory_space<hbm>> -> memref<1x1x1x128xi32, #tpu.memory_space<hbm>>
        %dma_start3A_215 = tpu.memref_squeeze %dma_start3A_214 : memref<1x1x1x128xi32, #tpu.memory_space<hbm>> -> memref<128xi32, #tpu.memory_space<hbm>>
        %dma_start3A_216 = arith.constant 0 : i32
        %dma_start3A_217 = tpu.memref_slice %arg3[%arg0, %arg1, %add3A_212, %dma_start3A_216] : memref<2x16x96x128xi32, #tpu.memory_space<hbm>> -> memref<1x1x1x128xi32, #tpu.memory_space<hbm>>
        %dma_start3A_218 = tpu.memref_squeeze %dma_start3A_217 : memref<1x1x1x128xi32, #tpu.memory_space<hbm>> -> memref<128xi32, #tpu.memory_space<hbm>>
        tpu.enqueue_dma source(%dma_start3A_218 : memref<128xi32, #tpu.memory_space<hbm>>) target(%arg9 : memref<128xi32, #tpu.memory_space<vmem>>) target_semaphore(%arg15 : memref<!tpu.dma_semaphore, #tpu.memory_space<semaphore_mem>>)
        %add3A_219 = arith.constant 2 : i32
        %add3A_220 = arith.addi %mul3A_66, %add3A_219 : i32
        %dma_start3A_221 = arith.constant 0 : i32
        %dma_start3A_222 = tpu.memref_slice %arg4[%arg0, %arg1, %add3A_220, %dma_start3A_221] : memref<2x16x96x128xi32, #tpu.memory_space<hbm>> -> memref<1x1x1x128xi32, #tpu.memory_space<hbm>>
        %dma_start3A_223 = tpu.memref_squeeze %dma_start3A_222 : memref<1x1x1x128xi32, #tpu.memory_space<hbm>> -> memref<128xi32, #tpu.memory_space<hbm>>
        %dma_start3A_224 = arith.constant 0 : i32
        %dma_start3A_225 = tpu.memref_slice %arg4[%arg0, %arg1, %add3A_220, %dma_start3A_224] : memref<2x16x96x128xi32, #tpu.memory_space<hbm>> -> memref<1x1x1x128xi32, #tpu.memory_space<hbm>>
        %dma_start3A_226 = tpu.memref_squeeze %dma_start3A_225 : memref<1x1x1x128xi32, #tpu.memory_space<hbm>> -> memref<128xi32, #tpu.memory_space<hbm>>
        tpu.enqueue_dma source(%dma_start3A_226 : memref<128xi32, #tpu.memory_space<hbm>>) target(%arg10 : memref<128xi32, #tpu.memory_space<vmem>>) target_semaphore(%arg15 : memref<!tpu.dma_semaphore, #tpu.memory_space<semaphore_mem>>)
        %add3A_227 = arith.constant 2 : i32
        %add3A_228 = arith.addi %add3A_68, %add3A_227 : i32
        %dma_start3A_229 = arith.constant 0 : i32
        %dma_start3A_230 = tpu.memref_slice %arg4[%arg0, %arg1, %add3A_228, %dma_start3A_229] : memref<2x16x96x128xi32, #tpu.memory_space<hbm>> -> memref<1x1x1x128xi32, #tpu.memory_space<hbm>>
        %dma_start3A_231 = tpu.memref_squeeze %dma_start3A_230 : memref<1x1x1x128xi32, #tpu.memory_space<hbm>> -> memref<128xi32, #tpu.memory_space<hbm>>
        %dma_start3A_232 = arith.constant 0 : i32
        %dma_start3A_233 = tpu.memref_slice %arg4[%arg0, %arg1, %add3A_228, %dma_start3A_232] : memref<2x16x96x128xi32, #tpu.memory_space<hbm>> -> memref<1x1x1x128xi32, #tpu.memory_space<hbm>>
        %dma_start3A_234 = tpu.memref_squeeze %dma_start3A_233 : memref<1x1x1x128xi32, #tpu.memory_space<hbm>> -> memref<128xi32, #tpu.memory_space<hbm>>
        tpu.enqueue_dma source(%dma_start3A_234 : memref<128xi32, #tpu.memory_space<hbm>>) target(%arg11 : memref<128xi32, #tpu.memory_space<vmem>>) target_semaphore(%arg15 : memref<!tpu.dma_semaphore, #tpu.memory_space<semaphore_mem>>)
      } else {
      }
      %dma_start3A_197 = arith.constant 0 : i32
      %dma_start3A_198 = arith.constant 0 : i32
      %dma_start3A_199 = tpu.memref_slice %arg18[%dma_start3A_197, %dma_start3A_198] : memref<10112x128xf32, #tpu.memory_space<vmem_shared>> -> memref<10112x128xf32, #tpu.memory_space<vmem_shared>>
      tpu.enqueue_indirect_dma source(%arg12 : memref<128x128xf32, #tpu.memory_space<vmem>>) target(%dma_start3A_199 : memref<10112x128xf32, #tpu.memory_space<vmem_shared>>) offsets(%arg6 : memref<128xi32, #tpu.memory_space<vmem>>) semaphore(%arg16 : memref<!tpu.dma_semaphore, #tpu.memory_space<semaphore_mem>>) {add = true}
      %dma_start3A_200 = arith.constant 0 : i32
      %dma_start3A_201 = arith.constant 0 : i32
      %dma_start3A_202 = tpu.memref_slice %arg18[%dma_start3A_200, %dma_start3A_201] : memref<10112x128xf32, #tpu.memory_space<vmem_shared>> -> memref<10112x128xf32, #tpu.memory_space<vmem_shared>>
      tpu.enqueue_indirect_dma source(%arg13 : memref<128x128xf32, #tpu.memory_space<vmem>>) target(%dma_start3A_202 : memref<10112x128xf32, #tpu.memory_space<vmem_shared>>) offsets(%arg7 : memref<128xi32, #tpu.memory_space<vmem>>) semaphore(%arg17 : memref<!tpu.dma_semaphore, #tpu.memory_space<semaphore_mem>>) {add = true}
    }
    %while3A_53 = arith.constant 1 : i32
    scf.for %while3A_64 = %while3A_51 to %while3A_47 step %while3A_53  : i32 {
      %mul3A_65 = arith.constant 2 : i32
      %mul3A_66 = arith.muli %mul3A_65, %while3A_64 : i32
      %add3A_67 = arith.constant 1 : i32
      %add3A_68 = arith.addi %mul3A_66, %add3A_67 : i32
      %gt3A = arith.constant 0 : i32
      %gt3A_69 = arith.cmpi sgt, %while3A_64, %gt3A : i32
      %convert_element_type3A = arith.extui %gt3A_69 : i1 to i32
      %cond3A = arith.constant 0 : i32
      %cond3A_70 = arith.cmpi ne, %convert_element_type3A, %cond3A : i32
      scf.if %cond3A_70 {
        %dma_wait3A_203 = arith.constant 0 : i32
        %dma_wait3A_204 = tpu.memref_slice %arg3[%arg0, %arg1, %mul3A_66, %dma_wait3A_203] : memref<2x16x96x128xi32, #tpu.memory_space<hbm>> -> memref<1x1x1x128xi32, #tpu.memory_space<hbm>>
        %dma_wait3A_205 = tpu.memref_squeeze %dma_wait3A_204 : memref<1x1x1x128xi32, #tpu.memory_space<hbm>> -> memref<128xi32, #tpu.memory_space<hbm>>
        %dma_wait3A_206 = arith.constant 0 : i32
        %dma_wait3A_207 = tpu.memref_slice %arg3[%arg0, %arg1, %mul3A_66, %dma_wait3A_206] : memref<2x16x96x128xi32, #tpu.memory_space<hbm>> -> memref<1x1x1x128xi32, #tpu.memory_space<hbm>>
        %dma_wait3A_208 = tpu.memref_squeeze %dma_wait3A_207 : memref<1x1x1x128xi32, #tpu.memory_space<hbm>> -> memref<128xi32, #tpu.memory_space<hbm>>
        tpu.wait_dma2 semaphore(%arg15 : memref<!tpu.dma_semaphore, #tpu.memory_space<semaphore_mem>>) src(%dma_wait3A_208 : memref<128xi32, #tpu.memory_space<hbm>>) dst(%arg8 : memref<128xi32, #tpu.memory_space<vmem>>)
        %dma_wait3A_209 = arith.constant 0 : i32
        %dma_wait3A_210 = tpu.memref_slice %arg3[%arg0, %arg1, %add3A_68, %dma_wait3A_209] : memref<2x16x96x128xi32, #tpu.memory_space<hbm>> -> memref<1x1x1x128xi32, #tpu.memory_space<hbm>>
        %dma_wait3A_211 = tpu.memref_squeeze %dma_wait3A_210 : memref<1x1x1x128xi32, #tpu.memory_space<hbm>> -> memref<128xi32, #tpu.memory_space<hbm>>
        %dma_wait3A_212 = arith.constant 0 : i32
        %dma_wait3A_213 = tpu.memref_slice %arg3[%arg0, %arg1, %add3A_68, %dma_wait3A_212] : memref<2x16x96x128xi32, #tpu.memory_space<hbm>> -> memref<1x1x1x128xi32, #tpu.memory_space<hbm>>
        %dma_wait3A_214 = tpu.memref_squeeze %dma_wait3A_213 : memref<1x1x1x128xi32, #tpu.memory_space<hbm>> -> memref<128xi32, #tpu.memory_space<hbm>>
        tpu.wait_dma2 semaphore(%arg15 : memref<!tpu.dma_semaphore, #tpu.memory_space<semaphore_mem>>) src(%dma_wait3A_214 : memref<128xi32, #tpu.memory_space<hbm>>) dst(%arg9 : memref<128xi32, #tpu.memory_space<vmem>>)
        %dma_wait3A_215 = arith.constant 0 : i32
        %dma_wait3A_216 = tpu.memref_slice %arg4[%arg0, %arg1, %mul3A_66, %dma_wait3A_215] : memref<2x16x96x128xi32, #tpu.memory_space<hbm>> -> memref<1x1x1x128xi32, #tpu.memory_space<hbm>>
        %dma_wait3A_217 = tpu.memref_squeeze %dma_wait3A_216 : memref<1x1x1x128xi32, #tpu.memory_space<hbm>> -> memref<128xi32, #tpu.memory_space<hbm>>
        %dma_wait3A_218 = arith.constant 0 : i32
        %dma_wait3A_219 = tpu.memref_slice %arg4[%arg0, %arg1, %mul3A_66, %dma_wait3A_218] : memref<2x16x96x128xi32, #tpu.memory_space<hbm>> -> memref<1x1x1x128xi32, #tpu.memory_space<hbm>>
        %dma_wait3A_220 = tpu.memref_squeeze %dma_wait3A_219 : memref<1x1x1x128xi32, #tpu.memory_space<hbm>> -> memref<128xi32, #tpu.memory_space<hbm>>
        tpu.wait_dma2 semaphore(%arg15 : memref<!tpu.dma_semaphore, #tpu.memory_space<semaphore_mem>>) src(%dma_wait3A_220 : memref<128xi32, #tpu.memory_space<hbm>>) dst(%arg10 : memref<128xi32, #tpu.memory_space<vmem>>)
        %dma_wait3A_221 = arith.constant 0 : i32
        %dma_wait3A_222 = tpu.memref_slice %arg4[%arg0, %arg1, %add3A_68, %dma_wait3A_221] : memref<2x16x96x128xi32, #tpu.memory_space<hbm>> -> memref<1x1x1x128xi32, #tpu.memory_space<hbm>>
        %dma_wait3A_223 = tpu.memref_squeeze %dma_wait3A_222 : memref<1x1x1x128xi32, #tpu.memory_space<hbm>> -> memref<128xi32, #tpu.memory_space<hbm>>
        %dma_wait3A_224 = arith.constant 0 : i32
        %dma_wait3A_225 = tpu.memref_slice %arg4[%arg0, %arg1, %add3A_68, %dma_wait3A_224] : memref<2x16x96x128xi32, #tpu.memory_space<hbm>> -> memref<1x1x1x128xi32, #tpu.memory_space<hbm>>
        %dma_wait3A_226 = tpu.memref_squeeze %dma_wait3A_225 : memref<1x1x1x128xi32, #tpu.memory_space<hbm>> -> memref<128xi32, #tpu.memory_space<hbm>>
        tpu.wait_dma2 semaphore(%arg15 : memref<!tpu.dma_semaphore, #tpu.memory_space<semaphore_mem>>) src(%dma_wait3A_226 : memref<128xi32, #tpu.memory_space<hbm>>) dst(%arg11 : memref<128xi32, #tpu.memory_space<vmem>>)
        %dma_wait3A_227 = arith.constant 0 : i32
        %dma_wait3A_228 = arith.constant 0 : i32
        %dma_wait3A_229 = tpu.memref_slice %arg18[%dma_wait3A_227, %dma_wait3A_228] : memref<10112x128xf32, #tpu.memory_space<vmem_shared>> -> memref<10112x128xf32, #tpu.memory_space<vmem_shared>>
        tpu.wait_indirect_dma semaphore(%arg16 : memref<!tpu.dma_semaphore, #tpu.memory_space<semaphore_mem>>) src(%arg12 : memref<128x128xf32, #tpu.memory_space<vmem>>) dst(%dma_wait3A_229 : memref<10112x128xf32, #tpu.memory_space<vmem_shared>>)
        %dma_wait3A_230 = arith.constant 0 : i32
        %dma_wait3A_231 = arith.constant 0 : i32
        %dma_wait3A_232 = tpu.memref_slice %arg18[%dma_wait3A_230, %dma_wait3A_231] : memref<10112x128xf32, #tpu.memory_space<vmem_shared>> -> memref<10112x128xf32, #tpu.memory_space<vmem_shared>>
        tpu.wait_indirect_dma semaphore(%arg17 : memref<!tpu.dma_semaphore, #tpu.memory_space<semaphore_mem>>) src(%arg13 : memref<128x128xf32, #tpu.memory_space<vmem>>) dst(%dma_wait3A_232 : memref<10112x128xf32, #tpu.memory_space<vmem_shared>>)
      } else {
      }
      %dma_start3A = arith.constant 0 : i32
      %dma_start3A_71 = arith.constant 0 : i32
      %dma_start3A_72 = tpu.memref_slice %arg2[%dma_start3A, %dma_start3A_71] : memref<10000x128xf32, #tpu.memory_space<hbm>> -> memref<10000x128xf32, #tpu.memory_space<hbm>>
      tpu.enqueue_indirect_dma source(%dma_start3A_72 : memref<10000x128xf32, #tpu.memory_space<hbm>>) target(%arg12 : memref<128x128xf32, #tpu.memory_space<vmem>>) offsets(%arg8 : memref<128xi32, #tpu.memory_space<vmem>>) semaphore(%arg14 : memref<!tpu.dma_semaphore, #tpu.memory_space<semaphore_mem>>)
      %dma_start3A_73 = arith.constant 0 : i32
      %dma_start3A_74 = arith.constant 0 : i32
      %dma_start3A_75 = tpu.memref_slice %arg2[%dma_start3A_73, %dma_start3A_74] : memref<10000x128xf32, #tpu.memory_space<hbm>> -> memref<10000x128xf32, #tpu.memory_space<hbm>>
      tpu.enqueue_indirect_dma source(%dma_start3A_75 : memref<10000x128xf32, #tpu.memory_space<hbm>>) target(%arg13 : memref<128x128xf32, #tpu.memory_space<vmem>>) offsets(%arg9 : memref<128xi32, #tpu.memory_space<vmem>>) semaphore(%arg14 : memref<!tpu.dma_semaphore, #tpu.memory_space<semaphore_mem>>)
      %dma_wait3A_76 = arith.constant 0 : i32
      %dma_wait3A_77 = arith.constant 0 : i32
      %dma_wait3A_78 = tpu.memref_slice %arg2[%dma_wait3A_76, %dma_wait3A_77] : memref<10000x128xf32, #tpu.memory_space<hbm>> -> memref<10000x128xf32, #tpu.memory_space<hbm>>
      tpu.wait_indirect_dma semaphore(%arg14 : memref<!tpu.dma_semaphore, #tpu.memory_space<semaphore_mem>>) src(%dma_wait3A_78 : memref<10000x128xf32, #tpu.memory_space<hbm>>) dst(%arg12 : memref<128x128xf32, #tpu.memory_space<vmem>>)
      %dma_wait3A_79 = arith.constant 0 : i32
      %dma_wait3A_80 = arith.constant 0 : i32
      %dma_wait3A_81 = tpu.memref_slice %arg2[%dma_wait3A_79, %dma_wait3A_80] : memref<10000x128xf32, #tpu.memory_space<hbm>> -> memref<10000x128xf32, #tpu.memory_space<hbm>>
      tpu.wait_indirect_dma semaphore(%arg14 : memref<!tpu.dma_semaphore, #tpu.memory_space<semaphore_mem>>) src(%dma_wait3A_81 : memref<10000x128xf32, #tpu.memory_space<hbm>>) dst(%arg13 : memref<128x128xf32, #tpu.memory_space<vmem>>)
      %get3A = arith.constant 0 : index
      %get3A_82 = tpu.vector_load %arg10[%get3A] {strides = array<i32>} : memref<128xi32, #tpu.memory_space<vmem>>, vector<16xi32>,
      %get3A_83 = vector.shape_cast %get3A_82 : vector<16xi32> to vector<16xi32>
      %swap3A = arith.constant 0 : index
      %swap3A_84 = tpu.vector_load %arg6[%swap3A] {strides = array<i32>} : memref<128xi32, #tpu.memory_space<vmem>>, vector<16xi32>,
      %swap3A_85 = vector.shape_cast %swap3A_84 : vector<16xi32> to vector<16xi32>
      %swap3A_86 = vector.shape_cast %get3A_83 : vector<16xi32> to vector<16xi32>
      tpu.vector_store %arg6[%swap3A], %swap3A_86 {strides = array<i32>} : memref<128xi32, #tpu.memory_space<vmem>>, vector<16xi32>,
      %get3A_87 = arith.constant 16 : index
      %get3A_88 = tpu.vector_load %arg10[%get3A_87] {strides = array<i32>} : memref<128xi32, #tpu.memory_space<vmem>>, vector<16xi32>,
      %get3A_89 = vector.shape_cast %get3A_88 : vector<16xi32> to vector<16xi32>
      %swap3A_90 = arith.constant 16 : index
      %swap3A_91 = tpu.vector_load %arg6[%swap3A_90] {strides = array<i32>} : memref<128xi32, #tpu.memory_space<vmem>>, vector<16xi32>,
      %swap3A_92 = vector.shape_cast %swap3A_91 : vector<16xi32> to vector<16xi32>
      %swap3A_93 = vector.shape_cast %get3A_89 : vector<16xi32> to vector<16xi32>
      tpu.vector_store %arg6[%swap3A_90], %swap3A_93 {strides = array<i32>} : memref<128xi32, #tpu.memory_space<vmem>>, vector<16xi32>,
      %get3A_94 = arith.constant 32 : index
      %get3A_95 = tpu.vector_load %arg10[%get3A_94] {strides = array<i32>} : memref<128xi32, #tpu.memory_space<vmem>>, vector<16xi32>,
      %get3A_96 = vector.shape_cast %get3A_95 : vector<16xi32> to vector<16xi32>
      %swap3A_97 = arith.constant 32 : index
      %swap3A_98 = tpu.vector_load %arg6[%swap3A_97] {strides = array<i32>} : memref<128xi32, #tpu.memory_space<vmem>>, vector<16xi32>,
      %swap3A_99 = vector.shape_cast %swap3A_98 : vector<16xi32> to vector<16xi32>
      %swap3A_100 = vector.shape_cast %get3A_96 : vector<16xi32> to vector<16xi32>
      tpu.vector_store %arg6[%swap3A_97], %swap3A_100 {strides = array<i32>} : memref<128xi32, #tpu.memory_space<vmem>>, vector<16xi32>,
      %get3A_101 = arith.constant 48 : index
      %get3A_102 = tpu.vector_load %arg10[%get3A_101] {strides = array<i32>} : memref<128xi32, #tpu.memory_space<vmem>>, vector<16xi32>,
      %get3A_103 = vector.shape_cast %get3A_102 : vector<16xi32> to vector<16xi32>
      %swap3A_104 = arith.constant 48 : index
      %swap3A_105 = tpu.vector_load %arg6[%swap3A_104] {strides = array<i32>} : memref<128xi32, #tpu.memory_space<vmem>>, vector<16xi32>,
      %swap3A_106 = vector.shape_cast %swap3A_105 : vector<16xi32> to vector<16xi32>
      %swap3A_107 = vector.shape_cast %get3A_103 : vector<16xi32> to vector<16xi32>
      tpu.vector_store %arg6[%swap3A_104], %swap3A_107 {strides = array<i32>} : memref<128xi32, #tpu.memory_space<vmem>>, vector<16xi32>,
      %get3A_108 = arith.constant 64 : index
      %get3A_109 = tpu.vector_load %arg10[%get3A_108] {strides = array<i32>} : memref<128xi32, #tpu.memory_space<vmem>>, vector<16xi32>,
      %get3A_110 = vector.shape_cast %get3A_109 : vector<16xi32> to vector<16xi32>
      %swap3A_111 = arith.constant 64 : index
      %swap3A_112 = tpu.vector_load %arg6[%swap3A_111] {strides = array<i32>} : memref<128xi32, #tpu.memory_space<vmem>>, vector<16xi32>,
      %swap3A_113 = vector.shape_cast %swap3A_112 : vector<16xi32> to vector<16xi32>
      %swap3A_114 = vector.shape_cast %get3A_110 : vector<16xi32> to vector<16xi32>
      tpu.vector_store %arg6[%swap3A_111], %swap3A_114 {strides = array<i32>} : memref<128xi32, #tpu.memory_space<vmem>>, vector<16xi32>,
      %get3A_115 = arith.constant 80 : index
      %get3A_116 = tpu.vector_load %arg10[%get3A_115] {strides = array<i32>} : memref<128xi32, #tpu.memory_space<vmem>>, vector<16xi32>,
      %get3A_117 = vector.shape_cast %get3A_116 : vector<16xi32> to vector<16xi32>
      %swap3A_118 = arith.constant 80 : index
      %swap3A_119 = tpu.vector_load %arg6[%swap3A_118] {strides = array<i32>} : memref<128xi32, #tpu.memory_space<vmem>>, vector<16xi32>,
      %swap3A_120 = vector.shape_cast %swap3A_119 : vector<16xi32> to vector<16xi32>
      %swap3A_121 = vector.shape_cast %get3A_117 : vector<16xi32> to vector<16xi32>
      tpu.vector_store %arg6[%swap3A_118], %swap3A_121 {strides = array<i32>} : memref<128xi32, #tpu.memory_space<vmem>>, vector<16xi32>,
      %get3A_122 = arith.constant 96 : index
      %get3A_123 = tpu.vector_load %arg10[%get3A_122] {strides = array<i32>} : memref<128xi32, #tpu.memory_space<vmem>>, vector<16xi32>,
      %get3A_124 = vector.shape_cast %get3A_123 : vector<16xi32> to vector<16xi32>
      %swap3A_125 = arith.constant 96 : index
      %swap3A_126 = tpu.vector_load %arg6[%swap3A_125] {strides = array<i32>} : memref<128xi32, #tpu.memory_space<vmem>>, vector<16xi32>,
      %swap3A_127 = vector.shape_cast %swap3A_126 : vector<16xi32> to vector<16xi32>
      %swap3A_128 = vector.shape_cast %get3A_124 : vector<16xi32> to vector<16xi32>
      tpu.vector_store %arg6[%swap3A_125], %swap3A_128 {strides = array<i32>} : memref<128xi32, #tpu.memory_space<vmem>>, vector<16xi32>,
      %get3A_129 = arith.constant 112 : index
      %get3A_130 = tpu.vector_load %arg10[%get3A_129] {strides = array<i32>} : memref<128xi32, #tpu.memory_space<vmem>>, vector<16xi32>,
      %get3A_131 = vector.shape_cast %get3A_130 : vector<16xi32> to vector<16xi32>
      %swap3A_132 = arith.constant 112 : index
      %swap3A_133 = tpu.vector_load %arg6[%swap3A_132] {strides = array<i32>} : memref<128xi32, #tpu.memory_space<vmem>>, vector<16xi32>,
      %swap3A_134 = vector.shape_cast %swap3A_133 : vector<16xi32> to vector<16xi32>
      %swap3A_135 = vector.shape_cast %get3A_131 : vector<16xi32> to vector<16xi32>
      tpu.vector_store %arg6[%swap3A_132], %swap3A_135 {strides = array<i32>} : memref<128xi32, #tpu.memory_space<vmem>>, vector<16xi32>,
      %get3A_136 = arith.constant 0 : index
      %get3A_137 = tpu.vector_load %arg11[%get3A_136] {strides = array<i32>} : memref<128xi32, #tpu.memory_space<vmem>>, vector<16xi32>,
      %get3A_138 = vector.shape_cast %get3A_137 : vector<16xi32> to vector<16xi32>
      %swap3A_139 = arith.constant 0 : index
      %swap3A_140 = tpu.vector_load %arg7[%swap3A_139] {strides = array<i32>} : memref<128xi32, #tpu.memory_space<vmem>>, vector<16xi32>,
      %swap3A_141 = vector.shape_cast %swap3A_140 : vector<16xi32> to vector<16xi32>
      %swap3A_142 = vector.shape_cast %get3A_138 : vector<16xi32> to vector<16xi32>
      tpu.vector_store %arg7[%swap3A_139], %swap3A_142 {strides = array<i32>} : memref<128xi32, #tpu.memory_space<vmem>>, vector<16xi32>,
      %get3A_143 = arith.constant 16 : index
      %get3A_144 = tpu.vector_load %arg11[%get3A_143] {strides = array<i32>} : memref<128xi32, #tpu.memory_space<vmem>>, vector<16xi32>,
      %get3A_145 = vector.shape_cast %get3A_144 : vector<16xi32> to vector<16xi32>
      %swap3A_146 = arith.constant 16 : index
      %swap3A_147 = tpu.vector_load %arg7[%swap3A_146] {strides = array<i32>} : memref<128xi32, #tpu.memory_space<vmem>>, vector<16xi32>,
      %swap3A_148 = vector.shape_cast %swap3A_147 : vector<16xi32> to vector<16xi32>
      %swap3A_149 = vector.shape_cast %get3A_145 : vector<16xi32> to vector<16xi32>
      tpu.vector_store %arg7[%swap3A_146], %swap3A_149 {strides = array<i32>} : memref<128xi32, #tpu.memory_space<vmem>>, vector<16xi32>,
      %get3A_150 = arith.constant 32 : index
      %get3A_151 = tpu.vector_load %arg11[%get3A_150] {strides = array<i32>} : memref<128xi32, #tpu.memory_space<vmem>>, vector<16xi32>,
      %get3A_152 = vector.shape_cast %get3A_151 : vector<16xi32> to vector<16xi32>
      %swap3A_153 = arith.constant 32 : index
      %swap3A_154 = tpu.vector_load %arg7[%swap3A_153] {strides = array<i32>} : memref<128xi32, #tpu.memory_space<vmem>>, vector<16xi32>,
      %swap3A_155 = vector.shape_cast %swap3A_154 : vector<16xi32> to vector<16xi32>
      %swap3A_156 = vector.shape_cast %get3A_152 : vector<16xi32> to vector<16xi32>
      tpu.vector_store %arg7[%swap3A_153], %swap3A_156 {strides = array<i32>} : memref<128xi32, #tpu.memory_space<vmem>>, vector<16xi32>,
      %get3A_157 = arith.constant 48 : index
      %get3A_158 = tpu.vector_load %arg11[%get3A_157] {strides = array<i32>} : memref<128xi32, #tpu.memory_space<vmem>>, vector<16xi32>,
      %get3A_159 = vector.shape_cast %get3A_158 : vector<16xi32> to vector<16xi32>
      %swap3A_160 = arith.constant 48 : index
      %swap3A_161 = tpu.vector_load %arg7[%swap3A_160] {strides = array<i32>} : memref<128xi32, #tpu.memory_space<vmem>>, vector<16xi32>,
      %swap3A_162 = vector.shape_cast %swap3A_161 : vector<16xi32> to vector<16xi32>
      %swap3A_163 = vector.shape_cast %get3A_159 : vector<16xi32> to vector<16xi32>
      tpu.vector_store %arg7[%swap3A_160], %swap3A_163 {strides = array<i32>} : memref<128xi32, #tpu.memory_space<vmem>>, vector<16xi32>,
      %get3A_164 = arith.constant 64 : index
      %get3A_165 = tpu.vector_load %arg11[%get3A_164] {strides = array<i32>} : memref<128xi32, #tpu.memory_space<vmem>>, vector<16xi32>,
      %get3A_166 = vector.shape_cast %get3A_165 : vector<16xi32> to vector<16xi32>
      %swap3A_167 = arith.constant 64 : index
      %swap3A_168 = tpu.vector_load %arg7[%swap3A_167] {strides = array<i32>} : memref<128xi32, #tpu.memory_space<vmem>>, vector<16xi32>,
      %swap3A_169 = vector.shape_cast %swap3A_168 : vector<16xi32> to vector<16xi32>
      %swap3A_170 = vector.shape_cast %get3A_166 : vector<16xi32> to vector<16xi32>
      tpu.vector_store %arg7[%swap3A_167], %swap3A_170 {strides = array<i32>} : memref<128xi32, #tpu.memory_space<vmem>>, vector<16xi32>,
      %get3A_171 = arith.constant 80 : index
      %get3A_172 = tpu.vector_load %arg11[%get3A_171] {strides = array<i32>} : memref<128xi32, #tpu.memory_space<vmem>>, vector<16xi32>,
      %get3A_173 = vector.shape_cast %get3A_172 : vector<16xi32> to vector<16xi32>
      %swap3A_174 = arith.constant 80 : index
      %swap3A_175 = tpu.vector_load %arg7[%swap3A_174] {strides = array<i32>} : memref<128xi32, #tpu.memory_space<vmem>>, vector<16xi32>,
      %swap3A_176 = vector.shape_cast %swap3A_175 : vector<16xi32> to vector<16xi32>
      %swap3A_177 = vector.shape_cast %get3A_173 : vector<16xi32> to vector<16xi32>
      tpu.vector_store %arg7[%swap3A_174], %swap3A_177 {strides = array<i32>} : memref<128xi32, #tpu.memory_space<vmem>>, vector<16xi32>,
      %get3A_178 = arith.constant 96 : index
      %get3A_179 = tpu.vector_load %arg11[%get3A_178] {strides = array<i32>} : memref<128xi32, #tpu.memory_space<vmem>>, vector<16xi32>,
      %get3A_180 = vector.shape_cast %get3A_179 : vector<16xi32> to vector<16xi32>
      %swap3A_181 = arith.constant 96 : index
      %swap3A_182 = tpu.vector_load %arg7[%swap3A_181] {strides = array<i32>} : memref<128xi32, #tpu.memory_space<vmem>>, vector<16xi32>,
      %swap3A_183 = vector.shape_cast %swap3A_182 : vector<16xi32> to vector<16xi32>
      %swap3A_184 = vector.shape_cast %get3A_180 : vector<16xi32> to vector<16xi32>
      tpu.vector_store %arg7[%swap3A_181], %swap3A_184 {strides = array<i32>} : memref<128xi32, #tpu.memory_space<vmem>>, vector<16xi32>,
      %get3A_185 = arith.constant 112 : index
      %get3A_186 = tpu.vector_load %arg11[%get3A_185] {strides = array<i32>} : memref<128xi32, #tpu.memory_space<vmem>>, vector<16xi32>,
      %get3A_187 = vector.shape_cast %get3A_186 : vector<16xi32> to vector<16xi32>
      %swap3A_188 = arith.constant 112 : index
      %swap3A_189 = tpu.vector_load %arg7[%swap3A_188] {strides = array<i32>} : memref<128xi32, #tpu.memory_space<vmem>>, vector<16xi32>,
      %swap3A_190 = vector.shape_cast %swap3A_189 : vector<16xi32> to vector<16xi32>
      %swap3A_191 = vector.shape_cast %get3A_187 : vector<16xi32> to vector<16xi32>
      tpu.vector_store %arg7[%swap3A_188], %swap3A_191 {strides = array<i32>} : memref<128xi32, #tpu.memory_space<vmem>>, vector<16xi32>,
      %add3A_192 = arith.constant 1 : i32
      %add3A_193 = arith.addi %while3A_64, %add3A_192 : i32
      %lt3A = arith.cmpi slt, %add3A_193, %select_n3A_42 : i32
      %convert_element_type3A_194 = arith.extui %lt3A : i1 to i32
      %cond3A_195 = arith.constant 0 : i32
      %cond3A_196 = arith.cmpi ne, %convert_element_type3A_194, %cond3A_195 : i32
      scf.if %cond3A_196 {
        %add3A_203 = arith.constant 2 : i32
        %add3A_204 = arith.addi %mul3A_66, %add3A_203 : i32
        %dma_start3A_205 = arith.constant 0 : i32
        %dma_start3A_206 = tpu.memref_slice %arg3[%arg0, %arg1, %add3A_204, %dma_start3A_205] : memref<2x16x96x128xi32, #tpu.memory_space<hbm>> -> memref<1x1x1x128xi32, #tpu.memory_space<hbm>>
        %dma_start3A_207 = tpu.memref_squeeze %dma_start3A_206 : memref<1x1x1x128xi32, #tpu.memory_space<hbm>> -> memref<128xi32, #tpu.memory_space<hbm>>
        %dma_start3A_208 = arith.constant 0 : i32
        %dma_start3A_209 = tpu.memref_slice %arg3[%arg0, %arg1, %add3A_204, %dma_start3A_208] : memref<2x16x96x128xi32, #tpu.memory_space<hbm>> -> memref<1x1x1x128xi32, #tpu.memory_space<hbm>>
        %dma_start3A_210 = tpu.memref_squeeze %dma_start3A_209 : memref<1x1x1x128xi32, #tpu.memory_space<hbm>> -> memref<128xi32, #tpu.memory_space<hbm>>
        tpu.enqueue_dma source(%dma_start3A_210 : memref<128xi32, #tpu.memory_space<hbm>>) target(%arg8 : memref<128xi32, #tpu.memory_space<vmem>>) target_semaphore(%arg15 : memref<!tpu.dma_semaphore, #tpu.memory_space<semaphore_mem>>)
        %add3A_211 = arith.constant 2 : i32
        %add3A_212 = arith.addi %add3A_68, %add3A_211 : i32
        %dma_start3A_213 = arith.constant 0 : i32
        %dma_start3A_214 = tpu.memref_slice %arg3[%arg0, %arg1, %add3A_212, %dma_start3A_213] : memref<2x16x96x128xi32, #tpu.memory_space<hbm>> -> memref<1x1x1x128xi32, #tpu.memory_space<hbm>>
        %dma_start3A_215 = tpu.memref_squeeze %dma_start3A_214 : memref<1x1x1x128xi32, #tpu.memory_space<hbm>> -> memref<128xi32, #tpu.memory_space<hbm>>
        %dma_start3A_216 = arith.constant 0 : i32
        %dma_start3A_217 = tpu.memref_slice %arg3[%arg0, %arg1, %add3A_212, %dma_start3A_216] : memref<2x16x96x128xi32, #tpu.memory_space<hbm>> -> memref<1x1x1x128xi32, #tpu.memory_space<hbm>>
        %dma_start3A_218 = tpu.memref_squeeze %dma_start3A_217 : memref<1x1x1x128xi32, #tpu.memory_space<hbm>> -> memref<128xi32, #tpu.memory_space<hbm>>
        tpu.enqueue_dma source(%dma_start3A_218 : memref<128xi32, #tpu.memory_space<hbm>>) target(%arg9 : memref<128xi32, #tpu.memory_space<vmem>>) target_semaphore(%arg15 : memref<!tpu.dma_semaphore, #tpu.memory_space<semaphore_mem>>)
        %add3A_219 = arith.constant 2 : i32
        %add3A_220 = arith.addi %mul3A_66, %add3A_219 : i32
        %dma_start3A_221 = arith.constant 0 : i32
        %dma_start3A_222 = tpu.memref_slice %arg4[%arg0, %arg1, %add3A_220, %dma_start3A_221] : memref<2x16x96x128xi32, #tpu.memory_space<hbm>> -> memref<1x1x1x128xi32, #tpu.memory_space<hbm>>
        %dma_start3A_223 = tpu.memref_squeeze %dma_start3A_222 : memref<1x1x1x128xi32, #tpu.memory_space<hbm>> -> memref<128xi32, #tpu.memory_space<hbm>>
        %dma_start3A_224 = arith.constant 0 : i32
        %dma_start3A_225 = tpu.memref_slice %arg4[%arg0, %arg1, %add3A_220, %dma_start3A_224] : memref<2x16x96x128xi32, #tpu.memory_space<hbm>> -> memref<1x1x1x128xi32, #tpu.memory_space<hbm>>
        %dma_start3A_226 = tpu.memref_squeeze %dma_start3A_225 : memref<1x1x1x128xi32, #tpu.memory_space<hbm>> -> memref<128xi32, #tpu.memory_space<hbm>>
        tpu.enqueue_dma source(%dma_start3A_226 : memref<128xi32, #tpu.memory_space<hbm>>) target(%arg10 : memref<128xi32, #tpu.memory_space<vmem>>) target_semaphore(%arg15 : memref<!tpu.dma_semaphore, #tpu.memory_space<semaphore_mem>>)
        %add3A_227 = arith.constant 2 : i32
        %add3A_228 = arith.addi %add3A_68, %add3A_227 : i32
        %dma_start3A_229 = arith.constant 0 : i32
        %dma_start3A_230 = tpu.memref_slice %arg4[%arg0, %arg1, %add3A_228, %dma_start3A_229] : memref<2x16x96x128xi32, #tpu.memory_space<hbm>> -> memref<1x1x1x128xi32, #tpu.memory_space<hbm>>
        %dma_start3A_231 = tpu.memref_squeeze %dma_start3A_230 : memref<1x1x1x128xi32, #tpu.memory_space<hbm>> -> memref<128xi32, #tpu.memory_space<hbm>>
        %dma_start3A_232 = arith.constant 0 : i32
        %dma_start3A_233 = tpu.memref_slice %arg4[%arg0, %arg1, %add3A_228, %dma_start3A_232] : memref<2x16x96x128xi32, #tpu.memory_space<hbm>> -> memref<1x1x1x128xi32, #tpu.memory_space<hbm>>
        %dma_start3A_234 = tpu.memref_squeeze %dma_start3A_233 : memref<1x1x1x128xi32, #tpu.memory_space<hbm>> -> memref<128xi32, #tpu.memory_space<hbm>>
        tpu.enqueue_dma source(%dma_start3A_234 : memref<128xi32, #tpu.memory_space<hbm>>) target(%arg11 : memref<128xi32, #tpu.memory_space<vmem>>) target_semaphore(%arg15 : memref<!tpu.dma_semaphore, #tpu.memory_space<semaphore_mem>>)
      } else {
      }
      %dma_start3A_197 = arith.constant 0 : i32
      %dma_start3A_198 = arith.constant 0 : i32
      %dma_start3A_199 = tpu.memref_slice %arg18[%dma_start3A_197, %dma_start3A_198] : memref<10112x128xf32, #tpu.memory_space<vmem_shared>> -> memref<10112x128xf32, #tpu.memory_space<vmem_shared>>
      tpu.enqueue_indirect_dma source(%arg12 : memref<128x128xf32, #tpu.memory_space<vmem>>) target(%dma_start3A_199 : memref<10112x128xf32, #tpu.memory_space<vmem_shared>>) offsets(%arg6 : memref<128xi32, #tpu.memory_space<vmem>>) semaphore(%arg16 : memref<!tpu.dma_semaphore, #tpu.memory_space<semaphore_mem>>) {add = true}
      %dma_start3A_200 = arith.constant 0 : i32
      %dma_start3A_201 = arith.constant 0 : i32
      %dma_start3A_202 = tpu.memref_slice %arg18[%dma_start3A_200, %dma_start3A_201] : memref<10112x128xf32, #tpu.memory_space<vmem_shared>> -> memref<10112x128xf32, #tpu.memory_space<vmem_shared>>
      tpu.enqueue_indirect_dma source(%arg13 : memref<128x128xf32, #tpu.memory_space<vmem>>) target(%dma_start3A_202 : memref<10112x128xf32, #tpu.memory_space<vmem_shared>>) offsets(%arg7 : memref<128xi32, #tpu.memory_space<vmem>>) semaphore(%arg17 : memref<!tpu.dma_semaphore, #tpu.memory_space<semaphore_mem>>) {add = true}
    }
    %dma_wait3A = arith.constant 0 : i32
    %dma_wait3A_54 = arith.constant 0 : i32
    %dma_wait3A_55 = tpu.memref_slice %arg18[%dma_wait3A, %dma_wait3A_54] : memref<10112x128xf32, #tpu.memory_space<vmem_shared>> -> memref<10112x128xf32, #tpu.memory_space<vmem_shared>>
    tpu.wait_indirect_dma semaphore(%arg16 : memref<!tpu.dma_semaphore, #tpu.memory_space<semaphore_mem>>) src(%arg12 : memref<128x128xf32, #tpu.memory_space<vmem>>) dst(%dma_wait3A_55 : memref<10112x128xf32, #tpu.memory_space<vmem_shared>>)
    %dma_wait3A_56 = arith.constant 0 : i32
    %dma_wait3A_57 = arith.constant 0 : i32
    %dma_wait3A_58 = tpu.memref_slice %arg18[%dma_wait3A_56, %dma_wait3A_57] : memref<10112x128xf32, #tpu.memory_space<vmem_shared>> -> memref<10112x128xf32, #tpu.memory_space<vmem_shared>>
    tpu.wait_indirect_dma semaphore(%arg17 : memref<!tpu.dma_semaphore, #tpu.memory_space<semaphore_mem>>) src(%arg13 : memref<128x128xf32, #tpu.memory_space<vmem>>) dst(%dma_wait3A_58 : memref<10112x128xf32, #tpu.memory_space<vmem_shared>>)
    %barrier3A_59 = arith.constant 0 : index
    tpu.barrier barrier_id(%barrier3A_59)
    %mul3A_60 = arith.constant 632 : i32
    %mul3A_61 = arith.muli %arg1, %mul3A_60 : i32
    %mul3A_62 = arith.constant 632 : i32
    %mul3A_63 = arith.muli %arg1, %mul3A_62 : i32
    "tpu.region"() ({
      %run_scoped3A_64 = tpu.sem_alloc : memref<!tpu.dma_semaphore, #tpu.memory_space<semaphore_mem>>
      %dma_start3A = arith.constant 0 : i32
      %dma_start3A_65 = tpu.memref_slice %arg5[%arg0, %mul3A_63, %dma_start3A] : memref<2x10112x128xf32, #tpu.memory_space<hbm>> -> memref<1x632x128xf32, #tpu.memory_space<hbm>>
      %dma_start3A_66 = tpu.memref_squeeze %dma_start3A_65 : memref<1x632x128xf32, #tpu.memory_space<hbm>> -> memref<632x128xf32, #tpu.memory_space<hbm>>
      %dma_start3A_67 = arith.constant 0 : i32
      %dma_start3A_68 = tpu.memref_slice %arg18[%mul3A_61, %dma_start3A_67] : memref<10112x128xf32, #tpu.memory_space<vmem_shared>> -> memref<632x128xf32, #tpu.memory_space<vmem_shared>>
      tpu.enqueue_dma source(%dma_start3A_68 : memref<632x128xf32, #tpu.memory_space<vmem_shared>>) target(%dma_start3A_66 : memref<632x128xf32, #tpu.memory_space<hbm>>) target_semaphore(%run_scoped3A_64 : memref<!tpu.dma_semaphore, #tpu.memory_space<semaphore_mem>>)
      %dma_wait3A_69 = arith.constant 0 : i32
      %dma_wait3A_70 = tpu.memref_slice %arg5[%arg0, %mul3A_63, %dma_wait3A_69] : memref<2x10112x128xf32, #tpu.memory_space<hbm>> -> memref<1x632x128xf32, #tpu.memory_space<hbm>>
      %dma_wait3A_71 = tpu.memref_squeeze %dma_wait3A_70 : memref<1x632x128xf32, #tpu.memory_space<hbm>> -> memref<632x128xf32, #tpu.memory_space<hbm>>
      %dma_wait3A_72 = arith.constant 0 : i32
      %dma_wait3A_73 = tpu.memref_slice %arg18[%mul3A_61, %dma_wait3A_72] : memref<10112x128xf32, #tpu.memory_space<vmem_shared>> -> memref<632x128xf32, #tpu.memory_space<vmem_shared>>
      tpu.wait_dma2 semaphore(%run_scoped3A_64 : memref<!tpu.dma_semaphore, #tpu.memory_space<semaphore_mem>>) src(%dma_wait3A_73 : memref<632x128xf32, #tpu.memory_space<vmem_shared>>) dst(%dma_wait3A_71 : memref<632x128xf32, #tpu.memory_space<hbm>>)
      tpu.yield
    }) : () -> ()
    return
  }
}

module attributes {stable_mosaic.version = 14 : i64} {
  func.func @_premm_body(%arg0: i32, %arg1: memref<1000x128xf32, #tpu.memory_space<vmem>>, %arg2: memref<2x1000x128xf32, #tpu.memory_space<vmem>>, %arg3: memref<128x128xf32, #tpu.memory_space<vmem>>, %arg4: memref<1000x128xf32, #tpu.memory_space<vmem>>) attributes {dimension_semantics = [#tpu.dimension_semantics<arbitrary>], iteration_bounds = array<i64: 10>, scalar_prefetch = 0 : i64, scratch_operands = 0 : i64, tpu.core_type = #tpu.core_type<tc>, window_params = [{transform_indices = @transform_0, window_bounds = array<i64: 1000, 128>}, {transform_indices = @transform_1, window_bounds = array<i64: 2, 1000, 128>}, {pipeline_mode = #tpu.pipeline_mode<synchronous>, transform_indices = @transform_2, window_bounds = array<i64: 128, 128>}, {transform_indices = @transform_3, window_bounds = array<i64: 1000, 128>}]} {
    %get3A = arith.constant 0 : index
    %get3A_0 = arith.constant 0 : index
    %get3A_1 = arith.constant 0 : index
    %get3A_2 = vector.load %arg2[%get3A, %get3A_0, %get3A_1] : memref<2x1000x128xf32, #tpu.memory_space<vmem>>, vector<1x1000x1xf32>
    %get3A_3 = vector.shape_cast %get3A_2 : vector<1x1000x1xf32> to vector<1000x1xf32>
    %add3A = arith.constant 1.000000e+00 : f32
    %add3A_4 = vector.broadcast %add3A : f32 to vector<1000x1xf32>
    %add3A_5 = arith.addf %add3A_4, %get3A_3 : vector<1000x1xf32>
    %get3A_6 = arith.constant 1 : index
    %get3A_7 = arith.constant 0 : index
    %get3A_8 = arith.constant 0 : index
    %get3A_9 = vector.load %arg2[%get3A_6, %get3A_7, %get3A_8] : memref<2x1000x128xf32, #tpu.memory_space<vmem>>, vector<1x1000x1xf32>
    %get3A_10 = vector.shape_cast %get3A_9 : vector<1x1000x1xf32> to vector<1000x1xf32>
    %add3A_11 = arith.addf %add3A_5, %get3A_10 : vector<1000x1xf32>
    %rsqrt3A = math.rsqrt %add3A_11 : vector<1000x1xf32>
    %get3A_12 = arith.constant 0 : index
    %get3A_13 = arith.constant 0 : index
    %get3A_14 = vector.load %arg1[%get3A_12, %get3A_13] : memref<1000x128xf32, #tpu.memory_space<vmem>>, vector<1000x128xf32>
    %mul3A = vector.broadcast %rsqrt3A : vector<1000x1xf32> to vector<1000x128xf32>
    %mul3A_15 = arith.mulf %get3A_14, %mul3A : vector<1000x128xf32>
    %get3A_16 = arith.constant 0 : index
    %get3A_17 = arith.constant 0 : index
    %get3A_18 = vector.load %arg3[%get3A_16, %get3A_17] : memref<128x128xf32, #tpu.memory_space<vmem>>, vector<128x128xf32>
    %dot_general3A = arith.constant dense<0.000000e+00> : vector<1000x128xf32>
    %dot_general3A_19 = tpu.matmul %mul3A_15, %get3A_18, %dot_general3A {dimension_numbers = #tpu.dot_dimension_numbers<[1], [0], [0], [1], [0, 0, 1, 1], [], []>, transpose_lhs_hint = false} : vector<1000x128xf32>, vector<128x128xf32>, vector<1000x128xf32> -> vector<1000x128xf32>
    %swap3A = arith.constant 0 : index
    %swap3A_20 = arith.constant 0 : index
    %swap3A_21 = vector.load %arg4[%swap3A, %swap3A_20] : memref<1000x128xf32, #tpu.memory_space<vmem>>, vector<1000x128xf32>
    tpu.vector_store %arg4[%swap3A, %swap3A_20], %dot_general3A_19 {strides = array<i32>} : memref<1000x128xf32, #tpu.memory_space<vmem>>, vector<1000x128xf32>,
    return
  }
  func.func @transform_0(%arg0: i32) -> (i32, i32) {
    %c0_i32 = arith.constant 0 : i32
    %c0_i32_0 = arith.constant 0 : i32
    return %arg0, %c0_i32 : i32, i32
  }
  func.func @transform_1(%arg0: i32) -> (i32, i32, i32) {
    %c0_i32 = arith.constant 0 : i32
    %c0_i32_0 = arith.constant 0 : i32
    %c0_i32_1 = arith.constant 0 : i32
    return %c0_i32, %arg0, %c0_i32_0 : i32, i32, i32
  }
  func.func @transform_2(%arg0: i32) -> (i32, i32) {
    %c0_i32 = arith.constant 0 : i32
    %c0_i32_0 = arith.constant 0 : i32
    %c0_i32_1 = arith.constant 0 : i32
    return %c0_i32, %c0_i32_0 : i32, i32
  }
  func.func @transform_3(%arg0: i32) -> (i32, i32) {
    %c0_i32 = arith.constant 0 : i32
    %c0_i32_0 = arith.constant 0 : i32
    return %arg0, %c0_i32 : i32, i32
  }
}

module attributes {stable_mosaic.version = 14 : i64} {
  func.func @_combmm_body(%arg0: i32, %arg1: memref<2x1000x128xf32, #tpu.memory_space<vmem>>, %arg2: memref<1000x128xf32, #tpu.memory_space<vmem>>, %arg3: memref<2x1000x128xf32, #tpu.memory_space<vmem>>, %arg4: memref<1x128xf32, #tpu.memory_space<vmem>>, %arg5: memref<1x128xf32, #tpu.memory_space<vmem>>, %arg6: memref<1x128xf32, #tpu.memory_space<vmem>>, %arg7: memref<128x128xf32, #tpu.memory_space<vmem>>, %arg8: memref<1000x128xf32, #tpu.memory_space<vmem>>) attributes {dimension_semantics = [#tpu.dimension_semantics<arbitrary>], iteration_bounds = array<i64: 10>, scalar_prefetch = 0 : i64, scratch_operands = 0 : i64, tpu.core_type = #tpu.core_type<tc>, window_params = [{transform_indices = @transform_0, window_bounds = array<i64: 2, 1000, 128>}, {transform_indices = @transform_1, window_bounds = array<i64: 1000, 128>}, {transform_indices = @transform_2, window_bounds = array<i64: 2, 1000, 128>}, {pipeline_mode = #tpu.pipeline_mode<synchronous>, transform_indices = @transform_3, window_bounds = array<i64: 1, 128>}, {pipeline_mode = #tpu.pipeline_mode<synchronous>, transform_indices = @transform_4, window_bounds = array<i64: 1, 128>}, {pipeline_mode = #tpu.pipeline_mode<synchronous>, transform_indices = @transform_5, window_bounds = array<i64: 1, 128>}, {pipeline_mode = #tpu.pipeline_mode<synchronous>, transform_indices = @transform_6, window_bounds = array<i64: 128, 128>}, {transform_indices = @transform_7, window_bounds = array<i64: 1000, 128>}]} {
    %get3A = arith.constant 0 : index
    %get3A_0 = arith.constant 0 : index
    %get3A_1 = arith.constant 0 : index
    %get3A_2 = vector.load %arg3[%get3A, %get3A_0, %get3A_1] : memref<2x1000x128xf32, #tpu.memory_space<vmem>>, vector<1x1000x1xf32>
    %get3A_3 = vector.shape_cast %get3A_2 : vector<1x1000x1xf32> to vector<1000x1xf32>
    %add3A = arith.constant 1.000000e+00 : f32
    %add3A_4 = vector.broadcast %add3A : f32 to vector<1000x1xf32>
    %add3A_5 = arith.addf %add3A_4, %get3A_3 : vector<1000x1xf32>
    %get3A_6 = arith.constant 1 : index
    %get3A_7 = arith.constant 0 : index
    %get3A_8 = arith.constant 0 : index
    %get3A_9 = vector.load %arg3[%get3A_6, %get3A_7, %get3A_8] : memref<2x1000x128xf32, #tpu.memory_space<vmem>>, vector<1x1000x1xf32>
    %get3A_10 = vector.shape_cast %get3A_9 : vector<1x1000x1xf32> to vector<1000x1xf32>
    %add3A_11 = arith.addf %add3A_5, %get3A_10 : vector<1000x1xf32>
    %rsqrt3A = math.rsqrt %add3A_11 : vector<1000x1xf32>
    %get3A_12 = arith.constant 0 : index
    %get3A_13 = arith.constant 0 : index
    %get3A_14 = arith.constant 0 : index
    %get3A_15 = vector.load %arg1[%get3A_12, %get3A_13, %get3A_14] : memref<2x1000x128xf32, #tpu.memory_space<vmem>>, vector<1x1000x128xf32>
    %get3A_16 = vector.shape_cast %get3A_15 : vector<1x1000x128xf32> to vector<1000x128xf32>
    %get3A_17 = arith.constant 1 : index
    %get3A_18 = arith.constant 0 : index
    %get3A_19 = arith.constant 0 : index
    %get3A_20 = vector.load %arg1[%get3A_17, %get3A_18, %get3A_19] : memref<2x1000x128xf32, #tpu.memory_space<vmem>>, vector<1x1000x128xf32>
    %get3A_21 = vector.shape_cast %get3A_20 : vector<1x1000x128xf32> to vector<1000x128xf32>
    %add3A_22 = arith.addf %get3A_16, %get3A_21 : vector<1000x128xf32>
    %get3A_23 = arith.constant 0 : index
    %get3A_24 = arith.constant 0 : index
    %get3A_25 = vector.load %arg2[%get3A_23, %get3A_24] : memref<1000x128xf32, #tpu.memory_space<vmem>>, vector<1000x128xf32>
    %add3A_26 = arith.addf %add3A_22, %get3A_25 : vector<1000x128xf32>
    %mul3A = vector.broadcast %rsqrt3A : vector<1000x1xf32> to vector<1000x128xf32>
    %mul3A_27 = arith.mulf %mul3A, %add3A_26 : vector<1000x128xf32>
    %get3A_28 = arith.constant 0 : index
    %get3A_29 = arith.constant 0 : index
    %get3A_30 = vector.load %arg4[%get3A_28, %get3A_29] : memref<1x128xf32, #tpu.memory_space<vmem>>, vector<1x128xf32>
    %add3A_31 = vector.broadcast %get3A_30 : vector<1x128xf32> to vector<1000x128xf32>
    %add3A_32 = arith.addf %mul3A_27, %add3A_31 : vector<1000x128xf32>
    %get3A_33 = arith.constant 0 : index
    %get3A_34 = arith.constant 0 : index
    %get3A_35 = vector.load %arg5[%get3A_33, %get3A_34] : memref<1x128xf32, #tpu.memory_space<vmem>>, vector<1x128xf32>
    %mul3A_36 = arith.constant 0.999500393 : f32
    %mul3A_37 = vector.broadcast %mul3A_36 : f32 to vector<1x128xf32>
    %mul3A_38 = arith.mulf %get3A_35, %mul3A_37 : vector<1x128xf32>
    %mul3A_39 = vector.broadcast %mul3A_38 : vector<1x128xf32> to vector<1000x128xf32>
    %mul3A_40 = arith.mulf %add3A_32, %mul3A_39 : vector<1000x128xf32>
    %get3A_41 = arith.constant 0 : index
    %get3A_42 = arith.constant 0 : index
    %get3A_43 = vector.load %arg6[%get3A_41, %get3A_42] : memref<1x128xf32, #tpu.memory_space<vmem>>, vector<1x128xf32>
    %add3A_44 = vector.broadcast %get3A_43 : vector<1x128xf32> to vector<1000x128xf32>
    %add3A_45 = arith.addf %mul3A_40, %add3A_44 : vector<1000x128xf32>
    %max3A = arith.constant 0.000000e+00 : f32
    %max3A_46 = vector.broadcast %max3A : f32 to vector<1000x128xf32>
    %max3A_47 = arith.maximumf %add3A_45, %max3A_46 : vector<1000x128xf32>
    %mul3A_48 = vector.broadcast %rsqrt3A : vector<1000x1xf32> to vector<1000x128xf32>
    %mul3A_49 = arith.mulf %max3A_47, %mul3A_48 : vector<1000x128xf32>
    %get3A_50 = arith.constant 0 : index
    %get3A_51 = arith.constant 0 : index
    %get3A_52 = vector.load %arg7[%get3A_50, %get3A_51] : memref<128x128xf32, #tpu.memory_space<vmem>>, vector<128x128xf32>
    %dot_general3A = arith.constant dense<0.000000e+00> : vector<1000x128xf32>
    %dot_general3A_53 = tpu.matmul %mul3A_49, %get3A_52, %dot_general3A {dimension_numbers = #tpu.dot_dimension_numbers<[1], [0], [0], [1], [0, 0, 1, 1], [], []>, transpose_lhs_hint = false} : vector<1000x128xf32>, vector<128x128xf32>, vector<1000x128xf32> -> vector<1000x128xf32>
    %swap3A = arith.constant 0 : index
    %swap3A_54 = arith.constant 0 : index
    %swap3A_55 = vector.load %arg8[%swap3A, %swap3A_54] : memref<1000x128xf32, #tpu.memory_space<vmem>>, vector<1000x128xf32>
    tpu.vector_store %arg8[%swap3A, %swap3A_54], %dot_general3A_53 {strides = array<i32>} : memref<1000x128xf32, #tpu.memory_space<vmem>>, vector<1000x128xf32>,
    return
  }
  func.func @transform_0(%arg0: i32) -> (i32, i32, i32) {
    %c0_i32 = arith.constant 0 : i32
    %c0_i32_0 = arith.constant 0 : i32
    %c0_i32_1 = arith.constant 0 : i32
    return %c0_i32, %arg0, %c0_i32_0 : i32, i32, i32
  }
  func.func @transform_1(%arg0: i32) -> (i32, i32) {
    %c0_i32 = arith.constant 0 : i32
    %c0_i32_0 = arith.constant 0 : i32
    return %arg0, %c0_i32 : i32, i32
  }
  func.func @transform_2(%arg0: i32) -> (i32, i32, i32) {
    %c0_i32 = arith.constant 0 : i32
    %c0_i32_0 = arith.constant 0 : i32
    %c0_i32_1 = arith.constant 0 : i32
    return %c0_i32, %arg0, %c0_i32_0 : i32, i32, i32
  }
  func.func @transform_3(%arg0: i32) -> (i32, i32) {
    %c0_i32 = arith.constant 0 : i32
    %c0_i32_0 = arith.constant 0 : i32
    %c0_i32_1 = arith.constant 0 : i32
    return %c0_i32, %c0_i32_0 : i32, i32
  }
  func.func @transform_4(%arg0: i32) -> (i32, i32) {
    %c0_i32 = arith.constant 0 : i32
    %c0_i32_0 = arith.constant 0 : i32
    %c0_i32_1 = arith.constant 0 : i32
    return %c0_i32, %c0_i32_0 : i32, i32
  }
  func.func @transform_5(%arg0: i32) -> (i32, i32) {
    %c0_i32 = arith.constant 0 : i32
    %c0_i32_0 = arith.constant 0 : i32
    %c0_i32_1 = arith.constant 0 : i32
    return %c0_i32, %c0_i32_0 : i32, i32
  }
  func.func @transform_6(%arg0: i32) -> (i32, i32) {
    %c0_i32 = arith.constant 0 : i32
    %c0_i32_0 = arith.constant 0 : i32
    %c0_i32_1 = arith.constant 0 : i32
    return %c0_i32, %c0_i32_0 : i32, i32
  }
  func.func @transform_7(%arg0: i32) -> (i32, i32) {
    %c0_i32 = arith.constant 0 : i32
    %c0_i32_0 = arith.constant 0 : i32
    return %arg0, %c0_i32 : i32, i32
  }
}

module attributes {stable_mosaic.version = 14 : i64} {
  func.func @_final_body(%arg0: i32, %arg1: memref<2x1000x128xf32, #tpu.memory_space<vmem>>, %arg2: memref<1000x128xf32, #tpu.memory_space<vmem>>, %arg3: memref<2x1000x128xf32, #tpu.memory_space<vmem>>, %arg4: memref<1x128xf32, #tpu.memory_space<vmem>>, %arg5: memref<1x128xf32, #tpu.memory_space<vmem>>, %arg6: memref<1x128xf32, #tpu.memory_space<vmem>>, %arg7: memref<1000x128xf32, #tpu.memory_space<vmem>>) attributes {dimension_semantics = [#tpu.dimension_semantics<arbitrary>], iteration_bounds = array<i64: 10>, scalar_prefetch = 0 : i64, scratch_operands = 0 : i64, tpu.core_type = #tpu.core_type<tc>, window_params = [{transform_indices = @transform_0, window_bounds = array<i64: 2, 1000, 128>}, {transform_indices = @transform_1, window_bounds = array<i64: 1000, 128>}, {transform_indices = @transform_2, window_bounds = array<i64: 2, 1000, 128>}, {pipeline_mode = #tpu.pipeline_mode<synchronous>, transform_indices = @transform_3, window_bounds = array<i64: 1, 128>}, {pipeline_mode = #tpu.pipeline_mode<synchronous>, transform_indices = @transform_4, window_bounds = array<i64: 1, 128>}, {pipeline_mode = #tpu.pipeline_mode<synchronous>, transform_indices = @transform_5, window_bounds = array<i64: 1, 128>}, {transform_indices = @transform_6, window_bounds = array<i64: 1000, 128>}]} {
    %get3A = arith.constant 0 : index
    %get3A_0 = arith.constant 0 : index
    %get3A_1 = arith.constant 0 : index
    %get3A_2 = vector.load %arg3[%get3A, %get3A_0, %get3A_1] : memref<2x1000x128xf32, #tpu.memory_space<vmem>>, vector<1x1000x1xf32>
    %get3A_3 = vector.shape_cast %get3A_2 : vector<1x1000x1xf32> to vector<1000x1xf32>
    %add3A = arith.constant 1.000000e+00 : f32
    %add3A_4 = vector.broadcast %add3A : f32 to vector<1000x1xf32>
    %add3A_5 = arith.addf %add3A_4, %get3A_3 : vector<1000x1xf32>
    %get3A_6 = arith.constant 1 : index
    %get3A_7 = arith.constant 0 : index
    %get3A_8 = arith.constant 0 : index
    %get3A_9 = vector.load %arg3[%get3A_6, %get3A_7, %get3A_8] : memref<2x1000x128xf32, #tpu.memory_space<vmem>>, vector<1x1000x1xf32>
    %get3A_10 = vector.shape_cast %get3A_9 : vector<1x1000x1xf32> to vector<1000x1xf32>
    %add3A_11 = arith.addf %add3A_5, %get3A_10 : vector<1000x1xf32>
    %rsqrt3A = math.rsqrt %add3A_11 : vector<1000x1xf32>
    %get3A_12 = arith.constant 0 : index
    %get3A_13 = arith.constant 0 : index
    %get3A_14 = arith.constant 0 : index
    %get3A_15 = vector.load %arg1[%get3A_12, %get3A_13, %get3A_14] : memref<2x1000x128xf32, #tpu.memory_space<vmem>>, vector<1x1000x128xf32>
    %get3A_16 = vector.shape_cast %get3A_15 : vector<1x1000x128xf32> to vector<1000x128xf32>
    %get3A_17 = arith.constant 1 : index
    %get3A_18 = arith.constant 0 : index
    %get3A_19 = arith.constant 0 : index
    %get3A_20 = vector.load %arg1[%get3A_17, %get3A_18, %get3A_19] : memref<2x1000x128xf32, #tpu.memory_space<vmem>>, vector<1x1000x128xf32>
    %get3A_21 = vector.shape_cast %get3A_20 : vector<1x1000x128xf32> to vector<1000x128xf32>
    %add3A_22 = arith.addf %get3A_16, %get3A_21 : vector<1000x128xf32>
    %get3A_23 = arith.constant 0 : index
    %get3A_24 = arith.constant 0 : index
    %get3A_25 = vector.load %arg2[%get3A_23, %get3A_24] : memref<1000x128xf32, #tpu.memory_space<vmem>>, vector<1000x128xf32>
    %add3A_26 = arith.addf %add3A_22, %get3A_25 : vector<1000x128xf32>
    %mul3A = vector.broadcast %rsqrt3A : vector<1000x1xf32> to vector<1000x128xf32>
    %mul3A_27 = arith.mulf %mul3A, %add3A_26 : vector<1000x128xf32>
    %get3A_28 = arith.constant 0 : index
    %get3A_29 = arith.constant 0 : index
    %get3A_30 = vector.load %arg4[%get3A_28, %get3A_29] : memref<1x128xf32, #tpu.memory_space<vmem>>, vector<1x128xf32>
    %add3A_31 = vector.broadcast %get3A_30 : vector<1x128xf32> to vector<1000x128xf32>
    %add3A_32 = arith.addf %mul3A_27, %add3A_31 : vector<1000x128xf32>
    %get3A_33 = arith.constant 0 : index
    %get3A_34 = arith.constant 0 : index
    %get3A_35 = vector.load %arg5[%get3A_33, %get3A_34] : memref<1x128xf32, #tpu.memory_space<vmem>>, vector<1x128xf32>
    %mul3A_36 = arith.constant 0.999500393 : f32
    %mul3A_37 = vector.broadcast %mul3A_36 : f32 to vector<1x128xf32>
    %mul3A_38 = arith.mulf %get3A_35, %mul3A_37 : vector<1x128xf32>
    %mul3A_39 = vector.broadcast %mul3A_38 : vector<1x128xf32> to vector<1000x128xf32>
    %mul3A_40 = arith.mulf %add3A_32, %mul3A_39 : vector<1000x128xf32>
    %get3A_41 = arith.constant 0 : index
    %get3A_42 = arith.constant 0 : index
    %get3A_43 = vector.load %arg6[%get3A_41, %get3A_42] : memref<1x128xf32, #tpu.memory_space<vmem>>, vector<1x128xf32>
    %add3A_44 = vector.broadcast %get3A_43 : vector<1x128xf32> to vector<1000x128xf32>
    %add3A_45 = arith.addf %mul3A_40, %add3A_44 : vector<1000x128xf32>
    %max3A = arith.constant 0.000000e+00 : f32
    %max3A_46 = vector.broadcast %max3A : f32 to vector<1000x128xf32>
    %max3A_47 = arith.maximumf %add3A_45, %max3A_46 : vector<1000x128xf32>
    %swap3A = arith.constant 0 : index
    %swap3A_48 = arith.constant 0 : index
    %swap3A_49 = vector.load %arg7[%swap3A, %swap3A_48] : memref<1000x128xf32, #tpu.memory_space<vmem>>, vector<1000x128xf32>
    tpu.vector_store %arg7[%swap3A, %swap3A_48], %max3A_47 {strides = array<i32>} : memref<1000x128xf32, #tpu.memory_space<vmem>>, vector<1000x128xf32>,
    return
  }
  func.func @transform_0(%arg0: i32) -> (i32, i32, i32) {
    %c0_i32 = arith.constant 0 : i32
    %c0_i32_0 = arith.constant 0 : i32
    %c0_i32_1 = arith.constant 0 : i32
    return %c0_i32, %arg0, %c0_i32_0 : i32, i32, i32
  }
  func.func @transform_1(%arg0: i32) -> (i32, i32) {
    %c0_i32 = arith.constant 0 : i32
    %c0_i32_0 = arith.constant 0 : i32
    return %arg0, %c0_i32 : i32, i32
  }
  func.func @transform_2(%arg0: i32) -> (i32, i32, i32) {
    %c0_i32 = arith.constant 0 : i32
    %c0_i32_0 = arith.constant 0 : i32
    %c0_i32_1 = arith.constant 0 : i32
    return %c0_i32, %arg0, %c0_i32_0 : i32, i32, i32
  }
  func.func @transform_3(%arg0: i32) -> (i32, i32) {
    %c0_i32 = arith.constant 0 : i32
    %c0_i32_0 = arith.constant 0 : i32
    %c0_i32_1 = arith.constant 0 : i32
    return %c0_i32, %c0_i32_0 : i32, i32
  }
  func.func @transform_4(%arg0: i32) -> (i32, i32) {
    %c0_i32 = arith.constant 0 : i32
    %c0_i32_0 = arith.constant 0 : i32
    %c0_i32_1 = arith.constant 0 : i32
    return %c0_i32, %c0_i32_0 : i32, i32
  }
  func.func @transform_5(%arg0: i32) -> (i32, i32) {
    %c0_i32 = arith.constant 0 : i32
    %c0_i32_0 = arith.constant 0 : i32
    %c0_i32_1 = arith.constant 0 : i32
    return %c0_i32, %c0_i32_0 : i32, i32
  }
  func.func @transform_6(%arg0: i32) -> (i32, i32) {
    %c0_i32 = arith.constant 0 : i32
    %c0_i32_0 = arith.constant 0 : i32
    return %arg0, %c0_i32 : i32, i32
  }
}

</mosaic_0001>

<sc_bundles>
// kernel: kernel.10.cloned.1.call-start
scs
__scs_entry_jumppad:
0x0: {  	(pc) =	sbr.rel $0x88, $3  }
0x1: {  	(tag) =	ssettag $0x0;
	lr =	simm.s32 $0x1  }
0x2: {  	[smem:$0x3F93] =	sst lr;
	_ =	strace $0xD0000000  }
0x3: {  	_ = 	snop  }
0x4: {  	_ = 	snop  }
0x5: {  	_ = 	snop  }
0x6: {  	_ = 	snop  }
0x7: {  	_ = 	snop  }
__scs_overlays_trampoline_lowered:
0x8: {  	[smem:$0x3FA2] =	sst s0  }
0x9: {  	[smem:$0x3FA3] =	sst s1  }
0xa: {  	[smem:$0x3FA4] =	sst s2  }
0xb: {  	[smem:$0x3FA5] =	sst s3  }
0xc: {  	[smem:$0x3FA6] =	sst s4  }
0xd: {  	[smem:$0x3FA7] =	sst s5  }
0xe: {  	[smem:$0x3FA8] =	sst s6  }
0xf: {  	[smem:$0x3FA9] =	sst s7  }
0x10: {  	[smem:$0x3FAA] =	sst s8  }
0x11: {  	[smem:$0x3FAB] =	sst s9;
	s0 =	simm.s32 @!p0 $0x0  }
0x12: {  	s1 =	sld [smem:$0x3F91];
	s0 =	simm.s32 @p0 $0x1  }
0x13: {  	[smem:$0x3FAC] =	sst s0;
	s0 =	simm.s32 @!p1 $0x0  }
0x14: {  	s2 =	sld [smem:$0x3F90];
	s0 =	simm.s32 @p1 $0x1  }
0x15: {  	[smem:$0x3FAD] =	sst s0;
	s0 =	simm.s32 @!p2 $0x0  }
0x16: {  	s3 =	sld [smem:$0x3FDB];
	s0 =	simm.s32 @p2 $0x1  }
0x17: {  	s4 =	simm.s32 $0x1BF5;
	[smem:$0x3FAF] =	sst s0  }
0x18: {  	s0 =	sld [smem:$0x3F92];
	_ =	swait.ge [sflag:s4], $0x0  }
0x19: {  	s7 =	sld [smem:$0x3F93]  }
0x1a: {  	s8 =	sadd.s32 $0xFFFFE003, lr  }
0x1b: {  	s9 =	sadd.s32 $0xFFFFFEF7, lr;
	s5 =	simm.s32 $0xFFFFFFFF;
	p2 =	slt.u32 s8, $0xFFFFF086  }
0x1c: {  	p1 =	slt.u32 s9, $0xF7A;
	s5 =	simm.s32 @!p2 $0x0  }
0x1d: {  	s5 =	simm.s32 @p1 $0x1;
	p0 =	seq.s32 s7, s2  }
0x1e: {  	s7 =	smul.u32 @!p0 $0xF7A, s2;
	p2 =	seq.s32 @!p0 s5, $0x0  }
0x1f: {  	s9 =	smul.u32 $0xF7A, s1;
	s8 =	simm.s32 @!p0 $0x1BF5;
	p2 =	por !p2, p0  }
0x20: {  	[sflag:s8] =	ssyncset.s32 @!p0 $0xFFFFF086;
	s6 =	sadd.s32 @!p0 s3, s7;
	s7 =	simm.s32 @!p0 $0x108  }
0x21: {  	s3 =	sadd.s32 s3, s9;
	s6 =	sadd.s32 @!p0 $0x88, s6;
	s7 =	simm.s32 @p2 $0x1082  }
0x22: {  	[simem:s7], [sflag:s8] =	dma.local @!p0 [hbm:s6], $0xF7A  }
0x23: {  	s9 =	sor.u32 $0xD0000000, s2;
	s6 =	simm.s32 $0x108;
	_ =	swait.ge @!p0 [sflag:s8], $0x0  }
0x24: {  	s3 =	sadd.s32 $0x88, s3;
	s6 =	simm.s32 @!p1 $0x1082;
	[sflag:s4] =	ssyncset.s32 $0xFFFFF086  }
0x25: {  	[simem:s6], [sflag:s4] =	dma.local [hbm:s3], $0xF7A  }
0x26: {  	[smem:$0x3F93] =	sst s1;
	(tag) =	ssettag s2;
	_ =	strace s9  }
0x27: {  	s1 =	sld [smem:$0x3FA3]  }
0x28: {  	s2 =	sld [smem:$0x3FA4]  }
0x29: {  	s4 =	sld [smem:$0x3FA6]  }
0x2a: {  	p0 =	seq.s32 s5, $0x0;
	s5 =	sld [smem:$0x3FA7]  }
0x2b: {  	s6 =	sld [smem:$0x3FA8]  }
0x2c: {  	s7 =	sld [smem:$0x3FA9]  }
0x2d: {  	s3 =	simm.s32 $0x108;
	s8 =	sld [smem:$0x3FAA]  }
0x2e: {  	s3 =	simm.s32 @!p0 $0x1082;
	s9 =	sld [smem:$0x3FAB]  }
0x2f: {  	lr =	sadd.s32 s0, s3;
	s0 =	sld [smem:$0x3FA2]  }
0x30: {  	s3 =	sld [smem:$0x3FA5]  }
0x31: {  	[smem:$0x3FAE] =	sst s10  }
0x32: {  	s10 =	sld [smem:$0x3FAC];
	_ =	sdelay $0x3  }
0x33: {  	p0 =	seq.s32 s10, $0x1;
	s10 =	sld [smem:$0x3FAE];
	_ =	sdelay $0x3  }
0x34: {  	[smem:$0x3FAE] =	sst s10  }
0x35: {  	s10 =	sld [smem:$0x3FAD];
	_ =	sdelay $0x3  }
0x36: {  	p1 =	seq.s32 s10, $0x1;
	s10 =	sld [smem:$0x3FAE];
	_ =	sdelay $0x3  }
0x37: {  	[smem:$0x3FAE] =	sst s10  }
0x38: {  	s10 =	sld [smem:$0x3FAF]  }
0x39: {  	_ = 	snop;
	(pc) =	sbr.ind lr, $3  }
0x3a: {  	_ = 	snop  }
0x3b: {  	_ = 	snop  }
0x3c: {  	p2 =	seq.s32 s10, $0x1;
	s10 =	sld [smem:$0x3FAE]  }
0x3d: {  	_ =	shalt  }
0x3e: {  	_ =	shalt  }
0x3f: {  	_ =	shalt  }
0x40: {  	_ =	shalt  }
0x41: {  	_ =	shalt  }
0x42: {  	_ =	shalt  }
0x43: {  	_ =	shalt  }
0x44: {  	_ =	shalt  }
0x45: {  	_ =	shalt  }
0x46: {  	_ =	shalt  }
0x47: {  	_ =	shalt  }
0x48: {  	_ =	shalt  }
0x49: {  	_ =	shalt  }
0x4a: {  	_ =	shalt  }
0x4b: {  	_ =	shalt  }
0x4c: {  	_ =	shalt  }
0x4d: {  	_ =	shalt  }
0x4e: {  	_ =	shalt  }
0x4f: {  	_ =	shalt  }
0x50: {  	_ =	shalt  }
0x51: {  	_ =	shalt  }
0x52: {  	_ =	shalt  }
0x53: {  	_ =	shalt  }
0x54: {  	_ =	shalt  }
0x55: {  	_ =	shalt  }
0x56: {  	_ =	shalt  }
0x57: {  	_ =	shalt  }
0x58: {  	_ =	shalt  }
0x59: {  	_ =	shalt  }
0x5a: {  	_ =	shalt  }
0x5b: {  	_ =	shalt  }
0x5c: {  	_ =	shalt  }
0x5d: {  	_ =	shalt  }
0x5e: {  	_ =	shalt  }
0x5f: {  	_ =	shalt  }
0x60: {  	_ =	shalt  }
0x61: {  	_ =	shalt  }
0x62: {  	_ =	shalt  }
0x63: {  	_ =	shalt  }
0x64: {  	_ =	shalt  }
0x65: {  	_ =	shalt  }
0x66: {  	_ =	shalt  }
0x67: {  	_ =	shalt  }
0x68: {  	_ =	shalt  }
0x69: {  	_ =	shalt  }
0x6a: {  	_ =	shalt  }
0x6b: {  	_ =	shalt  }
0x6c: {  	_ =	shalt  }
0x6d: {  	_ =	shalt  }
0x6e: {  	_ =	shalt  }
0x6f: {  	_ =	shalt  }
0x70: {  	_ =	shalt  }
0x71: {  	_ =	shalt  }
0x72: {  	_ =	shalt  }
0x73: {  	_ =	shalt  }
0x74: {  	_ =	shalt  }
0x75: {  	_ =	shalt  }
0x76: {  	_ =	shalt  }
0x77: {  	_ =	shalt  }
0x78: {  	_ =	shalt  }
0x79: {  	_ =	shalt  }
0x7a: {  	_ =	shalt  }
0x7b: {  	_ =	shalt  }
0x7c: {  	_ =	shalt  }
0x7d: {  	_ =	shalt  }
0x7e: {  	_ =	shalt  }
0x7f: {  	_ =	shalt  }
0x80: {  	_ =	shalt  }
0x81: {  	_ =	shalt  }
0x82: {  	_ =	shalt  }
0x83: {  	_ =	shalt  }
0x84: {  	_ =	shalt  }
0x85: {  	_ =	shalt  }
0x86: {  	_ =	shalt  }
0x87: {  	_ =	shalt  }
.Lfunc_end0:
.L_simem_size_0:
called_computation_lowered:
.L_overlay_start_0:
0x88: {  	s2 =	sld [smem:$0x3FD9]  }
0x89: {  	s3 =	sld [smem:$0x3FFE];
	_ =	sdelay $0x1  }
0x8a: {  	s1 =	srdreg.scid  }
0x8b: {  	s0 =	sand.u32 $0x1, s1  }
0x8c: {  	s16 =	sshll.u32 s0, $0xA;
	s2 =	sadd.s32 s3, s2  }
0x8d: {  	s2 =	sadd.s32 s2, s16  }
0x8e: {  	[smem:$0x3FBA] =	sst s2  }
0x8f: {  	_ = 	snop  }
0x90: {  	(tm) =	ssettm $0x1  }
0x91: {  	s17 =	sld [smem:$0x3FFB];
	_ =	sdelay $0x3  }
0x92: {  	_ =	strace s17  }
0x93: {  	s2 =	sld [smem:$0x3FFC];
	_ =	sdelay $0x3  }
0x94: {  	_ =	strace s2  }
0x95: {  	s2 =	sld [smem:$0x3FFD];
	_ =	sdelay $0x3  }
0x96: {  	_ =	strace s2  }
0x97: {  	_ =	strace $0x8FFFFFFF  }
0x98: {  	s18 =	sld [smem:$0x3FDB];
	_ =	sdelay $0x1  }
0x99: {  	s19 =	simm.s32 $_scs_section_size  }
0x9a: {  	s4 =	simm.s32 $_size__tile_overlayer_lowered;
	s5 =	simm.s32 $_tile_overlayer_lowered  }
0x9b: {  	s22 =	simm.s32 $0x1BFF;
	s21 =	sshll.u32 s5, $0x1;
	s2 =	sadd.s32 s19, s18  }
0x9c: {  	s6 =	simm.s32 $0x0;
	s20 =	sshll.u32 s4, $0x1;
	s4 =	sadd.s32 s21, s2  }
0x9d: {  	[timem:s6], [sflag:s22] =	dma.local [hbm:s4], s20  }
0x9e: {  	_ =	swait.ge [sflag:s22], s20  }
0x9f: {  	s3 =	ssub.s32 $0x0, s20;
	[sflag:s22] =	ssyncset.done $0x0  }
0xa0: {  	[sflag:s22] =	ssyncadd.s32 s3;
	_ =	sdelay $0x1  }
0xa1: {  	s23 =	simm.s32 $0x1B8B  }
0xa2: {  	_ =	swait.ge [sflag:s23], $0x1  }
0xa3: {  	[sflag:s23] =	ssyncset.done $0x0  }
0xa4: {  	s25 =	simm.s32 $0x1B8E;
	s24 =	sld [smem:$0x3FFE];
	[sflag:s23] =	ssyncadd.s32 $0xFFFFFFFF  }
0xa5: {  	s26 =	simm.s32 $execute0_lowered;
	[smem:$0x3FD2] =	sst s25  }
0xa6: {  	s4 =	sshll.u32 s26, $0x1;
	_ =	strace $0x80000046;
	[dreg:$0x1] =	wrdreg $0xFFFFFFFF  }
0xa7: {  	s28 =	simm.s32 $_size_execute0_lowered;
	s2 =	sadd.s32 s2, s4;
	[dreg:$0x0] =	wrdreg $0x0  }
0xa8: {  	s4 =	sshll.u32 s28, $0x1;
	[dreg:$0x2] =	wrdreg s2  }
0xa9: {  	[dreg:$0x3] =	wrdreg s4  }
0xaa: {  	[dreg:$0x4] =	wrdreg $0xC0  }
0xab: {  	_ =	task [dreg:s6], $0x5FFFF  }
0xac: {  	[dreg:$0x1] =	wrdreg $0xFFFFFFFF  }
0xad: {  	[dreg:$0x0] =	wrdreg $0x60  }
0xae: {  	[dreg:$0x2] =	wrdreg s24  }
0xaf: {  	[dreg:$0x3] =	wrdreg $0x70800  }
0xb0: {  	[dreg:$0x4] =	wrdreg $0x9  }
0xb1: {  	_ =	task.clear_ibuf [dreg:s6], $0x5FFFF;
	_ =	strace $0x90000046  }
0xb2: {  	s29 =	simm.s32 $0x9;
	_ =	strace $0x80000048  }
0xb3: {  	_ =	swait.ge [sflag:s29], $0x1  }
0xb4: {  	[sflag:s29] =	ssyncadd.s32 $0xFFFFFFFF  }
0xb5: {  	_ =	strace $0x90000048  }
0xb6: {  	_ =	sfence  }
0xb7: {  	s30 =	sld [smem:$0x0];
	_ =	sdelay $0x2  }
0xb8: {  	s31 =	sshll.u32 s1, $0xD;
	s1 =	sshrl.u32 s1, $0x2  }
0xb9: {  	s3 =	sand.u32 $0x4000, s31;
	s1 =	sadd.s32 s1, s30  }
0xba: {  	s0 =	sor.u32 s3, s0;
	s1 =	sshll.u32 s1, $0x11  }
0xbb: {  	s0 =	sor.u32 s1, s0  }
0xbc: {  	s0 =	sadd.s32 $0x8F2B, s0  }
0xbd: {  	[sflag:s0] =	ssyncadd.remote.s32 $0x1  }
0xbe: {  	_ =	sfence.sel $0xFFFF  }
0xbf: {  	[dreg:$0x0] =	wrdreg $0xFFFFFFFF;
	(pc) =	sbr.abs _section_cstart, $3  }
0xc0: {  	[dreg:$0x1] =	wrdreg $0xFFFFFFFF  }
0xc1: {  	_ =	task.clear_ibuf [dreg:s6], $0x2FFFF;
	_ =	strace $0x9FFFFFFF  }
0xc2: {  	(tm) =	ssettm $0x7FFFFFFF  }
0xc3: {  	_ =	shalt  }
tec
execute0_lowered:
.L_overlay_start_1:
0x0: {  	(tag) =	ssettag $0x1  }
0x1: {  	s6 =	rddreg [dreg:$0x0]  }
0x2: {  	s2 =	rddreg [dreg:$0x1]  }
0x3: {  	s0 =	srdreg.scid;
	s1 =	rddreg [dreg:$0x2]  }
0x4: {  	s3 =	simm.s32 $0x0;
	s13 =	simm.s32 $0x1;
	s4 =	sand.u32 $0x1, s0  }
0x5: {  	s14 =	simm.s32 $0x3080;
	s0 =	stileid.u32;
	s5 =	smul.u32 $0x30000, s4  }
0x6: {  	s15 =	simm.s32 $0x80;
	s16 =	simm.s32 $0x3000;
	s7 =	smul.u32 $0x3000, s0  }
0x7: {  	s19 =	simm.s32 $0x0;
	[smem:$0x7FF] =	sst s3;
	s8 =	smul.u32 $0x13C000, s4  }
0x8: {  	s9 =	smul.u32 $0x13C00, s0;
	_ =	strace $0x80000047;
	s28 =	ssub.s32 $0x2, s4  }
0x9: {  	s29 =	smul.u32 $0x4F000, s0;
	p0 =	seq.s32 s4, $0x0;
	s4 =	simm.s32 $0x5C  }
0xa: {  	s17 =	sshll.u32 s0, $0x6;
	s30 =	sshrl.u32 s28, $0x1;
	s4 =	simm.s32 @!p0 $0x42  }
0xb: {  	s17 =	sor.u32 $0x1C01, s17;
	s5 =	sadd.s32 s7, s5;
	s26 =	sadd.s32 s9, s8  }
0xc: {  	s31 =	sshrl.u32 s29, $0x2;
	s12 =	ssub.s32 s28, s30;
	s5 =	sshrl.u32 s5, $0x3  }
0xd: {  	s7 =	sshrl.u32 s26, $0x3;
	s12 =	smax.u32 s12, $0x1;
	s10 =	sadd.s32 s5, s6  }
0xe: {  	s11 =	sadd.s32 s7, s6;
	s5 =	sadd.s32 s31, s2;
	s6 =	sadd.s32 $0x3800, s10  }
0xf: {  	s7 =	sadd.s32 $0x4000, s5;
	s8 =	sadd.s32 $0x8000, s5;
	s9 =	sadd.s32 $0xC000, s5  }
0x10: {  	v0 =	vimm.f32 $0.0e+00;
	v1 =	vimm.f32 $1.000000000e+00;
	s10 =	sadd.s32 $0x10000, s5;
	s11 =	sadd.s32 $0xF800, s11;
	s18 =	sshrl.u32 s5, $0x3  }
.LBB2_1:
0x11: {  	[tilespmem:s3], [sflag:$0x1] =	stream.linear.gather [hbm4b:s6+s3], $0x3000, $0x38;
	[tilespmem:$0x1AC80] =	vst v63  }
0x12: {  	_ =	swait.ge [sflag:s13], $0x3000  }
0x13: {  	[sflag:s13] =	ssyncset.done $0x0  }
0x14: {  	s20 =	simm.s32 $0x0;
	s21 =	simm.s32 $0x200;
	[sflag:s13] =	ssyncadd.s32 $0xFFFFD000  }
.LBB2_2:
0x15: {  	p0 =	sne.s32 s21, $0xFE00;
	[tilespmem:s20+$0x30F0] =	vst v0  }
0x16: {  	[tilespmem:s20+$0x3080] =	vst v0  }
0x17: {  	[tilespmem:s20+$0x3090] =	vst v0  }
.Ltmp0:
0x18: {  	[tilespmem:s20+$0x30A0] =	vst v0;
	(pc) =	sbr.rel @p0 .LBB2_2-.Ltmp0, $4  }
0x19: {  	[tilespmem:s20+$0x30B0] =	vst v0  }
0x1a: {  	[tilespmem:s20+$0x30C0] =	vst v0  }
0x1b: {  	[tilespmem:s20+$0x30D0] =	vst v0  }
0x1c: {  	[tilespmem:s20+$0x30E0] =	vst v0;
	s20 =	sshra.s32 s21, $0x2;
	s21 =	sadd.s32 $0x200, s21  }
0x1d: {  	[tilespmem:s20+$0x30F0] =	vst v0  }
0x1e: {  	[tilespmem:s20+$0x3080] =	vst v0  }
0x1f: {  	[tilespmem:s20+$0x3090] =	vst v0  }
0x20: {  	[tilespmem:s20+$0x30A0] =	vst v0  }
0x21: {  	[tilespmem:s20+$0x30B0] =	vst v0  }
0x22: {  	[tilespmem:s20+$0x30C0] =	vst v0  }
0x23: {  	[tilespmem:s20+$0x30D0] =	vst v0  }
0x24: {  	[tilespmem:s20+$0x30E0] =	vst v0  }
0x25: {  	[spmem:s5] =	stream.linear.scatter [tilespmem:s14], [sflag:$0x1], $0x4000, $0x38;
	[tilespmem:$0x1AC80] =	vst v63  }
0x26: {  	_ =	swait.ge [sflag:s13], $0x4000  }
0x27: {  	[sflag:s13] =	ssyncset.done $0x0  }
0x28: {  	[sflag:s13] =	ssyncadd.s32 $0xFFFFC000  }
0x29: {  	[spmem:s7] =	stream.linear.scatter [tilespmem:s14], [sflag:$0x1], $0x4000, $0x38;
	[tilespmem:$0x1AC80] =	vst v63  }
0x2a: {  	_ =	swait.ge [sflag:s13], $0x4000  }
0x2b: {  	[sflag:s13] =	ssyncset.done $0x0  }
0x2c: {  	[sflag:s13] =	ssyncadd.s32 $0xFFFFC000  }
0x2d: {  	[spmem:s8] =	stream.linear.scatter [tilespmem:s14], [sflag:$0x1], $0x4000, $0x38;
	[tilespmem:$0x1AC80] =	vst v63  }
0x2e: {  	_ =	swait.ge [sflag:s13], $0x4000  }
0x2f: {  	[sflag:s13] =	ssyncset.done $0x0  }
0x30: {  	[sflag:s13] =	ssyncadd.s32 $0xFFFFC000  }
0x31: {  	[spmem:s9] =	stream.linear.scatter [tilespmem:s14], [sflag:$0x1], $0x4000, $0x38;
	[tilespmem:$0x1AC80] =	vst v63  }
0x32: {  	_ =	swait.ge [sflag:s13], $0x4000  }
0x33: {  	[sflag:s13] =	ssyncset.done $0x0  }
0x34: {  	[sflag:s13] =	ssyncadd.s32 $0xFFFFC000  }
0x35: {  	[spmem:s10] =	stream.linear.scatter [tilespmem:s14], [sflag:$0x1], $0x3C00, $0x38;
	[tilespmem:$0x1AC80] =	vst v63  }
0x36: {  	_ =	swait.ge [sflag:s13], $0x3C00  }
0x37: {  	[sflag:s13] =	ssyncset.done $0x0  }
0x38: {  	[sflag:s13] =	ssyncadd.s32 $0xFFFFC400  }
0x39: {  	s20 =	simm.s32 $0x0;
	s21 =	simm.s32 $0x200;
	[bflag:$0x0] =	sbarrier.arrive $0xFFFF  }
.LBB2_4:
0x3a: {  	p0 =	sne.s32 s21, $0xFE00;
	[tilespmem:s20+$0x30F0] =	vst v1  }
0x3b: {  	[tilespmem:s20+$0x3080] =	vst v1  }
0x3c: {  	[tilespmem:s20+$0x3090] =	vst v1  }
.Ltmp1:
0x3d: {  	[tilespmem:s20+$0x30A0] =	vst v1;
	(pc) =	sbr.rel @p0 .LBB2_4-.Ltmp1, $4  }
0x3e: {  	[tilespmem:s20+$0x30B0] =	vst v1  }
0x3f: {  	[tilespmem:s20+$0x30C0] =	vst v1  }
0x40: {  	[tilespmem:s20+$0x30D0] =	vst v1  }
0x41: {  	[tilespmem:s20+$0x30E0] =	vst v1;
	s20 =	sshra.s32 s21, $0x2;
	s21 =	sadd.s32 $0x200, s21  }
0x42: {  	[tilespmem:s20+$0x30F0] =	vst v1  }
0x43: {  	[tilespmem:s20+$0x3080] =	vst v1  }
0x44: {  	[tilespmem:s20+$0x3090] =	vst v1  }
0x45: {  	[tilespmem:s20+$0x30A0] =	vst v1  }
0x46: {  	[tilespmem:s20+$0x30B0] =	vst v1  }
0x47: {  	[tilespmem:s20+$0x30C0] =	vst v1  }
0x48: {  	[tilespmem:s20+$0x30D0] =	vst v1  }
0x49: {  	[tilespmem:s20+$0x30E0] =	vst v1;
	s20 =	simm.s32 $0x40  }
0x4a: {  	v2 =	vld [tilespmem:s20+$0xFFFFFFC0];
	_ =	sdelay $0x4  }
0x4b: {  	[tilespmem:$0x3000] =	vst v2  }
0x4c: {  	v2 =	vld [tilespmem:s20+$0xFFFFFFD0];
	_ =	sdelay $0x4  }
0x4d: {  	[tilespmem:$0x3010] =	vst v2  }
0x4e: {  	v2 =	vld [tilespmem:s20+$0xFFFFFFE0];
	_ =	sdelay $0x4  }
0x4f: {  	[tilespmem:$0x3020] =	vst v2  }
0x50: {  	v2 =	vld [tilespmem:s20+$0xFFFFFFF0];
	_ =	sdelay $0x4  }
0x51: {  	[tilespmem:$0x3030] =	vst v2  }
0x52: {  	v2 =	vld [tilespmem:s20+$0x0];
	_ =	sdelay $0x4  }
0x53: {  	[tilespmem:$0x3040] =	vst v2  }
0x54: {  	v2 =	vld [tilespmem:s20+$0x10];
	_ =	sdelay $0x4  }
0x55: {  	[tilespmem:$0x3050] =	vst v2  }
0x56: {  	v2 =	vld [tilespmem:s20+$0x20];
	_ =	sdelay $0x4  }
0x57: {  	[tilespmem:$0x3060] =	vst v2  }
0x58: {  	v2 =	vld [tilespmem:s20+$0x30];
	_ =	sdelay $0x2  }
0x59: {  	p0 =	sne.s32 s4, $0x1  }
.Ltmp2:
0x5a: {  	_ = 	snop;
	(pc) =	sbr.rel @!p0 .LBB2_7-.Ltmp2, $4  }
0x5b: {  	[tilespmem:$0x3070] =	vst v2  }
0x5c: {  	[spmem:s2] =	stream.indirect.scatter.add.f32 [tilespmem:s14], [sflag:$0x1], $0x80, s16, s15, $0xb8;
	[tilespmem:$0x1AC80] =	vst v63  }
0x5d: {  	_ =	swait.ge [sflag:s13], $0x4000  }
0x5e: {  	s21 =	sadd.s32 $0xFFFFFFFF, s4;
	[sflag:s13] =	ssyncset.done $0x0  }
.LBB2_6:
0x5f: {  	p0 =	sne.s32 s21, $0x1;
	[sflag:s13] =	ssyncadd.s32 $0xFFFFC000;
	s20 =	sadd.s32 $0x80, s20  }
0x60: {  	s21 =	sadd.s32 $0xFFFFFFFF, s21;
	v2 =	vld [tilespmem:s20+$0xFFFFFFC0];
	_ =	sdelay $0x4  }
0x61: {  	[tilespmem:$0x3000] =	vst v2  }
0x62: {  	v2 =	vld [tilespmem:s20+$0xFFFFFFD0];
	_ =	sdelay $0x4  }
0x63: {  	[tilespmem:$0x3010] =	vst v2  }
0x64: {  	v2 =	vld [tilespmem:s20+$0xFFFFFFE0];
	_ =	sdelay $0x4  }
0x65: {  	[tilespmem:$0x3020] =	vst v2  }
0x66: {  	v2 =	vld [tilespmem:s20+$0xFFFFFFF0];
	_ =	sdelay $0x4  }
0x67: {  	[tilespmem:$0x3030] =	vst v2  }
0x68: {  	v2 =	vld [tilespmem:s20+$0x0];
	_ =	sdelay $0x4  }
0x69: {  	[tilespmem:$0x3040] =	vst v2  }
0x6a: {  	v2 =	vld [tilespmem:s20+$0x10];
	_ =	sdelay $0x4  }
0x6b: {  	[tilespmem:$0x3050] =	vst v2  }
0x6c: {  	v2 =	vld [tilespmem:s20+$0x20];
	_ =	sdelay $0x4  }
0x6d: {  	[tilespmem:$0x3060] =	vst v2  }
0x6e: {  	v2 =	vld [tilespmem:s20+$0x30];
	_ =	sdelay $0x3  }
.Ltmp3:
0x6f: {  	(pc) =	sbr.rel @p0 .LBB2_6-.Ltmp3, $4  }
0x70: {  	[tilespmem:$0x3070] =	vst v2  }
0x71: {  	[spmem:s2] =	stream.indirect.scatter.add.f32 [tilespmem:s14], [sflag:$0x1], $0x80, s16, s15, $0xb8;
	[tilespmem:$0x1AC80] =	vst v63  }
0x72: {  	_ =	swait.ge [sflag:s13], $0x4000  }
0x73: {  	[sflag:s13] =	ssyncset.done $0x0  }
.LBB2_7:
0x74: {  	s19 =	sadd.s32 $0x1, s19  }
0x75: {  	[sflag:s13] =	ssyncadd.s32 $0xFFFFC000;
	p0 =	sne.s32 s19, s12  }
.Ltmp4:
0x76: {  	[bflag:$0x0] =	sbarrier.arrive $0xFFFF;
	(pc) =	sbr.rel @p0 .LBB2_1-.Ltmp4, $4  }
0x77: {  	[hbm:s11], [sflag:s17] =	dma.local [spmem:s18], $0x2780  }
0x78: {  	_ =	swait.ge [sflag:s13], $0x2780  }
0x79: {  	[sflag:s13] =	ssyncset.done $0x0  }
0x7a: {  	[sflag:s13] =	ssyncadd.s32 $0xFFFFD880  }
0x7b: {  	_ =	sfence.sel $0x180000  }
0x7c: {  	[bflag:$0x0] =	sbarrier.arrive $0xFFFF  }
0x7d: {  	p0 =	sne.s32 s0, $0x0;
	_ =	strace $0x90000047  }
0x7e: {  	s0 =	sadd.s32 @!p0 $0x100000, s1;
	[bflag:$0x2] =	sbarrier.arrive $0xFFFF  }
0x7f: {  	[sflag:s0] =	ssyncadd.tile.s32 @!p0 $0x1;
	_ =	shalt  }
.Lfunc_end2:
_tile_overlayer_lowered:
.L_overlay_start_2:
0x80: {  	(tag) =	ssettag $0x2  }
0x81: {  	s0 =	rddreg [dreg:$0x0];
	s2 =	stileid.u32  }
0x82: {  	s1 =	rddreg [dreg:$0x1];
	p0 =	sne.s32 s2, $0x0  }
0x83: {  	s3 =	rddreg [dreg:$0x2];
	[bflag:$0x3] =	sbarrier.arrive $0xFFFF;
	s2 =	simm.s32 @!p0 $0x1C01  }
0x84: {  	[timem:s3], [sflag:s2] =	dma.local @!p0 [hbm:s0], s1  }
0x85: {  	s0 =	simm.s32 @!p0 $0x1  }
0x86: {  	_ =	swait.ge @!p0 [sflag:s0], s1  }
0x87: {  	s1 =	ssub.s32 @!p0 $0x0, s1;
	[sflag:s0] =	ssyncset.done @!p0 $0x0  }
0x88: {  	[sflag:s0] =	ssyncadd.s32 @!p0 s1  }
0x89: {  	[bflag:$0x3] =	sbarrier.arrive $0xFFFF  }
0x8a: {  	_ =	shalt  }

// kernel: kernel.13.cloned.1.call-start
scs
__scs_entry_jumppad:
0x0: {  	(pc) =	sbr.rel $0x88, $3  }
0x1: {  	(tag) =	ssettag $0x0;
	lr =	simm.s32 $0x1  }
0x2: {  	[smem:$0x3F93] =	sst lr;
	_ =	strace $0xD0000000  }
0x3: {  	_ = 	snop  }
0x4: {  	_ = 	snop  }
0x5: {  	_ = 	snop  }
0x6: {  	_ = 	snop  }
0x7: {  	_ = 	snop  }
__scs_overlays_trampoline_lowered:
0x8: {  	[smem:$0x3FA2] =	sst s0  }
0x9: {  	[smem:$0x3FA3] =	sst s1  }
0xa: {  	[smem:$0x3FA4] =	sst s2  }
0xb: {  	[smem:$0x3FA5] =	sst s3  }
0xc: {  	[smem:$0x3FA6] =	sst s4  }
0xd: {  	[smem:$0x3FA7] =	sst s5  }
0xe: {  	[smem:$0x3FA8] =	sst s6  }
0xf: {  	[smem:$0x3FA9] =	sst s7  }
0x10: {  	[smem:$0x3FAA] =	sst s8  }
0x11: {  	[smem:$0x3FAB] =	sst s9;
	s0 =	simm.s32 @!p0 $0x0  }
0x12: {  	s1 =	sld [smem:$0x3F91];
	s0 =	simm.s32 @p0 $0x1  }
0x13: {  	[smem:$0x3FAC] =	sst s0;
	s0 =	simm.s32 @!p1 $0x0  }
0x14: {  	s2 =	sld [smem:$0x3F90];
	s0 =	simm.s32 @p1 $0x1  }
0x15: {  	[smem:$0x3FAD] =	sst s0;
	s0 =	simm.s32 @!p2 $0x0  }
0x16: {  	s3 =	sld [smem:$0x3FDB];
	s0 =	simm.s32 @p2 $0x1  }
0x17: {  	s4 =	simm.s32 $0x1BF5;
	[smem:$0x3FAF] =	sst s0  }
0x18: {  	s0 =	sld [smem:$0x3F92];
	_ =	swait.ge [sflag:s4], $0x0  }
0x19: {  	s7 =	sld [smem:$0x3F93]  }
0x1a: {  	s8 =	sadd.s32 $0xFFFFE003, lr  }
0x1b: {  	s9 =	sadd.s32 $0xFFFFFEF7, lr;
	s5 =	simm.s32 $0xFFFFFFFF;
	p2 =	slt.u32 s8, $0xFFFFF086  }
0x1c: {  	p1 =	slt.u32 s9, $0xF7A;
	s5 =	simm.s32 @!p2 $0x0  }
0x1d: {  	s5 =	simm.s32 @p1 $0x1;
	p0 =	seq.s32 s7, s2  }
0x1e: {  	s7 =	smul.u32 @!p0 $0xF7A, s2;
	p2 =	seq.s32 @!p0 s5, $0x0  }
0x1f: {  	s9 =	smul.u32 $0xF7A, s1;
	s8 =	simm.s32 @!p0 $0x1BF5;
	p2 =	por !p2, p0  }
0x20: {  	[sflag:s8] =	ssyncset.s32 @!p0 $0xFFFFF086;
	s6 =	sadd.s32 @!p0 s3, s7;
	s7 =	simm.s32 @!p0 $0x108  }
0x21: {  	s3 =	sadd.s32 s3, s9;
	s6 =	sadd.s32 @!p0 $0x88, s6;
	s7 =	simm.s32 @p2 $0x1082  }
0x22: {  	[simem:s7], [sflag:s8] =	dma.local @!p0 [hbm:s6], $0xF7A  }
0x23: {  	s9 =	sor.u32 $0xD0000000, s2;
	s6 =	simm.s32 $0x108;
	_ =	swait.ge @!p0 [sflag:s8], $0x0  }
0x24: {  	s3 =	sadd.s32 $0x88, s3;
	s6 =	simm.s32 @!p1 $0x1082;
	[sflag:s4] =	ssyncset.s32 $0xFFFFF086  }
0x25: {  	[simem:s6], [sflag:s4] =	dma.local [hbm:s3], $0xF7A  }
0x26: {  	[smem:$0x3F93] =	sst s1;
	(tag) =	ssettag s2;
	_ =	strace s9  }
0x27: {  	s1 =	sld [smem:$0x3FA3]  }
0x28: {  	s2 =	sld [smem:$0x3FA4]  }
0x29: {  	s4 =	sld [smem:$0x3FA6]  }
0x2a: {  	p0 =	seq.s32 s5, $0x0;
	s5 =	sld [smem:$0x3FA7]  }
0x2b: {  	s6 =	sld [smem:$0x3FA8]  }
0x2c: {  	s7 =	sld [smem:$0x3FA9]  }
0x2d: {  	s3 =	simm.s32 $0x108;
	s8 =	sld [smem:$0x3FAA]  }
0x2e: {  	s3 =	simm.s32 @!p0 $0x1082;
	s9 =	sld [smem:$0x3FAB]  }
0x2f: {  	lr =	sadd.s32 s0, s3;
	s0 =	sld [smem:$0x3FA2]  }
0x30: {  	s3 =	sld [smem:$0x3FA5]  }
0x31: {  	[smem:$0x3FAE] =	sst s10  }
0x32: {  	s10 =	sld [smem:$0x3FAC];
	_ =	sdelay $0x3  }
0x33: {  	p0 =	seq.s32 s10, $0x1;
	s10 =	sld [smem:$0x3FAE];
	_ =	sdelay $0x3  }
0x34: {  	[smem:$0x3FAE] =	sst s10  }
0x35: {  	s10 =	sld [smem:$0x3FAD];
	_ =	sdelay $0x3  }
0x36: {  	p1 =	seq.s32 s10, $0x1;
	s10 =	sld [smem:$0x3FAE];
	_ =	sdelay $0x3  }
0x37: {  	[smem:$0x3FAE] =	sst s10  }
0x38: {  	s10 =	sld [smem:$0x3FAF]  }
0x39: {  	_ = 	snop;
	(pc) =	sbr.ind lr, $3  }
0x3a: {  	_ = 	snop  }
0x3b: {  	_ = 	snop  }
0x3c: {  	p2 =	seq.s32 s10, $0x1;
	s10 =	sld [smem:$0x3FAE]  }
0x3d: {  	_ =	shalt  }
0x3e: {  	_ =	shalt  }
0x3f: {  	_ =	shalt  }
0x40: {  	_ =	shalt  }
0x41: {  	_ =	shalt  }
0x42: {  	_ =	shalt  }
0x43: {  	_ =	shalt  }
0x44: {  	_ =	shalt  }
0x45: {  	_ =	shalt  }
0x46: {  	_ =	shalt  }
0x47: {  	_ =	shalt  }
0x48: {  	_ =	shalt  }
0x49: {  	_ =	shalt  }
0x4a: {  	_ =	shalt  }
0x4b: {  	_ =	shalt  }
0x4c: {  	_ =	shalt  }
0x4d: {  	_ =	shalt  }
0x4e: {  	_ =	shalt  }
0x4f: {  	_ =	shalt  }
0x50: {  	_ =	shalt  }
0x51: {  	_ =	shalt  }
0x52: {  	_ =	shalt  }
0x53: {  	_ =	shalt  }
0x54: {  	_ =	shalt  }
0x55: {  	_ =	shalt  }
0x56: {  	_ =	shalt  }
0x57: {  	_ =	shalt  }
0x58: {  	_ =	shalt  }
0x59: {  	_ =	shalt  }
0x5a: {  	_ =	shalt  }
0x5b: {  	_ =	shalt  }
0x5c: {  	_ =	shalt  }
0x5d: {  	_ =	shalt  }
0x5e: {  	_ =	shalt  }
0x5f: {  	_ =	shalt  }
0x60: {  	_ =	shalt  }
0x61: {  	_ =	shalt  }
0x62: {  	_ =	shalt  }
0x63: {  	_ =	shalt  }
0x64: {  	_ =	shalt  }
0x65: {  	_ =	shalt  }
0x66: {  	_ =	shalt  }
0x67: {  	_ =	shalt  }
0x68: {  	_ =	shalt  }
0x69: {  	_ =	shalt  }
0x6a: {  	_ =	shalt  }
0x6b: {  	_ =	shalt  }
0x6c: {  	_ =	shalt  }
0x6d: {  	_ =	shalt  }
0x6e: {  	_ =	shalt  }
0x6f: {  	_ =	shalt  }
0x70: {  	_ =	shalt  }
0x71: {  	_ =	shalt  }
0x72: {  	_ =	shalt  }
0x73: {  	_ =	shalt  }
0x74: {  	_ =	shalt  }
0x75: {  	_ =	shalt  }
0x76: {  	_ =	shalt  }
0x77: {  	_ =	shalt  }
0x78: {  	_ =	shalt  }
0x79: {  	_ =	shalt  }
0x7a: {  	_ =	shalt  }
0x7b: {  	_ =	shalt  }
0x7c: {  	_ =	shalt  }
0x7d: {  	_ =	shalt  }
0x7e: {  	_ =	shalt  }
0x7f: {  	_ =	shalt  }
0x80: {  	_ =	shalt  }
0x81: {  	_ =	shalt  }
0x82: {  	_ =	shalt  }
0x83: {  	_ =	shalt  }
0x84: {  	_ =	shalt  }
0x85: {  	_ =	shalt  }
0x86: {  	_ =	shalt  }
0x87: {  	_ =	shalt  }
.Lfunc_end0:
.L_simem_size_0:
called_computation.1_lowered:
.L_overlay_start_0:
0x88: {  	s2 =	sld [smem:$0x3FD9]  }
0x89: {  	s3 =	sld [smem:$0x3FFE];
	_ =	sdelay $0x1  }
0x8a: {  	s1 =	srdreg.scid  }
0x8b: {  	s0 =	sand.u32 $0x1, s1  }
0x8c: {  	s17 =	sshll.u32 s0, $0xA;
	s2 =	sadd.s32 s3, s2  }
0x8d: {  	s2 =	sadd.s32 s2, s17  }
0x8e: {  	[smem:$0x3FBA] =	sst s2  }
0x8f: {  	_ = 	snop  }
0x90: {  	s2 =	sld [smem:$0x3FD0];
	(tm) =	ssettm $0x1  }
0x91: {  	s18 =	sld [smem:$0x3FFB];
	_ =	sdelay $0x3  }
0x92: {  	_ =	strace s18  }
0x93: {  	s3 =	sld [smem:$0x3FFC];
	_ =	sdelay $0x3  }
0x94: {  	_ =	strace s3  }
0x95: {  	s3 =	sld [smem:$0x3FFD];
	_ =	sdelay $0x3  }
0x96: {  	_ =	strace s3  }
0x97: {  	_ =	strace $0x8FFFFFFF  }
0x98: {  	s19 =	sld [smem:$0x3FDB];
	_ =	sdelay $0x1  }
0x99: {  	s4 =	simm.s32 $_scs_section_size  }
0x9a: {  	s5 =	simm.s32 $_size__tile_overlayer_lowered;
	s6 =	simm.s32 $_tile_overlayer_lowered  }
0x9b: {  	s22 =	simm.s32 $0x1BFF;
	s21 =	sshll.u32 s6, $0x1;
	s3 =	sadd.s32 s4, s19  }
0x9c: {  	s7 =	simm.s32 $0x0;
	s20 =	sshll.u32 s5, $0x1;
	s5 =	sadd.s32 s21, s3  }
0x9d: {  	[timem:s7], [sflag:s22] =	dma.local [hbm:s5], s20  }
0x9e: {  	_ =	swait.ge [sflag:s22], s20  }
0x9f: {  	s4 =	ssub.s32 $0x0, s20;
	[sflag:s22] =	ssyncset.done $0x0  }
0xa0: {  	[sflag:s22] =	ssyncadd.s32 s4;
	_ =	sdelay $0x1  }
0xa1: {  	s23 =	simm.s32 $0x1B8B  }
0xa2: {  	_ =	swait.ge [sflag:s23], $0x1  }
0xa3: {  	[sflag:s23] =	ssyncset.done $0x0  }
0xa4: {  	s25 =	simm.s32 $0x1B8E;
	s24 =	sld [smem:$0x3FFE];
	[sflag:s23] =	ssyncadd.s32 $0xFFFFFFFF  }
0xa5: {  	s26 =	simm.s32 $execute0_lowered;
	[smem:$0x3FD2] =	sst s25  }
0xa6: {  	s5 =	sshll.u32 s26, $0x1;
	_ =	strace $0x80000049;
	[dreg:$0x1] =	wrdreg $0xFFFFFFFF  }
0xa7: {  	s28 =	simm.s32 $_size_execute0_lowered;
	s3 =	sadd.s32 s3, s5;
	[dreg:$0x0] =	wrdreg $0x0  }
0xa8: {  	s5 =	sshll.u32 s28, $0x1;
	[dreg:$0x2] =	wrdreg s3  }
0xa9: {  	[dreg:$0x3] =	wrdreg s5  }
0xaa: {  	[dreg:$0x4] =	wrdreg $0xC0  }
0xab: {  	_ =	task [dreg:s7], $0x5FFFF  }
0xac: {  	[dreg:$0x1] =	wrdreg $0xFFFFFFFF  }
0xad: {  	[dreg:$0x0] =	wrdreg $0x60  }
0xae: {  	[dreg:$0x2] =	wrdreg s2  }
0xaf: {  	[dreg:$0x3] =	wrdreg s24  }
0xb0: {  	[dreg:$0x4] =	wrdreg $0x83000  }
0xb1: {  	[dreg:$0x5] =	wrdreg $0x9  }
0xb2: {  	_ =	task.clear_ibuf [dreg:s7], $0x6FFFF;
	_ =	strace $0x90000049  }
0xb3: {  	s29 =	simm.s32 $0x9;
	_ =	strace $0x8000004B  }
0xb4: {  	_ =	swait.ge [sflag:s29], $0x1  }
0xb5: {  	[sflag:s29] =	ssyncadd.s32 $0xFFFFFFFF  }
0xb6: {  	_ =	strace $0x9000004B  }
0xb7: {  	_ =	sfence  }
0xb8: {  	s30 =	sld [smem:$0x0];
	_ =	sdelay $0x2  }
0xb9: {  	s31 =	sshll.u32 s1, $0xD;
	s1 =	sshrl.u32 s1, $0x2  }
0xba: {  	s3 =	sand.u32 $0x4000, s31;
	s1 =	sadd.s32 s1, s30  }
0xbb: {  	s0 =	sor.u32 s3, s0;
	s1 =	sshll.u32 s1, $0x11  }
0xbc: {  	s0 =	sor.u32 s1, s0  }
0xbd: {  	s0 =	sadd.s32 $0x8F2B, s0  }
0xbe: {  	[sflag:s0] =	ssyncadd.remote.s32 $0x1  }
0xbf: {  	_ =	sfence.sel $0xFFFF  }
0xc0: {  	[dreg:$0x0] =	wrdreg $0xFFFFFFFF;
	(pc) =	sbr.abs _section_cstart, $3  }
0xc1: {  	[dreg:$0x1] =	wrdreg $0xFFFFFFFF  }
0xc2: {  	_ =	task.clear_ibuf [dreg:s7], $0x2FFFF;
	_ =	strace $0x9FFFFFFF  }
0xc3: {  	(tm) =	ssettm $0x7FFFFFFF  }
tec
execute0_lowered:
.L_overlay_start_1:
0x0: {  	(tag) =	ssettag $0x1  }
0x1: {  	s1 =	rddreg [dreg:$0x0]  }
0x2: {  	s0 =	rddreg [dreg:$0x1]  }
0x3: {  	s2 =	rddreg [dreg:$0x2];
	s3 =	srdreg.scid  }
0x4: {  	s4 =	simm.s32 $0x0;
	s12 =	stileid.u32;
	s13 =	simm.s32 $0x2E  }
0x5: {  	s28 =	simm.s32 $0x4300;
	s29 =	simm.s32 $0x1;
	s8 =	smul.u32 $0x13C00, s12  }
0x6: {  	s30 =	simm.s32 $0x3;
	s31 =	simm.s32 $0x4;
	s18 =	smul.u32 $0x4F000, s12  }
0x7: {  	s3 =	sand.u32 $0x1, s3;
	[smem:$0x7FF] =	sst s4;
	s12 =	smul.u32 $0x3000, s12  }
0x8: {  	s5 =	sadd.s32 $0x5E800, s0;
	s6 =	sadd.s32 $0x3800, s0;
	s7 =	smul.u32 $0x13C000, s3  }
0x9: {  	_ =	strace $0x8000004A;
	s9 =	ssub.s32 $0x2, s3;
	p0 =	seq.s32 s3, $0x0  }
0xa: {  	s10 =	smul.u32 $0x30000, s3;
	s11 =	sshrl.u32 s9, $0x1;
	s13 =	simm.s32 @!p0 $0x21  }
0xb: {  	s7 =	sadd.s32 s8, s7;
	s8 =	sshrl.u32 s18, $0x2;
	s11 =	ssub.s32 s9, s11  }
0xc: {  	s9 =	sadd.s32 s12, s10;
	s26 =	sshll.u32 s13, $0x8;
	s7 =	sshrl.u32 s7, $0x3  }
0xd: {  	s22 =	sshrl.u32 s9, $0x3;
	[dreg:$0x4] =	wrdreg s26;
	s26 =	simm.s32 $0x80  }
0xe: {  	s0 =	sadd.s32 s7, s0;
	s7 =	sadd.s32 s8, s2;
	s24 =	sadd.s32 s5, s22  }
0xf: {  	s23 =	sor.u32 $0x10, s22;
	s19 =	sadd.s32 $0x4000, s7;
	[dreg:$0x9] =	wrdreg s24  }
0x10: {  	s16 =	sadd.s32 s6, s22;
	s20 =	sadd.s32 $0x8000, s7;
	[dreg:$0x5] =	wrdreg s19  }
0x11: {  	s22 =	simm.s32 $0x100;
	s21 =	sadd.s32 $0xC000, s7;
	[dreg:$0x6] =	wrdreg s20  }
0x12: {  	s8 =	sadd.s32 $0x10000, s7;
	s25 =	sadd.s32 s5, s23;
	[dreg:$0x7] =	wrdreg s21  }
0x13: {  	s17 =	sadd.s32 s6, s23;
	s18 =	sadd.s32 $0x6A800, s0;
	[dreg:$0x8] =	wrdreg s8  }
0x14: {  	s23 =	simm.s32 $0x180;
	s0 =	simm.s32 $0x0;
	[dreg:$0xa] =	wrdreg s25  }
0x15: {  	v0 =	vimm.f32 $0.0e+00;
	s19 =	smax.u32 s11, $0x1;
	s20 =	simm.s32 $0x300;
	s21 =	simm.s32 $0x5  }
.LBB2_1:
0x16: {  	s3 =	simm.s32 $0x0;
	s8 =	simm.s32 $0x200  }
.LBB2_2:
0x17: {  	p0 =	sne.s32 s8, $0xFE00;
	[tilespmem:s3+$0x370] =	vst v0  }
0x18: {  	[tilespmem:s3+$0x300] =	vst v0  }
0x19: {  	[tilespmem:s3+$0x310] =	vst v0  }
.Ltmp0:
0x1a: {  	[tilespmem:s3+$0x320] =	vst v0;
	(pc) =	sbr.rel @p0 .LBB2_2-.Ltmp0, $4  }
0x1b: {  	[tilespmem:s3+$0x330] =	vst v0  }
0x1c: {  	[tilespmem:s3+$0x340] =	vst v0  }
0x1d: {  	[tilespmem:s3+$0x350] =	vst v0  }
0x1e: {  	[tilespmem:s3+$0x360] =	vst v0;
	s3 =	sshra.s32 s8, $0x2;
	s8 =	sadd.s32 $0x200, s8  }
0x1f: {  	[tilespmem:s3+$0x370] =	vst v0  }
0x20: {  	[tilespmem:s3+$0x300] =	vst v0  }
0x21: {  	[tilespmem:s3+$0x310] =	vst v0  }
0x22: {  	[tilespmem:s3+$0x320] =	vst v0  }
0x23: {  	[tilespmem:s3+$0x330] =	vst v0  }
0x24: {  	[tilespmem:s3+$0x340] =	vst v0  }
0x25: {  	[tilespmem:s3+$0x350] =	vst v0  }
0x26: {  	[tilespmem:s3+$0x360] =	vst v0  }
0x27: {  	[spmem:s7] =	stream.linear.scatter [tilespmem:s20], [sflag:$0x5], $0x4000, $0x38;
	[tilespmem:$0x1BF00] =	vst v63  }
0x28: {  	_ =	swait.ge [sflag:s21], $0x4000  }
0x29: {  	[sflag:s21] =	ssyncset.done $0x0  }
0x2a: {  	s25 =	rddreg [dreg:$0x5];
	[sflag:s21] =	ssyncadd.s32 $0xFFFFC000  }
0x2b: {  	[spmem:s25] =	stream.linear.scatter [tilespmem:s20], [sflag:$0x5], $0x4000, $0x38;
	[tilespmem:$0x1BF00] =	vst v63  }
0x2c: {  	_ =	swait.ge [sflag:s21], $0x4000  }
0x2d: {  	[sflag:s21] =	ssyncset.done $0x0  }
0x2e: {  	s8 =	rddreg [dreg:$0x6];
	[sflag:s21] =	ssyncadd.s32 $0xFFFFC000  }
0x2f: {  	[spmem:s8] =	stream.linear.scatter [tilespmem:s20], [sflag:$0x5], $0x4000, $0x38;
	[tilespmem:$0x1BF00] =	vst v63  }
0x30: {  	_ =	swait.ge [sflag:s21], $0x4000  }
0x31: {  	[sflag:s21] =	ssyncset.done $0x0  }
0x32: {  	s10 =	rddreg [dreg:$0x7];
	[sflag:s21] =	ssyncadd.s32 $0xFFFFC000  }
0x33: {  	[spmem:s10] =	stream.linear.scatter [tilespmem:s20], [sflag:$0x5], $0x4000, $0x38;
	[tilespmem:$0x1BF00] =	vst v63  }
0x34: {  	_ =	swait.ge [sflag:s21], $0x4000  }
0x35: {  	[sflag:s21] =	ssyncset.done $0x0  }
0x36: {  	s11 =	rddreg [dreg:$0x8];
	[sflag:s21] =	ssyncadd.s32 $0xFFFFC000  }
0x37: {  	[spmem:s11] =	stream.linear.scatter [tilespmem:s20], [sflag:$0x5], $0x3C00, $0x38;
	[tilespmem:$0x1BF00] =	vst v63  }
0x38: {  	_ =	swait.ge [sflag:s21], $0x3C00  }
0x39: {  	[sflag:s21] =	ssyncset.done $0x0  }
0x3a: {  	[sflag:s21] =	ssyncadd.s32 $0xFFFFC400  }
0x3b: {  	[bflag:$0x0] =	sbarrier.arrive $0xFFFF  }
0x3c: {  	s12 =	simm.s32 $0x0;
	s8 =	rddreg [dreg:$0x9]  }
0x3d: {  	[tilespmem:s22], [sflag:$0x5] =	stream.linear.gather [hbm4b:s8+s12], $0x80, $0x38;
	[tilespmem:$0x1BF00] =	vst v63  }
0x3e: {  	_ =	swait.ge [sflag:s21], $0x80  }
0x3f: {  	[sflag:s21] =	ssyncset.done $0x0  }
0x40: {  	s14 =	rddreg [dreg:$0xa];
	[sflag:s21] =	ssyncadd.s32 $0xFFFFFF80  }
0x41: {  	[tilespmem:s23], [sflag:$0x5] =	stream.linear.gather [hbm4b:s14+s12], $0x80, $0x38;
	[tilespmem:$0x1BF00] =	vst v63  }
0x42: {  	_ =	swait.ge [sflag:s21], $0x80  }
0x43: {  	[sflag:s21] =	ssyncset.done $0x0  }
0x44: {  	s15 =	simm.s32 $0x200;
	[sflag:s21] =	ssyncadd.s32 $0xFFFFFF80  }
0x45: {  	[tilespmem:s15], [sflag:$0x5] =	stream.linear.gather [hbm4b:s16+s12], $0x80, $0x38;
	[tilespmem:$0x1BF00] =	vst v63  }
0x46: {  	_ =	swait.ge [sflag:s21], $0x80  }
0x47: {  	[sflag:s21] =	ssyncset.done $0x0  }
0x48: {  	s24 =	simm.s32 $0x280;
	[sflag:s21] =	ssyncadd.s32 $0xFFFFFF80  }
0x49: {  	[tilespmem:s24], [sflag:$0x5] =	stream.linear.gather [hbm4b:s17+s12], $0x80, $0x38;
	[tilespmem:$0x1BF00] =	vst v63  }
0x4a: {  	_ =	swait.ge [sflag:s21], $0x80  }
0x4b: {  	p0 =	por $0x1, $0x1;
	[sflag:s21] =	ssyncset.done $0x0  }
0x4c: {  	s3 =	simm.s32 @!p0 $0x2;
	[sflag:s21] =	ssyncadd.s32 $0xFFFFFF80  }
0x4d: {  	_ =	swait.ge @!p0 [sflag:s3], $0x80  }
0x4e: {  	[sflag:s3] =	ssyncset.done @!p0 $0x0  }
0x4f: {  	[sflag:s3] =	ssyncadd.s32 @!p0 $0xFFFFFF80  }
0x50: {  	_ =	swait.ge @!p0 [sflag:s3], $0x80  }
0x51: {  	[sflag:s3] =	ssyncset.done @!p0 $0x0  }
0x52: {  	[sflag:s3] =	ssyncadd.s32 @!p0 $0xFFFFFF80  }
0x53: {  	_ =	swait.ge @!p0 [sflag:s3], $0x80  }
0x54: {  	[sflag:s3] =	ssyncset.done @!p0 $0x0  }
0x55: {  	[sflag:s3] =	ssyncadd.s32 @!p0 $0xFFFFFF80  }
0x56: {  	_ =	swait.ge @!p0 [sflag:s3], $0x80  }
0x57: {  	[sflag:s3] =	ssyncset.done @!p0 $0x0  }
0x58: {  	[sflag:s3] =	ssyncadd.s32 @!p0 $0xFFFFFF80;
	s3 =	simm.s32 @!p0 $0x3  }
0x59: {  	_ =	swait.ge @!p0 [sflag:s3], $0x4000  }
0x5a: {  	[sflag:s3] =	ssyncset.done @!p0 $0x0  }
0x5b: {  	[sflag:s3] =	ssyncadd.s32 @!p0 $0xFFFFC000;
	s3 =	simm.s32 @!p0 $0x4  }
0x5c: {  	_ =	swait.ge @!p0 [sflag:s3], $0x4000  }
0x5d: {  	[sflag:s3] =	ssyncset.done @!p0 $0x0  }
0x5e: {  	[sflag:s3] =	ssyncadd.s32 @!p0 $0xFFFFC000  }
0x5f: {  	[tilespmem:s20], [sflag:$0x1] =	stream.indirect.gather [hbm4b:s1+s26], $0x80, s22, s26, $0xb8;
	[tilespmem:$0x1BF00] =	vst v63  }
0x60: {  	_ = 	snop  }
0x61: {  	[tilespmem:s28], [sflag:$0x1] =	stream.indirect.gather [hbm4b:s1+s26], $0x80, s23, s26, $0xb8;
	[tilespmem:$0x1BF00] =	vst v63  }
0x62: {  	_ =	swait.ge [sflag:s29], $0x4000  }
0x63: {  	[sflag:s29] =	ssyncset.done $0x0  }
0x64: {  	[sflag:s29] =	ssyncadd.s32 $0xFFFFC000  }
0x65: {  	_ =	swait.ge [sflag:s29], $0x4000  }
0x66: {  	[sflag:s29] =	ssyncset.done $0x0  }
0x67: {  	[sflag:s29] =	ssyncadd.s32 $0xFFFFC000  }
0x68: {  	v1 =	vld [tilespmem:$0x2F0]  }
0x69: {  	v2 =	vld [tilespmem:$0x2D0]  }
0x6a: {  	v3 =	vld [tilespmem:$0x2E0]  }
0x6b: {  	v4 =	vld [tilespmem:$0x2B0]  }
0x6c: {  	v5 =	vld [tilespmem:$0x2C0]  }
0x6d: {  	v6 =	vld [tilespmem:$0x290];
	[tilespmem:$0xF0] =	vst v1  }
0x6e: {  	v7 =	vld [tilespmem:$0x280];
	[tilespmem:$0xD0] =	vst v2  }
0x6f: {  	v8 =	vld [tilespmem:$0x260];
	[tilespmem:$0xE0] =	vst v3  }
0x70: {  	v9 =	vld [tilespmem:$0x250];
	[tilespmem:$0xB0] =	vst v4  }
0x71: {  	s25 =	rddreg [dreg:$0x4];
	v1 =	vld [tilespmem:$0x2A0];
	[tilespmem:$0xC0] =	vst v5  }
0x72: {  	p1 =	sne.s32 s25, $0x100;
	v2 =	vld [tilespmem:$0x270];
	[tilespmem:$0x90] =	vst v6  }
.Ltmp1:
0x73: {  	v4 =	vld [tilespmem:$0x230];
	[tilespmem:$0x80] =	vst v7;
	(pc) =	sbr.rel @!p1 .LBB2_5-.Ltmp1, $4  }
0x74: {  	p0 =	sle.u32 s13, $0x1;
	v3 =	vld [tilespmem:$0x200];
	[tilespmem:$0x60] =	vst v8  }
0x75: {  	s8 =	simm.s32 @!p0 $0x100;
	v5 =	vld [tilespmem:$0x210];
	[tilespmem:$0x50] =	vst v9  }
0x76: {  	s24 =	simm.s32 $0x100;
	s3 =	simm.s32 @!p0 $0x180;
	s11 =	sand.u32 @!p0 $0xFFFFFC00, s8;
	[tilespmem:$0xA0] =	vst v1;
	v1 =	vld [tilespmem:$0x240]  }
0x77: {  	s10 =	sand.u32 @!p0 $0x300, s8;
	s8 =	sand.u32 @!p0 $0xFFFFFC00, s3;
	s25 =	simm.s32 $0x2;
	[tilespmem:$0x70] =	vst v2;
	v2 =	vld [tilespmem:$0x220]  }
.LBB2_4:
0x78: {  	_ =	sdelay $0x1  }
0x79: {  	[tilespmem:$0x30] =	vst v4  }
0x7a: {  	s11 =	sadd.s32 @!p0 s9, s11;
	[tilespmem:$0x40] =	vst v1  }
0x7b: {  	s12 =	sand.u32 @!p0 $0x380, s3;
	s8 =	sadd.s32 @!p0 s9, s8;
	s10 =	sor.u32 @!p0 s10, s11;
	[tilespmem:$0x0] =	vst v3  }
0x7c: {  	s15 =	simm.s32 @!p0 $0x100;
	s8 =	sor.u32 @!p0 s12, s8;
	s10 =	sshrl.u32 @!p0 s10, $0x3;
	[tilespmem:$0x20] =	vst v2  }
0x7d: {  	s12 =	simm.s32 @!p0 $0x0;
	s8 =	sshrl.u32 @!p0 s8, $0x3;
	s14 =	sadd.s32 @!p0 s5, s10;
	[tilespmem:$0x10] =	vst v5  }
0x7e: {  	[tilespmem:s15], [sflag:$0x2] =	stream.linear.gather @!p0 [hbm4b:s14+s12], $0x80, $0x38;
	[tilespmem:$0x1BF00] =	vst v63  }
0x7f: {  	s11 =	simm.s32 @!p0 $0x180;
	s14 =	sadd.s32 @!p0 s5, s8  }
0x80: {  	[tilespmem:s11], [sflag:$0x2] =	stream.linear.gather @!p0 [hbm4b:s14+s12], $0x80, $0x38;
	[tilespmem:$0x1BF00] =	vst v63  }
0x81: {  	s10 =	sadd.s32 @!p0 s6, s10;
	s15 =	simm.s32 @!p0 $0x200  }
0x82: {  	[tilespmem:s15], [sflag:$0x2] =	stream.linear.gather @!p0 [hbm4b:s10+s12], $0x80, $0x38;
	[tilespmem:$0x1BF00] =	vst v63  }
0x83: {  	s3 =	smov.u32 s24;
	s8 =	sadd.s32 @!p0 s6, s8;
	s11 =	simm.s32 @!p0 $0x280  }
0x84: {  	[tilespmem:s11], [sflag:$0x2] =	stream.linear.gather @!p0 [hbm4b:s8+s12], $0x80, $0x38;
	[tilespmem:$0x1BF00] =	vst v63  }
0x85: {  	p0 =	seq.s32 s3, $0x0  }
0x86: {  	[spmem:s2] =	stream.indirect.scatter.add.f32 [tilespmem:s20], [sflag:$0x3], $0x80, s4, s26, $0xb8;
	[tilespmem:$0x1BF00] =	vst v63  }
0x87: {  	s8 =	simm.s32 @!p0 $0x2  }
0x88: {  	[spmem:s2] =	stream.indirect.scatter.add.f32 [tilespmem:s28], [sflag:$0x4], $0x80, s26, s26, $0xb8;
	[tilespmem:$0x1BF00] =	vst v63  }
0x89: {  	_ =	swait.ge @!p0 [sflag:s8], $0x80  }
0x8a: {  	[sflag:s8] =	ssyncset.done @!p0 $0x0  }
0x8b: {  	[sflag:s8] =	ssyncadd.s32 @!p0 $0xFFFFFF80  }
0x8c: {  	_ =	swait.ge @!p0 [sflag:s8], $0x80  }
0x8d: {  	[sflag:s8] =	ssyncset.done @!p0 $0x0  }
0x8e: {  	[sflag:s8] =	ssyncadd.s32 @!p0 $0xFFFFFF80  }
0x8f: {  	_ =	swait.ge @!p0 [sflag:s8], $0x80  }
0x90: {  	[sflag:s8] =	ssyncset.done @!p0 $0x0  }
0x91: {  	[sflag:s8] =	ssyncadd.s32 @!p0 $0xFFFFFF80  }
0x92: {  	_ =	swait.ge @!p0 [sflag:s8], $0x80  }
0x93: {  	[sflag:s8] =	ssyncset.done @!p0 $0x0  }
0x94: {  	[sflag:s8] =	ssyncadd.s32 @!p0 $0xFFFFFF80;
	s8 =	simm.s32 @!p0 $0x3  }
0x95: {  	_ =	swait.ge @!p0 [sflag:s8], $0x4000  }
0x96: {  	[sflag:s8] =	ssyncset.done @!p0 $0x0  }
0x97: {  	[sflag:s8] =	ssyncadd.s32 @!p0 $0xFFFFC000;
	s8 =	simm.s32 @!p0 $0x4  }
0x98: {  	_ =	swait.ge @!p0 [sflag:s8], $0x4000  }
0x99: {  	[sflag:s8] =	ssyncset.done @!p0 $0x0  }
0x9a: {  	[sflag:s8] =	ssyncadd.s32 @!p0 $0xFFFFC000  }
0x9b: {  	[tilespmem:s20], [sflag:$0x1] =	stream.indirect.gather [hbm4b:s1+s26], $0x80, s22, s26, $0xb8;
	[tilespmem:$0x1BF00] =	vst v63  }
0x9c: {  	_ = 	snop  }
0x9d: {  	[tilespmem:s28], [sflag:$0x1] =	stream.indirect.gather [hbm4b:s1+s26], $0x80, s23, s26, $0xb8;
	[tilespmem:$0x1BF00] =	vst v63  }
0x9e: {  	_ =	swait.ge [sflag:s29], $0x4000  }
0x9f: {  	[sflag:s29] =	ssyncset.done $0x0  }
0xa0: {  	[sflag:s29] =	ssyncadd.s32 $0xFFFFC000  }
0xa1: {  	_ =	swait.ge [sflag:s29], $0x4000  }
0xa2: {  	[sflag:s29] =	ssyncset.done $0x0  }
0xa3: {  	[sflag:s29] =	ssyncadd.s32 $0xFFFFC000  }
0xa4: {  	v1 =	vld [tilespmem:$0x2F0]  }
0xa5: {  	v2 =	vld [tilespmem:$0x2D0]  }
0xa6: {  	v3 =	vld [tilespmem:$0x2E0]  }
0xa7: {  	v4 =	vld [tilespmem:$0x2B0]  }
0xa8: {  	v5 =	vld [tilespmem:$0x2C0]  }
0xa9: {  	v6 =	vld [tilespmem:$0x290];
	[tilespmem:$0xF0] =	vst v1  }
0xaa: {  	v7 =	vld [tilespmem:$0x280];
	[tilespmem:$0xD0] =	vst v2  }
0xab: {  	v8 =	vld [tilespmem:$0x260];
	[tilespmem:$0xE0] =	vst v3  }
0xac: {  	v9 =	vld [tilespmem:$0x250];
	[tilespmem:$0xB0] =	vst v4  }
0xad: {  	s24 =	sadd.s32 $0x100, s24;
	s15 =	rddreg [dreg:$0x4];
	v1 =	vld [tilespmem:$0x2A0];
	[tilespmem:$0xC0] =	vst v5  }
0xae: {  	p1 =	sne.s32 s15, s24;
	v2 =	vld [tilespmem:$0x270];
	[tilespmem:$0x90] =	vst v6  }
.Ltmp2:
0xaf: {  	v4 =	vld [tilespmem:$0x230];
	[tilespmem:$0x80] =	vst v7;
	(pc) =	sbr.rel @p1 .LBB2_4-.Ltmp2, $4  }
0xb0: {  	v3 =	vld [tilespmem:$0x200];
	[tilespmem:$0x60] =	vst v8  }
0xb1: {  	p0 =	sge.u32 s25, s13;
	v5 =	vld [tilespmem:$0x210];
	[tilespmem:$0x50] =	vst v9  }
0xb2: {  	s25 =	sadd.s32 $0x1, s25;
	s8 =	sadd.s32 @!p0 $0x100, s3;
	s3 =	sadd.s32 @!p0 $0x180, s3;
	[tilespmem:$0xA0] =	vst v1;
	v1 =	vld [tilespmem:$0x240]  }
0xb3: {  	s11 =	sand.u32 @!p0 $0xFFFFFC00, s8;
	s10 =	sand.u32 @!p0 $0x300, s8;
	s8 =	sand.u32 @!p0 $0xFFFFFC00, s3;
	[tilespmem:$0x70] =	vst v2;
	v2 =	vld [tilespmem:$0x220]  }
.LBB2_5:
0xb4: {  	[tilespmem:$0x30] =	vst v4  }
0xb5: {  	s11 =	sadd.s32 @!p0 s9, s11;
	[tilespmem:$0x0] =	vst v3  }
0xb6: {  	s3 =	sand.u32 @!p0 $0x380, s3;
	s8 =	sadd.s32 @!p0 s9, s8;
	s10 =	sor.u32 @!p0 s10, s11;
	[tilespmem:$0x10] =	vst v5  }
0xb7: {  	s12 =	simm.s32 @!p0 $0x100;
	s3 =	sor.u32 @!p0 s3, s8;
	s10 =	sshrl.u32 @!p0 s10, $0x3;
	[tilespmem:$0x40] =	vst v1  }
0xb8: {  	s8 =	simm.s32 @!p0 $0x0;
	s3 =	sshrl.u32 @!p0 s3, $0x3;
	s11 =	sadd.s32 @!p0 s5, s10;
	[tilespmem:$0x20] =	vst v2  }
0xb9: {  	[tilespmem:s12], [sflag:$0x2] =	stream.linear.gather @!p0 [hbm4b:s11+s8], $0x80, $0x38;
	[tilespmem:$0x1BF00] =	vst v63  }
0xba: {  	s11 =	simm.s32 @!p0 $0x180;
	s12 =	sadd.s32 @!p0 s5, s3  }
0xbb: {  	[tilespmem:s11], [sflag:$0x2] =	stream.linear.gather @!p0 [hbm4b:s12+s8], $0x80, $0x38;
	[tilespmem:$0x1BF00] =	vst v63  }
0xbc: {  	s10 =	sadd.s32 @!p0 s6, s10;
	s11 =	simm.s32 @!p0 $0x200  }
0xbd: {  	[tilespmem:s11], [sflag:$0x2] =	stream.linear.gather @!p0 [hbm4b:s10+s8], $0x80, $0x38;
	[tilespmem:$0x1BF00] =	vst v63  }
0xbe: {  	s3 =	sadd.s32 @!p0 s6, s3;
	s10 =	simm.s32 @!p0 $0x280  }
0xbf: {  	[tilespmem:s10], [sflag:$0x2] =	stream.linear.gather @!p0 [hbm4b:s3+s8], $0x80, $0x38;
	[tilespmem:$0x1BF00] =	vst v63  }
0xc0: {  	_ = 	snop  }
0xc1: {  	[spmem:s2] =	stream.indirect.scatter.add.f32 [tilespmem:s20], [sflag:$0x3], $0x80, s4, s26, $0xb8;
	[tilespmem:$0x1BF00] =	vst v63  }
0xc2: {  	_ = 	snop  }
0xc3: {  	[spmem:s2] =	stream.indirect.scatter.add.f32 [tilespmem:s28], [sflag:$0x4], $0x80, s26, s26, $0xb8;
	[tilespmem:$0x1BF00] =	vst v63  }
0xc4: {  	_ =	swait.ge [sflag:s30], $0x4000  }
0xc5: {  	[sflag:s30] =	ssyncset.done $0x0  }
0xc6: {  	[sflag:s30] =	ssyncadd.s32 $0xFFFFC000  }
0xc7: {  	s24 =	stileid.u32;
	_ =	swait.ge [sflag:s31], $0x4000  }
0xc8: {  	s25 =	sshrl.u32 s7, $0x3;
	s0 =	sadd.s32 $0x1, s0;
	[sflag:s31] =	ssyncset.done $0x0  }
0xc9: {  	s3 =	sshll.u32 s24, $0x6;
	p0 =	sne.s32 s0, s19;
	[sflag:s31] =	ssyncadd.s32 $0xFFFFC000  }
.Ltmp3:
0xca: {  	s3 =	sor.u32 $0x1C05, s3;
	[bflag:$0x0] =	sbarrier.arrive $0xFFFF;
	(pc) =	sbr.rel @p0 .LBB2_1-.Ltmp3, $4  }
0xcb: {  	[hbm:s18], [sflag:s3] =	dma.local [spmem:s25], $0x2780  }
0xcc: {  	_ =	swait.ge [sflag:s21], $0x2780  }
0xcd: {  	[sflag:s21] =	ssyncset.done $0x0  }
0xce: {  	[sflag:s21] =	ssyncadd.s32 $0xFFFFD880  }
0xcf: {  	_ =	sfence.sel $0x180000  }
0xd0: {  	[bflag:$0x0] =	sbarrier.arrive $0xFFFF  }
0xd1: {  	_ =	strace $0x9000004A  }
0xd2: {  	s0 =	stileid.u32;
	[bflag:$0x2] =	sbarrier.arrive $0xFFFF  }
0xd3: {  	p0 =	sne.s32 s0, $0x0;
	s0 =	rddreg [dreg:$0x3]  }
0xd4: {  	s0 =	sadd.s32 @!p0 $0x100000, s0  }
0xd5: {  	[sflag:s0] =	ssyncadd.tile.s32 @!p0 $0x1;
	_ =	shalt  }
.Lfunc_end2:
_tile_overlayer_lowered:
.L_overlay_start_2:
0xd6: {  	(tag) =	ssettag $0x2  }
0xd7: {  	s0 =	rddreg [dreg:$0x0];
	s2 =	stileid.u32  }
0xd8: {  	s1 =	rddreg [dreg:$0x1];
	p0 =	sne.s32 s2, $0x0  }
0xd9: {  	s3 =	rddreg [dreg:$0x2];
	[bflag:$0x3] =	sbarrier.arrive $0xFFFF;
	s2 =	simm.s32 @!p0 $0x1C05  }
0xda: {  	[timem:s3], [sflag:s2] =	dma.local @!p0 [hbm:s0], s1  }
0xdb: {  	s0 =	simm.s32 @!p0 $0x5  }
0xdc: {  	_ =	swait.ge @!p0 [sflag:s0], s1  }
0xdd: {  	s1 =	ssub.s32 @!p0 $0x0, s1;
	[sflag:s0] =	ssyncset.done @!p0 $0x0  }
0xde: {  	[sflag:s0] =	ssyncadd.s32 @!p0 s1  }
0xdf: {  	[bflag:$0x3] =	sbarrier.arrive $0xFFFF  }
0xe0: {  	_ =	shalt  }

// kernel: kernel.16.cloned.1.call-start
scs
__scs_entry_jumppad:
0x0: {  	(pc) =	sbr.rel $0x88, $3  }
0x1: {  	(tag) =	ssettag $0x0;
	lr =	simm.s32 $0x1  }
0x2: {  	[smem:$0x3F93] =	sst lr;
	_ =	strace $0xD0000000  }
0x3: {  	_ = 	snop  }
0x4: {  	_ = 	snop  }
0x5: {  	_ = 	snop  }
0x6: {  	_ = 	snop  }
0x7: {  	_ = 	snop  }
__scs_overlays_trampoline_lowered:
0x8: {  	[smem:$0x3FA2] =	sst s0  }
0x9: {  	[smem:$0x3FA3] =	sst s1  }
0xa: {  	[smem:$0x3FA4] =	sst s2  }
0xb: {  	[smem:$0x3FA5] =	sst s3  }
0xc: {  	[smem:$0x3FA6] =	sst s4  }
0xd: {  	[smem:$0x3FA7] =	sst s5  }
0xe: {  	[smem:$0x3FA8] =	sst s6  }
0xf: {  	[smem:$0x3FA9] =	sst s7  }
0x10: {  	[smem:$0x3FAA] =	sst s8  }
0x11: {  	[smem:$0x3FAB] =	sst s9;
	s0 =	simm.s32 @!p0 $0x0  }
0x12: {  	s1 =	sld [smem:$0x3F91];
	s0 =	simm.s32 @p0 $0x1  }
0x13: {  	[smem:$0x3FAC] =	sst s0;
	s0 =	simm.s32 @!p1 $0x0  }
0x14: {  	s2 =	sld [smem:$0x3F90];
	s0 =	simm.s32 @p1 $0x1  }
0x15: {  	[smem:$0x3FAD] =	sst s0;
	s0 =	simm.s32 @!p2 $0x0  }
0x16: {  	s3 =	sld [smem:$0x3FDB];
	s0 =	simm.s32 @p2 $0x1  }
0x17: {  	s4 =	simm.s32 $0x1BF5;
	[smem:$0x3FAF] =	sst s0  }
0x18: {  	s0 =	sld [smem:$0x3F92];
	_ =	swait.ge [sflag:s4], $0x0  }
0x19: {  	s7 =	sld [smem:$0x3F93]  }
0x1a: {  	s8 =	sadd.s32 $0xFFFFE003, lr  }
0x1b: {  	s9 =	sadd.s32 $0xFFFFFEF7, lr;
	s5 =	simm.s32 $0xFFFFFFFF;
	p2 =	slt.u32 s8, $0xFFFFF086  }
0x1c: {  	p1 =	slt.u32 s9, $0xF7A;
	s5 =	simm.s32 @!p2 $0x0  }
0x1d: {  	s5 =	simm.s32 @p1 $0x1;
	p0 =	seq.s32 s7, s2  }
0x1e: {  	s7 =	smul.u32 @!p0 $0xF7A, s2;
	p2 =	seq.s32 @!p0 s5, $0x0  }
0x1f: {  	s9 =	smul.u32 $0xF7A, s1;
	s8 =	simm.s32 @!p0 $0x1BF5;
	p2 =	por !p2, p0  }
0x20: {  	[sflag:s8] =	ssyncset.s32 @!p0 $0xFFFFF086;
	s6 =	sadd.s32 @!p0 s3, s7;
	s7 =	simm.s32 @!p0 $0x108  }
0x21: {  	s3 =	sadd.s32 s3, s9;
	s6 =	sadd.s32 @!p0 $0x88, s6;
	s7 =	simm.s32 @p2 $0x1082  }
0x22: {  	[simem:s7], [sflag:s8] =	dma.local @!p0 [hbm:s6], $0xF7A  }
0x23: {  	s9 =	sor.u32 $0xD0000000, s2;
	s6 =	simm.s32 $0x108;
	_ =	swait.ge @!p0 [sflag:s8], $0x0  }
0x24: {  	s3 =	sadd.s32 $0x88, s3;
	s6 =	simm.s32 @!p1 $0x1082;
	[sflag:s4] =	ssyncset.s32 $0xFFFFF086  }
0x25: {  	[simem:s6], [sflag:s4] =	dma.local [hbm:s3], $0xF7A  }
0x26: {  	[smem:$0x3F93] =	sst s1;
	(tag) =	ssettag s2;
	_ =	strace s9  }
0x27: {  	s1 =	sld [smem:$0x3FA3]  }
0x28: {  	s2 =	sld [smem:$0x3FA4]  }
0x29: {  	s4 =	sld [smem:$0x3FA6]  }
0x2a: {  	p0 =	seq.s32 s5, $0x0;
	s5 =	sld [smem:$0x3FA7]  }
0x2b: {  	s6 =	sld [smem:$0x3FA8]  }
0x2c: {  	s7 =	sld [smem:$0x3FA9]  }
0x2d: {  	s3 =	simm.s32 $0x108;
	s8 =	sld [smem:$0x3FAA]  }
0x2e: {  	s3 =	simm.s32 @!p0 $0x1082;
	s9 =	sld [smem:$0x3FAB]  }
0x2f: {  	lr =	sadd.s32 s0, s3;
	s0 =	sld [smem:$0x3FA2]  }
0x30: {  	s3 =	sld [smem:$0x3FA5]  }
0x31: {  	[smem:$0x3FAE] =	sst s10  }
0x32: {  	s10 =	sld [smem:$0x3FAC];
	_ =	sdelay $0x3  }
0x33: {  	p0 =	seq.s32 s10, $0x1;
	s10 =	sld [smem:$0x3FAE];
	_ =	sdelay $0x3  }
0x34: {  	[smem:$0x3FAE] =	sst s10  }
0x35: {  	s10 =	sld [smem:$0x3FAD];
	_ =	sdelay $0x3  }
0x36: {  	p1 =	seq.s32 s10, $0x1;
	s10 =	sld [smem:$0x3FAE];
	_ =	sdelay $0x3  }
0x37: {  	[smem:$0x3FAE] =	sst s10  }
0x38: {  	s10 =	sld [smem:$0x3FAF]  }
0x39: {  	_ = 	snop;
	(pc) =	sbr.ind lr, $3  }
0x3a: {  	_ = 	snop  }
0x3b: {  	_ = 	snop  }
0x3c: {  	p2 =	seq.s32 s10, $0x1;
	s10 =	sld [smem:$0x3FAE]  }
0x3d: {  	_ =	shalt  }
0x3e: {  	_ =	shalt  }
0x3f: {  	_ =	shalt  }
0x40: {  	_ =	shalt  }
0x41: {  	_ =	shalt  }
0x42: {  	_ =	shalt  }
0x43: {  	_ =	shalt  }
0x44: {  	_ =	shalt  }
0x45: {  	_ =	shalt  }
0x46: {  	_ =	shalt  }
0x47: {  	_ =	shalt  }
0x48: {  	_ =	shalt  }
0x49: {  	_ =	shalt  }
0x4a: {  	_ =	shalt  }
0x4b: {  	_ =	shalt  }
0x4c: {  	_ =	shalt  }
0x4d: {  	_ =	shalt  }
0x4e: {  	_ =	shalt  }
0x4f: {  	_ =	shalt  }
0x50: {  	_ =	shalt  }
0x51: {  	_ =	shalt  }
0x52: {  	_ =	shalt  }
0x53: {  	_ =	shalt  }
0x54: {  	_ =	shalt  }
0x55: {  	_ =	shalt  }
0x56: {  	_ =	shalt  }
0x57: {  	_ =	shalt  }
0x58: {  	_ =	shalt  }
0x59: {  	_ =	shalt  }
0x5a: {  	_ =	shalt  }
0x5b: {  	_ =	shalt  }
0x5c: {  	_ =	shalt  }
0x5d: {  	_ =	shalt  }
0x5e: {  	_ =	shalt  }
0x5f: {  	_ =	shalt  }
0x60: {  	_ =	shalt  }
0x61: {  	_ =	shalt  }
0x62: {  	_ =	shalt  }
0x63: {  	_ =	shalt  }
0x64: {  	_ =	shalt  }
0x65: {  	_ =	shalt  }
0x66: {  	_ =	shalt  }
0x67: {  	_ =	shalt  }
0x68: {  	_ =	shalt  }
0x69: {  	_ =	shalt  }
0x6a: {  	_ =	shalt  }
0x6b: {  	_ =	shalt  }
0x6c: {  	_ =	shalt  }
0x6d: {  	_ =	shalt  }
0x6e: {  	_ =	shalt  }
0x6f: {  	_ =	shalt  }
0x70: {  	_ =	shalt  }
0x71: {  	_ =	shalt  }
0x72: {  	_ =	shalt  }
0x73: {  	_ =	shalt  }
0x74: {  	_ =	shalt  }
0x75: {  	_ =	shalt  }
0x76: {  	_ =	shalt  }
0x77: {  	_ =	shalt  }
0x78: {  	_ =	shalt  }
0x79: {  	_ =	shalt  }
0x7a: {  	_ =	shalt  }
0x7b: {  	_ =	shalt  }
0x7c: {  	_ =	shalt  }
0x7d: {  	_ =	shalt  }
0x7e: {  	_ =	shalt  }
0x7f: {  	_ =	shalt  }
0x80: {  	_ =	shalt  }
0x81: {  	_ =	shalt  }
0x82: {  	_ =	shalt  }
0x83: {  	_ =	shalt  }
0x84: {  	_ =	shalt  }
0x85: {  	_ =	shalt  }
0x86: {  	_ =	shalt  }
0x87: {  	_ =	shalt  }
.Lfunc_end0:
.L_simem_size_0:
called_computation.2_lowered:
.L_overlay_start_0:
0x88: {  	s2 =	sld [smem:$0x3FD9]  }
0x89: {  	s3 =	sld [smem:$0x3FFE];
	_ =	sdelay $0x1  }
0x8a: {  	s1 =	srdreg.scid  }
0x8b: {  	s0 =	sand.u32 $0x1, s1  }
0x8c: {  	s17 =	sshll.u32 s0, $0xA;
	s2 =	sadd.s32 s3, s2  }
0x8d: {  	s2 =	sadd.s32 s2, s17  }
0x8e: {  	[smem:$0x3FBA] =	sst s2  }
0x8f: {  	_ = 	snop  }
0x90: {  	s2 =	sld [smem:$0x3FD0];
	(tm) =	ssettm $0x1  }
0x91: {  	s18 =	sld [smem:$0x3FFB];
	_ =	sdelay $0x3  }
0x92: {  	_ =	strace s18  }
0x93: {  	s3 =	sld [smem:$0x3FFC];
	_ =	sdelay $0x3  }
0x94: {  	_ =	strace s3  }
0x95: {  	s3 =	sld [smem:$0x3FFD];
	_ =	sdelay $0x3  }
0x96: {  	_ =	strace s3  }
0x97: {  	_ =	strace $0x8FFFFFFF  }
0x98: {  	s19 =	sld [smem:$0x3FDB];
	_ =	sdelay $0x1  }
0x99: {  	s4 =	simm.s32 $_scs_section_size  }
0x9a: {  	s5 =	simm.s32 $_size__tile_overlayer_lowered;
	s6 =	simm.s32 $_tile_overlayer_lowered  }
0x9b: {  	s22 =	simm.s32 $0x1BFF;
	s21 =	sshll.u32 s6, $0x1;
	s3 =	sadd.s32 s4, s19  }
0x9c: {  	s7 =	simm.s32 $0x0;
	s20 =	sshll.u32 s5, $0x1;
	s5 =	sadd.s32 s21, s3  }
0x9d: {  	[timem:s7], [sflag:s22] =	dma.local [hbm:s5], s20  }
0x9e: {  	_ =	swait.ge [sflag:s22], s20  }
0x9f: {  	s4 =	ssub.s32 $0x0, s20;
	[sflag:s22] =	ssyncset.done $0x0  }
0xa0: {  	[sflag:s22] =	ssyncadd.s32 s4;
	_ =	sdelay $0x1  }
0xa1: {  	s23 =	simm.s32 $0x1B8B  }
0xa2: {  	_ =	swait.ge [sflag:s23], $0x1  }
0xa3: {  	[sflag:s23] =	ssyncset.done $0x0  }
0xa4: {  	s25 =	simm.s32 $0x1B8E;
	s24 =	sld [smem:$0x3FFE];
	[sflag:s23] =	ssyncadd.s32 $0xFFFFFFFF  }
0xa5: {  	s26 =	simm.s32 $execute0_lowered;
	[smem:$0x3FD2] =	sst s25  }
0xa6: {  	s5 =	sshll.u32 s26, $0x1;
	_ =	strace $0x8000004C;
	[dreg:$0x1] =	wrdreg $0xFFFFFFFF  }
0xa7: {  	s28 =	simm.s32 $_size_execute0_lowered;
	s3 =	sadd.s32 s3, s5;
	[dreg:$0x0] =	wrdreg $0x0  }
0xa8: {  	s5 =	sshll.u32 s28, $0x1;
	[dreg:$0x2] =	wrdreg s3  }
0xa9: {  	[dreg:$0x3] =	wrdreg s5  }
0xaa: {  	[dreg:$0x4] =	wrdreg $0xC0  }
0xab: {  	_ =	task [dreg:s7], $0x5FFFF  }
0xac: {  	[dreg:$0x1] =	wrdreg $0xFFFFFFFF  }
0xad: {  	[dreg:$0x0] =	wrdreg $0x60  }
0xae: {  	[dreg:$0x2] =	wrdreg s2  }
0xaf: {  	[dreg:$0x3] =	wrdreg s24  }
0xb0: {  	[dreg:$0x4] =	wrdreg $0x83000  }
0xb1: {  	[dreg:$0x5] =	wrdreg $0x9  }
0xb2: {  	_ =	task.clear_ibuf [dreg:s7], $0x6FFFF;
	_ =	strace $0x9000004C  }
0xb3: {  	s29 =	simm.s32 $0x9;
	_ =	strace $0x8000004E  }
0xb4: {  	_ =	swait.ge [sflag:s29], $0x1  }
0xb5: {  	[sflag:s29] =	ssyncadd.s32 $0xFFFFFFFF  }
0xb6: {  	_ =	strace $0x9000004E  }
0xb7: {  	_ =	sfence  }
0xb8: {  	s30 =	sld [smem:$0x0];
	_ =	sdelay $0x2  }
0xb9: {  	s31 =	sshll.u32 s1, $0xD;
	s1 =	sshrl.u32 s1, $0x2  }
0xba: {  	s3 =	sand.u32 $0x4000, s31;
	s1 =	sadd.s32 s1, s30  }
0xbb: {  	s0 =	sor.u32 s3, s0;
	s1 =	sshll.u32 s1, $0x11  }
0xbc: {  	s0 =	sor.u32 s1, s0  }
0xbd: {  	s0 =	sadd.s32 $0x8F2B, s0  }
0xbe: {  	[sflag:s0] =	ssyncadd.remote.s32 $0x1  }
0xbf: {  	_ =	sfence.sel $0xFFFF  }
0xc0: {  	[dreg:$0x0] =	wrdreg $0xFFFFFFFF;
	(pc) =	sbr.abs _section_cstart, $3  }
0xc1: {  	[dreg:$0x1] =	wrdreg $0xFFFFFFFF  }
0xc2: {  	_ =	task.clear_ibuf [dreg:s7], $0x2FFFF;
	_ =	strace $0x9FFFFFFF  }
0xc3: {  	(tm) =	ssettm $0x7FFFFFFF  }
tec
execute0_lowered:
.L_overlay_start_1:
0x0: {  	(tag) =	ssettag $0x1  }
0x1: {  	s1 =	rddreg [dreg:$0x0]  }
0x2: {  	s0 =	rddreg [dreg:$0x1]  }
0x3: {  	s2 =	rddreg [dreg:$0x2];
	s3 =	srdreg.scid  }
0x4: {  	s4 =	simm.s32 $0x0;
	s12 =	stileid.u32;
	s13 =	simm.s32 $0x2E  }
0x5: {  	s28 =	simm.s32 $0x4300;
	s29 =	simm.s32 $0x1;
	s8 =	smul.u32 $0x13C00, s12  }
0x6: {  	s30 =	simm.s32 $0x3;
	s31 =	simm.s32 $0x4;
	s18 =	smul.u32 $0x4F000, s12  }
0x7: {  	s3 =	sand.u32 $0x1, s3;
	[smem:$0x7FF] =	sst s4;
	s12 =	smul.u32 $0x3000, s12  }
0x8: {  	s5 =	sadd.s32 $0x5E800, s0;
	s6 =	sadd.s32 $0x3800, s0;
	s7 =	smul.u32 $0x13C000, s3  }
0x9: {  	_ =	strace $0x8000004D;
	s9 =	ssub.s32 $0x2, s3;
	p0 =	seq.s32 s3, $0x0  }
0xa: {  	s10 =	smul.u32 $0x30000, s3;
	s11 =	sshrl.u32 s9, $0x1;
	s13 =	simm.s32 @!p0 $0x21  }
0xb: {  	s7 =	sadd.s32 s8, s7;
	s8 =	sshrl.u32 s18, $0x2;
	s11 =	ssub.s32 s9, s11  }
0xc: {  	s9 =	sadd.s32 s12, s10;
	s26 =	sshll.u32 s13, $0x8;
	s7 =	sshrl.u32 s7, $0x3  }
0xd: {  	s22 =	sshrl.u32 s9, $0x3;
	[dreg:$0x4] =	wrdreg s26;
	s26 =	simm.s32 $0x80  }
0xe: {  	s0 =	sadd.s32 s7, s0;
	s7 =	sadd.s32 s8, s2;
	s24 =	sadd.s32 s5, s22  }
0xf: {  	s23 =	sor.u32 $0x10, s22;
	s19 =	sadd.s32 $0x4000, s7;
	[dreg:$0x9] =	wrdreg s24  }
0x10: {  	s16 =	sadd.s32 s6, s22;
	s20 =	sadd.s32 $0x8000, s7;
	[dreg:$0x5] =	wrdreg s19  }
0x11: {  	s22 =	simm.s32 $0x100;
	s21 =	sadd.s32 $0xC000, s7;
	[dreg:$0x6] =	wrdreg s20  }
0x12: {  	s8 =	sadd.s32 $0x10000, s7;
	s25 =	sadd.s32 s5, s23;
	[dreg:$0x7] =	wrdreg s21  }
0x13: {  	s17 =	sadd.s32 s6, s23;
	s18 =	sadd.s32 $0x6A800, s0;
	[dreg:$0x8] =	wrdreg s8  }
0x14: {  	s23 =	simm.s32 $0x180;
	s0 =	simm.s32 $0x0;
	[dreg:$0xa] =	wrdreg s25  }
0x15: {  	v0 =	vimm.f32 $0.0e+00;
	s19 =	smax.u32 s11, $0x1;
	s20 =	simm.s32 $0x300;
	s21 =	simm.s32 $0x5  }
.LBB2_1:
0x16: {  	s3 =	simm.s32 $0x0;
	s8 =	simm.s32 $0x200  }
.LBB2_2:
0x17: {  	p0 =	sne.s32 s8, $0xFE00;
	[tilespmem:s3+$0x370] =	vst v0  }
0x18: {  	[tilespmem:s3+$0x300] =	vst v0  }
0x19: {  	[tilespmem:s3+$0x310] =	vst v0  }
.Ltmp0:
0x1a: {  	[tilespmem:s3+$0x320] =	vst v0;
	(pc) =	sbr.rel @p0 .LBB2_2-.Ltmp0, $4  }
0x1b: {  	[tilespmem:s3+$0x330] =	vst v0  }
0x1c: {  	[tilespmem:s3+$0x340] =	vst v0  }
0x1d: {  	[tilespmem:s3+$0x350] =	vst v0  }
0x1e: {  	[tilespmem:s3+$0x360] =	vst v0;
	s3 =	sshra.s32 s8, $0x2;
	s8 =	sadd.s32 $0x200, s8  }
0x1f: {  	[tilespmem:s3+$0x370] =	vst v0  }
0x20: {  	[tilespmem:s3+$0x300] =	vst v0  }
0x21: {  	[tilespmem:s3+$0x310] =	vst v0  }
0x22: {  	[tilespmem:s3+$0x320] =	vst v0  }
0x23: {  	[tilespmem:s3+$0x330] =	vst v0  }
0x24: {  	[tilespmem:s3+$0x340] =	vst v0  }
0x25: {  	[tilespmem:s3+$0x350] =	vst v0  }
0x26: {  	[tilespmem:s3+$0x360] =	vst v0  }
0x27: {  	[spmem:s7] =	stream.linear.scatter [tilespmem:s20], [sflag:$0x5], $0x4000, $0x38;
	[tilespmem:$0x1BF00] =	vst v63  }
0x28: {  	_ =	swait.ge [sflag:s21], $0x4000  }
0x29: {  	[sflag:s21] =	ssyncset.done $0x0  }
0x2a: {  	s25 =	rddreg [dreg:$0x5];
	[sflag:s21] =	ssyncadd.s32 $0xFFFFC000  }
0x2b: {  	[spmem:s25] =	stream.linear.scatter [tilespmem:s20], [sflag:$0x5], $0x4000, $0x38;
	[tilespmem:$0x1BF00] =	vst v63  }
0x2c: {  	_ =	swait.ge [sflag:s21], $0x4000  }
0x2d: {  	[sflag:s21] =	ssyncset.done $0x0  }
0x2e: {  	s8 =	rddreg [dreg:$0x6];
	[sflag:s21] =	ssyncadd.s32 $0xFFFFC000  }
0x2f: {  	[spmem:s8] =	stream.linear.scatter [tilespmem:s20], [sflag:$0x5], $0x4000, $0x38;
	[tilespmem:$0x1BF00] =	vst v63  }
0x30: {  	_ =	swait.ge [sflag:s21], $0x4000  }
0x31: {  	[sflag:s21] =	ssyncset.done $0x0  }
0x32: {  	s10 =	rddreg [dreg:$0x7];
	[sflag:s21] =	ssyncadd.s32 $0xFFFFC000  }
0x33: {  	[spmem:s10] =	stream.linear.scatter [tilespmem:s20], [sflag:$0x5], $0x4000, $0x38;
	[tilespmem:$0x1BF00] =	vst v63  }
0x34: {  	_ =	swait.ge [sflag:s21], $0x4000  }
0x35: {  	[sflag:s21] =	ssyncset.done $0x0  }
0x36: {  	s11 =	rddreg [dreg:$0x8];
	[sflag:s21] =	ssyncadd.s32 $0xFFFFC000  }
0x37: {  	[spmem:s11] =	stream.linear.scatter [tilespmem:s20], [sflag:$0x5], $0x3C00, $0x38;
	[tilespmem:$0x1BF00] =	vst v63  }
0x38: {  	_ =	swait.ge [sflag:s21], $0x3C00  }
0x39: {  	[sflag:s21] =	ssyncset.done $0x0  }
0x3a: {  	[sflag:s21] =	ssyncadd.s32 $0xFFFFC400  }
0x3b: {  	[bflag:$0x0] =	sbarrier.arrive $0xFFFF  }
0x3c: {  	s12 =	simm.s32 $0x0;
	s8 =	rddreg [dreg:$0x9]  }
0x3d: {  	[tilespmem:s22], [sflag:$0x5] =	stream.linear.gather [hbm4b:s8+s12], $0x80, $0x38;
	[tilespmem:$0x1BF00] =	vst v63  }
0x3e: {  	_ =	swait.ge [sflag:s21], $0x80  }
0x3f: {  	[sflag:s21] =	ssyncset.done $0x0  }
0x40: {  	s14 =	rddreg [dreg:$0xa];
	[sflag:s21] =	ssyncadd.s32 $0xFFFFFF80  }
0x41: {  	[tilespmem:s23], [sflag:$0x5] =	stream.linear.gather [hbm4b:s14+s12], $0x80, $0x38;
	[tilespmem:$0x1BF00] =	vst v63  }
0x42: {  	_ =	swait.ge [sflag:s21], $0x80  }
0x43: {  	[sflag:s21] =	ssyncset.done $0x0  }
0x44: {  	s15 =	simm.s32 $0x200;
	[sflag:s21] =	ssyncadd.s32 $0xFFFFFF80  }
0x45: {  	[tilespmem:s15], [sflag:$0x5] =	stream.linear.gather [hbm4b:s16+s12], $0x80, $0x38;
	[tilespmem:$0x1BF00] =	vst v63  }
0x46: {  	_ =	swait.ge [sflag:s21], $0x80  }
0x47: {  	[sflag:s21] =	ssyncset.done $0x0  }
0x48: {  	s24 =	simm.s32 $0x280;
	[sflag:s21] =	ssyncadd.s32 $0xFFFFFF80  }
0x49: {  	[tilespmem:s24], [sflag:$0x5] =	stream.linear.gather [hbm4b:s17+s12], $0x80, $0x38;
	[tilespmem:$0x1BF00] =	vst v63  }
0x4a: {  	_ =	swait.ge [sflag:s21], $0x80  }
0x4b: {  	p0 =	por $0x1, $0x1;
	[sflag:s21] =	ssyncset.done $0x0  }
0x4c: {  	s3 =	simm.s32 @!p0 $0x2;
	[sflag:s21] =	ssyncadd.s32 $0xFFFFFF80  }
0x4d: {  	_ =	swait.ge @!p0 [sflag:s3], $0x80  }
0x4e: {  	[sflag:s3] =	ssyncset.done @!p0 $0x0  }
0x4f: {  	[sflag:s3] =	ssyncadd.s32 @!p0 $0xFFFFFF80  }
0x50: {  	_ =	swait.ge @!p0 [sflag:s3], $0x80  }
0x51: {  	[sflag:s3] =	ssyncset.done @!p0 $0x0  }
0x52: {  	[sflag:s3] =	ssyncadd.s32 @!p0 $0xFFFFFF80  }
0x53: {  	_ =	swait.ge @!p0 [sflag:s3], $0x80  }
0x54: {  	[sflag:s3] =	ssyncset.done @!p0 $0x0  }
0x55: {  	[sflag:s3] =	ssyncadd.s32 @!p0 $0xFFFFFF80  }
0x56: {  	_ =	swait.ge @!p0 [sflag:s3], $0x80  }
0x57: {  	[sflag:s3] =	ssyncset.done @!p0 $0x0  }
0x58: {  	[sflag:s3] =	ssyncadd.s32 @!p0 $0xFFFFFF80;
	s3 =	simm.s32 @!p0 $0x3  }
0x59: {  	_ =	swait.ge @!p0 [sflag:s3], $0x4000  }
0x5a: {  	[sflag:s3] =	ssyncset.done @!p0 $0x0  }
0x5b: {  	[sflag:s3] =	ssyncadd.s32 @!p0 $0xFFFFC000;
	s3 =	simm.s32 @!p0 $0x4  }
0x5c: {  	_ =	swait.ge @!p0 [sflag:s3], $0x4000  }
0x5d: {  	[sflag:s3] =	ssyncset.done @!p0 $0x0  }
0x5e: {  	[sflag:s3] =	ssyncadd.s32 @!p0 $0xFFFFC000  }
0x5f: {  	[tilespmem:s20], [sflag:$0x1] =	stream.indirect.gather [hbm4b:s1+s26], $0x80, s22, s26, $0xb8;
	[tilespmem:$0x1BF00] =	vst v63  }
0x60: {  	_ = 	snop  }
0x61: {  	[tilespmem:s28], [sflag:$0x1] =	stream.indirect.gather [hbm4b:s1+s26], $0x80, s23, s26, $0xb8;
	[tilespmem:$0x1BF00] =	vst v63  }
0x62: {  	_ =	swait.ge [sflag:s29], $0x4000  }
0x63: {  	[sflag:s29] =	ssyncset.done $0x0  }
0x64: {  	[sflag:s29] =	ssyncadd.s32 $0xFFFFC000  }
0x65: {  	_ =	swait.ge [sflag:s29], $0x4000  }
0x66: {  	[sflag:s29] =	ssyncset.done $0x0  }
0x67: {  	[sflag:s29] =	ssyncadd.s32 $0xFFFFC000  }
0x68: {  	v1 =	vld [tilespmem:$0x2F0]  }
0x69: {  	v2 =	vld [tilespmem:$0x2D0]  }
0x6a: {  	v3 =	vld [tilespmem:$0x2E0]  }
0x6b: {  	v4 =	vld [tilespmem:$0x2B0]  }
0x6c: {  	v5 =	vld [tilespmem:$0x2C0]  }
0x6d: {  	v6 =	vld [tilespmem:$0x290];
	[tilespmem:$0xF0] =	vst v1  }
0x6e: {  	v7 =	vld [tilespmem:$0x280];
	[tilespmem:$0xD0] =	vst v2  }
0x6f: {  	v8 =	vld [tilespmem:$0x260];
	[tilespmem:$0xE0] =	vst v3  }
0x70: {  	v9 =	vld [tilespmem:$0x250];
	[tilespmem:$0xB0] =	vst v4  }
0x71: {  	s25 =	rddreg [dreg:$0x4];
	v1 =	vld [tilespmem:$0x2A0];
	[tilespmem:$0xC0] =	vst v5  }
0x72: {  	p1 =	sne.s32 s25, $0x100;
	v2 =	vld [tilespmem:$0x270];
	[tilespmem:$0x90] =	vst v6  }
.Ltmp1:
0x73: {  	v4 =	vld [tilespmem:$0x230];
	[tilespmem:$0x80] =	vst v7;
	(pc) =	sbr.rel @!p1 .LBB2_5-.Ltmp1, $4  }
0x74: {  	p0 =	sle.u32 s13, $0x1;
	v3 =	vld [tilespmem:$0x200];
	[tilespmem:$0x60] =	vst v8  }
0x75: {  	s8 =	simm.s32 @!p0 $0x100;
	v5 =	vld [tilespmem:$0x210];
	[tilespmem:$0x50] =	vst v9  }
0x76: {  	s24 =	simm.s32 $0x100;
	s3 =	simm.s32 @!p0 $0x180;
	s11 =	sand.u32 @!p0 $0xFFFFFC00, s8;
	[tilespmem:$0xA0] =	vst v1;
	v1 =	vld [tilespmem:$0x240]  }
0x77: {  	s10 =	sand.u32 @!p0 $0x300, s8;
	s8 =	sand.u32 @!p0 $0xFFFFFC00, s3;
	s25 =	simm.s32 $0x2;
	[tilespmem:$0x70] =	vst v2;
	v2 =	vld [tilespmem:$0x220]  }
.LBB2_4:
0x78: {  	_ =	sdelay $0x1  }
0x79: {  	[tilespmem:$0x30] =	vst v4  }
0x7a: {  	s11 =	sadd.s32 @!p0 s9, s11;
	[tilespmem:$0x40] =	vst v1  }
0x7b: {  	s12 =	sand.u32 @!p0 $0x380, s3;
	s8 =	sadd.s32 @!p0 s9, s8;
	s10 =	sor.u32 @!p0 s10, s11;
	[tilespmem:$0x0] =	vst v3  }
0x7c: {  	s15 =	simm.s32 @!p0 $0x100;
	s8 =	sor.u32 @!p0 s12, s8;
	s10 =	sshrl.u32 @!p0 s10, $0x3;
	[tilespmem:$0x20] =	vst v2  }
0x7d: {  	s12 =	simm.s32 @!p0 $0x0;
	s8 =	sshrl.u32 @!p0 s8, $0x3;
	s14 =	sadd.s32 @!p0 s5, s10;
	[tilespmem:$0x10] =	vst v5  }
0x7e: {  	[tilespmem:s15], [sflag:$0x2] =	stream.linear.gather @!p0 [hbm4b:s14+s12], $0x80, $0x38;
	[tilespmem:$0x1BF00] =	vst v63  }
0x7f: {  	s11 =	simm.s32 @!p0 $0x180;
	s14 =	sadd.s32 @!p0 s5, s8  }
0x80: {  	[tilespmem:s11], [sflag:$0x2] =	stream.linear.gather @!p0 [hbm4b:s14+s12], $0x80, $0x38;
	[tilespmem:$0x1BF00] =	vst v63  }
0x81: {  	s10 =	sadd.s32 @!p0 s6, s10;
	s15 =	simm.s32 @!p0 $0x200  }
0x82: {  	[tilespmem:s15], [sflag:$0x2] =	stream.linear.gather @!p0 [hbm4b:s10+s12], $0x80, $0x38;
	[tilespmem:$0x1BF00] =	vst v63  }
0x83: {  	s3 =	smov.u32 s24;
	s8 =	sadd.s32 @!p0 s6, s8;
	s11 =	simm.s32 @!p0 $0x280  }
0x84: {  	[tilespmem:s11], [sflag:$0x2] =	stream.linear.gather @!p0 [hbm4b:s8+s12], $0x80, $0x38;
	[tilespmem:$0x1BF00] =	vst v63  }
0x85: {  	p0 =	seq.s32 s3, $0x0  }
0x86: {  	[spmem:s2] =	stream.indirect.scatter.add.f32 [tilespmem:s20], [sflag:$0x3], $0x80, s4, s26, $0xb8;
	[tilespmem:$0x1BF00] =	vst v63  }
0x87: {  	s8 =	simm.s32 @!p0 $0x2  }
0x88: {  	[spmem:s2] =	stream.indirect.scatter.add.f32 [tilespmem:s28], [sflag:$0x4], $0x80, s26, s26, $0xb8;
	[tilespmem:$0x1BF00] =	vst v63  }
0x89: {  	_ =	swait.ge @!p0 [sflag:s8], $0x80  }
0x8a: {  	[sflag:s8] =	ssyncset.done @!p0 $0x0  }
0x8b: {  	[sflag:s8] =	ssyncadd.s32 @!p0 $0xFFFFFF80  }
0x8c: {  	_ =	swait.ge @!p0 [sflag:s8], $0x80  }
0x8d: {  	[sflag:s8] =	ssyncset.done @!p0 $0x0  }
0x8e: {  	[sflag:s8] =	ssyncadd.s32 @!p0 $0xFFFFFF80  }
0x8f: {  	_ =	swait.ge @!p0 [sflag:s8], $0x80  }
0x90: {  	[sflag:s8] =	ssyncset.done @!p0 $0x0  }
0x91: {  	[sflag:s8] =	ssyncadd.s32 @!p0 $0xFFFFFF80  }
0x92: {  	_ =	swait.ge @!p0 [sflag:s8], $0x80  }
0x93: {  	[sflag:s8] =	ssyncset.done @!p0 $0x0  }
0x94: {  	[sflag:s8] =	ssyncadd.s32 @!p0 $0xFFFFFF80;
	s8 =	simm.s32 @!p0 $0x3  }
0x95: {  	_ =	swait.ge @!p0 [sflag:s8], $0x4000  }
0x96: {  	[sflag:s8] =	ssyncset.done @!p0 $0x0  }
0x97: {  	[sflag:s8] =	ssyncadd.s32 @!p0 $0xFFFFC000;
	s8 =	simm.s32 @!p0 $0x4  }
0x98: {  	_ =	swait.ge @!p0 [sflag:s8], $0x4000  }
0x99: {  	[sflag:s8] =	ssyncset.done @!p0 $0x0  }
0x9a: {  	[sflag:s8] =	ssyncadd.s32 @!p0 $0xFFFFC000  }
0x9b: {  	[tilespmem:s20], [sflag:$0x1] =	stream.indirect.gather [hbm4b:s1+s26], $0x80, s22, s26, $0xb8;
	[tilespmem:$0x1BF00] =	vst v63  }
0x9c: {  	_ = 	snop  }
0x9d: {  	[tilespmem:s28], [sflag:$0x1] =	stream.indirect.gather [hbm4b:s1+s26], $0x80, s23, s26, $0xb8;
	[tilespmem:$0x1BF00] =	vst v63  }
0x9e: {  	_ =	swait.ge [sflag:s29], $0x4000  }
0x9f: {  	[sflag:s29] =	ssyncset.done $0x0  }
0xa0: {  	[sflag:s29] =	ssyncadd.s32 $0xFFFFC000  }
0xa1: {  	_ =	swait.ge [sflag:s29], $0x4000  }
0xa2: {  	[sflag:s29] =	ssyncset.done $0x0  }
0xa3: {  	[sflag:s29] =	ssyncadd.s32 $0xFFFFC000  }
0xa4: {  	v1 =	vld [tilespmem:$0x2F0]  }
0xa5: {  	v2 =	vld [tilespmem:$0x2D0]  }
0xa6: {  	v3 =	vld [tilespmem:$0x2E0]  }
0xa7: {  	v4 =	vld [tilespmem:$0x2B0]  }
0xa8: {  	v5 =	vld [tilespmem:$0x2C0]  }
0xa9: {  	v6 =	vld [tilespmem:$0x290];
	[tilespmem:$0xF0] =	vst v1  }
0xaa: {  	v7 =	vld [tilespmem:$0x280];
	[tilespmem:$0xD0] =	vst v2  }
0xab: {  	v8 =	vld [tilespmem:$0x260];
	[tilespmem:$0xE0] =	vst v3  }
0xac: {  	v9 =	vld [tilespmem:$0x250];
	[tilespmem:$0xB0] =	vst v4  }
0xad: {  	s24 =	sadd.s32 $0x100, s24;
	s15 =	rddreg [dreg:$0x4];
	v1 =	vld [tilespmem:$0x2A0];
	[tilespmem:$0xC0] =	vst v5  }
0xae: {  	p1 =	sne.s32 s15, s24;
	v2 =	vld [tilespmem:$0x270];
	[tilespmem:$0x90] =	vst v6  }
.Ltmp2:
0xaf: {  	v4 =	vld [tilespmem:$0x230];
	[tilespmem:$0x80] =	vst v7;
	(pc) =	sbr.rel @p1 .LBB2_4-.Ltmp2, $4  }
0xb0: {  	v3 =	vld [tilespmem:$0x200];
	[tilespmem:$0x60] =	vst v8  }
0xb1: {  	p0 =	sge.u32 s25, s13;
	v5 =	vld [tilespmem:$0x210];
	[tilespmem:$0x50] =	vst v9  }
0xb2: {  	s25 =	sadd.s32 $0x1, s25;
	s8 =	sadd.s32 @!p0 $0x100, s3;
	s3 =	sadd.s32 @!p0 $0x180, s3;
	[tilespmem:$0xA0] =	vst v1;
	v1 =	vld [tilespmem:$0x240]  }
0xb3: {  	s11 =	sand.u32 @!p0 $0xFFFFFC00, s8;
	s10 =	sand.u32 @!p0 $0x300, s8;
	s8 =	sand.u32 @!p0 $0xFFFFFC00, s3;
	[tilespmem:$0x70] =	vst v2;
	v2 =	vld [tilespmem:$0x220]  }
.LBB2_5:
0xb4: {  	[tilespmem:$0x30] =	vst v4  }
0xb5: {  	s11 =	sadd.s32 @!p0 s9, s11;
	[tilespmem:$0x0] =	vst v3  }
0xb6: {  	s3 =	sand.u32 @!p0 $0x380, s3;
	s8 =	sadd.s32 @!p0 s9, s8;
	s10 =	sor.u32 @!p0 s10, s11;
	[tilespmem:$0x10] =	vst v5  }
0xb7: {  	s12 =	simm.s32 @!p0 $0x100;
	s3 =	sor.u32 @!p0 s3, s8;
	s10 =	sshrl.u32 @!p0 s10, $0x3;
	[tilespmem:$0x40] =	vst v1  }
0xb8: {  	s8 =	simm.s32 @!p0 $0x0;
	s3 =	sshrl.u32 @!p0 s3, $0x3;
	s11 =	sadd.s32 @!p0 s5, s10;
	[tilespmem:$0x20] =	vst v2  }
0xb9: {  	[tilespmem:s12], [sflag:$0x2] =	stream.linear.gather @!p0 [hbm4b:s11+s8], $0x80, $0x38;
	[tilespmem:$0x1BF00] =	vst v63  }
0xba: {  	s11 =	simm.s32 @!p0 $0x180;
	s12 =	sadd.s32 @!p0 s5, s3  }
0xbb: {  	[tilespmem:s11], [sflag:$0x2] =	stream.linear.gather @!p0 [hbm4b:s12+s8], $0x80, $0x38;
	[tilespmem:$0x1BF00] =	vst v63  }
0xbc: {  	s10 =	sadd.s32 @!p0 s6, s10;
	s11 =	simm.s32 @!p0 $0x200  }
0xbd: {  	[tilespmem:s11], [sflag:$0x2] =	stream.linear.gather @!p0 [hbm4b:s10+s8], $0x80, $0x38;
	[tilespmem:$0x1BF00] =	vst v63  }
0xbe: {  	s3 =	sadd.s32 @!p0 s6, s3;
	s10 =	simm.s32 @!p0 $0x280  }
0xbf: {  	[tilespmem:s10], [sflag:$0x2] =	stream.linear.gather @!p0 [hbm4b:s3+s8], $0x80, $0x38;
	[tilespmem:$0x1BF00] =	vst v63  }
0xc0: {  	_ = 	snop  }
0xc1: {  	[spmem:s2] =	stream.indirect.scatter.add.f32 [tilespmem:s20], [sflag:$0x3], $0x80, s4, s26, $0xb8;
	[tilespmem:$0x1BF00] =	vst v63  }
0xc2: {  	_ = 	snop  }
0xc3: {  	[spmem:s2] =	stream.indirect.scatter.add.f32 [tilespmem:s28], [sflag:$0x4], $0x80, s26, s26, $0xb8;
	[tilespmem:$0x1BF00] =	vst v63  }
0xc4: {  	_ =	swait.ge [sflag:s30], $0x4000  }
0xc5: {  	[sflag:s30] =	ssyncset.done $0x0  }
0xc6: {  	[sflag:s30] =	ssyncadd.s32 $0xFFFFC000  }
0xc7: {  	s24 =	stileid.u32;
	_ =	swait.ge [sflag:s31], $0x4000  }
0xc8: {  	s25 =	sshrl.u32 s7, $0x3;
	s0 =	sadd.s32 $0x1, s0;
	[sflag:s31] =	ssyncset.done $0x0  }
0xc9: {  	s3 =	sshll.u32 s24, $0x6;
	p0 =	sne.s32 s0, s19;
	[sflag:s31] =	ssyncadd.s32 $0xFFFFC000  }
.Ltmp3:
0xca: {  	s3 =	sor.u32 $0x1C05, s3;
	[bflag:$0x0] =	sbarrier.arrive $0xFFFF;
	(pc) =	sbr.rel @p0 .LBB2_1-.Ltmp3, $4  }
0xcb: {  	[hbm:s18], [sflag:s3] =	dma.local [spmem:s25], $0x2780  }
0xcc: {  	_ =	swait.ge [sflag:s21], $0x2780  }
0xcd: {  	[sflag:s21] =	ssyncset.done $0x0  }
0xce: {  	[sflag:s21] =	ssyncadd.s32 $0xFFFFD880  }
0xcf: {  	_ =	sfence.sel $0x180000  }
0xd0: {  	[bflag:$0x0] =	sbarrier.arrive $0xFFFF  }
0xd1: {  	_ =	strace $0x9000004D  }
0xd2: {  	s0 =	stileid.u32;
	[bflag:$0x2] =	sbarrier.arrive $0xFFFF  }
0xd3: {  	p0 =	sne.s32 s0, $0x0;
	s0 =	rddreg [dreg:$0x3]  }
0xd4: {  	s0 =	sadd.s32 @!p0 $0x100000, s0  }
0xd5: {  	[sflag:s0] =	ssyncadd.tile.s32 @!p0 $0x1;
	_ =	shalt  }
.Lfunc_end2:
_tile_overlayer_lowered:
.L_overlay_start_2:
0xd6: {  	(tag) =	ssettag $0x2  }
0xd7: {  	s0 =	rddreg [dreg:$0x0];
	s2 =	stileid.u32  }
0xd8: {  	s1 =	rddreg [dreg:$0x1];
	p0 =	sne.s32 s2, $0x0  }
0xd9: {  	s3 =	rddreg [dreg:$0x2];
	[bflag:$0x3] =	sbarrier.arrive $0xFFFF;
	s2 =	simm.s32 @!p0 $0x1C05  }
0xda: {  	[timem:s3], [sflag:s2] =	dma.local @!p0 [hbm:s0], s1  }
0xdb: {  	s0 =	simm.s32 @!p0 $0x5  }
0xdc: {  	_ =	swait.ge @!p0 [sflag:s0], s1  }
0xdd: {  	s1 =	ssub.s32 @!p0 $0x0, s1;
	[sflag:s0] =	ssyncset.done @!p0 $0x0  }
0xde: {  	[sflag:s0] =	ssyncadd.s32 @!p0 s1  }
0xdf: {  	[bflag:$0x3] =	sbarrier.arrive $0xFFFF  }
0xe0: {  	_ =	shalt  }

// kernel: kernel.19.cloned.1.call-start
scs
__scs_entry_jumppad:
0x0: {  	(pc) =	sbr.rel $0x88, $3  }
0x1: {  	(tag) =	ssettag $0x0;
	lr =	simm.s32 $0x1  }
0x2: {  	[smem:$0x3F93] =	sst lr;
	_ =	strace $0xD0000000  }
0x3: {  	_ = 	snop  }
0x4: {  	_ = 	snop  }
0x5: {  	_ = 	snop  }
0x6: {  	_ = 	snop  }
0x7: {  	_ = 	snop  }
__scs_overlays_trampoline_lowered:
0x8: {  	[smem:$0x3FA2] =	sst s0  }
0x9: {  	[smem:$0x3FA3] =	sst s1  }
0xa: {  	[smem:$0x3FA4] =	sst s2  }
0xb: {  	[smem:$0x3FA5] =	sst s3  }
0xc: {  	[smem:$0x3FA6] =	sst s4  }
0xd: {  	[smem:$0x3FA7] =	sst s5  }
0xe: {  	[smem:$0x3FA8] =	sst s6  }
0xf: {  	[smem:$0x3FA9] =	sst s7  }
0x10: {  	[smem:$0x3FAA] =	sst s8  }
0x11: {  	[smem:$0x3FAB] =	sst s9;
	s0 =	simm.s32 @!p0 $0x0  }
0x12: {  	s1 =	sld [smem:$0x3F91];
	s0 =	simm.s32 @p0 $0x1  }
0x13: {  	[smem:$0x3FAC] =	sst s0;
	s0 =	simm.s32 @!p1 $0x0  }
0x14: {  	s2 =	sld [smem:$0x3F90];
	s0 =	simm.s32 @p1 $0x1  }
0x15: {  	[smem:$0x3FAD] =	sst s0;
	s0 =	simm.s32 @!p2 $0x0  }
0x16: {  	s3 =	sld [smem:$0x3FDB];
	s0 =	simm.s32 @p2 $0x1  }
0x17: {  	s4 =	simm.s32 $0x1BF5;
	[smem:$0x3FAF] =	sst s0  }
0x18: {  	s0 =	sld [smem:$0x3F92];
	_ =	swait.ge [sflag:s4], $0x0  }
0x19: {  	s7 =	sld [smem:$0x3F93]  }
0x1a: {  	s8 =	sadd.s32 $0xFFFFE003, lr  }
0x1b: {  	s9 =	sadd.s32 $0xFFFFFEF7, lr;
	s5 =	simm.s32 $0xFFFFFFFF;
	p2 =	slt.u32 s8, $0xFFFFF086  }
0x1c: {  	p1 =	slt.u32 s9, $0xF7A;
	s5 =	simm.s32 @!p2 $0x0  }
0x1d: {  	s5 =	simm.s32 @p1 $0x1;
	p0 =	seq.s32 s7, s2  }
0x1e: {  	s7 =	smul.u32 @!p0 $0xF7A, s2;
	p2 =	seq.s32 @!p0 s5, $0x0  }
0x1f: {  	s9 =	smul.u32 $0xF7A, s1;
	s8 =	simm.s32 @!p0 $0x1BF5;
	p2 =	por !p2, p0  }
0x20: {  	[sflag:s8] =	ssyncset.s32 @!p0 $0xFFFFF086;
	s6 =	sadd.s32 @!p0 s3, s7;
	s7 =	simm.s32 @!p0 $0x108  }
0x21: {  	s3 =	sadd.s32 s3, s9;
	s6 =	sadd.s32 @!p0 $0x88, s6;
	s7 =	simm.s32 @p2 $0x1082  }
0x22: {  	[simem:s7], [sflag:s8] =	dma.local @!p0 [hbm:s6], $0xF7A  }
0x23: {  	s9 =	sor.u32 $0xD0000000, s2;
	s6 =	simm.s32 $0x108;
	_ =	swait.ge @!p0 [sflag:s8], $0x0  }
0x24: {  	s3 =	sadd.s32 $0x88, s3;
	s6 =	simm.s32 @!p1 $0x1082;
	[sflag:s4] =	ssyncset.s32 $0xFFFFF086  }
0x25: {  	[simem:s6], [sflag:s4] =	dma.local [hbm:s3], $0xF7A  }
0x26: {  	[smem:$0x3F93] =	sst s1;
	(tag) =	ssettag s2;
	_ =	strace s9  }
0x27: {  	s1 =	sld [smem:$0x3FA3]  }
0x28: {  	s2 =	sld [smem:$0x3FA4]  }
0x29: {  	s4 =	sld [smem:$0x3FA6]  }
0x2a: {  	p0 =	seq.s32 s5, $0x0;
	s5 =	sld [smem:$0x3FA7]  }
0x2b: {  	s6 =	sld [smem:$0x3FA8]  }
0x2c: {  	s7 =	sld [smem:$0x3FA9]  }
0x2d: {  	s3 =	simm.s32 $0x108;
	s8 =	sld [smem:$0x3FAA]  }
0x2e: {  	s3 =	simm.s32 @!p0 $0x1082;
	s9 =	sld [smem:$0x3FAB]  }
0x2f: {  	lr =	sadd.s32 s0, s3;
	s0 =	sld [smem:$0x3FA2]  }
0x30: {  	s3 =	sld [smem:$0x3FA5]  }
0x31: {  	[smem:$0x3FAE] =	sst s10  }
0x32: {  	s10 =	sld [smem:$0x3FAC];
	_ =	sdelay $0x3  }
0x33: {  	p0 =	seq.s32 s10, $0x1;
	s10 =	sld [smem:$0x3FAE];
	_ =	sdelay $0x3  }
0x34: {  	[smem:$0x3FAE] =	sst s10  }
0x35: {  	s10 =	sld [smem:$0x3FAD];
	_ =	sdelay $0x3  }
0x36: {  	p1 =	seq.s32 s10, $0x1;
	s10 =	sld [smem:$0x3FAE];
	_ =	sdelay $0x3  }
0x37: {  	[smem:$0x3FAE] =	sst s10  }
0x38: {  	s10 =	sld [smem:$0x3FAF]  }
0x39: {  	_ = 	snop;
	(pc) =	sbr.ind lr, $3  }
0x3a: {  	_ = 	snop  }
0x3b: {  	_ = 	snop  }
0x3c: {  	p2 =	seq.s32 s10, $0x1;
	s10 =	sld [smem:$0x3FAE]  }
0x3d: {  	_ =	shalt  }
0x3e: {  	_ =	shalt  }
0x3f: {  	_ =	shalt  }
0x40: {  	_ =	shalt  }
0x41: {  	_ =	shalt  }
0x42: {  	_ =	shalt  }
0x43: {  	_ =	shalt  }
0x44: {  	_ =	shalt  }
0x45: {  	_ =	shalt  }
0x46: {  	_ =	shalt  }
0x47: {  	_ =	shalt  }
0x48: {  	_ =	shalt  }
0x49: {  	_ =	shalt  }
0x4a: {  	_ =	shalt  }
0x4b: {  	_ =	shalt  }
0x4c: {  	_ =	shalt  }
0x4d: {  	_ =	shalt  }
0x4e: {  	_ =	shalt  }
0x4f: {  	_ =	shalt  }
0x50: {  	_ =	shalt  }
0x51: {  	_ =	shalt  }
0x52: {  	_ =	shalt  }
0x53: {  	_ =	shalt  }
0x54: {  	_ =	shalt  }
0x55: {  	_ =	shalt  }
0x56: {  	_ =	shalt  }
0x57: {  	_ =	shalt  }
0x58: {  	_ =	shalt  }
0x59: {  	_ =	shalt  }
0x5a: {  	_ =	shalt  }
0x5b: {  	_ =	shalt  }
0x5c: {  	_ =	shalt  }
0x5d: {  	_ =	shalt  }
0x5e: {  	_ =	shalt  }
0x5f: {  	_ =	shalt  }
0x60: {  	_ =	shalt  }
0x61: {  	_ =	shalt  }
0x62: {  	_ =	shalt  }
0x63: {  	_ =	shalt  }
0x64: {  	_ =	shalt  }
0x65: {  	_ =	shalt  }
0x66: {  	_ =	shalt  }
0x67: {  	_ =	shalt  }
0x68: {  	_ =	shalt  }
0x69: {  	_ =	shalt  }
0x6a: {  	_ =	shalt  }
0x6b: {  	_ =	shalt  }
0x6c: {  	_ =	shalt  }
0x6d: {  	_ =	shalt  }
0x6e: {  	_ =	shalt  }
0x6f: {  	_ =	shalt  }
0x70: {  	_ =	shalt  }
0x71: {  	_ =	shalt  }
0x72: {  	_ =	shalt  }
0x73: {  	_ =	shalt  }
0x74: {  	_ =	shalt  }
0x75: {  	_ =	shalt  }
0x76: {  	_ =	shalt  }
0x77: {  	_ =	shalt  }
0x78: {  	_ =	shalt  }
0x79: {  	_ =	shalt  }
0x7a: {  	_ =	shalt  }
0x7b: {  	_ =	shalt  }
0x7c: {  	_ =	shalt  }
0x7d: {  	_ =	shalt  }
0x7e: {  	_ =	shalt  }
0x7f: {  	_ =	shalt  }
0x80: {  	_ =	shalt  }
0x81: {  	_ =	shalt  }
0x82: {  	_ =	shalt  }
0x83: {  	_ =	shalt  }
0x84: {  	_ =	shalt  }
0x85: {  	_ =	shalt  }
0x86: {  	_ =	shalt  }
0x87: {  	_ =	shalt  }
.Lfunc_end0:
.L_simem_size_0:
called_computation.3_lowered:
.L_overlay_start_0:
0x88: {  	s2 =	sld [smem:$0x3FD9]  }
0x89: {  	s3 =	sld [smem:$0x3FFE];
	_ =	sdelay $0x1  }
0x8a: {  	s1 =	srdreg.scid  }
0x8b: {  	s0 =	sand.u32 $0x1, s1  }
0x8c: {  	s17 =	sshll.u32 s0, $0xA;
	s2 =	sadd.s32 s3, s2  }
0x8d: {  	s2 =	sadd.s32 s2, s17  }
0x8e: {  	[smem:$0x3FBA] =	sst s2  }
0x8f: {  	_ = 	snop  }
0x90: {  	s2 =	sld [smem:$0x3FD0];
	(tm) =	ssettm $0x1  }
0x91: {  	s18 =	sld [smem:$0x3FFB];
	_ =	sdelay $0x3  }
0x92: {  	_ =	strace s18  }
0x93: {  	s3 =	sld [smem:$0x3FFC];
	_ =	sdelay $0x3  }
0x94: {  	_ =	strace s3  }
0x95: {  	s3 =	sld [smem:$0x3FFD];
	_ =	sdelay $0x3  }
0x96: {  	_ =	strace s3  }
0x97: {  	_ =	strace $0x8FFFFFFF  }
0x98: {  	s19 =	sld [smem:$0x3FDB];
	_ =	sdelay $0x1  }
0x99: {  	s4 =	simm.s32 $_scs_section_size  }
0x9a: {  	s5 =	simm.s32 $_size__tile_overlayer_lowered;
	s6 =	simm.s32 $_tile_overlayer_lowered  }
0x9b: {  	s22 =	simm.s32 $0x1BFF;
	s21 =	sshll.u32 s6, $0x1;
	s3 =	sadd.s32 s4, s19  }
0x9c: {  	s7 =	simm.s32 $0x0;
	s20 =	sshll.u32 s5, $0x1;
	s5 =	sadd.s32 s21, s3  }
0x9d: {  	[timem:s7], [sflag:s22] =	dma.local [hbm:s5], s20  }
0x9e: {  	_ =	swait.ge [sflag:s22], s20  }
0x9f: {  	s4 =	ssub.s32 $0x0, s20;
	[sflag:s22] =	ssyncset.done $0x0  }
0xa0: {  	[sflag:s22] =	ssyncadd.s32 s4;
	_ =	sdelay $0x1  }
0xa1: {  	s23 =	simm.s32 $0x1B8B  }
0xa2: {  	_ =	swait.ge [sflag:s23], $0x1  }
0xa3: {  	[sflag:s23] =	ssyncset.done $0x0  }
0xa4: {  	s25 =	simm.s32 $0x1B8E;
	s24 =	sld [smem:$0x3FFE];
	[sflag:s23] =	ssyncadd.s32 $0xFFFFFFFF  }
0xa5: {  	s26 =	simm.s32 $execute0_lowered;
	[smem:$0x3FD2] =	sst s25  }
0xa6: {  	s5 =	sshll.u32 s26, $0x1;
	_ =	strace $0x8000004F;
	[dreg:$0x1] =	wrdreg $0xFFFFFFFF  }
0xa7: {  	s28 =	simm.s32 $_size_execute0_lowered;
	s3 =	sadd.s32 s3, s5;
	[dreg:$0x0] =	wrdreg $0x0  }
0xa8: {  	s5 =	sshll.u32 s28, $0x1;
	[dreg:$0x2] =	wrdreg s3  }
0xa9: {  	[dreg:$0x3] =	wrdreg s5  }
0xaa: {  	[dreg:$0x4] =	wrdreg $0xC0  }
0xab: {  	_ =	task [dreg:s7], $0x5FFFF  }
0xac: {  	[dreg:$0x1] =	wrdreg $0xFFFFFFFF  }
0xad: {  	[dreg:$0x0] =	wrdreg $0x60  }
0xae: {  	[dreg:$0x2] =	wrdreg s2  }
0xaf: {  	[dreg:$0x3] =	wrdreg s24  }
0xb0: {  	[dreg:$0x4] =	wrdreg $0x83000  }
0xb1: {  	[dreg:$0x5] =	wrdreg $0x9  }
0xb2: {  	_ =	task.clear_ibuf [dreg:s7], $0x6FFFF;
	_ =	strace $0x9000004F  }
0xb3: {  	s29 =	simm.s32 $0x9;
	_ =	strace $0x80000051  }
0xb4: {  	_ =	swait.ge [sflag:s29], $0x1  }
0xb5: {  	[sflag:s29] =	ssyncadd.s32 $0xFFFFFFFF  }
0xb6: {  	_ =	strace $0x90000051  }
0xb7: {  	_ =	sfence  }
0xb8: {  	s30 =	sld [smem:$0x0];
	_ =	sdelay $0x2  }
0xb9: {  	s31 =	sshll.u32 s1, $0xD;
	s1 =	sshrl.u32 s1, $0x2  }
0xba: {  	s3 =	sand.u32 $0x4000, s31;
	s1 =	sadd.s32 s1, s30  }
0xbb: {  	s0 =	sor.u32 s3, s0;
	s1 =	sshll.u32 s1, $0x11  }
0xbc: {  	s0 =	sor.u32 s1, s0  }
0xbd: {  	s0 =	sadd.s32 $0x8F2B, s0  }
0xbe: {  	[sflag:s0] =	ssyncadd.remote.s32 $0x1  }
0xbf: {  	_ =	sfence.sel $0xFFFF  }
0xc0: {  	[dreg:$0x0] =	wrdreg $0xFFFFFFFF;
	(pc) =	sbr.abs _section_cstart, $3  }
0xc1: {  	[dreg:$0x1] =	wrdreg $0xFFFFFFFF  }
0xc2: {  	_ =	task.clear_ibuf [dreg:s7], $0x2FFFF;
	_ =	strace $0x9FFFFFFF  }
0xc3: {  	(tm) =	ssettm $0x7FFFFFFF  }
tec
execute0_lowered:
.L_overlay_start_1:
0x0: {  	(tag) =	ssettag $0x1  }
0x1: {  	s1 =	rddreg [dreg:$0x0]  }
0x2: {  	s0 =	rddreg [dreg:$0x1]  }
0x3: {  	s2 =	rddreg [dreg:$0x2];
	s3 =	srdreg.scid  }
0x4: {  	s4 =	simm.s32 $0x0;
	s12 =	stileid.u32;
	s13 =	simm.s32 $0x2E  }
0x5: {  	s28 =	simm.s32 $0x4300;
	s29 =	simm.s32 $0x1;
	s8 =	smul.u32 $0x13C00, s12  }
0x6: {  	s30 =	simm.s32 $0x3;
	s31 =	simm.s32 $0x4;
	s18 =	smul.u32 $0x4F000, s12  }
0x7: {  	s3 =	sand.u32 $0x1, s3;
	[smem:$0x7FF] =	sst s4;
	s12 =	smul.u32 $0x3000, s12  }
0x8: {  	s5 =	sadd.s32 $0x5E800, s0;
	s6 =	sadd.s32 $0x3800, s0;
	s7 =	smul.u32 $0x13C000, s3  }
0x9: {  	_ =	strace $0x80000050;
	s9 =	ssub.s32 $0x2, s3;
	p0 =	seq.s32 s3, $0x0  }
0xa: {  	s10 =	smul.u32 $0x30000, s3;
	s11 =	sshrl.u32 s9, $0x1;
	s13 =	simm.s32 @!p0 $0x21  }
0xb: {  	s7 =	sadd.s32 s8, s7;
	s8 =	sshrl.u32 s18, $0x2;
	s11 =	ssub.s32 s9, s11  }
0xc: {  	s9 =	sadd.s32 s12, s10;
	s26 =	sshll.u32 s13, $0x8;
	s7 =	sshrl.u32 s7, $0x3  }
0xd: {  	s22 =	sshrl.u32 s9, $0x3;
	[dreg:$0x4] =	wrdreg s26;
	s26 =	simm.s32 $0x80  }
0xe: {  	s0 =	sadd.s32 s7, s0;
	s7 =	sadd.s32 s8, s2;
	s24 =	sadd.s32 s5, s22  }
0xf: {  	s23 =	sor.u32 $0x10, s22;
	s19 =	sadd.s32 $0x4000, s7;
	[dreg:$0x9] =	wrdreg s24  }
0x10: {  	s16 =	sadd.s32 s6, s22;
	s20 =	sadd.s32 $0x8000, s7;
	[dreg:$0x5] =	wrdreg s19  }
0x11: {  	s22 =	simm.s32 $0x100;
	s21 =	sadd.s32 $0xC000, s7;
	[dreg:$0x6] =	wrdreg s20  }
0x12: {  	s8 =	sadd.s32 $0x10000, s7;
	s25 =	sadd.s32 s5, s23;
	[dreg:$0x7] =	wrdreg s21  }
0x13: {  	s17 =	sadd.s32 s6, s23;
	s18 =	sadd.s32 $0x6A800, s0;
	[dreg:$0x8] =	wrdreg s8  }
0x14: {  	s23 =	simm.s32 $0x180;
	s0 =	simm.s32 $0x0;
	[dreg:$0xa] =	wrdreg s25  }
0x15: {  	v0 =	vimm.f32 $0.0e+00;
	s19 =	smax.u32 s11, $0x1;
	s20 =	simm.s32 $0x300;
	s21 =	simm.s32 $0x5  }
.LBB2_1:
0x16: {  	s3 =	simm.s32 $0x0;
	s8 =	simm.s32 $0x200  }
.LBB2_2:
0x17: {  	p0 =	sne.s32 s8, $0xFE00;
	[tilespmem:s3+$0x370] =	vst v0  }
0x18: {  	[tilespmem:s3+$0x300] =	vst v0  }
0x19: {  	[tilespmem:s3+$0x310] =	vst v0  }
.Ltmp0:
0x1a: {  	[tilespmem:s3+$0x320] =	vst v0;
	(pc) =	sbr.rel @p0 .LBB2_2-.Ltmp0, $4  }
0x1b: {  	[tilespmem:s3+$0x330] =	vst v0  }
0x1c: {  	[tilespmem:s3+$0x340] =	vst v0  }
0x1d: {  	[tilespmem:s3+$0x350] =	vst v0  }
0x1e: {  	[tilespmem:s3+$0x360] =	vst v0;
	s3 =	sshra.s32 s8, $0x2;
	s8 =	sadd.s32 $0x200, s8  }
0x1f: {  	[tilespmem:s3+$0x370] =	vst v0  }
0x20: {  	[tilespmem:s3+$0x300] =	vst v0  }
0x21: {  	[tilespmem:s3+$0x310] =	vst v0  }
0x22: {  	[tilespmem:s3+$0x320] =	vst v0  }
0x23: {  	[tilespmem:s3+$0x330] =	vst v0  }
0x24: {  	[tilespmem:s3+$0x340] =	vst v0  }
0x25: {  	[tilespmem:s3+$0x350] =	vst v0  }
0x26: {  	[tilespmem:s3+$0x360] =	vst v0  }
0x27: {  	[spmem:s7] =	stream.linear.scatter [tilespmem:s20], [sflag:$0x5], $0x4000, $0x38;
	[tilespmem:$0x1BF00] =	vst v63  }
0x28: {  	_ =	swait.ge [sflag:s21], $0x4000  }
0x29: {  	[sflag:s21] =	ssyncset.done $0x0  }
0x2a: {  	s25 =	rddreg [dreg:$0x5];
	[sflag:s21] =	ssyncadd.s32 $0xFFFFC000  }
0x2b: {  	[spmem:s25] =	stream.linear.scatter [tilespmem:s20], [sflag:$0x5], $0x4000, $0x38;
	[tilespmem:$0x1BF00] =	vst v63  }
0x2c: {  	_ =	swait.ge [sflag:s21], $0x4000  }
0x2d: {  	[sflag:s21] =	ssyncset.done $0x0  }
0x2e: {  	s8 =	rddreg [dreg:$0x6];
	[sflag:s21] =	ssyncadd.s32 $0xFFFFC000  }
0x2f: {  	[spmem:s8] =	stream.linear.scatter [tilespmem:s20], [sflag:$0x5], $0x4000, $0x38;
	[tilespmem:$0x1BF00] =	vst v63  }
0x30: {  	_ =	swait.ge [sflag:s21], $0x4000  }
0x31: {  	[sflag:s21] =	ssyncset.done $0x0  }
0x32: {  	s10 =	rddreg [dreg:$0x7];
	[sflag:s21] =	ssyncadd.s32 $0xFFFFC000  }
0x33: {  	[spmem:s10] =	stream.linear.scatter [tilespmem:s20], [sflag:$0x5], $0x4000, $0x38;
	[tilespmem:$0x1BF00] =	vst v63  }
0x34: {  	_ =	swait.ge [sflag:s21], $0x4000  }
0x35: {  	[sflag:s21] =	ssyncset.done $0x0  }
0x36: {  	s11 =	rddreg [dreg:$0x8];
	[sflag:s21] =	ssyncadd.s32 $0xFFFFC000  }
0x37: {  	[spmem:s11] =	stream.linear.scatter [tilespmem:s20], [sflag:$0x5], $0x3C00, $0x38;
	[tilespmem:$0x1BF00] =	vst v63  }
0x38: {  	_ =	swait.ge [sflag:s21], $0x3C00  }
0x39: {  	[sflag:s21] =	ssyncset.done $0x0  }
0x3a: {  	[sflag:s21] =	ssyncadd.s32 $0xFFFFC400  }
0x3b: {  	[bflag:$0x0] =	sbarrier.arrive $0xFFFF  }
0x3c: {  	s12 =	simm.s32 $0x0;
	s8 =	rddreg [dreg:$0x9]  }
0x3d: {  	[tilespmem:s22], [sflag:$0x5] =	stream.linear.gather [hbm4b:s8+s12], $0x80, $0x38;
	[tilespmem:$0x1BF00] =	vst v63  }
0x3e: {  	_ =	swait.ge [sflag:s21], $0x80  }
0x3f: {  	[sflag:s21] =	ssyncset.done $0x0  }
0x40: {  	s14 =	rddreg [dreg:$0xa];
	[sflag:s21] =	ssyncadd.s32 $0xFFFFFF80  }
0x41: {  	[tilespmem:s23], [sflag:$0x5] =	stream.linear.gather [hbm4b:s14+s12], $0x80, $0x38;
	[tilespmem:$0x1BF00] =	vst v63  }
0x42: {  	_ =	swait.ge [sflag:s21], $0x80  }
0x43: {  	[sflag:s21] =	ssyncset.done $0x0  }
0x44: {  	s15 =	simm.s32 $0x200;
	[sflag:s21] =	ssyncadd.s32 $0xFFFFFF80  }
0x45: {  	[tilespmem:s15], [sflag:$0x5] =	stream.linear.gather [hbm4b:s16+s12], $0x80, $0x38;
	[tilespmem:$0x1BF00] =	vst v63  }
0x46: {  	_ =	swait.ge [sflag:s21], $0x80  }
0x47: {  	[sflag:s21] =	ssyncset.done $0x0  }
0x48: {  	s24 =	simm.s32 $0x280;
	[sflag:s21] =	ssyncadd.s32 $0xFFFFFF80  }
0x49: {  	[tilespmem:s24], [sflag:$0x5] =	stream.linear.gather [hbm4b:s17+s12], $0x80, $0x38;
	[tilespmem:$0x1BF00] =	vst v63  }
0x4a: {  	_ =	swait.ge [sflag:s21], $0x80  }
0x4b: {  	p0 =	por $0x1, $0x1;
	[sflag:s21] =	ssyncset.done $0x0  }
0x4c: {  	s3 =	simm.s32 @!p0 $0x2;
	[sflag:s21] =	ssyncadd.s32 $0xFFFFFF80  }
0x4d: {  	_ =	swait.ge @!p0 [sflag:s3], $0x80  }
0x4e: {  	[sflag:s3] =	ssyncset.done @!p0 $0x0  }
0x4f: {  	[sflag:s3] =	ssyncadd.s32 @!p0 $0xFFFFFF80  }
0x50: {  	_ =	swait.ge @!p0 [sflag:s3], $0x80  }
0x51: {  	[sflag:s3] =	ssyncset.done @!p0 $0x0  }
0x52: {  	[sflag:s3] =	ssyncadd.s32 @!p0 $0xFFFFFF80  }
0x53: {  	_ =	swait.ge @!p0 [sflag:s3], $0x80  }
0x54: {  	[sflag:s3] =	ssyncset.done @!p0 $0x0  }
0x55: {  	[sflag:s3] =	ssyncadd.s32 @!p0 $0xFFFFFF80  }
0x56: {  	_ =	swait.ge @!p0 [sflag:s3], $0x80  }
0x57: {  	[sflag:s3] =	ssyncset.done @!p0 $0x0  }
0x58: {  	[sflag:s3] =	ssyncadd.s32 @!p0 $0xFFFFFF80;
	s3 =	simm.s32 @!p0 $0x3  }
0x59: {  	_ =	swait.ge @!p0 [sflag:s3], $0x4000  }
0x5a: {  	[sflag:s3] =	ssyncset.done @!p0 $0x0  }
0x5b: {  	[sflag:s3] =	ssyncadd.s32 @!p0 $0xFFFFC000;
	s3 =	simm.s32 @!p0 $0x4  }
0x5c: {  	_ =	swait.ge @!p0 [sflag:s3], $0x4000  }
0x5d: {  	[sflag:s3] =	ssyncset.done @!p0 $0x0  }
0x5e: {  	[sflag:s3] =	ssyncadd.s32 @!p0 $0xFFFFC000  }
0x5f: {  	[tilespmem:s20], [sflag:$0x1] =	stream.indirect.gather [hbm4b:s1+s26], $0x80, s22, s26, $0xb8;
	[tilespmem:$0x1BF00] =	vst v63  }
0x60: {  	_ = 	snop  }
0x61: {  	[tilespmem:s28], [sflag:$0x1] =	stream.indirect.gather [hbm4b:s1+s26], $0x80, s23, s26, $0xb8;
	[tilespmem:$0x1BF00] =	vst v63  }
0x62: {  	_ =	swait.ge [sflag:s29], $0x4000  }
0x63: {  	[sflag:s29] =	ssyncset.done $0x0  }
0x64: {  	[sflag:s29] =	ssyncadd.s32 $0xFFFFC000  }
0x65: {  	_ =	swait.ge [sflag:s29], $0x4000  }
0x66: {  	[sflag:s29] =	ssyncset.done $0x0  }
0x67: {  	[sflag:s29] =	ssyncadd.s32 $0xFFFFC000  }
0x68: {  	v1 =	vld [tilespmem:$0x2F0]  }
0x69: {  	v2 =	vld [tilespmem:$0x2D0]  }
0x6a: {  	v3 =	vld [tilespmem:$0x2E0]  }
0x6b: {  	v4 =	vld [tilespmem:$0x2B0]  }
0x6c: {  	v5 =	vld [tilespmem:$0x2C0]  }
0x6d: {  	v6 =	vld [tilespmem:$0x290];
	[tilespmem:$0xF0] =	vst v1  }
0x6e: {  	v7 =	vld [tilespmem:$0x280];
	[tilespmem:$0xD0] =	vst v2  }
0x6f: {  	v8 =	vld [tilespmem:$0x260];
	[tilespmem:$0xE0] =	vst v3  }
0x70: {  	v9 =	vld [tilespmem:$0x250];
	[tilespmem:$0xB0] =	vst v4  }
0x71: {  	s25 =	rddreg [dreg:$0x4];
	v1 =	vld [tilespmem:$0x2A0];
	[tilespmem:$0xC0] =	vst v5  }
0x72: {  	p1 =	sne.s32 s25, $0x100;
	v2 =	vld [tilespmem:$0x270];
	[tilespmem:$0x90] =	vst v6  }
.Ltmp1:
0x73: {  	v4 =	vld [tilespmem:$0x230];
	[tilespmem:$0x80] =	vst v7;
	(pc) =	sbr.rel @!p1 .LBB2_5-.Ltmp1, $4  }
0x74: {  	p0 =	sle.u32 s13, $0x1;
	v3 =	vld [tilespmem:$0x200];
	[tilespmem:$0x60] =	vst v8  }
0x75: {  	s8 =	simm.s32 @!p0 $0x100;
	v5 =	vld [tilespmem:$0x210];
	[tilespmem:$0x50] =	vst v9  }
0x76: {  	s24 =	simm.s32 $0x100;
	s3 =	simm.s32 @!p0 $0x180;
	s11 =	sand.u32 @!p0 $0xFFFFFC00, s8;
	[tilespmem:$0xA0] =	vst v1;
	v1 =	vld [tilespmem:$0x240]  }
0x77: {  	s10 =	sand.u32 @!p0 $0x300, s8;
	s8 =	sand.u32 @!p0 $0xFFFFFC00, s3;
	s25 =	simm.s32 $0x2;
	[tilespmem:$0x70] =	vst v2;
	v2 =	vld [tilespmem:$0x220]  }
.LBB2_4:
0x78: {  	_ =	sdelay $0x1  }
0x79: {  	[tilespmem:$0x30] =	vst v4  }
0x7a: {  	s11 =	sadd.s32 @!p0 s9, s11;
	[tilespmem:$0x40] =	vst v1  }
0x7b: {  	s12 =	sand.u32 @!p0 $0x380, s3;
	s8 =	sadd.s32 @!p0 s9, s8;
	s10 =	sor.u32 @!p0 s10, s11;
	[tilespmem:$0x0] =	vst v3  }
0x7c: {  	s15 =	simm.s32 @!p0 $0x100;
	s8 =	sor.u32 @!p0 s12, s8;
	s10 =	sshrl.u32 @!p0 s10, $0x3;
	[tilespmem:$0x20] =	vst v2  }
0x7d: {  	s12 =	simm.s32 @!p0 $0x0;
	s8 =	sshrl.u32 @!p0 s8, $0x3;
	s14 =	sadd.s32 @!p0 s5, s10;
	[tilespmem:$0x10] =	vst v5  }
0x7e: {  	[tilespmem:s15], [sflag:$0x2] =	stream.linear.gather @!p0 [hbm4b:s14+s12], $0x80, $0x38;
	[tilespmem:$0x1BF00] =	vst v63  }
0x7f: {  	s11 =	simm.s32 @!p0 $0x180;
	s14 =	sadd.s32 @!p0 s5, s8  }
0x80: {  	[tilespmem:s11], [sflag:$0x2] =	stream.linear.gather @!p0 [hbm4b:s14+s12], $0x80, $0x38;
	[tilespmem:$0x1BF00] =	vst v63  }
0x81: {  	s10 =	sadd.s32 @!p0 s6, s10;
	s15 =	simm.s32 @!p0 $0x200  }
0x82: {  	[tilespmem:s15], [sflag:$0x2] =	stream.linear.gather @!p0 [hbm4b:s10+s12], $0x80, $0x38;
	[tilespmem:$0x1BF00] =	vst v63  }
0x83: {  	s3 =	smov.u32 s24;
	s8 =	sadd.s32 @!p0 s6, s8;
	s11 =	simm.s32 @!p0 $0x280  }
0x84: {  	[tilespmem:s11], [sflag:$0x2] =	stream.linear.gather @!p0 [hbm4b:s8+s12], $0x80, $0x38;
	[tilespmem:$0x1BF00] =	vst v63  }
0x85: {  	p0 =	seq.s32 s3, $0x0  }
0x86: {  	[spmem:s2] =	stream.indirect.scatter.add.f32 [tilespmem:s20], [sflag:$0x3], $0x80, s4, s26, $0xb8;
	[tilespmem:$0x1BF00] =	vst v63  }
0x87: {  	s8 =	simm.s32 @!p0 $0x2  }
0x88: {  	[spmem:s2] =	stream.indirect.scatter.add.f32 [tilespmem:s28], [sflag:$0x4], $0x80, s26, s26, $0xb8;
	[tilespmem:$0x1BF00] =	vst v63  }
0x89: {  	_ =	swait.ge @!p0 [sflag:s8], $0x80  }
0x8a: {  	[sflag:s8] =	ssyncset.done @!p0 $0x0  }
0x8b: {  	[sflag:s8] =	ssyncadd.s32 @!p0 $0xFFFFFF80  }
0x8c: {  	_ =	swait.ge @!p0 [sflag:s8], $0x80  }
0x8d: {  	[sflag:s8] =	ssyncset.done @!p0 $0x0  }
0x8e: {  	[sflag:s8] =	ssyncadd.s32 @!p0 $0xFFFFFF80  }
0x8f: {  	_ =	swait.ge @!p0 [sflag:s8], $0x80  }
0x90: {  	[sflag:s8] =	ssyncset.done @!p0 $0x0  }
0x91: {  	[sflag:s8] =	ssyncadd.s32 @!p0 $0xFFFFFF80  }
0x92: {  	_ =	swait.ge @!p0 [sflag:s8], $0x80  }
0x93: {  	[sflag:s8] =	ssyncset.done @!p0 $0x0  }
0x94: {  	[sflag:s8] =	ssyncadd.s32 @!p0 $0xFFFFFF80;
	s8 =	simm.s32 @!p0 $0x3  }
0x95: {  	_ =	swait.ge @!p0 [sflag:s8], $0x4000  }
0x96: {  	[sflag:s8] =	ssyncset.done @!p0 $0x0  }
0x97: {  	[sflag:s8] =	ssyncadd.s32 @!p0 $0xFFFFC000;
	s8 =	simm.s32 @!p0 $0x4  }
0x98: {  	_ =	swait.ge @!p0 [sflag:s8], $0x4000  }
0x99: {  	[sflag:s8] =	ssyncset.done @!p0 $0x0  }
0x9a: {  	[sflag:s8] =	ssyncadd.s32 @!p0 $0xFFFFC000  }
0x9b: {  	[tilespmem:s20], [sflag:$0x1] =	stream.indirect.gather [hbm4b:s1+s26], $0x80, s22, s26, $0xb8;
	[tilespmem:$0x1BF00] =	vst v63  }
0x9c: {  	_ = 	snop  }
0x9d: {  	[tilespmem:s28], [sflag:$0x1] =	stream.indirect.gather [hbm4b:s1+s26], $0x80, s23, s26, $0xb8;
	[tilespmem:$0x1BF00] =	vst v63  }
0x9e: {  	_ =	swait.ge [sflag:s29], $0x4000  }
0x9f: {  	[sflag:s29] =	ssyncset.done $0x0  }
0xa0: {  	[sflag:s29] =	ssyncadd.s32 $0xFFFFC000  }
0xa1: {  	_ =	swait.ge [sflag:s29], $0x4000  }
0xa2: {  	[sflag:s29] =	ssyncset.done $0x0  }
0xa3: {  	[sflag:s29] =	ssyncadd.s32 $0xFFFFC000  }
0xa4: {  	v1 =	vld [tilespmem:$0x2F0]  }
0xa5: {  	v2 =	vld [tilespmem:$0x2D0]  }
0xa6: {  	v3 =	vld [tilespmem:$0x2E0]  }
0xa7: {  	v4 =	vld [tilespmem:$0x2B0]  }
0xa8: {  	v5 =	vld [tilespmem:$0x2C0]  }
0xa9: {  	v6 =	vld [tilespmem:$0x290];
	[tilespmem:$0xF0] =	vst v1  }
0xaa: {  	v7 =	vld [tilespmem:$0x280];
	[tilespmem:$0xD0] =	vst v2  }
0xab: {  	v8 =	vld [tilespmem:$0x260];
	[tilespmem:$0xE0] =	vst v3  }
0xac: {  	v9 =	vld [tilespmem:$0x250];
	[tilespmem:$0xB0] =	vst v4  }
0xad: {  	s24 =	sadd.s32 $0x100, s24;
	s15 =	rddreg [dreg:$0x4];
	v1 =	vld [tilespmem:$0x2A0];
	[tilespmem:$0xC0] =	vst v5  }
0xae: {  	p1 =	sne.s32 s15, s24;
	v2 =	vld [tilespmem:$0x270];
	[tilespmem:$0x90] =	vst v6  }
.Ltmp2:
0xaf: {  	v4 =	vld [tilespmem:$0x230];
	[tilespmem:$0x80] =	vst v7;
	(pc) =	sbr.rel @p1 .LBB2_4-.Ltmp2, $4  }
0xb0: {  	v3 =	vld [tilespmem:$0x200];
	[tilespmem:$0x60] =	vst v8  }
0xb1: {  	p0 =	sge.u32 s25, s13;
	v5 =	vld [tilespmem:$0x210];
	[tilespmem:$0x50] =	vst v9  }
0xb2: {  	s25 =	sadd.s32 $0x1, s25;
	s8 =	sadd.s32 @!p0 $0x100, s3;
	s3 =	sadd.s32 @!p0 $0x180, s3;
	[tilespmem:$0xA0] =	vst v1;
	v1 =	vld [tilespmem:$0x240]  }
0xb3: {  	s11 =	sand.u32 @!p0 $0xFFFFFC00, s8;
	s10 =	sand.u32 @!p0 $0x300, s8;
	s8 =	sand.u32 @!p0 $0xFFFFFC00, s3;
	[tilespmem:$0x70] =	vst v2;
	v2 =	vld [tilespmem:$0x220]  }
.LBB2_5:
0xb4: {  	[tilespmem:$0x30] =	vst v4  }
0xb5: {  	s11 =	sadd.s32 @!p0 s9, s11;
	[tilespmem:$0x0] =	vst v3  }
0xb6: {  	s3 =	sand.u32 @!p0 $0x380, s3;
	s8 =	sadd.s32 @!p0 s9, s8;
	s10 =	sor.u32 @!p0 s10, s11;
	[tilespmem:$0x10] =	vst v5  }
0xb7: {  	s12 =	simm.s32 @!p0 $0x100;
	s3 =	sor.u32 @!p0 s3, s8;
	s10 =	sshrl.u32 @!p0 s10, $0x3;
	[tilespmem:$0x40] =	vst v1  }
0xb8: {  	s8 =	simm.s32 @!p0 $0x0;
	s3 =	sshrl.u32 @!p0 s3, $0x3;
	s11 =	sadd.s32 @!p0 s5, s10;
	[tilespmem:$0x20] =	vst v2  }
0xb9: {  	[tilespmem:s12], [sflag:$0x2] =	stream.linear.gather @!p0 [hbm4b:s11+s8], $0x80, $0x38;
	[tilespmem:$0x1BF00] =	vst v63  }
0xba: {  	s11 =	simm.s32 @!p0 $0x180;
	s12 =	sadd.s32 @!p0 s5, s3  }
0xbb: {  	[tilespmem:s11], [sflag:$0x2] =	stream.linear.gather @!p0 [hbm4b:s12+s8], $0x80, $0x38;
	[tilespmem:$0x1BF00] =	vst v63  }
0xbc: {  	s10 =	sadd.s32 @!p0 s6, s10;
	s11 =	simm.s32 @!p0 $0x200  }
0xbd: {  	[tilespmem:s11], [sflag:$0x2] =	stream.linear.gather @!p0 [hbm4b:s10+s8], $0x80, $0x38;
	[tilespmem:$0x1BF00] =	vst v63  }
0xbe: {  	s3 =	sadd.s32 @!p0 s6, s3;
	s10 =	simm.s32 @!p0 $0x280  }
0xbf: {  	[tilespmem:s10], [sflag:$0x2] =	stream.linear.gather @!p0 [hbm4b:s3+s8], $0x80, $0x38;
	[tilespmem:$0x1BF00] =	vst v63  }
0xc0: {  	_ = 	snop  }
0xc1: {  	[spmem:s2] =	stream.indirect.scatter.add.f32 [tilespmem:s20], [sflag:$0x3], $0x80, s4, s26, $0xb8;
	[tilespmem:$0x1BF00] =	vst v63  }
0xc2: {  	_ = 	snop  }
0xc3: {  	[spmem:s2] =	stream.indirect.scatter.add.f32 [tilespmem:s28], [sflag:$0x4], $0x80, s26, s26, $0xb8;
	[tilespmem:$0x1BF00] =	vst v63  }
0xc4: {  	_ =	swait.ge [sflag:s30], $0x4000  }
0xc5: {  	[sflag:s30] =	ssyncset.done $0x0  }
0xc6: {  	[sflag:s30] =	ssyncadd.s32 $0xFFFFC000  }
0xc7: {  	s24 =	stileid.u32;
	_ =	swait.ge [sflag:s31], $0x4000  }
0xc8: {  	s25 =	sshrl.u32 s7, $0x3;
	s0 =	sadd.s32 $0x1, s0;
	[sflag:s31] =	ssyncset.done $0x0  }
0xc9: {  	s3 =	sshll.u32 s24, $0x6;
	p0 =	sne.s32 s0, s19;
	[sflag:s31] =	ssyncadd.s32 $0xFFFFC000  }
.Ltmp3:
0xca: {  	s3 =	sor.u32 $0x1C05, s3;
	[bflag:$0x0] =	sbarrier.arrive $0xFFFF;
	(pc) =	sbr.rel @p0 .LBB2_1-.Ltmp3, $4  }
0xcb: {  	[hbm:s18], [sflag:s3] =	dma.local [spmem:s25], $0x2780  }
0xcc: {  	_ =	swait.ge [sflag:s21], $0x2780  }
0xcd: {  	[sflag:s21] =	ssyncset.done $0x0  }
0xce: {  	[sflag:s21] =	ssyncadd.s32 $0xFFFFD880  }
0xcf: {  	_ =	sfence.sel $0x180000  }
0xd0: {  	[bflag:$0x0] =	sbarrier.arrive $0xFFFF  }
0xd1: {  	_ =	strace $0x90000050  }
0xd2: {  	s0 =	stileid.u32;
	[bflag:$0x2] =	sbarrier.arrive $0xFFFF  }
0xd3: {  	p0 =	sne.s32 s0, $0x0;
	s0 =	rddreg [dreg:$0x3]  }
0xd4: {  	s0 =	sadd.s32 @!p0 $0x100000, s0  }
0xd5: {  	[sflag:s0] =	ssyncadd.tile.s32 @!p0 $0x1;
	_ =	shalt  }
.Lfunc_end2:
_tile_overlayer_lowered:
.L_overlay_start_2:
0xd6: {  	(tag) =	ssettag $0x2  }
0xd7: {  	s0 =	rddreg [dreg:$0x0];
	s2 =	stileid.u32  }
0xd8: {  	s1 =	rddreg [dreg:$0x1];
	p0 =	sne.s32 s2, $0x0  }
0xd9: {  	s3 =	rddreg [dreg:$0x2];
	[bflag:$0x3] =	sbarrier.arrive $0xFFFF;
	s2 =	simm.s32 @!p0 $0x1C05  }
0xda: {  	[timem:s3], [sflag:s2] =	dma.local @!p0 [hbm:s0], s1  }
0xdb: {  	s0 =	simm.s32 @!p0 $0x5  }
0xdc: {  	_ =	swait.ge @!p0 [sflag:s0], s1  }
0xdd: {  	s1 =	ssub.s32 @!p0 $0x0, s1;
	[sflag:s0] =	ssyncset.done @!p0 $0x0  }
0xde: {  	[sflag:s0] =	ssyncadd.s32 @!p0 s1  }
0xdf: {  	[bflag:$0x3] =	sbarrier.arrive $0xFFFF  }
0xe0: {  	_ =	shalt  }

</sc_bundles>
